<compile_context>
chip_gen: v7x
topology: tpu7x:2x2x1
jax: 0.10.2.dev20260603
libtpu: 0.0.44.dev20260713+nightly
codegen_flags: <defaults>
</compile_context>

<pallas_src>
import functools

import jax
import jax.numpy as jnp
from jax import lax
from jax.experimental import pallas as pl
from jax.experimental.pallas import tpu as pltpu
from jax.experimental.pallas import tpu_sc as plsc

_VOCAB, _EMB, _ASP = 1000, 64, 9
_B, _L = 4096, 200

_INFO = plsc.get_sparse_core_info()
_NC, _NS = _INFO.num_cores, _INFO.num_subcores
_NW = _NC * _NS
_LANES = 16
_BPW = _B // _NW
_LCH = 8
_NCHUNK = _L // _LCH
_NBG = _BPW // _LANES
_NPAIR = (_ASP + 1) // 2


def _proj_body(embT_ref, wT_ref, b_ref, out_ref):
    projT = jax.lax.dot_general(
        wT_ref[...], embT_ref[...], (((1,), (0,)), ((), ())),
        preferred_element_type=jnp.float32,
    ) + jnp.transpose(b_ref[...])
    u32 = jax.lax.bitcast_convert_type(
        projT.astype(jnp.bfloat16), jnp.uint16
    ).astype(jnp.uint32)
    rows = [u32[2 * p:2 * p + 1, :] | (u32[2 * p + 1:2 * p + 2, :] << 16)
            for p in range(4)]
    rows.append(u32[8:9, :])
    packed = jax.lax.bitcast_convert_type(
        jnp.concatenate(rows, axis=0), jnp.int32
    )
    out_ref[pl.ds(0, _NPAIR), pl.ds(0, _VOCAB)] = packed


def _gather_body(proj_hbm, wordsT_hbm, out_hbm,
                 proj_v, idx_v, out_a, out_b, sem_a, sem_b):
    wid = lax.axis_index("s") * _NC + lax.axis_index("c")
    b0 = wid * _BPW

    pltpu.sync_copy(proj_hbm, proj_v)
    pltpu.sync_copy(wordsT_hbm.at[:, pl.ds(b0, _BPW)], idx_v)

    def compute_chunk(lc, outv):
        l0 = lc * _LCH

        @plsc.parallel_loop(0, _NBG, unroll=4)
        def _(bg):
            for l in range(_LCH):
                tok = idx_v[l0 + l, pl.ds(bg * _LANES, _LANES)]
                for p in range(_NPAIR):
                    pv = plsc.load_gather(
                        proj_v, [jnp.full((_LANES,), p, jnp.int32), tok]
                    )
                    lo, hi = plsc.unpack(
                        plsc.bitcast(pv, jnp.bfloat16),
                        format=plsc.PackFormat.INTERLEAVED,
                        preferred_element_type=jnp.float32,
                    )
                    outv[2 * p, l, pl.ds(bg * _LANES, _LANES)] = lo
                    if p < _NPAIR - 1:
                        outv[2 * p + 1, l, pl.ds(bg * _LANES, _LANES)] = hi

    def store_chunk(lc, outv, sem):
        pltpu.async_copy(
            outv, out_hbm.at[:, pl.ds(lc * _LCH, _LCH), pl.ds(b0, _BPW)], sem
        )

    def drain(outv, sem):
        pltpu.make_async_copy(
            out_hbm.at[:, pl.ds(0, _LCH), pl.ds(0, _BPW)], outv, sem
        ).wait()

    def outer(p, carry):
        for par in range(2):
            lc = p * 2 + par
            outv = out_a if par == 0 else out_b
            sem = sem_a if par == 0 else sem_b

            @pl.when(p > 0)
            def _():
                drain(outv, sem)

            compute_chunk(lc, outv)
            store_chunk(lc, outv, sem)
        return carry

    lax.fori_loop(0, (_NCHUNK - 1) // 2, outer, 0)
    drain(out_a, sem_a)
    compute_chunk(jnp.int32(_NCHUNK - 1), out_a)
    store_chunk(jnp.int32(_NCHUNK - 1), out_a, sem_a)
    drain(out_a, sem_a)
    drain(out_b, sem_b)


_gather = functools.partial(
    pl.kernel,
    out_type=jax.ShapeDtypeStruct((_ASP, _L, _B), jnp.float32),
    mesh=plsc.VectorSubcoreMesh(core_axis_name="c", subcore_axis_name="s"),
    compiler_params=pltpu.CompilerParams(needs_layout_passes=False),
    scratch_types=[
        pltpu.VMEM((8, 1024), jnp.int32),
        pltpu.VMEM((_L, _BPW), jnp.int32),
        pltpu.VMEM((_ASP, _LCH, _BPW), jnp.float32),
        pltpu.VMEM((_ASP, _LCH, _BPW), jnp.float32),
        pltpu.SemaphoreType.DMA,
        pltpu.SemaphoreType.DMA,
    ],
)(_gather_body)


def kernel(words, emb_table, W, b):
    projT = pl.pallas_call(
        _proj_body,
        out_shape=jax.ShapeDtypeStruct((8, 1024), jnp.int32),
    )(jnp.transpose(emb_table), jnp.transpose(W), b.reshape(1, _ASP))
    out_t = _gather(projT, jnp.transpose(words))
    return jnp.transpose(out_t, (2, 1, 0))

# --- scband reference (transcript-rebuilt; emitter-appended) ---
"""Pipeline reference for scband-nermodel-50903952392793 (READ-ONLY COPY).

The authoritative reference and input builder live on the scoring server;
editing this copy changes nothing except your own understanding.
"""

import jax, jax.numpy as jnp
import numpy as np

VOCAB = 1000
EMB = 64
ASP = 9
B = 4096
L = 200
MAX_IDX = 800

def setup_inputs(seed: int = 0) -> dict:
    key = jax.random.key(seed)
    k1, k2, k3, k4 = jax.random.split(key, 4)
    words = jax.random.randint(k1, (B, L), 0, MAX_IDX, dtype=jnp.int32)
    emb_table = jax.random.normal(k2, (VOCAB, EMB), dtype=jnp.float32)
    W = jax.random.normal(k3, (EMB, ASP), dtype=jnp.float32) * 0.05
    b = jnp.zeros((ASP,), dtype=jnp.float32)
    return {"words": words, "emb_table": emb_table, "W": W, "b": b}

def reference(words, emb_table, W, b):
    # emb_out = self.embedding_layer(words)
    emb_out = jnp.take(emb_table, words, axis=0)
    batch_size, max_len, _ = emb_out.shape
    # logits = self.linear_layer(emb_out)
    logits = emb_out @ W + b
    logits = logits.reshape((batch_size, max_len, ASP))
    return logits

if __name__ == "__main__":
    import jax
    _d = setup_inputs()
    print(jax.jit(kernel)(*tuple(_d.values())))

</pallas_src>

<mosaic_0001>
#map = affine_map<(d0, d1) -> (0, 0)>
#map1 = affine_map<(d0, d1) -> (0, 0, 0)>
module attributes {stable_mosaic.version = 14 : i64} {
  func.func @_gather_body(%arg0: i32, %arg1: i32, %arg2: memref<8x1024xi32, #tpu.memory_space<hbm>>, %arg3: memref<200x4096xi32, #tpu.memory_space<hbm>>, %arg4: memref<9x200x4096xf32, #tpu.memory_space<hbm>>, %arg5: memref<8x1024xi32, #tpu.memory_space<vmem>>, %arg6: memref<200x128xi32, #tpu.memory_space<vmem>>, %arg7: memref<9x8x128xf32, #tpu.memory_space<vmem>>, %arg8: memref<9x8x128xf32, #tpu.memory_space<vmem>>, %arg9: memref<!tpu.dma_semaphore, #tpu.memory_space<semaphore_mem>>, %arg10: memref<!tpu.dma_semaphore, #tpu.memory_space<semaphore_mem>>) attributes {dimension_semantics = [#tpu.dimension_semantics<core_parallel>, #tpu.dimension_semantics<subcore_parallel>], iteration_bounds = array<i64: 2, 16>, scalar_prefetch = 0 : i64, scratch_operands = 6 : i64, tpu.core_type = #tpu.core_type<sc_vector_subcore>, window_params = [{transform_indices = #map}, {transform_indices = #map}, {transform_indices = #map1}]} {
    %mul3A = arith.constant 2 : i32
    %mul3A_0 = arith.muli %arg1, %mul3A : i32
    %add3A = arith.addi %mul3A_0, %arg0 : i32
    %mul3A_1 = arith.constant 128 : i32
    %mul3A_2 = arith.muli %add3A, %mul3A_1 : i32
    "tpu.region"() ({
      %run_scoped3A = tpu.sem_alloc : memref<!tpu.dma_semaphore, #tpu.memory_space<semaphore_mem>>
      tpu.enqueue_dma source(%arg2 : memref<8x1024xi32, #tpu.memory_space<hbm>>) target(%arg5 : memref<8x1024xi32, #tpu.memory_space<vmem>>) target_semaphore(%run_scoped3A : memref<!tpu.dma_semaphore, #tpu.memory_space<semaphore_mem>>)
      tpu.wait_dma2 semaphore(%run_scoped3A : memref<!tpu.dma_semaphore, #tpu.memory_space<semaphore_mem>>) src(%arg2 : memref<8x1024xi32, #tpu.memory_space<hbm>>) dst(%arg5 : memref<8x1024xi32, #tpu.memory_space<vmem>>)
      tpu.yield
    }) : () -> ()
    "tpu.region"() ({
      %run_scoped3A = tpu.sem_alloc : memref<!tpu.dma_semaphore, #tpu.memory_space<semaphore_mem>>
      %dma_start3A_42 = arith.constant 0 : i32
      %dma_start3A_43 = tpu.memref_slice %arg3[%dma_start3A_42, %mul3A_2] : memref<200x4096xi32, #tpu.memory_space<hbm>> -> memref<200x128xi32, #tpu.memory_space<hbm>>
      %dma_start3A_44 = arith.constant 0 : i32
      %dma_start3A_45 = tpu.memref_slice %arg3[%dma_start3A_44, %mul3A_2] : memref<200x4096xi32, #tpu.memory_space<hbm>> -> memref<200x128xi32, #tpu.memory_space<hbm>>
      tpu.enqueue_dma source(%dma_start3A_45 : memref<200x128xi32, #tpu.memory_space<hbm>>) target(%arg6 : memref<200x128xi32, #tpu.memory_space<vmem>>) target_semaphore(%run_scoped3A : memref<!tpu.dma_semaphore, #tpu.memory_space<semaphore_mem>>)
      %dma_wait3A_46 = arith.constant 0 : i32
      %dma_wait3A_47 = tpu.memref_slice %arg3[%dma_wait3A_46, %mul3A_2] : memref<200x4096xi32, #tpu.memory_space<hbm>> -> memref<200x128xi32, #tpu.memory_space<hbm>>
      %dma_wait3A_48 = arith.constant 0 : i32
      %dma_wait3A_49 = tpu.memref_slice %arg3[%dma_wait3A_48, %mul3A_2] : memref<200x4096xi32, #tpu.memory_space<hbm>> -> memref<200x128xi32, #tpu.memory_space<hbm>>
      tpu.wait_dma2 semaphore(%run_scoped3A : memref<!tpu.dma_semaphore, #tpu.memory_space<semaphore_mem>>) src(%dma_wait3A_49 : memref<200x128xi32, #tpu.memory_space<hbm>>) dst(%arg6 : memref<200x128xi32, #tpu.memory_space<vmem>>)
      tpu.yield
    }) : () -> ()
    %scan3A = arith.constant 0 : i32
    %scan3A_3 = arith.constant 0 : i32
    %scan3A_4 = arith.constant 12 : i32
    %scan3A_5 = arith.addi %scan3A_3, %scan3A_4 : i32
    %scan3A_6 = arith.constant 1 : i32
    scf.for %scan3A_42 = %scan3A_3 to %scan3A_5 step %scan3A_6  : i32 {
      %mul3A_43 = arith.constant 2 : i32
      %mul3A_44 = arith.muli %scan3A_42, %mul3A_43 : i32
      %add3A_45 = arith.constant 0 : i32
      %add3A_46 = arith.addi %mul3A_44, %add3A_45 : i32
      %gt3A = arith.constant 0 : i32
      %gt3A_47 = arith.cmpi sgt, %scan3A_42, %gt3A : i32
      %convert_element_type3A = arith.extui %gt3A_47 : i1 to i32
      %cond3A = arith.constant 0 : i32
      %cond3A_48 = arith.cmpi ne, %convert_element_type3A, %cond3A : i32
      scf.if %cond3A_48 {
        %dma_wait3A_80 = arith.constant 0 : i32
        %dma_wait3A_81 = arith.constant 0 : i32
        %dma_wait3A_82 = arith.constant 0 : i32
        %dma_wait3A_83 = tpu.memref_slice %arg4[%dma_wait3A_80, %dma_wait3A_81, %dma_wait3A_82] : memref<9x200x4096xf32, #tpu.memory_space<hbm>> -> memref<9x8x128xf32, #tpu.memory_space<hbm>>
        %dma_wait3A_84 = arith.constant 0 : i32
        %dma_wait3A_85 = arith.constant 0 : i32
        %dma_wait3A_86 = arith.constant 0 : i32
        %dma_wait3A_87 = tpu.memref_slice %arg4[%dma_wait3A_84, %dma_wait3A_85, %dma_wait3A_86] : memref<9x200x4096xf32, #tpu.memory_space<hbm>> -> memref<9x8x128xf32, #tpu.memory_space<hbm>>
        tpu.wait_dma2 semaphore(%arg9 : memref<!tpu.dma_semaphore, #tpu.memory_space<semaphore_mem>>) src(%dma_wait3A_87 : memref<9x8x128xf32, #tpu.memory_space<hbm>>) dst(%arg7 : memref<9x8x128xf32, #tpu.memory_space<vmem>>)
      } else {
      }
      %mul3A_49 = arith.constant 8 : i32
      %mul3A_50 = arith.muli %add3A_46, %mul3A_49 : i32
      %parallel_loop3A_51 = arith.constant 0 : i32
      %parallel_loop3A_52 = arith.constant 8 : i32
      %parallel_loop3A_53 = arith.constant 1 : i32
      scf.for %parallel_loop3A_80 = %parallel_loop3A_51 to %parallel_loop3A_52 step %parallel_loop3A_53  : i32 {
        %parallel_loop3A_81 = arith.constant 0 : i32
        %parallel_loop3A_82 = arith.addi %mul3A_50, %parallel_loop3A_81 : i32
        %parallel_loop3A_83 = arith.constant 16 : i32
        %parallel_loop3A_84 = arith.muli %parallel_loop3A_80, %parallel_loop3A_83 : i32
        %parallel_loop3A_85 = arith.index_cast %parallel_loop3A_82 : i32 to index
        %parallel_loop3A_86 = arith.index_cast %parallel_loop3A_84 : i32 to index
        %parallel_loop3A_87 = tpu.vector_load %arg6[%parallel_loop3A_85, %parallel_loop3A_86] {strides = array<i32>} : memref<200x128xi32, #tpu.memory_space<vmem>>, vector<16xi32>,
        %parallel_loop3A_88 = arith.constant 0 : i32
        %parallel_loop3A_89 = vector.broadcast %parallel_loop3A_88 : i32 to vector<16xi32>
        %parallel_loop3A_90 = tpu.vector_load_idx %arg5[%parallel_loop3A_89, %parallel_loop3A_87] : memref<8x1024xi32, #tpu.memory_space<vmem>>[vector<16xi32>, vector<16xi32>], vector<16xi32>,
        %parallel_loop3A_91 = vector.bitcast %parallel_loop3A_90 : vector<16xi32> to vector<32xbf16>
        %parallel_loop3A_92 = tpu.unpack_subelements %parallel_loop3A_91, 0 {pack_format = #tpu.pack_format<interleaved>} : vector<32xbf16> -> vector<16xf32>
        %parallel_loop3A_93 = tpu.unpack_subelements %parallel_loop3A_91, 1 {pack_format = #tpu.pack_format<interleaved>} : vector<32xbf16> -> vector<16xf32>
        %parallel_loop3A_94 = arith.constant 16 : i32
        %parallel_loop3A_95 = arith.muli %parallel_loop3A_80, %parallel_loop3A_94 : i32
        %parallel_loop3A_96 = arith.constant 0 : i32
        %parallel_loop3A_97 = arith.constant 0 : i32
        %parallel_loop3A_98 = arith.index_cast %parallel_loop3A_96 : i32 to index
        %parallel_loop3A_99 = arith.index_cast %parallel_loop3A_97 : i32 to index
        %parallel_loop3A_100 = arith.index_cast %parallel_loop3A_95 : i32 to index
        %parallel_loop3A_101 = tpu.vector_load %arg7[%parallel_loop3A_98, %parallel_loop3A_99, %parallel_loop3A_100] {strides = array<i32>} : memref<9x8x128xf32, #tpu.memory_space<vmem>>, vector<16xf32>,
        tpu.vector_store %arg7[%parallel_loop3A_98, %parallel_loop3A_99, %parallel_loop3A_100], %parallel_loop3A_92 {strides = array<i32>} : memref<9x8x128xf32, #tpu.memory_space<vmem>>, vector<16xf32>,
        %parallel_loop3A_102 = arith.constant 16 : i32
        %parallel_loop3A_103 = arith.muli %parallel_loop3A_80, %parallel_loop3A_102 : i32
        %parallel_loop3A_104 = arith.constant 1 : i32
        %parallel_loop3A_105 = arith.constant 0 : i32
        %parallel_loop3A_106 = arith.index_cast %parallel_loop3A_104 : i32 to index
        %parallel_loop3A_107 = arith.index_cast %parallel_loop3A_105 : i32 to index
        %parallel_loop3A_108 = arith.index_cast %parallel_loop3A_103 : i32 to index
        %parallel_loop3A_109 = tpu.vector_load %arg7[%parallel_loop3A_106, %parallel_loop3A_107, %parallel_loop3A_108] {strides = array<i32>} : memref<9x8x128xf32, #tpu.memory_space<vmem>>, vector<16xf32>,
        tpu.vector_store %arg7[%parallel_loop3A_106, %parallel_loop3A_107, %parallel_loop3A_108], %parallel_loop3A_93 {strides = array<i32>} : memref<9x8x128xf32, #tpu.memory_space<vmem>>, vector<16xf32>,
        %parallel_loop3A_110 = arith.constant 1 : i32
        %parallel_loop3A_111 = vector.broadcast %parallel_loop3A_110 : i32 to vector<16xi32>
        %parallel_loop3A_112 = tpu.vector_load_idx %arg5[%parallel_loop3A_111, %parallel_loop3A_87] : memref<8x1024xi32, #tpu.memory_space<vmem>>[vector<16xi32>, vector<16xi32>], vector<16xi32>,
        %parallel_loop3A_113 = vector.bitcast %parallel_loop3A_112 : vector<16xi32> to vector<32xbf16>
        %parallel_loop3A_114 = tpu.unpack_subelements %parallel_loop3A_113, 0 {pack_format = #tpu.pack_format<interleaved>} : vector<32xbf16> -> vector<16xf32>
        %parallel_loop3A_115 = tpu.unpack_subelements %parallel_loop3A_113, 1 {pack_format = #tpu.pack_format<interleaved>} : vector<32xbf16> -> vector<16xf32>
        %parallel_loop3A_116 = arith.constant 16 : i32
        %parallel_loop3A_117 = arith.muli %parallel_loop3A_80, %parallel_loop3A_116 : i32
        %parallel_loop3A_118 = arith.constant 2 : i32
        %parallel_loop3A_119 = arith.constant 0 : i32
        %parallel_loop3A_120 = arith.index_cast %parallel_loop3A_118 : i32 to index
        %parallel_loop3A_121 = arith.index_cast %parallel_loop3A_119 : i32 to index
        %parallel_loop3A_122 = arith.index_cast %parallel_loop3A_117 : i32 to index
        %parallel_loop3A_123 = tpu.vector_load %arg7[%parallel_loop3A_120, %parallel_loop3A_121, %parallel_loop3A_122] {strides = array<i32>} : memref<9x8x128xf32, #tpu.memory_space<vmem>>, vector<16xf32>,
        tpu.vector_store %arg7[%parallel_loop3A_120, %parallel_loop3A_121, %parallel_loop3A_122], %parallel_loop3A_114 {strides = array<i32>} : memref<9x8x128xf32, #tpu.memory_space<vmem>>, vector<16xf32>,
        %parallel_loop3A_124 = arith.constant 16 : i32
        %parallel_loop3A_125 = arith.muli %parallel_loop3A_80, %parallel_loop3A_124 : i32
        %parallel_loop3A_126 = arith.constant 3 : i32
        %parallel_loop3A_127 = arith.constant 0 : i32
        %parallel_loop3A_128 = arith.index_cast %parallel_loop3A_126 : i32 to index
        %parallel_loop3A_129 = arith.index_cast %parallel_loop3A_127 : i32 to index
        %parallel_loop3A_130 = arith.index_cast %parallel_loop3A_125 : i32 to index
        %parallel_loop3A_131 = tpu.vector_load %arg7[%parallel_loop3A_128, %parallel_loop3A_129, %parallel_loop3A_130] {strides = array<i32>} : memref<9x8x128xf32, #tpu.memory_space<vmem>>, vector<16xf32>,
        tpu.vector_store %arg7[%parallel_loop3A_128, %parallel_loop3A_129, %parallel_loop3A_130], %parallel_loop3A_115 {strides = array<i32>} : memref<9x8x128xf32, #tpu.memory_space<vmem>>, vector<16xf32>,
        %parallel_loop3A_132 = arith.constant 2 : i32
        %parallel_loop3A_133 = vector.broadcast %parallel_loop3A_132 : i32 to vector<16xi32>
        %parallel_loop3A_134 = tpu.vector_load_idx %arg5[%parallel_loop3A_133, %parallel_loop3A_87] : memref<8x1024xi32, #tpu.memory_space<vmem>>[vector<16xi32>, vector<16xi32>], vector<16xi32>,
        %parallel_loop3A_135 = vector.bitcast %parallel_loop3A_134 : vector<16xi32> to vector<32xbf16>
        %parallel_loop3A_136 = tpu.unpack_subelements %parallel_loop3A_135, 0 {pack_format = #tpu.pack_format<interleaved>} : vector<32xbf16> -> vector<16xf32>
        %parallel_loop3A_137 = tpu.unpack_subelements %parallel_loop3A_135, 1 {pack_format = #tpu.pack_format<interleaved>} : vector<32xbf16> -> vector<16xf32>
        %parallel_loop3A_138 = arith.constant 16 : i32
        %parallel_loop3A_139 = arith.muli %parallel_loop3A_80, %parallel_loop3A_138 : i32
        %parallel_loop3A_140 = arith.constant 4 : i32
        %parallel_loop3A_141 = arith.constant 0 : i32
        %parallel_loop3A_142 = arith.index_cast %parallel_loop3A_140 : i32 to index
        %parallel_loop3A_143 = arith.index_cast %parallel_loop3A_141 : i32 to index
        %parallel_loop3A_144 = arith.index_cast %parallel_loop3A_139 : i32 to index
        %parallel_loop3A_145 = tpu.vector_load %arg7[%parallel_loop3A_142, %parallel_loop3A_143, %parallel_loop3A_144] {strides = array<i32>} : memref<9x8x128xf32, #tpu.memory_space<vmem>>, vector<16xf32>,
        tpu.vector_store %arg7[%parallel_loop3A_142, %parallel_loop3A_143, %parallel_loop3A_144], %parallel_loop3A_136 {strides = array<i32>} : memref<9x8x128xf32, #tpu.memory_space<vmem>>, vector<16xf32>,
        %parallel_loop3A_146 = arith.constant 16 : i32
        %parallel_loop3A_147 = arith.muli %parallel_loop3A_80, %parallel_loop3A_146 : i32
        %parallel_loop3A_148 = arith.constant 5 : i32
        %parallel_loop3A_149 = arith.constant 0 : i32
        %parallel_loop3A_150 = arith.index_cast %parallel_loop3A_148 : i32 to index
        %parallel_loop3A_151 = arith.index_cast %parallel_loop3A_149 : i32 to index
        %parallel_loop3A_152 = arith.index_cast %parallel_loop3A_147 : i32 to index
        %parallel_loop3A_153 = tpu.vector_load %arg7[%parallel_loop3A_150, %parallel_loop3A_151, %parallel_loop3A_152] {strides = array<i32>} : memref<9x8x128xf32, #tpu.memory_space<vmem>>, vector<16xf32>,
        tpu.vector_store %arg7[%parallel_loop3A_150, %parallel_loop3A_151, %parallel_loop3A_152], %parallel_loop3A_137 {strides = array<i32>} : memref<9x8x128xf32, #tpu.memory_space<vmem>>, vector<16xf32>,
        %parallel_loop3A_154 = arith.constant 3 : i32
        %parallel_loop3A_155 = vector.broadcast %parallel_loop3A_154 : i32 to vector<16xi32>
        %parallel_loop3A_156 = tpu.vector_load_idx %arg5[%parallel_loop3A_155, %parallel_loop3A_87] : memref<8x1024xi32, #tpu.memory_space<vmem>>[vector<16xi32>, vector<16xi32>], vector<16xi32>,
        %parallel_loop3A_157 = vector.bitcast %parallel_loop3A_156 : vector<16xi32> to vector<32xbf16>
        %parallel_loop3A_158 = tpu.unpack_subelements %parallel_loop3A_157, 0 {pack_format = #tpu.pack_format<interleaved>} : vector<32xbf16> -> vector<16xf32>
        %parallel_loop3A_159 = tpu.unpack_subelements %parallel_loop3A_157, 1 {pack_format = #tpu.pack_format<interleaved>} : vector<32xbf16> -> vector<16xf32>
        %parallel_loop3A_160 = arith.constant 16 : i32
        %parallel_loop3A_161 = arith.muli %parallel_loop3A_80, %parallel_loop3A_160 : i32
        %parallel_loop3A_162 = arith.constant 6 : i32
        %parallel_loop3A_163 = arith.constant 0 : i32
        %parallel_loop3A_164 = arith.index_cast %parallel_loop3A_162 : i32 to index
        %parallel_loop3A_165 = arith.index_cast %parallel_loop3A_163 : i32 to index
        %parallel_loop3A_166 = arith.index_cast %parallel_loop3A_161 : i32 to index
        %parallel_loop3A_167 = tpu.vector_load %arg7[%parallel_loop3A_164, %parallel_loop3A_165, %parallel_loop3A_166] {strides = array<i32>} : memref<9x8x128xf32, #tpu.memory_space<vmem>>, vector<16xf32>,
        tpu.vector_store %arg7[%parallel_loop3A_164, %parallel_loop3A_165, %parallel_loop3A_166], %parallel_loop3A_158 {strides = array<i32>} : memref<9x8x128xf32, #tpu.memory_space<vmem>>, vector<16xf32>,
        %parallel_loop3A_168 = arith.constant 16 : i32
        %parallel_loop3A_169 = arith.muli %parallel_loop3A_80, %parallel_loop3A_168 : i32
        %parallel_loop3A_170 = arith.constant 7 : i32
        %parallel_loop3A_171 = arith.constant 0 : i32
        %parallel_loop3A_172 = arith.index_cast %parallel_loop3A_170 : i32 to index
        %parallel_loop3A_173 = arith.index_cast %parallel_loop3A_171 : i32 to index
        %parallel_loop3A_174 = arith.index_cast %parallel_loop3A_169 : i32 to index
        %parallel_loop3A_175 = tpu.vector_load %arg7[%parallel_loop3A_172, %parallel_loop3A_173, %parallel_loop3A_174] {strides = array<i32>} : memref<9x8x128xf32, #tpu.memory_space<vmem>>, vector<16xf32>,
        tpu.vector_store %arg7[%parallel_loop3A_172, %parallel_loop3A_173, %parallel_loop3A_174], %parallel_loop3A_159 {strides = array<i32>} : memref<9x8x128xf32, #tpu.memory_space<vmem>>, vector<16xf32>,
        %parallel_loop3A_176 = arith.constant 4 : i32
        %parallel_loop3A_177 = vector.broadcast %parallel_loop3A_176 : i32 to vector<16xi32>
        %parallel_loop3A_178 = tpu.vector_load_idx %arg5[%parallel_loop3A_177, %parallel_loop3A_87] : memref<8x1024xi32, #tpu.memory_space<vmem>>[vector<16xi32>, vector<16xi32>], vector<16xi32>,
        %parallel_loop3A_179 = vector.bitcast %parallel_loop3A_178 : vector<16xi32> to vector<32xbf16>
        %parallel_loop3A_180 = tpu.unpack_subelements %parallel_loop3A_179, 0 {pack_format = #tpu.pack_format<interleaved>} : vector<32xbf16> -> vector<16xf32>
        %parallel_loop3A_181 = tpu.unpack_subelements %parallel_loop3A_179, 1 {pack_format = #tpu.pack_format<interleaved>} : vector<32xbf16> -> vector<16xf32>
        %parallel_loop3A_182 = arith.constant 16 : i32
        %parallel_loop3A_183 = arith.muli %parallel_loop3A_80, %parallel_loop3A_182 : i32
        %parallel_loop3A_184 = arith.constant 8 : i32
        %parallel_loop3A_185 = arith.constant 0 : i32
        %parallel_loop3A_186 = arith.index_cast %parallel_loop3A_184 : i32 to index
        %parallel_loop3A_187 = arith.index_cast %parallel_loop3A_185 : i32 to index
        %parallel_loop3A_188 = arith.index_cast %parallel_loop3A_183 : i32 to index
        %parallel_loop3A_189 = tpu.vector_load %arg7[%parallel_loop3A_186, %parallel_loop3A_187, %parallel_loop3A_188] {strides = array<i32>} : memref<9x8x128xf32, #tpu.memory_space<vmem>>, vector<16xf32>,
        tpu.vector_store %arg7[%parallel_loop3A_186, %parallel_loop3A_187, %parallel_loop3A_188], %parallel_loop3A_180 {strides = array<i32>} : memref<9x8x128xf32, #tpu.memory_space<vmem>>, vector<16xf32>,
        %parallel_loop3A_190 = arith.constant 1 : i32
        %parallel_loop3A_191 = arith.addi %mul3A_50, %parallel_loop3A_190 : i32
        %parallel_loop3A_192 = arith.constant 16 : i32
        %parallel_loop3A_193 = arith.muli %parallel_loop3A_80, %parallel_loop3A_192 : i32
        %parallel_loop3A_194 = arith.index_cast %parallel_loop3A_191 : i32 to index
        %parallel_loop3A_195 = arith.index_cast %parallel_loop3A_193 : i32 to index
        %parallel_loop3A_196 = tpu.vector_load %arg6[%parallel_loop3A_194, %parallel_loop3A_195] {strides = array<i32>} : memref<200x128xi32, #tpu.memory_space<vmem>>, vector<16xi32>,
        %parallel_loop3A_197 = arith.constant 0 : i32
        %parallel_loop3A_198 = vector.broadcast %parallel_loop3A_197 : i32 to vector<16xi32>
        %parallel_loop3A_199 = tpu.vector_load_idx %arg5[%parallel_loop3A_198, %parallel_loop3A_196] : memref<8x1024xi32, #tpu.memory_space<vmem>>[vector<16xi32>, vector<16xi32>], vector<16xi32>,
        %parallel_loop3A_200 = vector.bitcast %parallel_loop3A_199 : vector<16xi32> to vector<32xbf16>
        %parallel_loop3A_201 = tpu.unpack_subelements %parallel_loop3A_200, 0 {pack_format = #tpu.pack_format<interleaved>} : vector<32xbf16> -> vector<16xf32>
        %parallel_loop3A_202 = tpu.unpack_subelements %parallel_loop3A_200, 1 {pack_format = #tpu.pack_format<interleaved>} : vector<32xbf16> -> vector<16xf32>
        %parallel_loop3A_203 = arith.constant 16 : i32
        %parallel_loop3A_204 = arith.muli %parallel_loop3A_80, %parallel_loop3A_203 : i32
        %parallel_loop3A_205 = arith.constant 0 : i32
        %parallel_loop3A_206 = arith.constant 1 : i32
        %parallel_loop3A_207 = arith.index_cast %parallel_loop3A_205 : i32 to index
        %parallel_loop3A_208 = arith.index_cast %parallel_loop3A_206 : i32 to index
        %parallel_loop3A_209 = arith.index_cast %parallel_loop3A_204 : i32 to index
        %parallel_loop3A_210 = tpu.vector_load %arg7[%parallel_loop3A_207, %parallel_loop3A_208, %parallel_loop3A_209] {strides = array<i32>} : memref<9x8x128xf32, #tpu.memory_space<vmem>>, vector<16xf32>,
        tpu.vector_store %arg7[%parallel_loop3A_207, %parallel_loop3A_208, %parallel_loop3A_209], %parallel_loop3A_201 {strides = array<i32>} : memref<9x8x128xf32, #tpu.memory_space<vmem>>, vector<16xf32>,
        %parallel_loop3A_211 = arith.constant 16 : i32
        %parallel_loop3A_212 = arith.muli %parallel_loop3A_80, %parallel_loop3A_211 : i32
        %parallel_loop3A_213 = arith.constant 1 : i32
        %parallel_loop3A_214 = arith.constant 1 : i32
        %parallel_loop3A_215 = arith.index_cast %parallel_loop3A_213 : i32 to index
        %parallel_loop3A_216 = arith.index_cast %parallel_loop3A_214 : i32 to index
        %parallel_loop3A_217 = arith.index_cast %parallel_loop3A_212 : i32 to index
        %parallel_loop3A_218 = tpu.vector_load %arg7[%parallel_loop3A_215, %parallel_loop3A_216, %parallel_loop3A_217] {strides = array<i32>} : memref<9x8x128xf32, #tpu.memory_space<vmem>>, vector<16xf32>,
        tpu.vector_store %arg7[%parallel_loop3A_215, %parallel_loop3A_216, %parallel_loop3A_217], %parallel_loop3A_202 {strides = array<i32>} : memref<9x8x128xf32, #tpu.memory_space<vmem>>, vector<16xf32>,
        %parallel_loop3A_219 = arith.constant 1 : i32
        %parallel_loop3A_220 = vector.broadcast %parallel_loop3A_219 : i32 to vector<16xi32>
        %parallel_loop3A_221 = tpu.vector_load_idx %arg5[%parallel_loop3A_220, %parallel_loop3A_196] : memref<8x1024xi32, #tpu.memory_space<vmem>>[vector<16xi32>, vector<16xi32>], vector<16xi32>,
        %parallel_loop3A_222 = vector.bitcast %parallel_loop3A_221 : vector<16xi32> to vector<32xbf16>
        %parallel_loop3A_223 = tpu.unpack_subelements %parallel_loop3A_222, 0 {pack_format = #tpu.pack_format<interleaved>} : vector<32xbf16> -> vector<16xf32>
        %parallel_loop3A_224 = tpu.unpack_subelements %parallel_loop3A_222, 1 {pack_format = #tpu.pack_format<interleaved>} : vector<32xbf16> -> vector<16xf32>
        %parallel_loop3A_225 = arith.constant 16 : i32
        %parallel_loop3A_226 = arith.muli %parallel_loop3A_80, %parallel_loop3A_225 : i32
        %parallel_loop3A_227 = arith.constant 2 : i32
        %parallel_loop3A_228 = arith.constant 1 : i32
        %parallel_loop3A_229 = arith.index_cast %parallel_loop3A_227 : i32 to index
        %parallel_loop3A_230 = arith.index_cast %parallel_loop3A_228 : i32 to index
        %parallel_loop3A_231 = arith.index_cast %parallel_loop3A_226 : i32 to index
        %parallel_loop3A_232 = tpu.vector_load %arg7[%parallel_loop3A_229, %parallel_loop3A_230, %parallel_loop3A_231] {strides = array<i32>} : memref<9x8x128xf32, #tpu.memory_space<vmem>>, vector<16xf32>,
        tpu.vector_store %arg7[%parallel_loop3A_229, %parallel_loop3A_230, %parallel_loop3A_231], %parallel_loop3A_223 {strides = array<i32>} : memref<9x8x128xf32, #tpu.memory_space<vmem>>, vector<16xf32>,
        %parallel_loop3A_233 = arith.constant 16 : i32
        %parallel_loop3A_234 = arith.muli %parallel_loop3A_80, %parallel_loop3A_233 : i32
        %parallel_loop3A_235 = arith.constant 3 : i32
        %parallel_loop3A_236 = arith.constant 1 : i32
        %parallel_loop3A_237 = arith.index_cast %parallel_loop3A_235 : i32 to index
        %parallel_loop3A_238 = arith.index_cast %parallel_loop3A_236 : i32 to index
        %parallel_loop3A_239 = arith.index_cast %parallel_loop3A_234 : i32 to index
        %parallel_loop3A_240 = tpu.vector_load %arg7[%parallel_loop3A_237, %parallel_loop3A_238, %parallel_loop3A_239] {strides = array<i32>} : memref<9x8x128xf32, #tpu.memory_space<vmem>>, vector<16xf32>,
        tpu.vector_store %arg7[%parallel_loop3A_237, %parallel_loop3A_238, %parallel_loop3A_239], %parallel_loop3A_224 {strides = array<i32>} : memref<9x8x128xf32, #tpu.memory_space<vmem>>, vector<16xf32>,
        %parallel_loop3A_241 = arith.constant 2 : i32
        %parallel_loop3A_242 = vector.broadcast %parallel_loop3A_241 : i32 to vector<16xi32>
        %parallel_loop3A_243 = tpu.vector_load_idx %arg5[%parallel_loop3A_242, %parallel_loop3A_196] : memref<8x1024xi32, #tpu.memory_space<vmem>>[vector<16xi32>, vector<16xi32>], vector<16xi32>,
        %parallel_loop3A_244 = vector.bitcast %parallel_loop3A_243 : vector<16xi32> to vector<32xbf16>
        %parallel_loop3A_245 = tpu.unpack_subelements %parallel_loop3A_244, 0 {pack_format = #tpu.pack_format<interleaved>} : vector<32xbf16> -> vector<16xf32>
        %parallel_loop3A_246 = tpu.unpack_subelements %parallel_loop3A_244, 1 {pack_format = #tpu.pack_format<interleaved>} : vector<32xbf16> -> vector<16xf32>
        %parallel_loop3A_247 = arith.constant 16 : i32
        %parallel_loop3A_248 = arith.muli %parallel_loop3A_80, %parallel_loop3A_247 : i32
        %parallel_loop3A_249 = arith.constant 4 : i32
        %parallel_loop3A_250 = arith.constant 1 : i32
        %parallel_loop3A_251 = arith.index_cast %parallel_loop3A_249 : i32 to index
        %parallel_loop3A_252 = arith.index_cast %parallel_loop3A_250 : i32 to index
        %parallel_loop3A_253 = arith.index_cast %parallel_loop3A_248 : i32 to index
        %parallel_loop3A_254 = tpu.vector_load %arg7[%parallel_loop3A_251, %parallel_loop3A_252, %parallel_loop3A_253] {strides = array<i32>} : memref<9x8x128xf32, #tpu.memory_space<vmem>>, vector<16xf32>,
        tpu.vector_store %arg7[%parallel_loop3A_251, %parallel_loop3A_252, %parallel_loop3A_253], %parallel_loop3A_245 {strides = array<i32>} : memref<9x8x128xf32, #tpu.memory_space<vmem>>, vector<16xf32>,
        %parallel_loop3A_255 = arith.constant 16 : i32
        %parallel_loop3A_256 = arith.muli %parallel_loop3A_80, %parallel_loop3A_255 : i32
        %parallel_loop3A_257 = arith.constant 5 : i32
        %parallel_loop3A_258 = arith.constant 1 : i32
        %parallel_loop3A_259 = arith.index_cast %parallel_loop3A_257 : i32 to index
        %parallel_loop3A_260 = arith.index_cast %parallel_loop3A_258 : i32 to index
        %parallel_loop3A_261 = arith.index_cast %parallel_loop3A_256 : i32 to index
        %parallel_loop3A_262 = tpu.vector_load %arg7[%parallel_loop3A_259, %parallel_loop3A_260, %parallel_loop3A_261] {strides = array<i32>} : memref<9x8x128xf32, #tpu.memory_space<vmem>>, vector<16xf32>,
        tpu.vector_store %arg7[%parallel_loop3A_259, %parallel_loop3A_260, %parallel_loop3A_261], %parallel_loop3A_246 {strides = array<i32>} : memref<9x8x128xf32, #tpu.memory_space<vmem>>, vector<16xf32>,
        %parallel_loop3A_263 = arith.constant 3 : i32
        %parallel_loop3A_264 = vector.broadcast %parallel_loop3A_263 : i32 to vector<16xi32>
        %parallel_loop3A_265 = tpu.vector_load_idx %arg5[%parallel_loop3A_264, %parallel_loop3A_196] : memref<8x1024xi32, #tpu.memory_space<vmem>>[vector<16xi32>, vector<16xi32>], vector<16xi32>,
        %parallel_loop3A_266 = vector.bitcast %parallel_loop3A_265 : vector<16xi32> to vector<32xbf16>
        %parallel_loop3A_267 = tpu.unpack_subelements %parallel_loop3A_266, 0 {pack_format = #tpu.pack_format<interleaved>} : vector<32xbf16> -> vector<16xf32>
        %parallel_loop3A_268 = tpu.unpack_subelements %parallel_loop3A_266, 1 {pack_format = #tpu.pack_format<interleaved>} : vector<32xbf16> -> vector<16xf32>
        %parallel_loop3A_269 = arith.constant 16 : i32
        %parallel_loop3A_270 = arith.muli %parallel_loop3A_80, %parallel_loop3A_269 : i32
        %parallel_loop3A_271 = arith.constant 6 : i32
        %parallel_loop3A_272 = arith.constant 1 : i32
        %parallel_loop3A_273 = arith.index_cast %parallel_loop3A_271 : i32 to index
        %parallel_loop3A_274 = arith.index_cast %parallel_loop3A_272 : i32 to index
        %parallel_loop3A_275 = arith.index_cast %parallel_loop3A_270 : i32 to index
        %parallel_loop3A_276 = tpu.vector_load %arg7[%parallel_loop3A_273, %parallel_loop3A_274, %parallel_loop3A_275] {strides = array<i32>} : memref<9x8x128xf32, #tpu.memory_space<vmem>>, vector<16xf32>,
        tpu.vector_store %arg7[%parallel_loop3A_273, %parallel_loop3A_274, %parallel_loop3A_275], %parallel_loop3A_267 {strides = array<i32>} : memref<9x8x128xf32, #tpu.memory_space<vmem>>, vector<16xf32>,
        %parallel_loop3A_277 = arith.constant 16 : i32
        %parallel_loop3A_278 = arith.muli %parallel_loop3A_80, %parallel_loop3A_277 : i32
        %parallel_loop3A_279 = arith.constant 7 : i32
        %parallel_loop3A_280 = arith.constant 1 : i32
        %parallel_loop3A_281 = arith.index_cast %parallel_loop3A_279 : i32 to index
        %parallel_loop3A_282 = arith.index_cast %parallel_loop3A_280 : i32 to index
        %parallel_loop3A_283 = arith.index_cast %parallel_loop3A_278 : i32 to index
        %parallel_loop3A_284 = tpu.vector_load %arg7[%parallel_loop3A_281, %parallel_loop3A_282, %parallel_loop3A_283] {strides = array<i32>} : memref<9x8x128xf32, #tpu.memory_space<vmem>>, vector<16xf32>,
        tpu.vector_store %arg7[%parallel_loop3A_281, %parallel_loop3A_282, %parallel_loop3A_283], %parallel_loop3A_268 {strides = array<i32>} : memref<9x8x128xf32, #tpu.memory_space<vmem>>, vector<16xf32>,
        %parallel_loop3A_285 = arith.constant 4 : i32
        %parallel_loop3A_286 = vector.broadcast %parallel_loop3A_285 : i32 to vector<16xi32>
        %parallel_loop3A_287 = tpu.vector_load_idx %arg5[%parallel_loop3A_286, %parallel_loop3A_196] : memref<8x1024xi32, #tpu.memory_space<vmem>>[vector<16xi32>, vector<16xi32>], vector<16xi32>,
        %parallel_loop3A_288 = vector.bitcast %parallel_loop3A_287 : vector<16xi32> to vector<32xbf16>
        %parallel_loop3A_289 = tpu.unpack_subelements %parallel_loop3A_288, 0 {pack_format = #tpu.pack_format<interleaved>} : vector<32xbf16> -> vector<16xf32>
        %parallel_loop3A_290 = tpu.unpack_subelements %parallel_loop3A_288, 1 {pack_format = #tpu.pack_format<interleaved>} : vector<32xbf16> -> vector<16xf32>
        %parallel_loop3A_291 = arith.constant 16 : i32
        %parallel_loop3A_292 = arith.muli %parallel_loop3A_80, %parallel_loop3A_291 : i32
        %parallel_loop3A_293 = arith.constant 8 : i32
        %parallel_loop3A_294 = arith.constant 1 : i32
        %parallel_loop3A_295 = arith.index_cast %parallel_loop3A_293 : i32 to index
        %parallel_loop3A_296 = arith.index_cast %parallel_loop3A_294 : i32 to index
        %parallel_loop3A_297 = arith.index_cast %parallel_loop3A_292 : i32 to index
        %parallel_loop3A_298 = tpu.vector_load %arg7[%parallel_loop3A_295, %parallel_loop3A_296, %parallel_loop3A_297] {strides = array<i32>} : memref<9x8x128xf32, #tpu.memory_space<vmem>>, vector<16xf32>,
        tpu.vector_store %arg7[%parallel_loop3A_295, %parallel_loop3A_296, %parallel_loop3A_297], %parallel_loop3A_289 {strides = array<i32>} : memref<9x8x128xf32, #tpu.memory_space<vmem>>, vector<16xf32>,
        %parallel_loop3A_299 = arith.constant 2 : i32
        %parallel_loop3A_300 = arith.addi %mul3A_50, %parallel_loop3A_299 : i32
        %parallel_loop3A_301 = arith.constant 16 : i32
        %parallel_loop3A_302 = arith.muli %parallel_loop3A_80, %parallel_loop3A_301 : i32
        %parallel_loop3A_303 = arith.index_cast %parallel_loop3A_300 : i32 to index
        %parallel_loop3A_304 = arith.index_cast %parallel_loop3A_302 : i32 to index
        %parallel_loop3A_305 = tpu.vector_load %arg6[%parallel_loop3A_303, %parallel_loop3A_304] {strides = array<i32>} : memref<200x128xi32, #tpu.memory_space<vmem>>, vector<16xi32>,
        %parallel_loop3A_306 = arith.constant 0 : i32
        %parallel_loop3A_307 = vector.broadcast %parallel_loop3A_306 : i32 to vector<16xi32>
        %parallel_loop3A_308 = tpu.vector_load_idx %arg5[%parallel_loop3A_307, %parallel_loop3A_305] : memref<8x1024xi32, #tpu.memory_space<vmem>>[vector<16xi32>, vector<16xi32>], vector<16xi32>,
        %parallel_loop3A_309 = vector.bitcast %parallel_loop3A_308 : vector<16xi32> to vector<32xbf16>
        %parallel_loop3A_310 = tpu.unpack_subelements %parallel_loop3A_309, 0 {pack_format = #tpu.pack_format<interleaved>} : vector<32xbf16> -> vector<16xf32>
        %parallel_loop3A_311 = tpu.unpack_subelements %parallel_loop3A_309, 1 {pack_format = #tpu.pack_format<interleaved>} : vector<32xbf16> -> vector<16xf32>
        %parallel_loop3A_312 = arith.constant 16 : i32
        %parallel_loop3A_313 = arith.muli %parallel_loop3A_80, %parallel_loop3A_312 : i32
        %parallel_loop3A_314 = arith.constant 0 : i32
        %parallel_loop3A_315 = arith.constant 2 : i32
        %parallel_loop3A_316 = arith.index_cast %parallel_loop3A_314 : i32 to index
        %parallel_loop3A_317 = arith.index_cast %parallel_loop3A_315 : i32 to index
        %parallel_loop3A_318 = arith.index_cast %parallel_loop3A_313 : i32 to index
        %parallel_loop3A_319 = tpu.vector_load %arg7[%parallel_loop3A_316, %parallel_loop3A_317, %parallel_loop3A_318] {strides = array<i32>} : memref<9x8x128xf32, #tpu.memory_space<vmem>>, vector<16xf32>,
        tpu.vector_store %arg7[%parallel_loop3A_316, %parallel_loop3A_317, %parallel_loop3A_318], %parallel_loop3A_310 {strides = array<i32>} : memref<9x8x128xf32, #tpu.memory_space<vmem>>, vector<16xf32>,
        %parallel_loop3A_320 = arith.constant 16 : i32
        %parallel_loop3A_321 = arith.muli %parallel_loop3A_80, %parallel_loop3A_320 : i32
        %parallel_loop3A_322 = arith.constant 1 : i32
        %parallel_loop3A_323 = arith.constant 2 : i32
        %parallel_loop3A_324 = arith.index_cast %parallel_loop3A_322 : i32 to index
        %parallel_loop3A_325 = arith.index_cast %parallel_loop3A_323 : i32 to index
        %parallel_loop3A_326 = arith.index_cast %parallel_loop3A_321 : i32 to index
        %parallel_loop3A_327 = tpu.vector_load %arg7[%parallel_loop3A_324, %parallel_loop3A_325, %parallel_loop3A_326] {strides = array<i32>} : memref<9x8x128xf32, #tpu.memory_space<vmem>>, vector<16xf32>,
        tpu.vector_store %arg7[%parallel_loop3A_324, %parallel_loop3A_325, %parallel_loop3A_326], %parallel_loop3A_311 {strides = array<i32>} : memref<9x8x128xf32, #tpu.memory_space<vmem>>, vector<16xf32>,
        %parallel_loop3A_328 = arith.constant 1 : i32
        %parallel_loop3A_329 = vector.broadcast %parallel_loop3A_328 : i32 to vector<16xi32>
        %parallel_loop3A_330 = tpu.vector_load_idx %arg5[%parallel_loop3A_329, %parallel_loop3A_305] : memref<8x1024xi32, #tpu.memory_space<vmem>>[vector<16xi32>, vector<16xi32>], vector<16xi32>,
        %parallel_loop3A_331 = vector.bitcast %parallel_loop3A_330 : vector<16xi32> to vector<32xbf16>
        %parallel_loop3A_332 = tpu.unpack_subelements %parallel_loop3A_331, 0 {pack_format = #tpu.pack_format<interleaved>} : vector<32xbf16> -> vector<16xf32>
        %parallel_loop3A_333 = tpu.unpack_subelements %parallel_loop3A_331, 1 {pack_format = #tpu.pack_format<interleaved>} : vector<32xbf16> -> vector<16xf32>
        %parallel_loop3A_334 = arith.constant 16 : i32
        %parallel_loop3A_335 = arith.muli %parallel_loop3A_80, %parallel_loop3A_334 : i32
        %parallel_loop3A_336 = arith.constant 2 : i32
        %parallel_loop3A_337 = arith.constant 2 : i32
        %parallel_loop3A_338 = arith.index_cast %parallel_loop3A_336 : i32 to index
        %parallel_loop3A_339 = arith.index_cast %parallel_loop3A_337 : i32 to index
        %parallel_loop3A_340 = arith.index_cast %parallel_loop3A_335 : i32 to index
        %parallel_loop3A_341 = tpu.vector_load %arg7[%parallel_loop3A_338, %parallel_loop3A_339, %parallel_loop3A_340] {strides = array<i32>} : memref<9x8x128xf32, #tpu.memory_space<vmem>>, vector<16xf32>,
        tpu.vector_store %arg7[%parallel_loop3A_338, %parallel_loop3A_339, %parallel_loop3A_340], %parallel_loop3A_332 {strides = array<i32>} : memref<9x8x128xf32, #tpu.memory_space<vmem>>, vector<16xf32>,
        %parallel_loop3A_342 = arith.constant 16 : i32
        %parallel_loop3A_343 = arith.muli %parallel_loop3A_80, %parallel_loop3A_342 : i32
        %parallel_loop3A_344 = arith.constant 3 : i32
        %parallel_loop3A_345 = arith.constant 2 : i32
        %parallel_loop3A_346 = arith.index_cast %parallel_loop3A_344 : i32 to index
        %parallel_loop3A_347 = arith.index_cast %parallel_loop3A_345 : i32 to index
        %parallel_loop3A_348 = arith.index_cast %parallel_loop3A_343 : i32 to index
        %parallel_loop3A_349 = tpu.vector_load %arg7[%parallel_loop3A_346, %parallel_loop3A_347, %parallel_loop3A_348] {strides = array<i32>} : memref<9x8x128xf32, #tpu.memory_space<vmem>>, vector<16xf32>,
        tpu.vector_store %arg7[%parallel_loop3A_346, %parallel_loop3A_347, %parallel_loop3A_348], %parallel_loop3A_333 {strides = array<i32>} : memref<9x8x128xf32, #tpu.memory_space<vmem>>, vector<16xf32>,
        %parallel_loop3A_350 = arith.constant 2 : i32
        %parallel_loop3A_351 = vector.broadcast %parallel_loop3A_350 : i32 to vector<16xi32>
        %parallel_loop3A_352 = tpu.vector_load_idx %arg5[%parallel_loop3A_351, %parallel_loop3A_305] : memref<8x1024xi32, #tpu.memory_space<vmem>>[vector<16xi32>, vector<16xi32>], vector<16xi32>,
        %parallel_loop3A_353 = vector.bitcast %parallel_loop3A_352 : vector<16xi32> to vector<32xbf16>
        %parallel_loop3A_354 = tpu.unpack_subelements %parallel_loop3A_353, 0 {pack_format = #tpu.pack_format<interleaved>} : vector<32xbf16> -> vector<16xf32>
        %parallel_loop3A_355 = tpu.unpack_subelements %parallel_loop3A_353, 1 {pack_format = #tpu.pack_format<interleaved>} : vector<32xbf16> -> vector<16xf32>
        %parallel_loop3A_356 = arith.constant 16 : i32
        %parallel_loop3A_357 = arith.muli %parallel_loop3A_80, %parallel_loop3A_356 : i32
        %parallel_loop3A_358 = arith.constant 4 : i32
        %parallel_loop3A_359 = arith.constant 2 : i32
        %parallel_loop3A_360 = arith.index_cast %parallel_loop3A_358 : i32 to index
        %parallel_loop3A_361 = arith.index_cast %parallel_loop3A_359 : i32 to index
        %parallel_loop3A_362 = arith.index_cast %parallel_loop3A_357 : i32 to index
        %parallel_loop3A_363 = tpu.vector_load %arg7[%parallel_loop3A_360, %parallel_loop3A_361, %parallel_loop3A_362] {strides = array<i32>} : memref<9x8x128xf32, #tpu.memory_space<vmem>>, vector<16xf32>,
        tpu.vector_store %arg7[%parallel_loop3A_360, %parallel_loop3A_361, %parallel_loop3A_362], %parallel_loop3A_354 {strides = array<i32>} : memref<9x8x128xf32, #tpu.memory_space<vmem>>, vector<16xf32>,
        %parallel_loop3A_364 = arith.constant 16 : i32
        %parallel_loop3A_365 = arith.muli %parallel_loop3A_80, %parallel_loop3A_364 : i32
        %parallel_loop3A_366 = arith.constant 5 : i32
        %parallel_loop3A_367 = arith.constant 2 : i32
        %parallel_loop3A_368 = arith.index_cast %parallel_loop3A_366 : i32 to index
        %parallel_loop3A_369 = arith.index_cast %parallel_loop3A_367 : i32 to index
        %parallel_loop3A_370 = arith.index_cast %parallel_loop3A_365 : i32 to index
        %parallel_loop3A_371 = tpu.vector_load %arg7[%parallel_loop3A_368, %parallel_loop3A_369, %parallel_loop3A_370] {strides = array<i32>} : memref<9x8x128xf32, #tpu.memory_space<vmem>>, vector<16xf32>,
        tpu.vector_store %arg7[%parallel_loop3A_368, %parallel_loop3A_369, %parallel_loop3A_370], %parallel_loop3A_355 {strides = array<i32>} : memref<9x8x128xf32, #tpu.memory_space<vmem>>, vector<16xf32>,
        %parallel_loop3A_372 = arith.constant 3 : i32
        %parallel_loop3A_373 = vector.broadcast %parallel_loop3A_372 : i32 to vector<16xi32>
        %parallel_loop3A_374 = tpu.vector_load_idx %arg5[%parallel_loop3A_373, %parallel_loop3A_305] : memref<8x1024xi32, #tpu.memory_space<vmem>>[vector<16xi32>, vector<16xi32>], vector<16xi32>,
        %parallel_loop3A_375 = vector.bitcast %parallel_loop3A_374 : vector<16xi32> to vector<32xbf16>
        %parallel_loop3A_376 = tpu.unpack_subelements %parallel_loop3A_375, 0 {pack_format = #tpu.pack_format<interleaved>} : vector<32xbf16> -> vector<16xf32>
        %parallel_loop3A_377 = tpu.unpack_subelements %parallel_loop3A_375, 1 {pack_format = #tpu.pack_format<interleaved>} : vector<32xbf16> -> vector<16xf32>
        %parallel_loop3A_378 = arith.constant 16 : i32
        %parallel_loop3A_379 = arith.muli %parallel_loop3A_80, %parallel_loop3A_378 : i32
        %parallel_loop3A_380 = arith.constant 6 : i32
        %parallel_loop3A_381 = arith.constant 2 : i32
        %parallel_loop3A_382 = arith.index_cast %parallel_loop3A_380 : i32 to index
        %parallel_loop3A_383 = arith.index_cast %parallel_loop3A_381 : i32 to index
        %parallel_loop3A_384 = arith.index_cast %parallel_loop3A_379 : i32 to index
        %parallel_loop3A_385 = tpu.vector_load %arg7[%parallel_loop3A_382, %parallel_loop3A_383, %parallel_loop3A_384] {strides = array<i32>} : memref<9x8x128xf32, #tpu.memory_space<vmem>>, vector<16xf32>,
        tpu.vector_store %arg7[%parallel_loop3A_382, %parallel_loop3A_383, %parallel_loop3A_384], %parallel_loop3A_376 {strides = array<i32>} : memref<9x8x128xf32, #tpu.memory_space<vmem>>, vector<16xf32>,
        %parallel_loop3A_386 = arith.constant 16 : i32
        %parallel_loop3A_387 = arith.muli %parallel_loop3A_80, %parallel_loop3A_386 : i32
        %parallel_loop3A_388 = arith.constant 7 : i32
        %parallel_loop3A_389 = arith.constant 2 : i32
        %parallel_loop3A_390 = arith.index_cast %parallel_loop3A_388 : i32 to index
        %parallel_loop3A_391 = arith.index_cast %parallel_loop3A_389 : i32 to index
        %parallel_loop3A_392 = arith.index_cast %parallel_loop3A_387 : i32 to index
        %parallel_loop3A_393 = tpu.vector_load %arg7[%parallel_loop3A_390, %parallel_loop3A_391, %parallel_loop3A_392] {strides = array<i32>} : memref<9x8x128xf32, #tpu.memory_space<vmem>>, vector<16xf32>,
        tpu.vector_store %arg7[%parallel_loop3A_390, %parallel_loop3A_391, %parallel_loop3A_392], %parallel_loop3A_377 {strides = array<i32>} : memref<9x8x128xf32, #tpu.memory_space<vmem>>, vector<16xf32>,
        %parallel_loop3A_394 = arith.constant 4 : i32
        %parallel_loop3A_395 = vector.broadcast %parallel_loop3A_394 : i32 to vector<16xi32>
        %parallel_loop3A_396 = tpu.vector_load_idx %arg5[%parallel_loop3A_395, %parallel_loop3A_305] : memref<8x1024xi32, #tpu.memory_space<vmem>>[vector<16xi32>, vector<16xi32>], vector<16xi32>,
        %parallel_loop3A_397 = vector.bitcast %parallel_loop3A_396 : vector<16xi32> to vector<32xbf16>
        %parallel_loop3A_398 = tpu.unpack_subelements %parallel_loop3A_397, 0 {pack_format = #tpu.pack_format<interleaved>} : vector<32xbf16> -> vector<16xf32>
        %parallel_loop3A_399 = tpu.unpack_subelements %parallel_loop3A_397, 1 {pack_format = #tpu.pack_format<interleaved>} : vector<32xbf16> -> vector<16xf32>
        %parallel_loop3A_400 = arith.constant 16 : i32
        %parallel_loop3A_401 = arith.muli %parallel_loop3A_80, %parallel_loop3A_400 : i32
        %parallel_loop3A_402 = arith.constant 8 : i32
        %parallel_loop3A_403 = arith.constant 2 : i32
        %parallel_loop3A_404 = arith.index_cast %parallel_loop3A_402 : i32 to index
        %parallel_loop3A_405 = arith.index_cast %parallel_loop3A_403 : i32 to index
        %parallel_loop3A_406 = arith.index_cast %parallel_loop3A_401 : i32 to index
        %parallel_loop3A_407 = tpu.vector_load %arg7[%parallel_loop3A_404, %parallel_loop3A_405, %parallel_loop3A_406] {strides = array<i32>} : memref<9x8x128xf32, #tpu.memory_space<vmem>>, vector<16xf32>,
        tpu.vector_store %arg7[%parallel_loop3A_404, %parallel_loop3A_405, %parallel_loop3A_406], %parallel_loop3A_398 {strides = array<i32>} : memref<9x8x128xf32, #tpu.memory_space<vmem>>, vector<16xf32>,
        %parallel_loop3A_408 = arith.constant 3 : i32
        %parallel_loop3A_409 = arith.addi %mul3A_50, %parallel_loop3A_408 : i32
        %parallel_loop3A_410 = arith.constant 16 : i32
        %parallel_loop3A_411 = arith.muli %parallel_loop3A_80, %parallel_loop3A_410 : i32
        %parallel_loop3A_412 = arith.index_cast %parallel_loop3A_409 : i32 to index
        %parallel_loop3A_413 = arith.index_cast %parallel_loop3A_411 : i32 to index
        %parallel_loop3A_414 = tpu.vector_load %arg6[%parallel_loop3A_412, %parallel_loop3A_413] {strides = array<i32>} : memref<200x128xi32, #tpu.memory_space<vmem>>, vector<16xi32>,
        %parallel_loop3A_415 = arith.constant 0 : i32
        %parallel_loop3A_416 = vector.broadcast %parallel_loop3A_415 : i32 to vector<16xi32>
        %parallel_loop3A_417 = tpu.vector_load_idx %arg5[%parallel_loop3A_416, %parallel_loop3A_414] : memref<8x1024xi32, #tpu.memory_space<vmem>>[vector<16xi32>, vector<16xi32>], vector<16xi32>,
        %parallel_loop3A_418 = vector.bitcast %parallel_loop3A_417 : vector<16xi32> to vector<32xbf16>
        %parallel_loop3A_419 = tpu.unpack_subelements %parallel_loop3A_418, 0 {pack_format = #tpu.pack_format<interleaved>} : vector<32xbf16> -> vector<16xf32>
        %parallel_loop3A_420 = tpu.unpack_subelements %parallel_loop3A_418, 1 {pack_format = #tpu.pack_format<interleaved>} : vector<32xbf16> -> vector<16xf32>
        %parallel_loop3A_421 = arith.constant 16 : i32
        %parallel_loop3A_422 = arith.muli %parallel_loop3A_80, %parallel_loop3A_421 : i32
        %parallel_loop3A_423 = arith.constant 0 : i32
        %parallel_loop3A_424 = arith.constant 3 : i32
        %parallel_loop3A_425 = arith.index_cast %parallel_loop3A_423 : i32 to index
        %parallel_loop3A_426 = arith.index_cast %parallel_loop3A_424 : i32 to index
        %parallel_loop3A_427 = arith.index_cast %parallel_loop3A_422 : i32 to index
        %parallel_loop3A_428 = tpu.vector_load %arg7[%parallel_loop3A_425, %parallel_loop3A_426, %parallel_loop3A_427] {strides = array<i32>} : memref<9x8x128xf32, #tpu.memory_space<vmem>>, vector<16xf32>,
        tpu.vector_store %arg7[%parallel_loop3A_425, %parallel_loop3A_426, %parallel_loop3A_427], %parallel_loop3A_419 {strides = array<i32>} : memref<9x8x128xf32, #tpu.memory_space<vmem>>, vector<16xf32>,
        %parallel_loop3A_429 = arith.constant 16 : i32
        %parallel_loop3A_430 = arith.muli %parallel_loop3A_80, %parallel_loop3A_429 : i32
        %parallel_loop3A_431 = arith.constant 1 : i32
        %parallel_loop3A_432 = arith.constant 3 : i32
        %parallel_loop3A_433 = arith.index_cast %parallel_loop3A_431 : i32 to index
        %parallel_loop3A_434 = arith.index_cast %parallel_loop3A_432 : i32 to index
        %parallel_loop3A_435 = arith.index_cast %parallel_loop3A_430 : i32 to index
        %parallel_loop3A_436 = tpu.vector_load %arg7[%parallel_loop3A_433, %parallel_loop3A_434, %parallel_loop3A_435] {strides = array<i32>} : memref<9x8x128xf32, #tpu.memory_space<vmem>>, vector<16xf32>,
        tpu.vector_store %arg7[%parallel_loop3A_433, %parallel_loop3A_434, %parallel_loop3A_435], %parallel_loop3A_420 {strides = array<i32>} : memref<9x8x128xf32, #tpu.memory_space<vmem>>, vector<16xf32>,
        %parallel_loop3A_437 = arith.constant 1 : i32
        %parallel_loop3A_438 = vector.broadcast %parallel_loop3A_437 : i32 to vector<16xi32>
        %parallel_loop3A_439 = tpu.vector_load_idx %arg5[%parallel_loop3A_438, %parallel_loop3A_414] : memref<8x1024xi32, #tpu.memory_space<vmem>>[vector<16xi32>, vector<16xi32>], vector<16xi32>,
        %parallel_loop3A_440 = vector.bitcast %parallel_loop3A_439 : vector<16xi32> to vector<32xbf16>
        %parallel_loop3A_441 = tpu.unpack_subelements %parallel_loop3A_440, 0 {pack_format = #tpu.pack_format<interleaved>} : vector<32xbf16> -> vector<16xf32>
        %parallel_loop3A_442 = tpu.unpack_subelements %parallel_loop3A_440, 1 {pack_format = #tpu.pack_format<interleaved>} : vector<32xbf16> -> vector<16xf32>
        %parallel_loop3A_443 = arith.constant 16 : i32
        %parallel_loop3A_444 = arith.muli %parallel_loop3A_80, %parallel_loop3A_443 : i32
        %parallel_loop3A_445 = arith.constant 2 : i32
        %parallel_loop3A_446 = arith.constant 3 : i32
        %parallel_loop3A_447 = arith.index_cast %parallel_loop3A_445 : i32 to index
        %parallel_loop3A_448 = arith.index_cast %parallel_loop3A_446 : i32 to index
        %parallel_loop3A_449 = arith.index_cast %parallel_loop3A_444 : i32 to index
        %parallel_loop3A_450 = tpu.vector_load %arg7[%parallel_loop3A_447, %parallel_loop3A_448, %parallel_loop3A_449] {strides = array<i32>} : memref<9x8x128xf32, #tpu.memory_space<vmem>>, vector<16xf32>,
        tpu.vector_store %arg7[%parallel_loop3A_447, %parallel_loop3A_448, %parallel_loop3A_449], %parallel_loop3A_441 {strides = array<i32>} : memref<9x8x128xf32, #tpu.memory_space<vmem>>, vector<16xf32>,
        %parallel_loop3A_451 = arith.constant 16 : i32
        %parallel_loop3A_452 = arith.muli %parallel_loop3A_80, %parallel_loop3A_451 : i32
        %parallel_loop3A_453 = arith.constant 3 : i32
        %parallel_loop3A_454 = arith.constant 3 : i32
        %parallel_loop3A_455 = arith.index_cast %parallel_loop3A_453 : i32 to index
        %parallel_loop3A_456 = arith.index_cast %parallel_loop3A_454 : i32 to index
        %parallel_loop3A_457 = arith.index_cast %parallel_loop3A_452 : i32 to index
        %parallel_loop3A_458 = tpu.vector_load %arg7[%parallel_loop3A_455, %parallel_loop3A_456, %parallel_loop3A_457] {strides = array<i32>} : memref<9x8x128xf32, #tpu.memory_space<vmem>>, vector<16xf32>,
        tpu.vector_store %arg7[%parallel_loop3A_455, %parallel_loop3A_456, %parallel_loop3A_457], %parallel_loop3A_442 {strides = array<i32>} : memref<9x8x128xf32, #tpu.memory_space<vmem>>, vector<16xf32>,
        %parallel_loop3A_459 = arith.constant 2 : i32
        %parallel_loop3A_460 = vector.broadcast %parallel_loop3A_459 : i32 to vector<16xi32>
        %parallel_loop3A_461 = tpu.vector_load_idx %arg5[%parallel_loop3A_460, %parallel_loop3A_414] : memref<8x1024xi32, #tpu.memory_space<vmem>>[vector<16xi32>, vector<16xi32>], vector<16xi32>,
        %parallel_loop3A_462 = vector.bitcast %parallel_loop3A_461 : vector<16xi32> to vector<32xbf16>
        %parallel_loop3A_463 = tpu.unpack_subelements %parallel_loop3A_462, 0 {pack_format = #tpu.pack_format<interleaved>} : vector<32xbf16> -> vector<16xf32>
        %parallel_loop3A_464 = tpu.unpack_subelements %parallel_loop3A_462, 1 {pack_format = #tpu.pack_format<interleaved>} : vector<32xbf16> -> vector<16xf32>
        %parallel_loop3A_465 = arith.constant 16 : i32
        %parallel_loop3A_466 = arith.muli %parallel_loop3A_80, %parallel_loop3A_465 : i32
        %parallel_loop3A_467 = arith.constant 4 : i32
        %parallel_loop3A_468 = arith.constant 3 : i32
        %parallel_loop3A_469 = arith.index_cast %parallel_loop3A_467 : i32 to index
        %parallel_loop3A_470 = arith.index_cast %parallel_loop3A_468 : i32 to index
        %parallel_loop3A_471 = arith.index_cast %parallel_loop3A_466 : i32 to index
        %parallel_loop3A_472 = tpu.vector_load %arg7[%parallel_loop3A_469, %parallel_loop3A_470, %parallel_loop3A_471] {strides = array<i32>} : memref<9x8x128xf32, #tpu.memory_space<vmem>>, vector<16xf32>,
        tpu.vector_store %arg7[%parallel_loop3A_469, %parallel_loop3A_470, %parallel_loop3A_471], %parallel_loop3A_463 {strides = array<i32>} : memref<9x8x128xf32, #tpu.memory_space<vmem>>, vector<16xf32>,
        %parallel_loop3A_473 = arith.constant 16 : i32
        %parallel_loop3A_474 = arith.muli %parallel_loop3A_80, %parallel_loop3A_473 : i32
        %parallel_loop3A_475 = arith.constant 5 : i32
        %parallel_loop3A_476 = arith.constant 3 : i32
        %parallel_loop3A_477 = arith.index_cast %parallel_loop3A_475 : i32 to index
        %parallel_loop3A_478 = arith.index_cast %parallel_loop3A_476 : i32 to index
        %parallel_loop3A_479 = arith.index_cast %parallel_loop3A_474 : i32 to index
        %parallel_loop3A_480 = tpu.vector_load %arg7[%parallel_loop3A_477, %parallel_loop3A_478, %parallel_loop3A_479] {strides = array<i32>} : memref<9x8x128xf32, #tpu.memory_space<vmem>>, vector<16xf32>,
        tpu.vector_store %arg7[%parallel_loop3A_477, %parallel_loop3A_478, %parallel_loop3A_479], %parallel_loop3A_464 {strides = array<i32>} : memref<9x8x128xf32, #tpu.memory_space<vmem>>, vector<16xf32>,
        %parallel_loop3A_481 = arith.constant 3 : i32
        %parallel_loop3A_482 = vector.broadcast %parallel_loop3A_481 : i32 to vector<16xi32>
        %parallel_loop3A_483 = tpu.vector_load_idx %arg5[%parallel_loop3A_482, %parallel_loop3A_414] : memref<8x1024xi32, #tpu.memory_space<vmem>>[vector<16xi32>, vector<16xi32>], vector<16xi32>,
        %parallel_loop3A_484 = vector.bitcast %parallel_loop3A_483 : vector<16xi32> to vector<32xbf16>
        %parallel_loop3A_485 = tpu.unpack_subelements %parallel_loop3A_484, 0 {pack_format = #tpu.pack_format<interleaved>} : vector<32xbf16> -> vector<16xf32>
        %parallel_loop3A_486 = tpu.unpack_subelements %parallel_loop3A_484, 1 {pack_format = #tpu.pack_format<interleaved>} : vector<32xbf16> -> vector<16xf32>
        %parallel_loop3A_487 = arith.constant 16 : i32
        %parallel_loop3A_488 = arith.muli %parallel_loop3A_80, %parallel_loop3A_487 : i32
        %parallel_loop3A_489 = arith.constant 6 : i32
        %parallel_loop3A_490 = arith.constant 3 : i32
        %parallel_loop3A_491 = arith.index_cast %parallel_loop3A_489 : i32 to index
        %parallel_loop3A_492 = arith.index_cast %parallel_loop3A_490 : i32 to index
        %parallel_loop3A_493 = arith.index_cast %parallel_loop3A_488 : i32 to index
        %parallel_loop3A_494 = tpu.vector_load %arg7[%parallel_loop3A_491, %parallel_loop3A_492, %parallel_loop3A_493] {strides = array<i32>} : memref<9x8x128xf32, #tpu.memory_space<vmem>>, vector<16xf32>,
        tpu.vector_store %arg7[%parallel_loop3A_491, %parallel_loop3A_492, %parallel_loop3A_493], %parallel_loop3A_485 {strides = array<i32>} : memref<9x8x128xf32, #tpu.memory_space<vmem>>, vector<16xf32>,
        %parallel_loop3A_495 = arith.constant 16 : i32
        %parallel_loop3A_496 = arith.muli %parallel_loop3A_80, %parallel_loop3A_495 : i32
        %parallel_loop3A_497 = arith.constant 7 : i32
        %parallel_loop3A_498 = arith.constant 3 : i32
        %parallel_loop3A_499 = arith.index_cast %parallel_loop3A_497 : i32 to index
        %parallel_loop3A_500 = arith.index_cast %parallel_loop3A_498 : i32 to index
        %parallel_loop3A_501 = arith.index_cast %parallel_loop3A_496 : i32 to index
        %parallel_loop3A_502 = tpu.vector_load %arg7[%parallel_loop3A_499, %parallel_loop3A_500, %parallel_loop3A_501] {strides = array<i32>} : memref<9x8x128xf32, #tpu.memory_space<vmem>>, vector<16xf32>,
        tpu.vector_store %arg7[%parallel_loop3A_499, %parallel_loop3A_500, %parallel_loop3A_501], %parallel_loop3A_486 {strides = array<i32>} : memref<9x8x128xf32, #tpu.memory_space<vmem>>, vector<16xf32>,
        %parallel_loop3A_503 = arith.constant 4 : i32
        %parallel_loop3A_504 = vector.broadcast %parallel_loop3A_503 : i32 to vector<16xi32>
        %parallel_loop3A_505 = tpu.vector_load_idx %arg5[%parallel_loop3A_504, %parallel_loop3A_414] : memref<8x1024xi32, #tpu.memory_space<vmem>>[vector<16xi32>, vector<16xi32>], vector<16xi32>,
        %parallel_loop3A_506 = vector.bitcast %parallel_loop3A_505 : vector<16xi32> to vector<32xbf16>
        %parallel_loop3A_507 = tpu.unpack_subelements %parallel_loop3A_506, 0 {pack_format = #tpu.pack_format<interleaved>} : vector<32xbf16> -> vector<16xf32>
        %parallel_loop3A_508 = tpu.unpack_subelements %parallel_loop3A_506, 1 {pack_format = #tpu.pack_format<interleaved>} : vector<32xbf16> -> vector<16xf32>
        %parallel_loop3A_509 = arith.constant 16 : i32
        %parallel_loop3A_510 = arith.muli %parallel_loop3A_80, %parallel_loop3A_509 : i32
        %parallel_loop3A_511 = arith.constant 8 : i32
        %parallel_loop3A_512 = arith.constant 3 : i32
        %parallel_loop3A_513 = arith.index_cast %parallel_loop3A_511 : i32 to index
        %parallel_loop3A_514 = arith.index_cast %parallel_loop3A_512 : i32 to index
        %parallel_loop3A_515 = arith.index_cast %parallel_loop3A_510 : i32 to index
        %parallel_loop3A_516 = tpu.vector_load %arg7[%parallel_loop3A_513, %parallel_loop3A_514, %parallel_loop3A_515] {strides = array<i32>} : memref<9x8x128xf32, #tpu.memory_space<vmem>>, vector<16xf32>,
        tpu.vector_store %arg7[%parallel_loop3A_513, %parallel_loop3A_514, %parallel_loop3A_515], %parallel_loop3A_507 {strides = array<i32>} : memref<9x8x128xf32, #tpu.memory_space<vmem>>, vector<16xf32>,
        %parallel_loop3A_517 = arith.constant 4 : i32
        %parallel_loop3A_518 = arith.addi %mul3A_50, %parallel_loop3A_517 : i32
        %parallel_loop3A_519 = arith.constant 16 : i32
        %parallel_loop3A_520 = arith.muli %parallel_loop3A_80, %parallel_loop3A_519 : i32
        %parallel_loop3A_521 = arith.index_cast %parallel_loop3A_518 : i32 to index
        %parallel_loop3A_522 = arith.index_cast %parallel_loop3A_520 : i32 to index
        %parallel_loop3A_523 = tpu.vector_load %arg6[%parallel_loop3A_521, %parallel_loop3A_522] {strides = array<i32>} : memref<200x128xi32, #tpu.memory_space<vmem>>, vector<16xi32>,
        %parallel_loop3A_524 = arith.constant 0 : i32
        %parallel_loop3A_525 = vector.broadcast %parallel_loop3A_524 : i32 to vector<16xi32>
        %parallel_loop3A_526 = tpu.vector_load_idx %arg5[%parallel_loop3A_525, %parallel_loop3A_523] : memref<8x1024xi32, #tpu.memory_space<vmem>>[vector<16xi32>, vector<16xi32>], vector<16xi32>,
        %parallel_loop3A_527 = vector.bitcast %parallel_loop3A_526 : vector<16xi32> to vector<32xbf16>
        %parallel_loop3A_528 = tpu.unpack_subelements %parallel_loop3A_527, 0 {pack_format = #tpu.pack_format<interleaved>} : vector<32xbf16> -> vector<16xf32>
        %parallel_loop3A_529 = tpu.unpack_subelements %parallel_loop3A_527, 1 {pack_format = #tpu.pack_format<interleaved>} : vector<32xbf16> -> vector<16xf32>
        %parallel_loop3A_530 = arith.constant 16 : i32
        %parallel_loop3A_531 = arith.muli %parallel_loop3A_80, %parallel_loop3A_530 : i32
        %parallel_loop3A_532 = arith.constant 0 : i32
        %parallel_loop3A_533 = arith.constant 4 : i32
        %parallel_loop3A_534 = arith.index_cast %parallel_loop3A_532 : i32 to index
        %parallel_loop3A_535 = arith.index_cast %parallel_loop3A_533 : i32 to index
        %parallel_loop3A_536 = arith.index_cast %parallel_loop3A_531 : i32 to index
        %parallel_loop3A_537 = tpu.vector_load %arg7[%parallel_loop3A_534, %parallel_loop3A_535, %parallel_loop3A_536] {strides = array<i32>} : memref<9x8x128xf32, #tpu.memory_space<vmem>>, vector<16xf32>,
        tpu.vector_store %arg7[%parallel_loop3A_534, %parallel_loop3A_535, %parallel_loop3A_536], %parallel_loop3A_528 {strides = array<i32>} : memref<9x8x128xf32, #tpu.memory_space<vmem>>, vector<16xf32>,
        %parallel_loop3A_538 = arith.constant 16 : i32
        %parallel_loop3A_539 = arith.muli %parallel_loop3A_80, %parallel_loop3A_538 : i32
        %parallel_loop3A_540 = arith.constant 1 : i32
        %parallel_loop3A_541 = arith.constant 4 : i32
        %parallel_loop3A_542 = arith.index_cast %parallel_loop3A_540 : i32 to index
        %parallel_loop3A_543 = arith.index_cast %parallel_loop3A_541 : i32 to index
        %parallel_loop3A_544 = arith.index_cast %parallel_loop3A_539 : i32 to index
        %parallel_loop3A_545 = tpu.vector_load %arg7[%parallel_loop3A_542, %parallel_loop3A_543, %parallel_loop3A_544] {strides = array<i32>} : memref<9x8x128xf32, #tpu.memory_space<vmem>>, vector<16xf32>,
        tpu.vector_store %arg7[%parallel_loop3A_542, %parallel_loop3A_543, %parallel_loop3A_544], %parallel_loop3A_529 {strides = array<i32>} : memref<9x8x128xf32, #tpu.memory_space<vmem>>, vector<16xf32>,
        %parallel_loop3A_546 = arith.constant 1 : i32
        %parallel_loop3A_547 = vector.broadcast %parallel_loop3A_546 : i32 to vector<16xi32>
        %parallel_loop3A_548 = tpu.vector_load_idx %arg5[%parallel_loop3A_547, %parallel_loop3A_523] : memref<8x1024xi32, #tpu.memory_space<vmem>>[vector<16xi32>, vector<16xi32>], vector<16xi32>,
        %parallel_loop3A_549 = vector.bitcast %parallel_loop3A_548 : vector<16xi32> to vector<32xbf16>
        %parallel_loop3A_550 = tpu.unpack_subelements %parallel_loop3A_549, 0 {pack_format = #tpu.pack_format<interleaved>} : vector<32xbf16> -> vector<16xf32>
        %parallel_loop3A_551 = tpu.unpack_subelements %parallel_loop3A_549, 1 {pack_format = #tpu.pack_format<interleaved>} : vector<32xbf16> -> vector<16xf32>
        %parallel_loop3A_552 = arith.constant 16 : i32
        %parallel_loop3A_553 = arith.muli %parallel_loop3A_80, %parallel_loop3A_552 : i32
        %parallel_loop3A_554 = arith.constant 2 : i32
        %parallel_loop3A_555 = arith.constant 4 : i32
        %parallel_loop3A_556 = arith.index_cast %parallel_loop3A_554 : i32 to index
        %parallel_loop3A_557 = arith.index_cast %parallel_loop3A_555 : i32 to index
        %parallel_loop3A_558 = arith.index_cast %parallel_loop3A_553 : i32 to index
        %parallel_loop3A_559 = tpu.vector_load %arg7[%parallel_loop3A_556, %parallel_loop3A_557, %parallel_loop3A_558] {strides = array<i32>} : memref<9x8x128xf32, #tpu.memory_space<vmem>>, vector<16xf32>,
        tpu.vector_store %arg7[%parallel_loop3A_556, %parallel_loop3A_557, %parallel_loop3A_558], %parallel_loop3A_550 {strides = array<i32>} : memref<9x8x128xf32, #tpu.memory_space<vmem>>, vector<16xf32>,
        %parallel_loop3A_560 = arith.constant 16 : i32
        %parallel_loop3A_561 = arith.muli %parallel_loop3A_80, %parallel_loop3A_560 : i32
        %parallel_loop3A_562 = arith.constant 3 : i32
        %parallel_loop3A_563 = arith.constant 4 : i32
        %parallel_loop3A_564 = arith.index_cast %parallel_loop3A_562 : i32 to index
        %parallel_loop3A_565 = arith.index_cast %parallel_loop3A_563 : i32 to index
        %parallel_loop3A_566 = arith.index_cast %parallel_loop3A_561 : i32 to index
        %parallel_loop3A_567 = tpu.vector_load %arg7[%parallel_loop3A_564, %parallel_loop3A_565, %parallel_loop3A_566] {strides = array<i32>} : memref<9x8x128xf32, #tpu.memory_space<vmem>>, vector<16xf32>,
        tpu.vector_store %arg7[%parallel_loop3A_564, %parallel_loop3A_565, %parallel_loop3A_566], %parallel_loop3A_551 {strides = array<i32>} : memref<9x8x128xf32, #tpu.memory_space<vmem>>, vector<16xf32>,
        %parallel_loop3A_568 = arith.constant 2 : i32
        %parallel_loop3A_569 = vector.broadcast %parallel_loop3A_568 : i32 to vector<16xi32>
        %parallel_loop3A_570 = tpu.vector_load_idx %arg5[%parallel_loop3A_569, %parallel_loop3A_523] : memref<8x1024xi32, #tpu.memory_space<vmem>>[vector<16xi32>, vector<16xi32>], vector<16xi32>,
        %parallel_loop3A_571 = vector.bitcast %parallel_loop3A_570 : vector<16xi32> to vector<32xbf16>
        %parallel_loop3A_572 = tpu.unpack_subelements %parallel_loop3A_571, 0 {pack_format = #tpu.pack_format<interleaved>} : vector<32xbf16> -> vector<16xf32>
        %parallel_loop3A_573 = tpu.unpack_subelements %parallel_loop3A_571, 1 {pack_format = #tpu.pack_format<interleaved>} : vector<32xbf16> -> vector<16xf32>
        %parallel_loop3A_574 = arith.constant 16 : i32
        %parallel_loop3A_575 = arith.muli %parallel_loop3A_80, %parallel_loop3A_574 : i32
        %parallel_loop3A_576 = arith.constant 4 : i32
        %parallel_loop3A_577 = arith.constant 4 : i32
        %parallel_loop3A_578 = arith.index_cast %parallel_loop3A_576 : i32 to index
        %parallel_loop3A_579 = arith.index_cast %parallel_loop3A_577 : i32 to index
        %parallel_loop3A_580 = arith.index_cast %parallel_loop3A_575 : i32 to index
        %parallel_loop3A_581 = tpu.vector_load %arg7[%parallel_loop3A_578, %parallel_loop3A_579, %parallel_loop3A_580] {strides = array<i32>} : memref<9x8x128xf32, #tpu.memory_space<vmem>>, vector<16xf32>,
        tpu.vector_store %arg7[%parallel_loop3A_578, %parallel_loop3A_579, %parallel_loop3A_580], %parallel_loop3A_572 {strides = array<i32>} : memref<9x8x128xf32, #tpu.memory_space<vmem>>, vector<16xf32>,
        %parallel_loop3A_582 = arith.constant 16 : i32
        %parallel_loop3A_583 = arith.muli %parallel_loop3A_80, %parallel_loop3A_582 : i32
        %parallel_loop3A_584 = arith.constant 5 : i32
        %parallel_loop3A_585 = arith.constant 4 : i32
        %parallel_loop3A_586 = arith.index_cast %parallel_loop3A_584 : i32 to index
        %parallel_loop3A_587 = arith.index_cast %parallel_loop3A_585 : i32 to index
        %parallel_loop3A_588 = arith.index_cast %parallel_loop3A_583 : i32 to index
        %parallel_loop3A_589 = tpu.vector_load %arg7[%parallel_loop3A_586, %parallel_loop3A_587, %parallel_loop3A_588] {strides = array<i32>} : memref<9x8x128xf32, #tpu.memory_space<vmem>>, vector<16xf32>,
        tpu.vector_store %arg7[%parallel_loop3A_586, %parallel_loop3A_587, %parallel_loop3A_588], %parallel_loop3A_573 {strides = array<i32>} : memref<9x8x128xf32, #tpu.memory_space<vmem>>, vector<16xf32>,
        %parallel_loop3A_590 = arith.constant 3 : i32
        %parallel_loop3A_591 = vector.broadcast %parallel_loop3A_590 : i32 to vector<16xi32>
        %parallel_loop3A_592 = tpu.vector_load_idx %arg5[%parallel_loop3A_591, %parallel_loop3A_523] : memref<8x1024xi32, #tpu.memory_space<vmem>>[vector<16xi32>, vector<16xi32>], vector<16xi32>,
        %parallel_loop3A_593 = vector.bitcast %parallel_loop3A_592 : vector<16xi32> to vector<32xbf16>
        %parallel_loop3A_594 = tpu.unpack_subelements %parallel_loop3A_593, 0 {pack_format = #tpu.pack_format<interleaved>} : vector<32xbf16> -> vector<16xf32>
        %parallel_loop3A_595 = tpu.unpack_subelements %parallel_loop3A_593, 1 {pack_format = #tpu.pack_format<interleaved>} : vector<32xbf16> -> vector<16xf32>
        %parallel_loop3A_596 = arith.constant 16 : i32
        %parallel_loop3A_597 = arith.muli %parallel_loop3A_80, %parallel_loop3A_596 : i32
        %parallel_loop3A_598 = arith.constant 6 : i32
        %parallel_loop3A_599 = arith.constant 4 : i32
        %parallel_loop3A_600 = arith.index_cast %parallel_loop3A_598 : i32 to index
        %parallel_loop3A_601 = arith.index_cast %parallel_loop3A_599 : i32 to index
        %parallel_loop3A_602 = arith.index_cast %parallel_loop3A_597 : i32 to index
        %parallel_loop3A_603 = tpu.vector_load %arg7[%parallel_loop3A_600, %parallel_loop3A_601, %parallel_loop3A_602] {strides = array<i32>} : memref<9x8x128xf32, #tpu.memory_space<vmem>>, vector<16xf32>,
        tpu.vector_store %arg7[%parallel_loop3A_600, %parallel_loop3A_601, %parallel_loop3A_602], %parallel_loop3A_594 {strides = array<i32>} : memref<9x8x128xf32, #tpu.memory_space<vmem>>, vector<16xf32>,
        %parallel_loop3A_604 = arith.constant 16 : i32
        %parallel_loop3A_605 = arith.muli %parallel_loop3A_80, %parallel_loop3A_604 : i32
        %parallel_loop3A_606 = arith.constant 7 : i32
        %parallel_loop3A_607 = arith.constant 4 : i32
        %parallel_loop3A_608 = arith.index_cast %parallel_loop3A_606 : i32 to index
        %parallel_loop3A_609 = arith.index_cast %parallel_loop3A_607 : i32 to index
        %parallel_loop3A_610 = arith.index_cast %parallel_loop3A_605 : i32 to index
        %parallel_loop3A_611 = tpu.vector_load %arg7[%parallel_loop3A_608, %parallel_loop3A_609, %parallel_loop3A_610] {strides = array<i32>} : memref<9x8x128xf32, #tpu.memory_space<vmem>>, vector<16xf32>,
        tpu.vector_store %arg7[%parallel_loop3A_608, %parallel_loop3A_609, %parallel_loop3A_610], %parallel_loop3A_595 {strides = array<i32>} : memref<9x8x128xf32, #tpu.memory_space<vmem>>, vector<16xf32>,
        %parallel_loop3A_612 = arith.constant 4 : i32
        %parallel_loop3A_613 = vector.broadcast %parallel_loop3A_612 : i32 to vector<16xi32>
        %parallel_loop3A_614 = tpu.vector_load_idx %arg5[%parallel_loop3A_613, %parallel_loop3A_523] : memref<8x1024xi32, #tpu.memory_space<vmem>>[vector<16xi32>, vector<16xi32>], vector<16xi32>,
        %parallel_loop3A_615 = vector.bitcast %parallel_loop3A_614 : vector<16xi32> to vector<32xbf16>
        %parallel_loop3A_616 = tpu.unpack_subelements %parallel_loop3A_615, 0 {pack_format = #tpu.pack_format<interleaved>} : vector<32xbf16> -> vector<16xf32>
        %parallel_loop3A_617 = tpu.unpack_subelements %parallel_loop3A_615, 1 {pack_format = #tpu.pack_format<interleaved>} : vector<32xbf16> -> vector<16xf32>
        %parallel_loop3A_618 = arith.constant 16 : i32
        %parallel_loop3A_619 = arith.muli %parallel_loop3A_80, %parallel_loop3A_618 : i32
        %parallel_loop3A_620 = arith.constant 8 : i32
        %parallel_loop3A_621 = arith.constant 4 : i32
        %parallel_loop3A_622 = arith.index_cast %parallel_loop3A_620 : i32 to index
        %parallel_loop3A_623 = arith.index_cast %parallel_loop3A_621 : i32 to index
        %parallel_loop3A_624 = arith.index_cast %parallel_loop3A_619 : i32 to index
        %parallel_loop3A_625 = tpu.vector_load %arg7[%parallel_loop3A_622, %parallel_loop3A_623, %parallel_loop3A_624] {strides = array<i32>} : memref<9x8x128xf32, #tpu.memory_space<vmem>>, vector<16xf32>,
        tpu.vector_store %arg7[%parallel_loop3A_622, %parallel_loop3A_623, %parallel_loop3A_624], %parallel_loop3A_616 {strides = array<i32>} : memref<9x8x128xf32, #tpu.memory_space<vmem>>, vector<16xf32>,
        %parallel_loop3A_626 = arith.constant 5 : i32
        %parallel_loop3A_627 = arith.addi %mul3A_50, %parallel_loop3A_626 : i32
        %parallel_loop3A_628 = arith.constant 16 : i32
        %parallel_loop3A_629 = arith.muli %parallel_loop3A_80, %parallel_loop3A_628 : i32
        %parallel_loop3A_630 = arith.index_cast %parallel_loop3A_627 : i32 to index
        %parallel_loop3A_631 = arith.index_cast %parallel_loop3A_629 : i32 to index
        %parallel_loop3A_632 = tpu.vector_load %arg6[%parallel_loop3A_630, %parallel_loop3A_631] {strides = array<i32>} : memref<200x128xi32, #tpu.memory_space<vmem>>, vector<16xi32>,
        %parallel_loop3A_633 = arith.constant 0 : i32
        %parallel_loop3A_634 = vector.broadcast %parallel_loop3A_633 : i32 to vector<16xi32>
        %parallel_loop3A_635 = tpu.vector_load_idx %arg5[%parallel_loop3A_634, %parallel_loop3A_632] : memref<8x1024xi32, #tpu.memory_space<vmem>>[vector<16xi32>, vector<16xi32>], vector<16xi32>,
        %parallel_loop3A_636 = vector.bitcast %parallel_loop3A_635 : vector<16xi32> to vector<32xbf16>
        %parallel_loop3A_637 = tpu.unpack_subelements %parallel_loop3A_636, 0 {pack_format = #tpu.pack_format<interleaved>} : vector<32xbf16> -> vector<16xf32>
        %parallel_loop3A_638 = tpu.unpack_subelements %parallel_loop3A_636, 1 {pack_format = #tpu.pack_format<interleaved>} : vector<32xbf16> -> vector<16xf32>
        %parallel_loop3A_639 = arith.constant 16 : i32
        %parallel_loop3A_640 = arith.muli %parallel_loop3A_80, %parallel_loop3A_639 : i32
        %parallel_loop3A_641 = arith.constant 0 : i32
        %parallel_loop3A_642 = arith.constant 5 : i32
        %parallel_loop3A_643 = arith.index_cast %parallel_loop3A_641 : i32 to index
        %parallel_loop3A_644 = arith.index_cast %parallel_loop3A_642 : i32 to index
        %parallel_loop3A_645 = arith.index_cast %parallel_loop3A_640 : i32 to index
        %parallel_loop3A_646 = tpu.vector_load %arg7[%parallel_loop3A_643, %parallel_loop3A_644, %parallel_loop3A_645] {strides = array<i32>} : memref<9x8x128xf32, #tpu.memory_space<vmem>>, vector<16xf32>,
        tpu.vector_store %arg7[%parallel_loop3A_643, %parallel_loop3A_644, %parallel_loop3A_645], %parallel_loop3A_637 {strides = array<i32>} : memref<9x8x128xf32, #tpu.memory_space<vmem>>, vector<16xf32>,
        %parallel_loop3A_647 = arith.constant 16 : i32
        %parallel_loop3A_648 = arith.muli %parallel_loop3A_80, %parallel_loop3A_647 : i32
        %parallel_loop3A_649 = arith.constant 1 : i32
        %parallel_loop3A_650 = arith.constant 5 : i32
        %parallel_loop3A_651 = arith.index_cast %parallel_loop3A_649 : i32 to index
        %parallel_loop3A_652 = arith.index_cast %parallel_loop3A_650 : i32 to index
        %parallel_loop3A_653 = arith.index_cast %parallel_loop3A_648 : i32 to index
        %parallel_loop3A_654 = tpu.vector_load %arg7[%parallel_loop3A_651, %parallel_loop3A_652, %parallel_loop3A_653] {strides = array<i32>} : memref<9x8x128xf32, #tpu.memory_space<vmem>>, vector<16xf32>,
        tpu.vector_store %arg7[%parallel_loop3A_651, %parallel_loop3A_652, %parallel_loop3A_653], %parallel_loop3A_638 {strides = array<i32>} : memref<9x8x128xf32, #tpu.memory_space<vmem>>, vector<16xf32>,
        %parallel_loop3A_655 = arith.constant 1 : i32
        %parallel_loop3A_656 = vector.broadcast %parallel_loop3A_655 : i32 to vector<16xi32>
        %parallel_loop3A_657 = tpu.vector_load_idx %arg5[%parallel_loop3A_656, %parallel_loop3A_632] : memref<8x1024xi32, #tpu.memory_space<vmem>>[vector<16xi32>, vector<16xi32>], vector<16xi32>,
        %parallel_loop3A_658 = vector.bitcast %parallel_loop3A_657 : vector<16xi32> to vector<32xbf16>
        %parallel_loop3A_659 = tpu.unpack_subelements %parallel_loop3A_658, 0 {pack_format = #tpu.pack_format<interleaved>} : vector<32xbf16> -> vector<16xf32>
        %parallel_loop3A_660 = tpu.unpack_subelements %parallel_loop3A_658, 1 {pack_format = #tpu.pack_format<interleaved>} : vector<32xbf16> -> vector<16xf32>
        %parallel_loop3A_661 = arith.constant 16 : i32
        %parallel_loop3A_662 = arith.muli %parallel_loop3A_80, %parallel_loop3A_661 : i32
        %parallel_loop3A_663 = arith.constant 2 : i32
        %parallel_loop3A_664 = arith.constant 5 : i32
        %parallel_loop3A_665 = arith.index_cast %parallel_loop3A_663 : i32 to index
        %parallel_loop3A_666 = arith.index_cast %parallel_loop3A_664 : i32 to index
        %parallel_loop3A_667 = arith.index_cast %parallel_loop3A_662 : i32 to index
        %parallel_loop3A_668 = tpu.vector_load %arg7[%parallel_loop3A_665, %parallel_loop3A_666, %parallel_loop3A_667] {strides = array<i32>} : memref<9x8x128xf32, #tpu.memory_space<vmem>>, vector<16xf32>,
        tpu.vector_store %arg7[%parallel_loop3A_665, %parallel_loop3A_666, %parallel_loop3A_667], %parallel_loop3A_659 {strides = array<i32>} : memref<9x8x128xf32, #tpu.memory_space<vmem>>, vector<16xf32>,
        %parallel_loop3A_669 = arith.constant 16 : i32
        %parallel_loop3A_670 = arith.muli %parallel_loop3A_80, %parallel_loop3A_669 : i32
        %parallel_loop3A_671 = arith.constant 3 : i32
        %parallel_loop3A_672 = arith.constant 5 : i32
        %parallel_loop3A_673 = arith.index_cast %parallel_loop3A_671 : i32 to index
        %parallel_loop3A_674 = arith.index_cast %parallel_loop3A_672 : i32 to index
        %parallel_loop3A_675 = arith.index_cast %parallel_loop3A_670 : i32 to index
        %parallel_loop3A_676 = tpu.vector_load %arg7[%parallel_loop3A_673, %parallel_loop3A_674, %parallel_loop3A_675] {strides = array<i32>} : memref<9x8x128xf32, #tpu.memory_space<vmem>>, vector<16xf32>,
        tpu.vector_store %arg7[%parallel_loop3A_673, %parallel_loop3A_674, %parallel_loop3A_675], %parallel_loop3A_660 {strides = array<i32>} : memref<9x8x128xf32, #tpu.memory_space<vmem>>, vector<16xf32>,
        %parallel_loop3A_677 = arith.constant 2 : i32
        %parallel_loop3A_678 = vector.broadcast %parallel_loop3A_677 : i32 to vector<16xi32>
        %parallel_loop3A_679 = tpu.vector_load_idx %arg5[%parallel_loop3A_678, %parallel_loop3A_632] : memref<8x1024xi32, #tpu.memory_space<vmem>>[vector<16xi32>, vector<16xi32>], vector<16xi32>,
        %parallel_loop3A_680 = vector.bitcast %parallel_loop3A_679 : vector<16xi32> to vector<32xbf16>
        %parallel_loop3A_681 = tpu.unpack_subelements %parallel_loop3A_680, 0 {pack_format = #tpu.pack_format<interleaved>} : vector<32xbf16> -> vector<16xf32>
        %parallel_loop3A_682 = tpu.unpack_subelements %parallel_loop3A_680, 1 {pack_format = #tpu.pack_format<interleaved>} : vector<32xbf16> -> vector<16xf32>
        %parallel_loop3A_683 = arith.constant 16 : i32
        %parallel_loop3A_684 = arith.muli %parallel_loop3A_80, %parallel_loop3A_683 : i32
        %parallel_loop3A_685 = arith.constant 4 : i32
        %parallel_loop3A_686 = arith.constant 5 : i32
        %parallel_loop3A_687 = arith.index_cast %parallel_loop3A_685 : i32 to index
        %parallel_loop3A_688 = arith.index_cast %parallel_loop3A_686 : i32 to index
        %parallel_loop3A_689 = arith.index_cast %parallel_loop3A_684 : i32 to index
        %parallel_loop3A_690 = tpu.vector_load %arg7[%parallel_loop3A_687, %parallel_loop3A_688, %parallel_loop3A_689] {strides = array<i32>} : memref<9x8x128xf32, #tpu.memory_space<vmem>>, vector<16xf32>,
        tpu.vector_store %arg7[%parallel_loop3A_687, %parallel_loop3A_688, %parallel_loop3A_689], %parallel_loop3A_681 {strides = array<i32>} : memref<9x8x128xf32, #tpu.memory_space<vmem>>, vector<16xf32>,
        %parallel_loop3A_691 = arith.constant 16 : i32
        %parallel_loop3A_692 = arith.muli %parallel_loop3A_80, %parallel_loop3A_691 : i32
        %parallel_loop3A_693 = arith.constant 5 : i32
        %parallel_loop3A_694 = arith.constant 5 : i32
        %parallel_loop3A_695 = arith.index_cast %parallel_loop3A_693 : i32 to index
        %parallel_loop3A_696 = arith.index_cast %parallel_loop3A_694 : i32 to index
        %parallel_loop3A_697 = arith.index_cast %parallel_loop3A_692 : i32 to index
        %parallel_loop3A_698 = tpu.vector_load %arg7[%parallel_loop3A_695, %parallel_loop3A_696, %parallel_loop3A_697] {strides = array<i32>} : memref<9x8x128xf32, #tpu.memory_space<vmem>>, vector<16xf32>,
        tpu.vector_store %arg7[%parallel_loop3A_695, %parallel_loop3A_696, %parallel_loop3A_697], %parallel_loop3A_682 {strides = array<i32>} : memref<9x8x128xf32, #tpu.memory_space<vmem>>, vector<16xf32>,
        %parallel_loop3A_699 = arith.constant 3 : i32
        %parallel_loop3A_700 = vector.broadcast %parallel_loop3A_699 : i32 to vector<16xi32>
        %parallel_loop3A_701 = tpu.vector_load_idx %arg5[%parallel_loop3A_700, %parallel_loop3A_632] : memref<8x1024xi32, #tpu.memory_space<vmem>>[vector<16xi32>, vector<16xi32>], vector<16xi32>,
        %parallel_loop3A_702 = vector.bitcast %parallel_loop3A_701 : vector<16xi32> to vector<32xbf16>
        %parallel_loop3A_703 = tpu.unpack_subelements %parallel_loop3A_702, 0 {pack_format = #tpu.pack_format<interleaved>} : vector<32xbf16> -> vector<16xf32>
        %parallel_loop3A_704 = tpu.unpack_subelements %parallel_loop3A_702, 1 {pack_format = #tpu.pack_format<interleaved>} : vector<32xbf16> -> vector<16xf32>
        %parallel_loop3A_705 = arith.constant 16 : i32
        %parallel_loop3A_706 = arith.muli %parallel_loop3A_80, %parallel_loop3A_705 : i32
        %parallel_loop3A_707 = arith.constant 6 : i32
        %parallel_loop3A_708 = arith.constant 5 : i32
        %parallel_loop3A_709 = arith.index_cast %parallel_loop3A_707 : i32 to index
        %parallel_loop3A_710 = arith.index_cast %parallel_loop3A_708 : i32 to index
        %parallel_loop3A_711 = arith.index_cast %parallel_loop3A_706 : i32 to index
        %parallel_loop3A_712 = tpu.vector_load %arg7[%parallel_loop3A_709, %parallel_loop3A_710, %parallel_loop3A_711] {strides = array<i32>} : memref<9x8x128xf32, #tpu.memory_space<vmem>>, vector<16xf32>,
        tpu.vector_store %arg7[%parallel_loop3A_709, %parallel_loop3A_710, %parallel_loop3A_711], %parallel_loop3A_703 {strides = array<i32>} : memref<9x8x128xf32, #tpu.memory_space<vmem>>, vector<16xf32>,
        %parallel_loop3A_713 = arith.constant 16 : i32
        %parallel_loop3A_714 = arith.muli %parallel_loop3A_80, %parallel_loop3A_713 : i32
        %parallel_loop3A_715 = arith.constant 7 : i32
        %parallel_loop3A_716 = arith.constant 5 : i32
        %parallel_loop3A_717 = arith.index_cast %parallel_loop3A_715 : i32 to index
        %parallel_loop3A_718 = arith.index_cast %parallel_loop3A_716 : i32 to index
        %parallel_loop3A_719 = arith.index_cast %parallel_loop3A_714 : i32 to index
        %parallel_loop3A_720 = tpu.vector_load %arg7[%parallel_loop3A_717, %parallel_loop3A_718, %parallel_loop3A_719] {strides = array<i32>} : memref<9x8x128xf32, #tpu.memory_space<vmem>>, vector<16xf32>,
        tpu.vector_store %arg7[%parallel_loop3A_717, %parallel_loop3A_718, %parallel_loop3A_719], %parallel_loop3A_704 {strides = array<i32>} : memref<9x8x128xf32, #tpu.memory_space<vmem>>, vector<16xf32>,
        %parallel_loop3A_721 = arith.constant 4 : i32
        %parallel_loop3A_722 = vector.broadcast %parallel_loop3A_721 : i32 to vector<16xi32>
        %parallel_loop3A_723 = tpu.vector_load_idx %arg5[%parallel_loop3A_722, %parallel_loop3A_632] : memref<8x1024xi32, #tpu.memory_space<vmem>>[vector<16xi32>, vector<16xi32>], vector<16xi32>,
        %parallel_loop3A_724 = vector.bitcast %parallel_loop3A_723 : vector<16xi32> to vector<32xbf16>
        %parallel_loop3A_725 = tpu.unpack_subelements %parallel_loop3A_724, 0 {pack_format = #tpu.pack_format<interleaved>} : vector<32xbf16> -> vector<16xf32>
        %parallel_loop3A_726 = tpu.unpack_subelements %parallel_loop3A_724, 1 {pack_format = #tpu.pack_format<interleaved>} : vector<32xbf16> -> vector<16xf32>
        %parallel_loop3A_727 = arith.constant 16 : i32
        %parallel_loop3A_728 = arith.muli %parallel_loop3A_80, %parallel_loop3A_727 : i32
        %parallel_loop3A_729 = arith.constant 8 : i32
        %parallel_loop3A_730 = arith.constant 5 : i32
        %parallel_loop3A_731 = arith.index_cast %parallel_loop3A_729 : i32 to index
        %parallel_loop3A_732 = arith.index_cast %parallel_loop3A_730 : i32 to index
        %parallel_loop3A_733 = arith.index_cast %parallel_loop3A_728 : i32 to index
        %parallel_loop3A_734 = tpu.vector_load %arg7[%parallel_loop3A_731, %parallel_loop3A_732, %parallel_loop3A_733] {strides = array<i32>} : memref<9x8x128xf32, #tpu.memory_space<vmem>>, vector<16xf32>,
        tpu.vector_store %arg7[%parallel_loop3A_731, %parallel_loop3A_732, %parallel_loop3A_733], %parallel_loop3A_725 {strides = array<i32>} : memref<9x8x128xf32, #tpu.memory_space<vmem>>, vector<16xf32>,
        %parallel_loop3A_735 = arith.constant 6 : i32
        %parallel_loop3A_736 = arith.addi %mul3A_50, %parallel_loop3A_735 : i32
        %parallel_loop3A_737 = arith.constant 16 : i32
        %parallel_loop3A_738 = arith.muli %parallel_loop3A_80, %parallel_loop3A_737 : i32
        %parallel_loop3A_739 = arith.index_cast %parallel_loop3A_736 : i32 to index
        %parallel_loop3A_740 = arith.index_cast %parallel_loop3A_738 : i32 to index
        %parallel_loop3A_741 = tpu.vector_load %arg6[%parallel_loop3A_739, %parallel_loop3A_740] {strides = array<i32>} : memref<200x128xi32, #tpu.memory_space<vmem>>, vector<16xi32>,
        %parallel_loop3A_742 = arith.constant 0 : i32
        %parallel_loop3A_743 = vector.broadcast %parallel_loop3A_742 : i32 to vector<16xi32>
        %parallel_loop3A_744 = tpu.vector_load_idx %arg5[%parallel_loop3A_743, %parallel_loop3A_741] : memref<8x1024xi32, #tpu.memory_space<vmem>>[vector<16xi32>, vector<16xi32>], vector<16xi32>,
        %parallel_loop3A_745 = vector.bitcast %parallel_loop3A_744 : vector<16xi32> to vector<32xbf16>
        %parallel_loop3A_746 = tpu.unpack_subelements %parallel_loop3A_745, 0 {pack_format = #tpu.pack_format<interleaved>} : vector<32xbf16> -> vector<16xf32>
        %parallel_loop3A_747 = tpu.unpack_subelements %parallel_loop3A_745, 1 {pack_format = #tpu.pack_format<interleaved>} : vector<32xbf16> -> vector<16xf32>
        %parallel_loop3A_748 = arith.constant 16 : i32
        %parallel_loop3A_749 = arith.muli %parallel_loop3A_80, %parallel_loop3A_748 : i32
        %parallel_loop3A_750 = arith.constant 0 : i32
        %parallel_loop3A_751 = arith.constant 6 : i32
        %parallel_loop3A_752 = arith.index_cast %parallel_loop3A_750 : i32 to index
        %parallel_loop3A_753 = arith.index_cast %parallel_loop3A_751 : i32 to index
        %parallel_loop3A_754 = arith.index_cast %parallel_loop3A_749 : i32 to index
        %parallel_loop3A_755 = tpu.vector_load %arg7[%parallel_loop3A_752, %parallel_loop3A_753, %parallel_loop3A_754] {strides = array<i32>} : memref<9x8x128xf32, #tpu.memory_space<vmem>>, vector<16xf32>,
        tpu.vector_store %arg7[%parallel_loop3A_752, %parallel_loop3A_753, %parallel_loop3A_754], %parallel_loop3A_746 {strides = array<i32>} : memref<9x8x128xf32, #tpu.memory_space<vmem>>, vector<16xf32>,
        %parallel_loop3A_756 = arith.constant 16 : i32
        %parallel_loop3A_757 = arith.muli %parallel_loop3A_80, %parallel_loop3A_756 : i32
        %parallel_loop3A_758 = arith.constant 1 : i32
        %parallel_loop3A_759 = arith.constant 6 : i32
        %parallel_loop3A_760 = arith.index_cast %parallel_loop3A_758 : i32 to index
        %parallel_loop3A_761 = arith.index_cast %parallel_loop3A_759 : i32 to index
        %parallel_loop3A_762 = arith.index_cast %parallel_loop3A_757 : i32 to index
        %parallel_loop3A_763 = tpu.vector_load %arg7[%parallel_loop3A_760, %parallel_loop3A_761, %parallel_loop3A_762] {strides = array<i32>} : memref<9x8x128xf32, #tpu.memory_space<vmem>>, vector<16xf32>,
        tpu.vector_store %arg7[%parallel_loop3A_760, %parallel_loop3A_761, %parallel_loop3A_762], %parallel_loop3A_747 {strides = array<i32>} : memref<9x8x128xf32, #tpu.memory_space<vmem>>, vector<16xf32>,
        %parallel_loop3A_764 = arith.constant 1 : i32
        %parallel_loop3A_765 = vector.broadcast %parallel_loop3A_764 : i32 to vector<16xi32>
        %parallel_loop3A_766 = tpu.vector_load_idx %arg5[%parallel_loop3A_765, %parallel_loop3A_741] : memref<8x1024xi32, #tpu.memory_space<vmem>>[vector<16xi32>, vector<16xi32>], vector<16xi32>,
        %parallel_loop3A_767 = vector.bitcast %parallel_loop3A_766 : vector<16xi32> to vector<32xbf16>
        %parallel_loop3A_768 = tpu.unpack_subelements %parallel_loop3A_767, 0 {pack_format = #tpu.pack_format<interleaved>} : vector<32xbf16> -> vector<16xf32>
        %parallel_loop3A_769 = tpu.unpack_subelements %parallel_loop3A_767, 1 {pack_format = #tpu.pack_format<interleaved>} : vector<32xbf16> -> vector<16xf32>
        %parallel_loop3A_770 = arith.constant 16 : i32
        %parallel_loop3A_771 = arith.muli %parallel_loop3A_80, %parallel_loop3A_770 : i32
        %parallel_loop3A_772 = arith.constant 2 : i32
        %parallel_loop3A_773 = arith.constant 6 : i32
        %parallel_loop3A_774 = arith.index_cast %parallel_loop3A_772 : i32 to index
        %parallel_loop3A_775 = arith.index_cast %parallel_loop3A_773 : i32 to index
        %parallel_loop3A_776 = arith.index_cast %parallel_loop3A_771 : i32 to index
        %parallel_loop3A_777 = tpu.vector_load %arg7[%parallel_loop3A_774, %parallel_loop3A_775, %parallel_loop3A_776] {strides = array<i32>} : memref<9x8x128xf32, #tpu.memory_space<vmem>>, vector<16xf32>,
        tpu.vector_store %arg7[%parallel_loop3A_774, %parallel_loop3A_775, %parallel_loop3A_776], %parallel_loop3A_768 {strides = array<i32>} : memref<9x8x128xf32, #tpu.memory_space<vmem>>, vector<16xf32>,
        %parallel_loop3A_778 = arith.constant 16 : i32
        %parallel_loop3A_779 = arith.muli %parallel_loop3A_80, %parallel_loop3A_778 : i32
        %parallel_loop3A_780 = arith.constant 3 : i32
        %parallel_loop3A_781 = arith.constant 6 : i32
        %parallel_loop3A_782 = arith.index_cast %parallel_loop3A_780 : i32 to index
        %parallel_loop3A_783 = arith.index_cast %parallel_loop3A_781 : i32 to index
        %parallel_loop3A_784 = arith.index_cast %parallel_loop3A_779 : i32 to index
        %parallel_loop3A_785 = tpu.vector_load %arg7[%parallel_loop3A_782, %parallel_loop3A_783, %parallel_loop3A_784] {strides = array<i32>} : memref<9x8x128xf32, #tpu.memory_space<vmem>>, vector<16xf32>,
        tpu.vector_store %arg7[%parallel_loop3A_782, %parallel_loop3A_783, %parallel_loop3A_784], %parallel_loop3A_769 {strides = array<i32>} : memref<9x8x128xf32, #tpu.memory_space<vmem>>, vector<16xf32>,
        %parallel_loop3A_786 = arith.constant 2 : i32
        %parallel_loop3A_787 = vector.broadcast %parallel_loop3A_786 : i32 to vector<16xi32>
        %parallel_loop3A_788 = tpu.vector_load_idx %arg5[%parallel_loop3A_787, %parallel_loop3A_741] : memref<8x1024xi32, #tpu.memory_space<vmem>>[vector<16xi32>, vector<16xi32>], vector<16xi32>,
        %parallel_loop3A_789 = vector.bitcast %parallel_loop3A_788 : vector<16xi32> to vector<32xbf16>
        %parallel_loop3A_790 = tpu.unpack_subelements %parallel_loop3A_789, 0 {pack_format = #tpu.pack_format<interleaved>} : vector<32xbf16> -> vector<16xf32>
        %parallel_loop3A_791 = tpu.unpack_subelements %parallel_loop3A_789, 1 {pack_format = #tpu.pack_format<interleaved>} : vector<32xbf16> -> vector<16xf32>
        %parallel_loop3A_792 = arith.constant 16 : i32
        %parallel_loop3A_793 = arith.muli %parallel_loop3A_80, %parallel_loop3A_792 : i32
        %parallel_loop3A_794 = arith.constant 4 : i32
        %parallel_loop3A_795 = arith.constant 6 : i32
        %parallel_loop3A_796 = arith.index_cast %parallel_loop3A_794 : i32 to index
        %parallel_loop3A_797 = arith.index_cast %parallel_loop3A_795 : i32 to index
        %parallel_loop3A_798 = arith.index_cast %parallel_loop3A_793 : i32 to index
        %parallel_loop3A_799 = tpu.vector_load %arg7[%parallel_loop3A_796, %parallel_loop3A_797, %parallel_loop3A_798] {strides = array<i32>} : memref<9x8x128xf32, #tpu.memory_space<vmem>>, vector<16xf32>,
        tpu.vector_store %arg7[%parallel_loop3A_796, %parallel_loop3A_797, %parallel_loop3A_798], %parallel_loop3A_790 {strides = array<i32>} : memref<9x8x128xf32, #tpu.memory_space<vmem>>, vector<16xf32>,
        %parallel_loop3A_800 = arith.constant 16 : i32
        %parallel_loop3A_801 = arith.muli %parallel_loop3A_80, %parallel_loop3A_800 : i32
        %parallel_loop3A_802 = arith.constant 5 : i32
        %parallel_loop3A_803 = arith.constant 6 : i32
        %parallel_loop3A_804 = arith.index_cast %parallel_loop3A_802 : i32 to index
        %parallel_loop3A_805 = arith.index_cast %parallel_loop3A_803 : i32 to index
        %parallel_loop3A_806 = arith.index_cast %parallel_loop3A_801 : i32 to index
        %parallel_loop3A_807 = tpu.vector_load %arg7[%parallel_loop3A_804, %parallel_loop3A_805, %parallel_loop3A_806] {strides = array<i32>} : memref<9x8x128xf32, #tpu.memory_space<vmem>>, vector<16xf32>,
        tpu.vector_store %arg7[%parallel_loop3A_804, %parallel_loop3A_805, %parallel_loop3A_806], %parallel_loop3A_791 {strides = array<i32>} : memref<9x8x128xf32, #tpu.memory_space<vmem>>, vector<16xf32>,
        %parallel_loop3A_808 = arith.constant 3 : i32
        %parallel_loop3A_809 = vector.broadcast %parallel_loop3A_808 : i32 to vector<16xi32>
        %parallel_loop3A_810 = tpu.vector_load_idx %arg5[%parallel_loop3A_809, %parallel_loop3A_741] : memref<8x1024xi32, #tpu.memory_space<vmem>>[vector<16xi32>, vector<16xi32>], vector<16xi32>,
        %parallel_loop3A_811 = vector.bitcast %parallel_loop3A_810 : vector<16xi32> to vector<32xbf16>
        %parallel_loop3A_812 = tpu.unpack_subelements %parallel_loop3A_811, 0 {pack_format = #tpu.pack_format<interleaved>} : vector<32xbf16> -> vector<16xf32>
        %parallel_loop3A_813 = tpu.unpack_subelements %parallel_loop3A_811, 1 {pack_format = #tpu.pack_format<interleaved>} : vector<32xbf16> -> vector<16xf32>
        %parallel_loop3A_814 = arith.constant 16 : i32
        %parallel_loop3A_815 = arith.muli %parallel_loop3A_80, %parallel_loop3A_814 : i32
        %parallel_loop3A_816 = arith.constant 6 : i32
        %parallel_loop3A_817 = arith.constant 6 : i32
        %parallel_loop3A_818 = arith.index_cast %parallel_loop3A_816 : i32 to index
        %parallel_loop3A_819 = arith.index_cast %parallel_loop3A_817 : i32 to index
        %parallel_loop3A_820 = arith.index_cast %parallel_loop3A_815 : i32 to index
        %parallel_loop3A_821 = tpu.vector_load %arg7[%parallel_loop3A_818, %parallel_loop3A_819, %parallel_loop3A_820] {strides = array<i32>} : memref<9x8x128xf32, #tpu.memory_space<vmem>>, vector<16xf32>,
        tpu.vector_store %arg7[%parallel_loop3A_818, %parallel_loop3A_819, %parallel_loop3A_820], %parallel_loop3A_812 {strides = array<i32>} : memref<9x8x128xf32, #tpu.memory_space<vmem>>, vector<16xf32>,
        %parallel_loop3A_822 = arith.constant 16 : i32
        %parallel_loop3A_823 = arith.muli %parallel_loop3A_80, %parallel_loop3A_822 : i32
        %parallel_loop3A_824 = arith.constant 7 : i32
        %parallel_loop3A_825 = arith.constant 6 : i32
        %parallel_loop3A_826 = arith.index_cast %parallel_loop3A_824 : i32 to index
        %parallel_loop3A_827 = arith.index_cast %parallel_loop3A_825 : i32 to index
        %parallel_loop3A_828 = arith.index_cast %parallel_loop3A_823 : i32 to index
        %parallel_loop3A_829 = tpu.vector_load %arg7[%parallel_loop3A_826, %parallel_loop3A_827, %parallel_loop3A_828] {strides = array<i32>} : memref<9x8x128xf32, #tpu.memory_space<vmem>>, vector<16xf32>,
        tpu.vector_store %arg7[%parallel_loop3A_826, %parallel_loop3A_827, %parallel_loop3A_828], %parallel_loop3A_813 {strides = array<i32>} : memref<9x8x128xf32, #tpu.memory_space<vmem>>, vector<16xf32>,
        %parallel_loop3A_830 = arith.constant 4 : i32
        %parallel_loop3A_831 = vector.broadcast %parallel_loop3A_830 : i32 to vector<16xi32>
        %parallel_loop3A_832 = tpu.vector_load_idx %arg5[%parallel_loop3A_831, %parallel_loop3A_741] : memref<8x1024xi32, #tpu.memory_space<vmem>>[vector<16xi32>, vector<16xi32>], vector<16xi32>,
        %parallel_loop3A_833 = vector.bitcast %parallel_loop3A_832 : vector<16xi32> to vector<32xbf16>
        %parallel_loop3A_834 = tpu.unpack_subelements %parallel_loop3A_833, 0 {pack_format = #tpu.pack_format<interleaved>} : vector<32xbf16> -> vector<16xf32>
        %parallel_loop3A_835 = tpu.unpack_subelements %parallel_loop3A_833, 1 {pack_format = #tpu.pack_format<interleaved>} : vector<32xbf16> -> vector<16xf32>
        %parallel_loop3A_836 = arith.constant 16 : i32
        %parallel_loop3A_837 = arith.muli %parallel_loop3A_80, %parallel_loop3A_836 : i32
        %parallel_loop3A_838 = arith.constant 8 : i32
        %parallel_loop3A_839 = arith.constant 6 : i32
        %parallel_loop3A_840 = arith.index_cast %parallel_loop3A_838 : i32 to index
        %parallel_loop3A_841 = arith.index_cast %parallel_loop3A_839 : i32 to index
        %parallel_loop3A_842 = arith.index_cast %parallel_loop3A_837 : i32 to index
        %parallel_loop3A_843 = tpu.vector_load %arg7[%parallel_loop3A_840, %parallel_loop3A_841, %parallel_loop3A_842] {strides = array<i32>} : memref<9x8x128xf32, #tpu.memory_space<vmem>>, vector<16xf32>,
        tpu.vector_store %arg7[%parallel_loop3A_840, %parallel_loop3A_841, %parallel_loop3A_842], %parallel_loop3A_834 {strides = array<i32>} : memref<9x8x128xf32, #tpu.memory_space<vmem>>, vector<16xf32>,
        %parallel_loop3A_844 = arith.constant 7 : i32
        %parallel_loop3A_845 = arith.addi %mul3A_50, %parallel_loop3A_844 : i32
        %parallel_loop3A_846 = arith.constant 16 : i32
        %parallel_loop3A_847 = arith.muli %parallel_loop3A_80, %parallel_loop3A_846 : i32
        %parallel_loop3A_848 = arith.index_cast %parallel_loop3A_845 : i32 to index
        %parallel_loop3A_849 = arith.index_cast %parallel_loop3A_847 : i32 to index
        %parallel_loop3A_850 = tpu.vector_load %arg6[%parallel_loop3A_848, %parallel_loop3A_849] {strides = array<i32>} : memref<200x128xi32, #tpu.memory_space<vmem>>, vector<16xi32>,
        %parallel_loop3A_851 = arith.constant 0 : i32
        %parallel_loop3A_852 = vector.broadcast %parallel_loop3A_851 : i32 to vector<16xi32>
        %parallel_loop3A_853 = tpu.vector_load_idx %arg5[%parallel_loop3A_852, %parallel_loop3A_850] : memref<8x1024xi32, #tpu.memory_space<vmem>>[vector<16xi32>, vector<16xi32>], vector<16xi32>,
        %parallel_loop3A_854 = vector.bitcast %parallel_loop3A_853 : vector<16xi32> to vector<32xbf16>
        %parallel_loop3A_855 = tpu.unpack_subelements %parallel_loop3A_854, 0 {pack_format = #tpu.pack_format<interleaved>} : vector<32xbf16> -> vector<16xf32>
        %parallel_loop3A_856 = tpu.unpack_subelements %parallel_loop3A_854, 1 {pack_format = #tpu.pack_format<interleaved>} : vector<32xbf16> -> vector<16xf32>
        %parallel_loop3A_857 = arith.constant 16 : i32
        %parallel_loop3A_858 = arith.muli %parallel_loop3A_80, %parallel_loop3A_857 : i32
        %parallel_loop3A_859 = arith.constant 0 : i32
        %parallel_loop3A_860 = arith.constant 7 : i32
        %parallel_loop3A_861 = arith.index_cast %parallel_loop3A_859 : i32 to index
        %parallel_loop3A_862 = arith.index_cast %parallel_loop3A_860 : i32 to index
        %parallel_loop3A_863 = arith.index_cast %parallel_loop3A_858 : i32 to index
        %parallel_loop3A_864 = tpu.vector_load %arg7[%parallel_loop3A_861, %parallel_loop3A_862, %parallel_loop3A_863] {strides = array<i32>} : memref<9x8x128xf32, #tpu.memory_space<vmem>>, vector<16xf32>,
        tpu.vector_store %arg7[%parallel_loop3A_861, %parallel_loop3A_862, %parallel_loop3A_863], %parallel_loop3A_855 {strides = array<i32>} : memref<9x8x128xf32, #tpu.memory_space<vmem>>, vector<16xf32>,
        %parallel_loop3A_865 = arith.constant 16 : i32
        %parallel_loop3A_866 = arith.muli %parallel_loop3A_80, %parallel_loop3A_865 : i32
        %parallel_loop3A_867 = arith.constant 1 : i32
        %parallel_loop3A_868 = arith.constant 7 : i32
        %parallel_loop3A_869 = arith.index_cast %parallel_loop3A_867 : i32 to index
        %parallel_loop3A_870 = arith.index_cast %parallel_loop3A_868 : i32 to index
        %parallel_loop3A_871 = arith.index_cast %parallel_loop3A_866 : i32 to index
        %parallel_loop3A_872 = tpu.vector_load %arg7[%parallel_loop3A_869, %parallel_loop3A_870, %parallel_loop3A_871] {strides = array<i32>} : memref<9x8x128xf32, #tpu.memory_space<vmem>>, vector<16xf32>,
        tpu.vector_store %arg7[%parallel_loop3A_869, %parallel_loop3A_870, %parallel_loop3A_871], %parallel_loop3A_856 {strides = array<i32>} : memref<9x8x128xf32, #tpu.memory_space<vmem>>, vector<16xf32>,
        %parallel_loop3A_873 = arith.constant 1 : i32
        %parallel_loop3A_874 = vector.broadcast %parallel_loop3A_873 : i32 to vector<16xi32>
        %parallel_loop3A_875 = tpu.vector_load_idx %arg5[%parallel_loop3A_874, %parallel_loop3A_850] : memref<8x1024xi32, #tpu.memory_space<vmem>>[vector<16xi32>, vector<16xi32>], vector<16xi32>,
        %parallel_loop3A_876 = vector.bitcast %parallel_loop3A_875 : vector<16xi32> to vector<32xbf16>
        %parallel_loop3A_877 = tpu.unpack_subelements %parallel_loop3A_876, 0 {pack_format = #tpu.pack_format<interleaved>} : vector<32xbf16> -> vector<16xf32>
        %parallel_loop3A_878 = tpu.unpack_subelements %parallel_loop3A_876, 1 {pack_format = #tpu.pack_format<interleaved>} : vector<32xbf16> -> vector<16xf32>
        %parallel_loop3A_879 = arith.constant 16 : i32
        %parallel_loop3A_880 = arith.muli %parallel_loop3A_80, %parallel_loop3A_879 : i32
        %parallel_loop3A_881 = arith.constant 2 : i32
        %parallel_loop3A_882 = arith.constant 7 : i32
        %parallel_loop3A_883 = arith.index_cast %parallel_loop3A_881 : i32 to index
        %parallel_loop3A_884 = arith.index_cast %parallel_loop3A_882 : i32 to index
        %parallel_loop3A_885 = arith.index_cast %parallel_loop3A_880 : i32 to index
        %parallel_loop3A_886 = tpu.vector_load %arg7[%parallel_loop3A_883, %parallel_loop3A_884, %parallel_loop3A_885] {strides = array<i32>} : memref<9x8x128xf32, #tpu.memory_space<vmem>>, vector<16xf32>,
        tpu.vector_store %arg7[%parallel_loop3A_883, %parallel_loop3A_884, %parallel_loop3A_885], %parallel_loop3A_877 {strides = array<i32>} : memref<9x8x128xf32, #tpu.memory_space<vmem>>, vector<16xf32>,
        %parallel_loop3A_887 = arith.constant 16 : i32
        %parallel_loop3A_888 = arith.muli %parallel_loop3A_80, %parallel_loop3A_887 : i32
        %parallel_loop3A_889 = arith.constant 3 : i32
        %parallel_loop3A_890 = arith.constant 7 : i32
        %parallel_loop3A_891 = arith.index_cast %parallel_loop3A_889 : i32 to index
        %parallel_loop3A_892 = arith.index_cast %parallel_loop3A_890 : i32 to index
        %parallel_loop3A_893 = arith.index_cast %parallel_loop3A_888 : i32 to index
        %parallel_loop3A_894 = tpu.vector_load %arg7[%parallel_loop3A_891, %parallel_loop3A_892, %parallel_loop3A_893] {strides = array<i32>} : memref<9x8x128xf32, #tpu.memory_space<vmem>>, vector<16xf32>,
        tpu.vector_store %arg7[%parallel_loop3A_891, %parallel_loop3A_892, %parallel_loop3A_893], %parallel_loop3A_878 {strides = array<i32>} : memref<9x8x128xf32, #tpu.memory_space<vmem>>, vector<16xf32>,
        %parallel_loop3A_895 = arith.constant 2 : i32
        %parallel_loop3A_896 = vector.broadcast %parallel_loop3A_895 : i32 to vector<16xi32>
        %parallel_loop3A_897 = tpu.vector_load_idx %arg5[%parallel_loop3A_896, %parallel_loop3A_850] : memref<8x1024xi32, #tpu.memory_space<vmem>>[vector<16xi32>, vector<16xi32>], vector<16xi32>,
        %parallel_loop3A_898 = vector.bitcast %parallel_loop3A_897 : vector<16xi32> to vector<32xbf16>
        %parallel_loop3A_899 = tpu.unpack_subelements %parallel_loop3A_898, 0 {pack_format = #tpu.pack_format<interleaved>} : vector<32xbf16> -> vector<16xf32>
        %parallel_loop3A_900 = tpu.unpack_subelements %parallel_loop3A_898, 1 {pack_format = #tpu.pack_format<interleaved>} : vector<32xbf16> -> vector<16xf32>
        %parallel_loop3A_901 = arith.constant 16 : i32
        %parallel_loop3A_902 = arith.muli %parallel_loop3A_80, %parallel_loop3A_901 : i32
        %parallel_loop3A_903 = arith.constant 4 : i32
        %parallel_loop3A_904 = arith.constant 7 : i32
        %parallel_loop3A_905 = arith.index_cast %parallel_loop3A_903 : i32 to index
        %parallel_loop3A_906 = arith.index_cast %parallel_loop3A_904 : i32 to index
        %parallel_loop3A_907 = arith.index_cast %parallel_loop3A_902 : i32 to index
        %parallel_loop3A_908 = tpu.vector_load %arg7[%parallel_loop3A_905, %parallel_loop3A_906, %parallel_loop3A_907] {strides = array<i32>} : memref<9x8x128xf32, #tpu.memory_space<vmem>>, vector<16xf32>,
        tpu.vector_store %arg7[%parallel_loop3A_905, %parallel_loop3A_906, %parallel_loop3A_907], %parallel_loop3A_899 {strides = array<i32>} : memref<9x8x128xf32, #tpu.memory_space<vmem>>, vector<16xf32>,
        %parallel_loop3A_909 = arith.constant 16 : i32
        %parallel_loop3A_910 = arith.muli %parallel_loop3A_80, %parallel_loop3A_909 : i32
        %parallel_loop3A_911 = arith.constant 5 : i32
        %parallel_loop3A_912 = arith.constant 7 : i32
        %parallel_loop3A_913 = arith.index_cast %parallel_loop3A_911 : i32 to index
        %parallel_loop3A_914 = arith.index_cast %parallel_loop3A_912 : i32 to index
        %parallel_loop3A_915 = arith.index_cast %parallel_loop3A_910 : i32 to index
        %parallel_loop3A_916 = tpu.vector_load %arg7[%parallel_loop3A_913, %parallel_loop3A_914, %parallel_loop3A_915] {strides = array<i32>} : memref<9x8x128xf32, #tpu.memory_space<vmem>>, vector<16xf32>,
        tpu.vector_store %arg7[%parallel_loop3A_913, %parallel_loop3A_914, %parallel_loop3A_915], %parallel_loop3A_900 {strides = array<i32>} : memref<9x8x128xf32, #tpu.memory_space<vmem>>, vector<16xf32>,
        %parallel_loop3A_917 = arith.constant 3 : i32
        %parallel_loop3A_918 = vector.broadcast %parallel_loop3A_917 : i32 to vector<16xi32>
        %parallel_loop3A_919 = tpu.vector_load_idx %arg5[%parallel_loop3A_918, %parallel_loop3A_850] : memref<8x1024xi32, #tpu.memory_space<vmem>>[vector<16xi32>, vector<16xi32>], vector<16xi32>,
        %parallel_loop3A_920 = vector.bitcast %parallel_loop3A_919 : vector<16xi32> to vector<32xbf16>
        %parallel_loop3A_921 = tpu.unpack_subelements %parallel_loop3A_920, 0 {pack_format = #tpu.pack_format<interleaved>} : vector<32xbf16> -> vector<16xf32>
        %parallel_loop3A_922 = tpu.unpack_subelements %parallel_loop3A_920, 1 {pack_format = #tpu.pack_format<interleaved>} : vector<32xbf16> -> vector<16xf32>
        %parallel_loop3A_923 = arith.constant 16 : i32
        %parallel_loop3A_924 = arith.muli %parallel_loop3A_80, %parallel_loop3A_923 : i32
        %parallel_loop3A_925 = arith.constant 6 : i32
        %parallel_loop3A_926 = arith.constant 7 : i32
        %parallel_loop3A_927 = arith.index_cast %parallel_loop3A_925 : i32 to index
        %parallel_loop3A_928 = arith.index_cast %parallel_loop3A_926 : i32 to index
        %parallel_loop3A_929 = arith.index_cast %parallel_loop3A_924 : i32 to index
        %parallel_loop3A_930 = tpu.vector_load %arg7[%parallel_loop3A_927, %parallel_loop3A_928, %parallel_loop3A_929] {strides = array<i32>} : memref<9x8x128xf32, #tpu.memory_space<vmem>>, vector<16xf32>,
        tpu.vector_store %arg7[%parallel_loop3A_927, %parallel_loop3A_928, %parallel_loop3A_929], %parallel_loop3A_921 {strides = array<i32>} : memref<9x8x128xf32, #tpu.memory_space<vmem>>, vector<16xf32>,
        %parallel_loop3A_931 = arith.constant 16 : i32
        %parallel_loop3A_932 = arith.muli %parallel_loop3A_80, %parallel_loop3A_931 : i32
        %parallel_loop3A_933 = arith.constant 7 : i32
        %parallel_loop3A_934 = arith.constant 7 : i32
        %parallel_loop3A_935 = arith.index_cast %parallel_loop3A_933 : i32 to index
        %parallel_loop3A_936 = arith.index_cast %parallel_loop3A_934 : i32 to index
        %parallel_loop3A_937 = arith.index_cast %parallel_loop3A_932 : i32 to index
        %parallel_loop3A_938 = tpu.vector_load %arg7[%parallel_loop3A_935, %parallel_loop3A_936, %parallel_loop3A_937] {strides = array<i32>} : memref<9x8x128xf32, #tpu.memory_space<vmem>>, vector<16xf32>,
        tpu.vector_store %arg7[%parallel_loop3A_935, %parallel_loop3A_936, %parallel_loop3A_937], %parallel_loop3A_922 {strides = array<i32>} : memref<9x8x128xf32, #tpu.memory_space<vmem>>, vector<16xf32>,
        %parallel_loop3A_939 = arith.constant 4 : i32
        %parallel_loop3A_940 = vector.broadcast %parallel_loop3A_939 : i32 to vector<16xi32>
        %parallel_loop3A_941 = tpu.vector_load_idx %arg5[%parallel_loop3A_940, %parallel_loop3A_850] : memref<8x1024xi32, #tpu.memory_space<vmem>>[vector<16xi32>, vector<16xi32>], vector<16xi32>,
        %parallel_loop3A_942 = vector.bitcast %parallel_loop3A_941 : vector<16xi32> to vector<32xbf16>
        %parallel_loop3A_943 = tpu.unpack_subelements %parallel_loop3A_942, 0 {pack_format = #tpu.pack_format<interleaved>} : vector<32xbf16> -> vector<16xf32>
        %parallel_loop3A_944 = tpu.unpack_subelements %parallel_loop3A_942, 1 {pack_format = #tpu.pack_format<interleaved>} : vector<32xbf16> -> vector<16xf32>
        %parallel_loop3A_945 = arith.constant 16 : i32
        %parallel_loop3A_946 = arith.muli %parallel_loop3A_80, %parallel_loop3A_945 : i32
        %parallel_loop3A_947 = arith.constant 8 : i32
        %parallel_loop3A_948 = arith.constant 7 : i32
        %parallel_loop3A_949 = arith.index_cast %parallel_loop3A_947 : i32 to index
        %parallel_loop3A_950 = arith.index_cast %parallel_loop3A_948 : i32 to index
        %parallel_loop3A_951 = arith.index_cast %parallel_loop3A_946 : i32 to index
        %parallel_loop3A_952 = tpu.vector_load %arg7[%parallel_loop3A_949, %parallel_loop3A_950, %parallel_loop3A_951] {strides = array<i32>} : memref<9x8x128xf32, #tpu.memory_space<vmem>>, vector<16xf32>,
        tpu.vector_store %arg7[%parallel_loop3A_949, %parallel_loop3A_950, %parallel_loop3A_951], %parallel_loop3A_943 {strides = array<i32>} : memref<9x8x128xf32, #tpu.memory_space<vmem>>, vector<16xf32>,
      } {sc.loop_unroll_factor = 4 : i64, sc.parallel_access}
      %mul3A_54 = arith.constant 8 : i32
      %mul3A_55 = arith.muli %add3A_46, %mul3A_54 : i32
      %dma_start3A_56 = arith.constant 0 : i32
      %dma_start3A_57 = tpu.memref_slice %arg4[%dma_start3A_56, %mul3A_55, %mul3A_2] : memref<9x200x4096xf32, #tpu.memory_space<hbm>> -> memref<9x8x128xf32, #tpu.memory_space<hbm>>
      %dma_start3A_58 = arith.constant 0 : i32
      %dma_start3A_59 = tpu.memref_slice %arg4[%dma_start3A_58, %mul3A_55, %mul3A_2] : memref<9x200x4096xf32, #tpu.memory_space<hbm>> -> memref<9x8x128xf32, #tpu.memory_space<hbm>>
      tpu.enqueue_dma source(%arg7 : memref<9x8x128xf32, #tpu.memory_space<vmem>>) target(%dma_start3A_59 : memref<9x8x128xf32, #tpu.memory_space<hbm>>) target_semaphore(%arg9 : memref<!tpu.dma_semaphore, #tpu.memory_space<semaphore_mem>>)
      %mul3A_60 = arith.constant 2 : i32
      %mul3A_61 = arith.muli %scan3A_42, %mul3A_60 : i32
      %add3A_62 = arith.constant 1 : i32
      %add3A_63 = arith.addi %mul3A_61, %add3A_62 : i32
      %gt3A_64 = arith.constant 0 : i32
      %gt3A_65 = arith.cmpi sgt, %scan3A_42, %gt3A_64 : i32
      %convert_element_type3A_66 = arith.extui %gt3A_65 : i1 to i32
      %cond3A_67 = arith.constant 0 : i32
      %cond3A_68 = arith.cmpi ne, %convert_element_type3A_66, %cond3A_67 : i32
      scf.if %cond3A_68 {
        %dma_wait3A_80 = arith.constant 0 : i32
        %dma_wait3A_81 = arith.constant 0 : i32
        %dma_wait3A_82 = arith.constant 0 : i32
        %dma_wait3A_83 = tpu.memref_slice %arg4[%dma_wait3A_80, %dma_wait3A_81, %dma_wait3A_82] : memref<9x200x4096xf32, #tpu.memory_space<hbm>> -> memref<9x8x128xf32, #tpu.memory_space<hbm>>
        %dma_wait3A_84 = arith.constant 0 : i32
        %dma_wait3A_85 = arith.constant 0 : i32
        %dma_wait3A_86 = arith.constant 0 : i32
        %dma_wait3A_87 = tpu.memref_slice %arg4[%dma_wait3A_84, %dma_wait3A_85, %dma_wait3A_86] : memref<9x200x4096xf32, #tpu.memory_space<hbm>> -> memref<9x8x128xf32, #tpu.memory_space<hbm>>
        tpu.wait_dma2 semaphore(%arg10 : memref<!tpu.dma_semaphore, #tpu.memory_space<semaphore_mem>>) src(%dma_wait3A_87 : memref<9x8x128xf32, #tpu.memory_space<hbm>>) dst(%arg8 : memref<9x8x128xf32, #tpu.memory_space<vmem>>)
      } else {
      }
      %mul3A_69 = arith.constant 8 : i32
      %mul3A_70 = arith.muli %add3A_63, %mul3A_69 : i32
      %parallel_loop3A_71 = arith.constant 0 : i32
      %parallel_loop3A_72 = arith.constant 8 : i32
      %parallel_loop3A_73 = arith.constant 1 : i32
      scf.for %parallel_loop3A_80 = %parallel_loop3A_71 to %parallel_loop3A_72 step %parallel_loop3A_73  : i32 {
        %parallel_loop3A_81 = arith.constant 0 : i32
        %parallel_loop3A_82 = arith.addi %mul3A_70, %parallel_loop3A_81 : i32
        %parallel_loop3A_83 = arith.constant 16 : i32
        %parallel_loop3A_84 = arith.muli %parallel_loop3A_80, %parallel_loop3A_83 : i32
        %parallel_loop3A_85 = arith.index_cast %parallel_loop3A_82 : i32 to index
        %parallel_loop3A_86 = arith.index_cast %parallel_loop3A_84 : i32 to index
        %parallel_loop3A_87 = tpu.vector_load %arg6[%parallel_loop3A_85, %parallel_loop3A_86] {strides = array<i32>} : memref<200x128xi32, #tpu.memory_space<vmem>>, vector<16xi32>,
        %parallel_loop3A_88 = arith.constant 0 : i32
        %parallel_loop3A_89 = vector.broadcast %parallel_loop3A_88 : i32 to vector<16xi32>
        %parallel_loop3A_90 = tpu.vector_load_idx %arg5[%parallel_loop3A_89, %parallel_loop3A_87] : memref<8x1024xi32, #tpu.memory_space<vmem>>[vector<16xi32>, vector<16xi32>], vector<16xi32>,
        %parallel_loop3A_91 = vector.bitcast %parallel_loop3A_90 : vector<16xi32> to vector<32xbf16>
        %parallel_loop3A_92 = tpu.unpack_subelements %parallel_loop3A_91, 0 {pack_format = #tpu.pack_format<interleaved>} : vector<32xbf16> -> vector<16xf32>
        %parallel_loop3A_93 = tpu.unpack_subelements %parallel_loop3A_91, 1 {pack_format = #tpu.pack_format<interleaved>} : vector<32xbf16> -> vector<16xf32>
        %parallel_loop3A_94 = arith.constant 16 : i32
        %parallel_loop3A_95 = arith.muli %parallel_loop3A_80, %parallel_loop3A_94 : i32
        %parallel_loop3A_96 = arith.constant 0 : i32
        %parallel_loop3A_97 = arith.constant 0 : i32
        %parallel_loop3A_98 = arith.index_cast %parallel_loop3A_96 : i32 to index
        %parallel_loop3A_99 = arith.index_cast %parallel_loop3A_97 : i32 to index
        %parallel_loop3A_100 = arith.index_cast %parallel_loop3A_95 : i32 to index
        %parallel_loop3A_101 = tpu.vector_load %arg8[%parallel_loop3A_98, %parallel_loop3A_99, %parallel_loop3A_100] {strides = array<i32>} : memref<9x8x128xf32, #tpu.memory_space<vmem>>, vector<16xf32>,
        tpu.vector_store %arg8[%parallel_loop3A_98, %parallel_loop3A_99, %parallel_loop3A_100], %parallel_loop3A_92 {strides = array<i32>} : memref<9x8x128xf32, #tpu.memory_space<vmem>>, vector<16xf32>,
        %parallel_loop3A_102 = arith.constant 16 : i32
        %parallel_loop3A_103 = arith.muli %parallel_loop3A_80, %parallel_loop3A_102 : i32
        %parallel_loop3A_104 = arith.constant 1 : i32
        %parallel_loop3A_105 = arith.constant 0 : i32
        %parallel_loop3A_106 = arith.index_cast %parallel_loop3A_104 : i32 to index
        %parallel_loop3A_107 = arith.index_cast %parallel_loop3A_105 : i32 to index
        %parallel_loop3A_108 = arith.index_cast %parallel_loop3A_103 : i32 to index
        %parallel_loop3A_109 = tpu.vector_load %arg8[%parallel_loop3A_106, %parallel_loop3A_107, %parallel_loop3A_108] {strides = array<i32>} : memref<9x8x128xf32, #tpu.memory_space<vmem>>, vector<16xf32>,
        tpu.vector_store %arg8[%parallel_loop3A_106, %parallel_loop3A_107, %parallel_loop3A_108], %parallel_loop3A_93 {strides = array<i32>} : memref<9x8x128xf32, #tpu.memory_space<vmem>>, vector<16xf32>,
        %parallel_loop3A_110 = arith.constant 1 : i32
        %parallel_loop3A_111 = vector.broadcast %parallel_loop3A_110 : i32 to vector<16xi32>
        %parallel_loop3A_112 = tpu.vector_load_idx %arg5[%parallel_loop3A_111, %parallel_loop3A_87] : memref<8x1024xi32, #tpu.memory_space<vmem>>[vector<16xi32>, vector<16xi32>], vector<16xi32>,
        %parallel_loop3A_113 = vector.bitcast %parallel_loop3A_112 : vector<16xi32> to vector<32xbf16>
        %parallel_loop3A_114 = tpu.unpack_subelements %parallel_loop3A_113, 0 {pack_format = #tpu.pack_format<interleaved>} : vector<32xbf16> -> vector<16xf32>
        %parallel_loop3A_115 = tpu.unpack_subelements %parallel_loop3A_113, 1 {pack_format = #tpu.pack_format<interleaved>} : vector<32xbf16> -> vector<16xf32>
        %parallel_loop3A_116 = arith.constant 16 : i32
        %parallel_loop3A_117 = arith.muli %parallel_loop3A_80, %parallel_loop3A_116 : i32
        %parallel_loop3A_118 = arith.constant 2 : i32
        %parallel_loop3A_119 = arith.constant 0 : i32
        %parallel_loop3A_120 = arith.index_cast %parallel_loop3A_118 : i32 to index
        %parallel_loop3A_121 = arith.index_cast %parallel_loop3A_119 : i32 to index
        %parallel_loop3A_122 = arith.index_cast %parallel_loop3A_117 : i32 to index
        %parallel_loop3A_123 = tpu.vector_load %arg8[%parallel_loop3A_120, %parallel_loop3A_121, %parallel_loop3A_122] {strides = array<i32>} : memref<9x8x128xf32, #tpu.memory_space<vmem>>, vector<16xf32>,
        tpu.vector_store %arg8[%parallel_loop3A_120, %parallel_loop3A_121, %parallel_loop3A_122], %parallel_loop3A_114 {strides = array<i32>} : memref<9x8x128xf32, #tpu.memory_space<vmem>>, vector<16xf32>,
        %parallel_loop3A_124 = arith.constant 16 : i32
        %parallel_loop3A_125 = arith.muli %parallel_loop3A_80, %parallel_loop3A_124 : i32
        %parallel_loop3A_126 = arith.constant 3 : i32
        %parallel_loop3A_127 = arith.constant 0 : i32
        %parallel_loop3A_128 = arith.index_cast %parallel_loop3A_126 : i32 to index
        %parallel_loop3A_129 = arith.index_cast %parallel_loop3A_127 : i32 to index
        %parallel_loop3A_130 = arith.index_cast %parallel_loop3A_125 : i32 to index
        %parallel_loop3A_131 = tpu.vector_load %arg8[%parallel_loop3A_128, %parallel_loop3A_129, %parallel_loop3A_130] {strides = array<i32>} : memref<9x8x128xf32, #tpu.memory_space<vmem>>, vector<16xf32>,
        tpu.vector_store %arg8[%parallel_loop3A_128, %parallel_loop3A_129, %parallel_loop3A_130], %parallel_loop3A_115 {strides = array<i32>} : memref<9x8x128xf32, #tpu.memory_space<vmem>>, vector<16xf32>,
        %parallel_loop3A_132 = arith.constant 2 : i32
        %parallel_loop3A_133 = vector.broadcast %parallel_loop3A_132 : i32 to vector<16xi32>
        %parallel_loop3A_134 = tpu.vector_load_idx %arg5[%parallel_loop3A_133, %parallel_loop3A_87] : memref<8x1024xi32, #tpu.memory_space<vmem>>[vector<16xi32>, vector<16xi32>], vector<16xi32>,
        %parallel_loop3A_135 = vector.bitcast %parallel_loop3A_134 : vector<16xi32> to vector<32xbf16>
        %parallel_loop3A_136 = tpu.unpack_subelements %parallel_loop3A_135, 0 {pack_format = #tpu.pack_format<interleaved>} : vector<32xbf16> -> vector<16xf32>
        %parallel_loop3A_137 = tpu.unpack_subelements %parallel_loop3A_135, 1 {pack_format = #tpu.pack_format<interleaved>} : vector<32xbf16> -> vector<16xf32>
        %parallel_loop3A_138 = arith.constant 16 : i32
        %parallel_loop3A_139 = arith.muli %parallel_loop3A_80, %parallel_loop3A_138 : i32
        %parallel_loop3A_140 = arith.constant 4 : i32
        %parallel_loop3A_141 = arith.constant 0 : i32
        %parallel_loop3A_142 = arith.index_cast %parallel_loop3A_140 : i32 to index
        %parallel_loop3A_143 = arith.index_cast %parallel_loop3A_141 : i32 to index
        %parallel_loop3A_144 = arith.index_cast %parallel_loop3A_139 : i32 to index
        %parallel_loop3A_145 = tpu.vector_load %arg8[%parallel_loop3A_142, %parallel_loop3A_143, %parallel_loop3A_144] {strides = array<i32>} : memref<9x8x128xf32, #tpu.memory_space<vmem>>, vector<16xf32>,
        tpu.vector_store %arg8[%parallel_loop3A_142, %parallel_loop3A_143, %parallel_loop3A_144], %parallel_loop3A_136 {strides = array<i32>} : memref<9x8x128xf32, #tpu.memory_space<vmem>>, vector<16xf32>,
        %parallel_loop3A_146 = arith.constant 16 : i32
        %parallel_loop3A_147 = arith.muli %parallel_loop3A_80, %parallel_loop3A_146 : i32
        %parallel_loop3A_148 = arith.constant 5 : i32
        %parallel_loop3A_149 = arith.constant 0 : i32
        %parallel_loop3A_150 = arith.index_cast %parallel_loop3A_148 : i32 to index
        %parallel_loop3A_151 = arith.index_cast %parallel_loop3A_149 : i32 to index
        %parallel_loop3A_152 = arith.index_cast %parallel_loop3A_147 : i32 to index
        %parallel_loop3A_153 = tpu.vector_load %arg8[%parallel_loop3A_150, %parallel_loop3A_151, %parallel_loop3A_152] {strides = array<i32>} : memref<9x8x128xf32, #tpu.memory_space<vmem>>, vector<16xf32>,
        tpu.vector_store %arg8[%parallel_loop3A_150, %parallel_loop3A_151, %parallel_loop3A_152], %parallel_loop3A_137 {strides = array<i32>} : memref<9x8x128xf32, #tpu.memory_space<vmem>>, vector<16xf32>,
        %parallel_loop3A_154 = arith.constant 3 : i32
        %parallel_loop3A_155 = vector.broadcast %parallel_loop3A_154 : i32 to vector<16xi32>
        %parallel_loop3A_156 = tpu.vector_load_idx %arg5[%parallel_loop3A_155, %parallel_loop3A_87] : memref<8x1024xi32, #tpu.memory_space<vmem>>[vector<16xi32>, vector<16xi32>], vector<16xi32>,
        %parallel_loop3A_157 = vector.bitcast %parallel_loop3A_156 : vector<16xi32> to vector<32xbf16>
        %parallel_loop3A_158 = tpu.unpack_subelements %parallel_loop3A_157, 0 {pack_format = #tpu.pack_format<interleaved>} : vector<32xbf16> -> vector<16xf32>
        %parallel_loop3A_159 = tpu.unpack_subelements %parallel_loop3A_157, 1 {pack_format = #tpu.pack_format<interleaved>} : vector<32xbf16> -> vector<16xf32>
        %parallel_loop3A_160 = arith.constant 16 : i32
        %parallel_loop3A_161 = arith.muli %parallel_loop3A_80, %parallel_loop3A_160 : i32
        %parallel_loop3A_162 = arith.constant 6 : i32
        %parallel_loop3A_163 = arith.constant 0 : i32
        %parallel_loop3A_164 = arith.index_cast %parallel_loop3A_162 : i32 to index
        %parallel_loop3A_165 = arith.index_cast %parallel_loop3A_163 : i32 to index
        %parallel_loop3A_166 = arith.index_cast %parallel_loop3A_161 : i32 to index
        %parallel_loop3A_167 = tpu.vector_load %arg8[%parallel_loop3A_164, %parallel_loop3A_165, %parallel_loop3A_166] {strides = array<i32>} : memref<9x8x128xf32, #tpu.memory_space<vmem>>, vector<16xf32>,
        tpu.vector_store %arg8[%parallel_loop3A_164, %parallel_loop3A_165, %parallel_loop3A_166], %parallel_loop3A_158 {strides = array<i32>} : memref<9x8x128xf32, #tpu.memory_space<vmem>>, vector<16xf32>,
        %parallel_loop3A_168 = arith.constant 16 : i32
        %parallel_loop3A_169 = arith.muli %parallel_loop3A_80, %parallel_loop3A_168 : i32
        %parallel_loop3A_170 = arith.constant 7 : i32
        %parallel_loop3A_171 = arith.constant 0 : i32
        %parallel_loop3A_172 = arith.index_cast %parallel_loop3A_170 : i32 to index
        %parallel_loop3A_173 = arith.index_cast %parallel_loop3A_171 : i32 to index
        %parallel_loop3A_174 = arith.index_cast %parallel_loop3A_169 : i32 to index
        %parallel_loop3A_175 = tpu.vector_load %arg8[%parallel_loop3A_172, %parallel_loop3A_173, %parallel_loop3A_174] {strides = array<i32>} : memref<9x8x128xf32, #tpu.memory_space<vmem>>, vector<16xf32>,
        tpu.vector_store %arg8[%parallel_loop3A_172, %parallel_loop3A_173, %parallel_loop3A_174], %parallel_loop3A_159 {strides = array<i32>} : memref<9x8x128xf32, #tpu.memory_space<vmem>>, vector<16xf32>,
        %parallel_loop3A_176 = arith.constant 4 : i32
        %parallel_loop3A_177 = vector.broadcast %parallel_loop3A_176 : i32 to vector<16xi32>
        %parallel_loop3A_178 = tpu.vector_load_idx %arg5[%parallel_loop3A_177, %parallel_loop3A_87] : memref<8x1024xi32, #tpu.memory_space<vmem>>[vector<16xi32>, vector<16xi32>], vector<16xi32>,
        %parallel_loop3A_179 = vector.bitcast %parallel_loop3A_178 : vector<16xi32> to vector<32xbf16>
        %parallel_loop3A_180 = tpu.unpack_subelements %parallel_loop3A_179, 0 {pack_format = #tpu.pack_format<interleaved>} : vector<32xbf16> -> vector<16xf32>
        %parallel_loop3A_181 = tpu.unpack_subelements %parallel_loop3A_179, 1 {pack_format = #tpu.pack_format<interleaved>} : vector<32xbf16> -> vector<16xf32>
        %parallel_loop3A_182 = arith.constant 16 : i32
        %parallel_loop3A_183 = arith.muli %parallel_loop3A_80, %parallel_loop3A_182 : i32
        %parallel_loop3A_184 = arith.constant 8 : i32
        %parallel_loop3A_185 = arith.constant 0 : i32
        %parallel_loop3A_186 = arith.index_cast %parallel_loop3A_184 : i32 to index
        %parallel_loop3A_187 = arith.index_cast %parallel_loop3A_185 : i32 to index
        %parallel_loop3A_188 = arith.index_cast %parallel_loop3A_183 : i32 to index
        %parallel_loop3A_189 = tpu.vector_load %arg8[%parallel_loop3A_186, %parallel_loop3A_187, %parallel_loop3A_188] {strides = array<i32>} : memref<9x8x128xf32, #tpu.memory_space<vmem>>, vector<16xf32>,
        tpu.vector_store %arg8[%parallel_loop3A_186, %parallel_loop3A_187, %parallel_loop3A_188], %parallel_loop3A_180 {strides = array<i32>} : memref<9x8x128xf32, #tpu.memory_space<vmem>>, vector<16xf32>,
        %parallel_loop3A_190 = arith.constant 1 : i32
        %parallel_loop3A_191 = arith.addi %mul3A_70, %parallel_loop3A_190 : i32
        %parallel_loop3A_192 = arith.constant 16 : i32
        %parallel_loop3A_193 = arith.muli %parallel_loop3A_80, %parallel_loop3A_192 : i32
        %parallel_loop3A_194 = arith.index_cast %parallel_loop3A_191 : i32 to index
        %parallel_loop3A_195 = arith.index_cast %parallel_loop3A_193 : i32 to index
        %parallel_loop3A_196 = tpu.vector_load %arg6[%parallel_loop3A_194, %parallel_loop3A_195] {strides = array<i32>} : memref<200x128xi32, #tpu.memory_space<vmem>>, vector<16xi32>,
        %parallel_loop3A_197 = arith.constant 0 : i32
        %parallel_loop3A_198 = vector.broadcast %parallel_loop3A_197 : i32 to vector<16xi32>
        %parallel_loop3A_199 = tpu.vector_load_idx %arg5[%parallel_loop3A_198, %parallel_loop3A_196] : memref<8x1024xi32, #tpu.memory_space<vmem>>[vector<16xi32>, vector<16xi32>], vector<16xi32>,
        %parallel_loop3A_200 = vector.bitcast %parallel_loop3A_199 : vector<16xi32> to vector<32xbf16>
        %parallel_loop3A_201 = tpu.unpack_subelements %parallel_loop3A_200, 0 {pack_format = #tpu.pack_format<interleaved>} : vector<32xbf16> -> vector<16xf32>
        %parallel_loop3A_202 = tpu.unpack_subelements %parallel_loop3A_200, 1 {pack_format = #tpu.pack_format<interleaved>} : vector<32xbf16> -> vector<16xf32>
        %parallel_loop3A_203 = arith.constant 16 : i32
        %parallel_loop3A_204 = arith.muli %parallel_loop3A_80, %parallel_loop3A_203 : i32
        %parallel_loop3A_205 = arith.constant 0 : i32
        %parallel_loop3A_206 = arith.constant 1 : i32
        %parallel_loop3A_207 = arith.index_cast %parallel_loop3A_205 : i32 to index
        %parallel_loop3A_208 = arith.index_cast %parallel_loop3A_206 : i32 to index
        %parallel_loop3A_209 = arith.index_cast %parallel_loop3A_204 : i32 to index
        %parallel_loop3A_210 = tpu.vector_load %arg8[%parallel_loop3A_207, %parallel_loop3A_208, %parallel_loop3A_209] {strides = array<i32>} : memref<9x8x128xf32, #tpu.memory_space<vmem>>, vector<16xf32>,
        tpu.vector_store %arg8[%parallel_loop3A_207, %parallel_loop3A_208, %parallel_loop3A_209], %parallel_loop3A_201 {strides = array<i32>} : memref<9x8x128xf32, #tpu.memory_space<vmem>>, vector<16xf32>,
        %parallel_loop3A_211 = arith.constant 16 : i32
        %parallel_loop3A_212 = arith.muli %parallel_loop3A_80, %parallel_loop3A_211 : i32
        %parallel_loop3A_213 = arith.constant 1 : i32
        %parallel_loop3A_214 = arith.constant 1 : i32
        %parallel_loop3A_215 = arith.index_cast %parallel_loop3A_213 : i32 to index
        %parallel_loop3A_216 = arith.index_cast %parallel_loop3A_214 : i32 to index
        %parallel_loop3A_217 = arith.index_cast %parallel_loop3A_212 : i32 to index
        %parallel_loop3A_218 = tpu.vector_load %arg8[%parallel_loop3A_215, %parallel_loop3A_216, %parallel_loop3A_217] {strides = array<i32>} : memref<9x8x128xf32, #tpu.memory_space<vmem>>, vector<16xf32>,
        tpu.vector_store %arg8[%parallel_loop3A_215, %parallel_loop3A_216, %parallel_loop3A_217], %parallel_loop3A_202 {strides = array<i32>} : memref<9x8x128xf32, #tpu.memory_space<vmem>>, vector<16xf32>,
        %parallel_loop3A_219 = arith.constant 1 : i32
        %parallel_loop3A_220 = vector.broadcast %parallel_loop3A_219 : i32 to vector<16xi32>
        %parallel_loop3A_221 = tpu.vector_load_idx %arg5[%parallel_loop3A_220, %parallel_loop3A_196] : memref<8x1024xi32, #tpu.memory_space<vmem>>[vector<16xi32>, vector<16xi32>], vector<16xi32>,
        %parallel_loop3A_222 = vector.bitcast %parallel_loop3A_221 : vector<16xi32> to vector<32xbf16>
        %parallel_loop3A_223 = tpu.unpack_subelements %parallel_loop3A_222, 0 {pack_format = #tpu.pack_format<interleaved>} : vector<32xbf16> -> vector<16xf32>
        %parallel_loop3A_224 = tpu.unpack_subelements %parallel_loop3A_222, 1 {pack_format = #tpu.pack_format<interleaved>} : vector<32xbf16> -> vector<16xf32>
        %parallel_loop3A_225 = arith.constant 16 : i32
        %parallel_loop3A_226 = arith.muli %parallel_loop3A_80, %parallel_loop3A_225 : i32
        %parallel_loop3A_227 = arith.constant 2 : i32
        %parallel_loop3A_228 = arith.constant 1 : i32
        %parallel_loop3A_229 = arith.index_cast %parallel_loop3A_227 : i32 to index
        %parallel_loop3A_230 = arith.index_cast %parallel_loop3A_228 : i32 to index
        %parallel_loop3A_231 = arith.index_cast %parallel_loop3A_226 : i32 to index
        %parallel_loop3A_232 = tpu.vector_load %arg8[%parallel_loop3A_229, %parallel_loop3A_230, %parallel_loop3A_231] {strides = array<i32>} : memref<9x8x128xf32, #tpu.memory_space<vmem>>, vector<16xf32>,
        tpu.vector_store %arg8[%parallel_loop3A_229, %parallel_loop3A_230, %parallel_loop3A_231], %parallel_loop3A_223 {strides = array<i32>} : memref<9x8x128xf32, #tpu.memory_space<vmem>>, vector<16xf32>,
        %parallel_loop3A_233 = arith.constant 16 : i32
        %parallel_loop3A_234 = arith.muli %parallel_loop3A_80, %parallel_loop3A_233 : i32
        %parallel_loop3A_235 = arith.constant 3 : i32
        %parallel_loop3A_236 = arith.constant 1 : i32
        %parallel_loop3A_237 = arith.index_cast %parallel_loop3A_235 : i32 to index
        %parallel_loop3A_238 = arith.index_cast %parallel_loop3A_236 : i32 to index
        %parallel_loop3A_239 = arith.index_cast %parallel_loop3A_234 : i32 to index
        %parallel_loop3A_240 = tpu.vector_load %arg8[%parallel_loop3A_237, %parallel_loop3A_238, %parallel_loop3A_239] {strides = array<i32>} : memref<9x8x128xf32, #tpu.memory_space<vmem>>, vector<16xf32>,
        tpu.vector_store %arg8[%parallel_loop3A_237, %parallel_loop3A_238, %parallel_loop3A_239], %parallel_loop3A_224 {strides = array<i32>} : memref<9x8x128xf32, #tpu.memory_space<vmem>>, vector<16xf32>,
        %parallel_loop3A_241 = arith.constant 2 : i32
        %parallel_loop3A_242 = vector.broadcast %parallel_loop3A_241 : i32 to vector<16xi32>
        %parallel_loop3A_243 = tpu.vector_load_idx %arg5[%parallel_loop3A_242, %parallel_loop3A_196] : memref<8x1024xi32, #tpu.memory_space<vmem>>[vector<16xi32>, vector<16xi32>], vector<16xi32>,
        %parallel_loop3A_244 = vector.bitcast %parallel_loop3A_243 : vector<16xi32> to vector<32xbf16>
        %parallel_loop3A_245 = tpu.unpack_subelements %parallel_loop3A_244, 0 {pack_format = #tpu.pack_format<interleaved>} : vector<32xbf16> -> vector<16xf32>
        %parallel_loop3A_246 = tpu.unpack_subelements %parallel_loop3A_244, 1 {pack_format = #tpu.pack_format<interleaved>} : vector<32xbf16> -> vector<16xf32>
        %parallel_loop3A_247 = arith.constant 16 : i32
        %parallel_loop3A_248 = arith.muli %parallel_loop3A_80, %parallel_loop3A_247 : i32
        %parallel_loop3A_249 = arith.constant 4 : i32
        %parallel_loop3A_250 = arith.constant 1 : i32
        %parallel_loop3A_251 = arith.index_cast %parallel_loop3A_249 : i32 to index
        %parallel_loop3A_252 = arith.index_cast %parallel_loop3A_250 : i32 to index
        %parallel_loop3A_253 = arith.index_cast %parallel_loop3A_248 : i32 to index
        %parallel_loop3A_254 = tpu.vector_load %arg8[%parallel_loop3A_251, %parallel_loop3A_252, %parallel_loop3A_253] {strides = array<i32>} : memref<9x8x128xf32, #tpu.memory_space<vmem>>, vector<16xf32>,
        tpu.vector_store %arg8[%parallel_loop3A_251, %parallel_loop3A_252, %parallel_loop3A_253], %parallel_loop3A_245 {strides = array<i32>} : memref<9x8x128xf32, #tpu.memory_space<vmem>>, vector<16xf32>,
        %parallel_loop3A_255 = arith.constant 16 : i32
        %parallel_loop3A_256 = arith.muli %parallel_loop3A_80, %parallel_loop3A_255 : i32
        %parallel_loop3A_257 = arith.constant 5 : i32
        %parallel_loop3A_258 = arith.constant 1 : i32
        %parallel_loop3A_259 = arith.index_cast %parallel_loop3A_257 : i32 to index
        %parallel_loop3A_260 = arith.index_cast %parallel_loop3A_258 : i32 to index
        %parallel_loop3A_261 = arith.index_cast %parallel_loop3A_256 : i32 to index
        %parallel_loop3A_262 = tpu.vector_load %arg8[%parallel_loop3A_259, %parallel_loop3A_260, %parallel_loop3A_261] {strides = array<i32>} : memref<9x8x128xf32, #tpu.memory_space<vmem>>, vector<16xf32>,
        tpu.vector_store %arg8[%parallel_loop3A_259, %parallel_loop3A_260, %parallel_loop3A_261], %parallel_loop3A_246 {strides = array<i32>} : memref<9x8x128xf32, #tpu.memory_space<vmem>>, vector<16xf32>,
        %parallel_loop3A_263 = arith.constant 3 : i32
        %parallel_loop3A_264 = vector.broadcast %parallel_loop3A_263 : i32 to vector<16xi32>
        %parallel_loop3A_265 = tpu.vector_load_idx %arg5[%parallel_loop3A_264, %parallel_loop3A_196] : memref<8x1024xi32, #tpu.memory_space<vmem>>[vector<16xi32>, vector<16xi32>], vector<16xi32>,
        %parallel_loop3A_266 = vector.bitcast %parallel_loop3A_265 : vector<16xi32> to vector<32xbf16>
        %parallel_loop3A_267 = tpu.unpack_subelements %parallel_loop3A_266, 0 {pack_format = #tpu.pack_format<interleaved>} : vector<32xbf16> -> vector<16xf32>
        %parallel_loop3A_268 = tpu.unpack_subelements %parallel_loop3A_266, 1 {pack_format = #tpu.pack_format<interleaved>} : vector<32xbf16> -> vector<16xf32>
        %parallel_loop3A_269 = arith.constant 16 : i32
        %parallel_loop3A_270 = arith.muli %parallel_loop3A_80, %parallel_loop3A_269 : i32
        %parallel_loop3A_271 = arith.constant 6 : i32
        %parallel_loop3A_272 = arith.constant 1 : i32
        %parallel_loop3A_273 = arith.index_cast %parallel_loop3A_271 : i32 to index
        %parallel_loop3A_274 = arith.index_cast %parallel_loop3A_272 : i32 to index
        %parallel_loop3A_275 = arith.index_cast %parallel_loop3A_270 : i32 to index
        %parallel_loop3A_276 = tpu.vector_load %arg8[%parallel_loop3A_273, %parallel_loop3A_274, %parallel_loop3A_275] {strides = array<i32>} : memref<9x8x128xf32, #tpu.memory_space<vmem>>, vector<16xf32>,
        tpu.vector_store %arg8[%parallel_loop3A_273, %parallel_loop3A_274, %parallel_loop3A_275], %parallel_loop3A_267 {strides = array<i32>} : memref<9x8x128xf32, #tpu.memory_space<vmem>>, vector<16xf32>,
        %parallel_loop3A_277 = arith.constant 16 : i32
        %parallel_loop3A_278 = arith.muli %parallel_loop3A_80, %parallel_loop3A_277 : i32
        %parallel_loop3A_279 = arith.constant 7 : i32
        %parallel_loop3A_280 = arith.constant 1 : i32
        %parallel_loop3A_281 = arith.index_cast %parallel_loop3A_279 : i32 to index
        %parallel_loop3A_282 = arith.index_cast %parallel_loop3A_280 : i32 to index
        %parallel_loop3A_283 = arith.index_cast %parallel_loop3A_278 : i32 to index
        %parallel_loop3A_284 = tpu.vector_load %arg8[%parallel_loop3A_281, %parallel_loop3A_282, %parallel_loop3A_283] {strides = array<i32>} : memref<9x8x128xf32, #tpu.memory_space<vmem>>, vector<16xf32>,
        tpu.vector_store %arg8[%parallel_loop3A_281, %parallel_loop3A_282, %parallel_loop3A_283], %parallel_loop3A_268 {strides = array<i32>} : memref<9x8x128xf32, #tpu.memory_space<vmem>>, vector<16xf32>,
        %parallel_loop3A_285 = arith.constant 4 : i32
        %parallel_loop3A_286 = vector.broadcast %parallel_loop3A_285 : i32 to vector<16xi32>
        %parallel_loop3A_287 = tpu.vector_load_idx %arg5[%parallel_loop3A_286, %parallel_loop3A_196] : memref<8x1024xi32, #tpu.memory_space<vmem>>[vector<16xi32>, vector<16xi32>], vector<16xi32>,
        %parallel_loop3A_288 = vector.bitcast %parallel_loop3A_287 : vector<16xi32> to vector<32xbf16>
        %parallel_loop3A_289 = tpu.unpack_subelements %parallel_loop3A_288, 0 {pack_format = #tpu.pack_format<interleaved>} : vector<32xbf16> -> vector<16xf32>
        %parallel_loop3A_290 = tpu.unpack_subelements %parallel_loop3A_288, 1 {pack_format = #tpu.pack_format<interleaved>} : vector<32xbf16> -> vector<16xf32>
        %parallel_loop3A_291 = arith.constant 16 : i32
        %parallel_loop3A_292 = arith.muli %parallel_loop3A_80, %parallel_loop3A_291 : i32
        %parallel_loop3A_293 = arith.constant 8 : i32
        %parallel_loop3A_294 = arith.constant 1 : i32
        %parallel_loop3A_295 = arith.index_cast %parallel_loop3A_293 : i32 to index
        %parallel_loop3A_296 = arith.index_cast %parallel_loop3A_294 : i32 to index
        %parallel_loop3A_297 = arith.index_cast %parallel_loop3A_292 : i32 to index
        %parallel_loop3A_298 = tpu.vector_load %arg8[%parallel_loop3A_295, %parallel_loop3A_296, %parallel_loop3A_297] {strides = array<i32>} : memref<9x8x128xf32, #tpu.memory_space<vmem>>, vector<16xf32>,
        tpu.vector_store %arg8[%parallel_loop3A_295, %parallel_loop3A_296, %parallel_loop3A_297], %parallel_loop3A_289 {strides = array<i32>} : memref<9x8x128xf32, #tpu.memory_space<vmem>>, vector<16xf32>,
        %parallel_loop3A_299 = arith.constant 2 : i32
        %parallel_loop3A_300 = arith.addi %mul3A_70, %parallel_loop3A_299 : i32
        %parallel_loop3A_301 = arith.constant 16 : i32
        %parallel_loop3A_302 = arith.muli %parallel_loop3A_80, %parallel_loop3A_301 : i32
        %parallel_loop3A_303 = arith.index_cast %parallel_loop3A_300 : i32 to index
        %parallel_loop3A_304 = arith.index_cast %parallel_loop3A_302 : i32 to index
        %parallel_loop3A_305 = tpu.vector_load %arg6[%parallel_loop3A_303, %parallel_loop3A_304] {strides = array<i32>} : memref<200x128xi32, #tpu.memory_space<vmem>>, vector<16xi32>,
        %parallel_loop3A_306 = arith.constant 0 : i32
        %parallel_loop3A_307 = vector.broadcast %parallel_loop3A_306 : i32 to vector<16xi32>
        %parallel_loop3A_308 = tpu.vector_load_idx %arg5[%parallel_loop3A_307, %parallel_loop3A_305] : memref<8x1024xi32, #tpu.memory_space<vmem>>[vector<16xi32>, vector<16xi32>], vector<16xi32>,
        %parallel_loop3A_309 = vector.bitcast %parallel_loop3A_308 : vector<16xi32> to vector<32xbf16>
        %parallel_loop3A_310 = tpu.unpack_subelements %parallel_loop3A_309, 0 {pack_format = #tpu.pack_format<interleaved>} : vector<32xbf16> -> vector<16xf32>
        %parallel_loop3A_311 = tpu.unpack_subelements %parallel_loop3A_309, 1 {pack_format = #tpu.pack_format<interleaved>} : vector<32xbf16> -> vector<16xf32>
        %parallel_loop3A_312 = arith.constant 16 : i32
        %parallel_loop3A_313 = arith.muli %parallel_loop3A_80, %parallel_loop3A_312 : i32
        %parallel_loop3A_314 = arith.constant 0 : i32
        %parallel_loop3A_315 = arith.constant 2 : i32
        %parallel_loop3A_316 = arith.index_cast %parallel_loop3A_314 : i32 to index
        %parallel_loop3A_317 = arith.index_cast %parallel_loop3A_315 : i32 to index
        %parallel_loop3A_318 = arith.index_cast %parallel_loop3A_313 : i32 to index
        %parallel_loop3A_319 = tpu.vector_load %arg8[%parallel_loop3A_316, %parallel_loop3A_317, %parallel_loop3A_318] {strides = array<i32>} : memref<9x8x128xf32, #tpu.memory_space<vmem>>, vector<16xf32>,
        tpu.vector_store %arg8[%parallel_loop3A_316, %parallel_loop3A_317, %parallel_loop3A_318], %parallel_loop3A_310 {strides = array<i32>} : memref<9x8x128xf32, #tpu.memory_space<vmem>>, vector<16xf32>,
        %parallel_loop3A_320 = arith.constant 16 : i32
        %parallel_loop3A_321 = arith.muli %parallel_loop3A_80, %parallel_loop3A_320 : i32
        %parallel_loop3A_322 = arith.constant 1 : i32
        %parallel_loop3A_323 = arith.constant 2 : i32
        %parallel_loop3A_324 = arith.index_cast %parallel_loop3A_322 : i32 to index
        %parallel_loop3A_325 = arith.index_cast %parallel_loop3A_323 : i32 to index
        %parallel_loop3A_326 = arith.index_cast %parallel_loop3A_321 : i32 to index
        %parallel_loop3A_327 = tpu.vector_load %arg8[%parallel_loop3A_324, %parallel_loop3A_325, %parallel_loop3A_326] {strides = array<i32>} : memref<9x8x128xf32, #tpu.memory_space<vmem>>, vector<16xf32>,
        tpu.vector_store %arg8[%parallel_loop3A_324, %parallel_loop3A_325, %parallel_loop3A_326], %parallel_loop3A_311 {strides = array<i32>} : memref<9x8x128xf32, #tpu.memory_space<vmem>>, vector<16xf32>,
        %parallel_loop3A_328 = arith.constant 1 : i32
        %parallel_loop3A_329 = vector.broadcast %parallel_loop3A_328 : i32 to vector<16xi32>
        %parallel_loop3A_330 = tpu.vector_load_idx %arg5[%parallel_loop3A_329, %parallel_loop3A_305] : memref<8x1024xi32, #tpu.memory_space<vmem>>[vector<16xi32>, vector<16xi32>], vector<16xi32>,
        %parallel_loop3A_331 = vector.bitcast %parallel_loop3A_330 : vector<16xi32> to vector<32xbf16>
        %parallel_loop3A_332 = tpu.unpack_subelements %parallel_loop3A_331, 0 {pack_format = #tpu.pack_format<interleaved>} : vector<32xbf16> -> vector<16xf32>
        %parallel_loop3A_333 = tpu.unpack_subelements %parallel_loop3A_331, 1 {pack_format = #tpu.pack_format<interleaved>} : vector<32xbf16> -> vector<16xf32>
        %parallel_loop3A_334 = arith.constant 16 : i32
        %parallel_loop3A_335 = arith.muli %parallel_loop3A_80, %parallel_loop3A_334 : i32
        %parallel_loop3A_336 = arith.constant 2 : i32
        %parallel_loop3A_337 = arith.constant 2 : i32
        %parallel_loop3A_338 = arith.index_cast %parallel_loop3A_336 : i32 to index
        %parallel_loop3A_339 = arith.index_cast %parallel_loop3A_337 : i32 to index
        %parallel_loop3A_340 = arith.index_cast %parallel_loop3A_335 : i32 to index
        %parallel_loop3A_341 = tpu.vector_load %arg8[%parallel_loop3A_338, %parallel_loop3A_339, %parallel_loop3A_340] {strides = array<i32>} : memref<9x8x128xf32, #tpu.memory_space<vmem>>, vector<16xf32>,
        tpu.vector_store %arg8[%parallel_loop3A_338, %parallel_loop3A_339, %parallel_loop3A_340], %parallel_loop3A_332 {strides = array<i32>} : memref<9x8x128xf32, #tpu.memory_space<vmem>>, vector<16xf32>,
        %parallel_loop3A_342 = arith.constant 16 : i32
        %parallel_loop3A_343 = arith.muli %parallel_loop3A_80, %parallel_loop3A_342 : i32
        %parallel_loop3A_344 = arith.constant 3 : i32
        %parallel_loop3A_345 = arith.constant 2 : i32
        %parallel_loop3A_346 = arith.index_cast %parallel_loop3A_344 : i32 to index
        %parallel_loop3A_347 = arith.index_cast %parallel_loop3A_345 : i32 to index
        %parallel_loop3A_348 = arith.index_cast %parallel_loop3A_343 : i32 to index
        %parallel_loop3A_349 = tpu.vector_load %arg8[%parallel_loop3A_346, %parallel_loop3A_347, %parallel_loop3A_348] {strides = array<i32>} : memref<9x8x128xf32, #tpu.memory_space<vmem>>, vector<16xf32>,
        tpu.vector_store %arg8[%parallel_loop3A_346, %parallel_loop3A_347, %parallel_loop3A_348], %parallel_loop3A_333 {strides = array<i32>} : memref<9x8x128xf32, #tpu.memory_space<vmem>>, vector<16xf32>,
        %parallel_loop3A_350 = arith.constant 2 : i32
        %parallel_loop3A_351 = vector.broadcast %parallel_loop3A_350 : i32 to vector<16xi32>
        %parallel_loop3A_352 = tpu.vector_load_idx %arg5[%parallel_loop3A_351, %parallel_loop3A_305] : memref<8x1024xi32, #tpu.memory_space<vmem>>[vector<16xi32>, vector<16xi32>], vector<16xi32>,
        %parallel_loop3A_353 = vector.bitcast %parallel_loop3A_352 : vector<16xi32> to vector<32xbf16>
        %parallel_loop3A_354 = tpu.unpack_subelements %parallel_loop3A_353, 0 {pack_format = #tpu.pack_format<interleaved>} : vector<32xbf16> -> vector<16xf32>
        %parallel_loop3A_355 = tpu.unpack_subelements %parallel_loop3A_353, 1 {pack_format = #tpu.pack_format<interleaved>} : vector<32xbf16> -> vector<16xf32>
        %parallel_loop3A_356 = arith.constant 16 : i32
        %parallel_loop3A_357 = arith.muli %parallel_loop3A_80, %parallel_loop3A_356 : i32
        %parallel_loop3A_358 = arith.constant 4 : i32
        %parallel_loop3A_359 = arith.constant 2 : i32
        %parallel_loop3A_360 = arith.index_cast %parallel_loop3A_358 : i32 to index
        %parallel_loop3A_361 = arith.index_cast %parallel_loop3A_359 : i32 to index
        %parallel_loop3A_362 = arith.index_cast %parallel_loop3A_357 : i32 to index
        %parallel_loop3A_363 = tpu.vector_load %arg8[%parallel_loop3A_360, %parallel_loop3A_361, %parallel_loop3A_362] {strides = array<i32>} : memref<9x8x128xf32, #tpu.memory_space<vmem>>, vector<16xf32>,
        tpu.vector_store %arg8[%parallel_loop3A_360, %parallel_loop3A_361, %parallel_loop3A_362], %parallel_loop3A_354 {strides = array<i32>} : memref<9x8x128xf32, #tpu.memory_space<vmem>>, vector<16xf32>,
        %parallel_loop3A_364 = arith.constant 16 : i32
        %parallel_loop3A_365 = arith.muli %parallel_loop3A_80, %parallel_loop3A_364 : i32
        %parallel_loop3A_366 = arith.constant 5 : i32
        %parallel_loop3A_367 = arith.constant 2 : i32
        %parallel_loop3A_368 = arith.index_cast %parallel_loop3A_366 : i32 to index
        %parallel_loop3A_369 = arith.index_cast %parallel_loop3A_367 : i32 to index
        %parallel_loop3A_370 = arith.index_cast %parallel_loop3A_365 : i32 to index
        %parallel_loop3A_371 = tpu.vector_load %arg8[%parallel_loop3A_368, %parallel_loop3A_369, %parallel_loop3A_370] {strides = array<i32>} : memref<9x8x128xf32, #tpu.memory_space<vmem>>, vector<16xf32>,
        tpu.vector_store %arg8[%parallel_loop3A_368, %parallel_loop3A_369, %parallel_loop3A_370], %parallel_loop3A_355 {strides = array<i32>} : memref<9x8x128xf32, #tpu.memory_space<vmem>>, vector<16xf32>,
        %parallel_loop3A_372 = arith.constant 3 : i32
        %parallel_loop3A_373 = vector.broadcast %parallel_loop3A_372 : i32 to vector<16xi32>
        %parallel_loop3A_374 = tpu.vector_load_idx %arg5[%parallel_loop3A_373, %parallel_loop3A_305] : memref<8x1024xi32, #tpu.memory_space<vmem>>[vector<16xi32>, vector<16xi32>], vector<16xi32>,
        %parallel_loop3A_375 = vector.bitcast %parallel_loop3A_374 : vector<16xi32> to vector<32xbf16>
        %parallel_loop3A_376 = tpu.unpack_subelements %parallel_loop3A_375, 0 {pack_format = #tpu.pack_format<interleaved>} : vector<32xbf16> -> vector<16xf32>
        %parallel_loop3A_377 = tpu.unpack_subelements %parallel_loop3A_375, 1 {pack_format = #tpu.pack_format<interleaved>} : vector<32xbf16> -> vector<16xf32>
        %parallel_loop3A_378 = arith.constant 16 : i32
        %parallel_loop3A_379 = arith.muli %parallel_loop3A_80, %parallel_loop3A_378 : i32
        %parallel_loop3A_380 = arith.constant 6 : i32
        %parallel_loop3A_381 = arith.constant 2 : i32
        %parallel_loop3A_382 = arith.index_cast %parallel_loop3A_380 : i32 to index
        %parallel_loop3A_383 = arith.index_cast %parallel_loop3A_381 : i32 to index
        %parallel_loop3A_384 = arith.index_cast %parallel_loop3A_379 : i32 to index
        %parallel_loop3A_385 = tpu.vector_load %arg8[%parallel_loop3A_382, %parallel_loop3A_383, %parallel_loop3A_384] {strides = array<i32>} : memref<9x8x128xf32, #tpu.memory_space<vmem>>, vector<16xf32>,
        tpu.vector_store %arg8[%parallel_loop3A_382, %parallel_loop3A_383, %parallel_loop3A_384], %parallel_loop3A_376 {strides = array<i32>} : memref<9x8x128xf32, #tpu.memory_space<vmem>>, vector<16xf32>,
        %parallel_loop3A_386 = arith.constant 16 : i32
        %parallel_loop3A_387 = arith.muli %parallel_loop3A_80, %parallel_loop3A_386 : i32
        %parallel_loop3A_388 = arith.constant 7 : i32
        %parallel_loop3A_389 = arith.constant 2 : i32
        %parallel_loop3A_390 = arith.index_cast %parallel_loop3A_388 : i32 to index
        %parallel_loop3A_391 = arith.index_cast %parallel_loop3A_389 : i32 to index
        %parallel_loop3A_392 = arith.index_cast %parallel_loop3A_387 : i32 to index
        %parallel_loop3A_393 = tpu.vector_load %arg8[%parallel_loop3A_390, %parallel_loop3A_391, %parallel_loop3A_392] {strides = array<i32>} : memref<9x8x128xf32, #tpu.memory_space<vmem>>, vector<16xf32>,
        tpu.vector_store %arg8[%parallel_loop3A_390, %parallel_loop3A_391, %parallel_loop3A_392], %parallel_loop3A_377 {strides = array<i32>} : memref<9x8x128xf32, #tpu.memory_space<vmem>>, vector<16xf32>,
        %parallel_loop3A_394 = arith.constant 4 : i32
        %parallel_loop3A_395 = vector.broadcast %parallel_loop3A_394 : i32 to vector<16xi32>
        %parallel_loop3A_396 = tpu.vector_load_idx %arg5[%parallel_loop3A_395, %parallel_loop3A_305] : memref<8x1024xi32, #tpu.memory_space<vmem>>[vector<16xi32>, vector<16xi32>], vector<16xi32>,
        %parallel_loop3A_397 = vector.bitcast %parallel_loop3A_396 : vector<16xi32> to vector<32xbf16>
        %parallel_loop3A_398 = tpu.unpack_subelements %parallel_loop3A_397, 0 {pack_format = #tpu.pack_format<interleaved>} : vector<32xbf16> -> vector<16xf32>
        %parallel_loop3A_399 = tpu.unpack_subelements %parallel_loop3A_397, 1 {pack_format = #tpu.pack_format<interleaved>} : vector<32xbf16> -> vector<16xf32>
        %parallel_loop3A_400 = arith.constant 16 : i32
        %parallel_loop3A_401 = arith.muli %parallel_loop3A_80, %parallel_loop3A_400 : i32
        %parallel_loop3A_402 = arith.constant 8 : i32
        %parallel_loop3A_403 = arith.constant 2 : i32
        %parallel_loop3A_404 = arith.index_cast %parallel_loop3A_402 : i32 to index
        %parallel_loop3A_405 = arith.index_cast %parallel_loop3A_403 : i32 to index
        %parallel_loop3A_406 = arith.index_cast %parallel_loop3A_401 : i32 to index
        %parallel_loop3A_407 = tpu.vector_load %arg8[%parallel_loop3A_404, %parallel_loop3A_405, %parallel_loop3A_406] {strides = array<i32>} : memref<9x8x128xf32, #tpu.memory_space<vmem>>, vector<16xf32>,
        tpu.vector_store %arg8[%parallel_loop3A_404, %parallel_loop3A_405, %parallel_loop3A_406], %parallel_loop3A_398 {strides = array<i32>} : memref<9x8x128xf32, #tpu.memory_space<vmem>>, vector<16xf32>,
        %parallel_loop3A_408 = arith.constant 3 : i32
        %parallel_loop3A_409 = arith.addi %mul3A_70, %parallel_loop3A_408 : i32
        %parallel_loop3A_410 = arith.constant 16 : i32
        %parallel_loop3A_411 = arith.muli %parallel_loop3A_80, %parallel_loop3A_410 : i32
        %parallel_loop3A_412 = arith.index_cast %parallel_loop3A_409 : i32 to index
        %parallel_loop3A_413 = arith.index_cast %parallel_loop3A_411 : i32 to index
        %parallel_loop3A_414 = tpu.vector_load %arg6[%parallel_loop3A_412, %parallel_loop3A_413] {strides = array<i32>} : memref<200x128xi32, #tpu.memory_space<vmem>>, vector<16xi32>,
        %parallel_loop3A_415 = arith.constant 0 : i32
        %parallel_loop3A_416 = vector.broadcast %parallel_loop3A_415 : i32 to vector<16xi32>
        %parallel_loop3A_417 = tpu.vector_load_idx %arg5[%parallel_loop3A_416, %parallel_loop3A_414] : memref<8x1024xi32, #tpu.memory_space<vmem>>[vector<16xi32>, vector<16xi32>], vector<16xi32>,
        %parallel_loop3A_418 = vector.bitcast %parallel_loop3A_417 : vector<16xi32> to vector<32xbf16>
        %parallel_loop3A_419 = tpu.unpack_subelements %parallel_loop3A_418, 0 {pack_format = #tpu.pack_format<interleaved>} : vector<32xbf16> -> vector<16xf32>
        %parallel_loop3A_420 = tpu.unpack_subelements %parallel_loop3A_418, 1 {pack_format = #tpu.pack_format<interleaved>} : vector<32xbf16> -> vector<16xf32>
        %parallel_loop3A_421 = arith.constant 16 : i32
        %parallel_loop3A_422 = arith.muli %parallel_loop3A_80, %parallel_loop3A_421 : i32
        %parallel_loop3A_423 = arith.constant 0 : i32
        %parallel_loop3A_424 = arith.constant 3 : i32
        %parallel_loop3A_425 = arith.index_cast %parallel_loop3A_423 : i32 to index
        %parallel_loop3A_426 = arith.index_cast %parallel_loop3A_424 : i32 to index
        %parallel_loop3A_427 = arith.index_cast %parallel_loop3A_422 : i32 to index
        %parallel_loop3A_428 = tpu.vector_load %arg8[%parallel_loop3A_425, %parallel_loop3A_426, %parallel_loop3A_427] {strides = array<i32>} : memref<9x8x128xf32, #tpu.memory_space<vmem>>, vector<16xf32>,
        tpu.vector_store %arg8[%parallel_loop3A_425, %parallel_loop3A_426, %parallel_loop3A_427], %parallel_loop3A_419 {strides = array<i32>} : memref<9x8x128xf32, #tpu.memory_space<vmem>>, vector<16xf32>,
        %parallel_loop3A_429 = arith.constant 16 : i32
        %parallel_loop3A_430 = arith.muli %parallel_loop3A_80, %parallel_loop3A_429 : i32
        %parallel_loop3A_431 = arith.constant 1 : i32
        %parallel_loop3A_432 = arith.constant 3 : i32
        %parallel_loop3A_433 = arith.index_cast %parallel_loop3A_431 : i32 to index
        %parallel_loop3A_434 = arith.index_cast %parallel_loop3A_432 : i32 to index
        %parallel_loop3A_435 = arith.index_cast %parallel_loop3A_430 : i32 to index
        %parallel_loop3A_436 = tpu.vector_load %arg8[%parallel_loop3A_433, %parallel_loop3A_434, %parallel_loop3A_435] {strides = array<i32>} : memref<9x8x128xf32, #tpu.memory_space<vmem>>, vector<16xf32>,
        tpu.vector_store %arg8[%parallel_loop3A_433, %parallel_loop3A_434, %parallel_loop3A_435], %parallel_loop3A_420 {strides = array<i32>} : memref<9x8x128xf32, #tpu.memory_space<vmem>>, vector<16xf32>,
        %parallel_loop3A_437 = arith.constant 1 : i32
        %parallel_loop3A_438 = vector.broadcast %parallel_loop3A_437 : i32 to vector<16xi32>
        %parallel_loop3A_439 = tpu.vector_load_idx %arg5[%parallel_loop3A_438, %parallel_loop3A_414] : memref<8x1024xi32, #tpu.memory_space<vmem>>[vector<16xi32>, vector<16xi32>], vector<16xi32>,
        %parallel_loop3A_440 = vector.bitcast %parallel_loop3A_439 : vector<16xi32> to vector<32xbf16>
        %parallel_loop3A_441 = tpu.unpack_subelements %parallel_loop3A_440, 0 {pack_format = #tpu.pack_format<interleaved>} : vector<32xbf16> -> vector<16xf32>
        %parallel_loop3A_442 = tpu.unpack_subelements %parallel_loop3A_440, 1 {pack_format = #tpu.pack_format<interleaved>} : vector<32xbf16> -> vector<16xf32>
        %parallel_loop3A_443 = arith.constant 16 : i32
        %parallel_loop3A_444 = arith.muli %parallel_loop3A_80, %parallel_loop3A_443 : i32
        %parallel_loop3A_445 = arith.constant 2 : i32
        %parallel_loop3A_446 = arith.constant 3 : i32
        %parallel_loop3A_447 = arith.index_cast %parallel_loop3A_445 : i32 to index
        %parallel_loop3A_448 = arith.index_cast %parallel_loop3A_446 : i32 to index
        %parallel_loop3A_449 = arith.index_cast %parallel_loop3A_444 : i32 to index
        %parallel_loop3A_450 = tpu.vector_load %arg8[%parallel_loop3A_447, %parallel_loop3A_448, %parallel_loop3A_449] {strides = array<i32>} : memref<9x8x128xf32, #tpu.memory_space<vmem>>, vector<16xf32>,
        tpu.vector_store %arg8[%parallel_loop3A_447, %parallel_loop3A_448, %parallel_loop3A_449], %parallel_loop3A_441 {strides = array<i32>} : memref<9x8x128xf32, #tpu.memory_space<vmem>>, vector<16xf32>,
        %parallel_loop3A_451 = arith.constant 16 : i32
        %parallel_loop3A_452 = arith.muli %parallel_loop3A_80, %parallel_loop3A_451 : i32
        %parallel_loop3A_453 = arith.constant 3 : i32
        %parallel_loop3A_454 = arith.constant 3 : i32
        %parallel_loop3A_455 = arith.index_cast %parallel_loop3A_453 : i32 to index
        %parallel_loop3A_456 = arith.index_cast %parallel_loop3A_454 : i32 to index
        %parallel_loop3A_457 = arith.index_cast %parallel_loop3A_452 : i32 to index
        %parallel_loop3A_458 = tpu.vector_load %arg8[%parallel_loop3A_455, %parallel_loop3A_456, %parallel_loop3A_457] {strides = array<i32>} : memref<9x8x128xf32, #tpu.memory_space<vmem>>, vector<16xf32>,
        tpu.vector_store %arg8[%parallel_loop3A_455, %parallel_loop3A_456, %parallel_loop3A_457], %parallel_loop3A_442 {strides = array<i32>} : memref<9x8x128xf32, #tpu.memory_space<vmem>>, vector<16xf32>,
        %parallel_loop3A_459 = arith.constant 2 : i32
        %parallel_loop3A_460 = vector.broadcast %parallel_loop3A_459 : i32 to vector<16xi32>
        %parallel_loop3A_461 = tpu.vector_load_idx %arg5[%parallel_loop3A_460, %parallel_loop3A_414] : memref<8x1024xi32, #tpu.memory_space<vmem>>[vector<16xi32>, vector<16xi32>], vector<16xi32>,
        %parallel_loop3A_462 = vector.bitcast %parallel_loop3A_461 : vector<16xi32> to vector<32xbf16>
        %parallel_loop3A_463 = tpu.unpack_subelements %parallel_loop3A_462, 0 {pack_format = #tpu.pack_format<interleaved>} : vector<32xbf16> -> vector<16xf32>
        %parallel_loop3A_464 = tpu.unpack_subelements %parallel_loop3A_462, 1 {pack_format = #tpu.pack_format<interleaved>} : vector<32xbf16> -> vector<16xf32>
        %parallel_loop3A_465 = arith.constant 16 : i32
        %parallel_loop3A_466 = arith.muli %parallel_loop3A_80, %parallel_loop3A_465 : i32
        %parallel_loop3A_467 = arith.constant 4 : i32
        %parallel_loop3A_468 = arith.constant 3 : i32
        %parallel_loop3A_469 = arith.index_cast %parallel_loop3A_467 : i32 to index
        %parallel_loop3A_470 = arith.index_cast %parallel_loop3A_468 : i32 to index
        %parallel_loop3A_471 = arith.index_cast %parallel_loop3A_466 : i32 to index
        %parallel_loop3A_472 = tpu.vector_load %arg8[%parallel_loop3A_469, %parallel_loop3A_470, %parallel_loop3A_471] {strides = array<i32>} : memref<9x8x128xf32, #tpu.memory_space<vmem>>, vector<16xf32>,
        tpu.vector_store %arg8[%parallel_loop3A_469, %parallel_loop3A_470, %parallel_loop3A_471], %parallel_loop3A_463 {strides = array<i32>} : memref<9x8x128xf32, #tpu.memory_space<vmem>>, vector<16xf32>,
        %parallel_loop3A_473 = arith.constant 16 : i32
        %parallel_loop3A_474 = arith.muli %parallel_loop3A_80, %parallel_loop3A_473 : i32
        %parallel_loop3A_475 = arith.constant 5 : i32
        %parallel_loop3A_476 = arith.constant 3 : i32
        %parallel_loop3A_477 = arith.index_cast %parallel_loop3A_475 : i32 to index
        %parallel_loop3A_478 = arith.index_cast %parallel_loop3A_476 : i32 to index
        %parallel_loop3A_479 = arith.index_cast %parallel_loop3A_474 : i32 to index
        %parallel_loop3A_480 = tpu.vector_load %arg8[%parallel_loop3A_477, %parallel_loop3A_478, %parallel_loop3A_479] {strides = array<i32>} : memref<9x8x128xf32, #tpu.memory_space<vmem>>, vector<16xf32>,
        tpu.vector_store %arg8[%parallel_loop3A_477, %parallel_loop3A_478, %parallel_loop3A_479], %parallel_loop3A_464 {strides = array<i32>} : memref<9x8x128xf32, #tpu.memory_space<vmem>>, vector<16xf32>,
        %parallel_loop3A_481 = arith.constant 3 : i32
        %parallel_loop3A_482 = vector.broadcast %parallel_loop3A_481 : i32 to vector<16xi32>
        %parallel_loop3A_483 = tpu.vector_load_idx %arg5[%parallel_loop3A_482, %parallel_loop3A_414] : memref<8x1024xi32, #tpu.memory_space<vmem>>[vector<16xi32>, vector<16xi32>], vector<16xi32>,
        %parallel_loop3A_484 = vector.bitcast %parallel_loop3A_483 : vector<16xi32> to vector<32xbf16>
        %parallel_loop3A_485 = tpu.unpack_subelements %parallel_loop3A_484, 0 {pack_format = #tpu.pack_format<interleaved>} : vector<32xbf16> -> vector<16xf32>
        %parallel_loop3A_486 = tpu.unpack_subelements %parallel_loop3A_484, 1 {pack_format = #tpu.pack_format<interleaved>} : vector<32xbf16> -> vector<16xf32>
        %parallel_loop3A_487 = arith.constant 16 : i32
        %parallel_loop3A_488 = arith.muli %parallel_loop3A_80, %parallel_loop3A_487 : i32
        %parallel_loop3A_489 = arith.constant 6 : i32
        %parallel_loop3A_490 = arith.constant 3 : i32
        %parallel_loop3A_491 = arith.index_cast %parallel_loop3A_489 : i32 to index
        %parallel_loop3A_492 = arith.index_cast %parallel_loop3A_490 : i32 to index
        %parallel_loop3A_493 = arith.index_cast %parallel_loop3A_488 : i32 to index
        %parallel_loop3A_494 = tpu.vector_load %arg8[%parallel_loop3A_491, %parallel_loop3A_492, %parallel_loop3A_493] {strides = array<i32>} : memref<9x8x128xf32, #tpu.memory_space<vmem>>, vector<16xf32>,
        tpu.vector_store %arg8[%parallel_loop3A_491, %parallel_loop3A_492, %parallel_loop3A_493], %parallel_loop3A_485 {strides = array<i32>} : memref<9x8x128xf32, #tpu.memory_space<vmem>>, vector<16xf32>,
        %parallel_loop3A_495 = arith.constant 16 : i32
        %parallel_loop3A_496 = arith.muli %parallel_loop3A_80, %parallel_loop3A_495 : i32
        %parallel_loop3A_497 = arith.constant 7 : i32
        %parallel_loop3A_498 = arith.constant 3 : i32
        %parallel_loop3A_499 = arith.index_cast %parallel_loop3A_497 : i32 to index
        %parallel_loop3A_500 = arith.index_cast %parallel_loop3A_498 : i32 to index
        %parallel_loop3A_501 = arith.index_cast %parallel_loop3A_496 : i32 to index
        %parallel_loop3A_502 = tpu.vector_load %arg8[%parallel_loop3A_499, %parallel_loop3A_500, %parallel_loop3A_501] {strides = array<i32>} : memref<9x8x128xf32, #tpu.memory_space<vmem>>, vector<16xf32>,
        tpu.vector_store %arg8[%parallel_loop3A_499, %parallel_loop3A_500, %parallel_loop3A_501], %parallel_loop3A_486 {strides = array<i32>} : memref<9x8x128xf32, #tpu.memory_space<vmem>>, vector<16xf32>,
        %parallel_loop3A_503 = arith.constant 4 : i32
        %parallel_loop3A_504 = vector.broadcast %parallel_loop3A_503 : i32 to vector<16xi32>
        %parallel_loop3A_505 = tpu.vector_load_idx %arg5[%parallel_loop3A_504, %parallel_loop3A_414] : memref<8x1024xi32, #tpu.memory_space<vmem>>[vector<16xi32>, vector<16xi32>], vector<16xi32>,
        %parallel_loop3A_506 = vector.bitcast %parallel_loop3A_505 : vector<16xi32> to vector<32xbf16>
        %parallel_loop3A_507 = tpu.unpack_subelements %parallel_loop3A_506, 0 {pack_format = #tpu.pack_format<interleaved>} : vector<32xbf16> -> vector<16xf32>
        %parallel_loop3A_508 = tpu.unpack_subelements %parallel_loop3A_506, 1 {pack_format = #tpu.pack_format<interleaved>} : vector<32xbf16> -> vector<16xf32>
        %parallel_loop3A_509 = arith.constant 16 : i32
        %parallel_loop3A_510 = arith.muli %parallel_loop3A_80, %parallel_loop3A_509 : i32
        %parallel_loop3A_511 = arith.constant 8 : i32
        %parallel_loop3A_512 = arith.constant 3 : i32
        %parallel_loop3A_513 = arith.index_cast %parallel_loop3A_511 : i32 to index
        %parallel_loop3A_514 = arith.index_cast %parallel_loop3A_512 : i32 to index
        %parallel_loop3A_515 = arith.index_cast %parallel_loop3A_510 : i32 to index
        %parallel_loop3A_516 = tpu.vector_load %arg8[%parallel_loop3A_513, %parallel_loop3A_514, %parallel_loop3A_515] {strides = array<i32>} : memref<9x8x128xf32, #tpu.memory_space<vmem>>, vector<16xf32>,
        tpu.vector_store %arg8[%parallel_loop3A_513, %parallel_loop3A_514, %parallel_loop3A_515], %parallel_loop3A_507 {strides = array<i32>} : memref<9x8x128xf32, #tpu.memory_space<vmem>>, vector<16xf32>,
        %parallel_loop3A_517 = arith.constant 4 : i32
        %parallel_loop3A_518 = arith.addi %mul3A_70, %parallel_loop3A_517 : i32
        %parallel_loop3A_519 = arith.constant 16 : i32
        %parallel_loop3A_520 = arith.muli %parallel_loop3A_80, %parallel_loop3A_519 : i32
        %parallel_loop3A_521 = arith.index_cast %parallel_loop3A_518 : i32 to index
        %parallel_loop3A_522 = arith.index_cast %parallel_loop3A_520 : i32 to index
        %parallel_loop3A_523 = tpu.vector_load %arg6[%parallel_loop3A_521, %parallel_loop3A_522] {strides = array<i32>} : memref<200x128xi32, #tpu.memory_space<vmem>>, vector<16xi32>,
        %parallel_loop3A_524 = arith.constant 0 : i32
        %parallel_loop3A_525 = vector.broadcast %parallel_loop3A_524 : i32 to vector<16xi32>
        %parallel_loop3A_526 = tpu.vector_load_idx %arg5[%parallel_loop3A_525, %parallel_loop3A_523] : memref<8x1024xi32, #tpu.memory_space<vmem>>[vector<16xi32>, vector<16xi32>], vector<16xi32>,
        %parallel_loop3A_527 = vector.bitcast %parallel_loop3A_526 : vector<16xi32> to vector<32xbf16>
        %parallel_loop3A_528 = tpu.unpack_subelements %parallel_loop3A_527, 0 {pack_format = #tpu.pack_format<interleaved>} : vector<32xbf16> -> vector<16xf32>
        %parallel_loop3A_529 = tpu.unpack_subelements %parallel_loop3A_527, 1 {pack_format = #tpu.pack_format<interleaved>} : vector<32xbf16> -> vector<16xf32>
        %parallel_loop3A_530 = arith.constant 16 : i32
        %parallel_loop3A_531 = arith.muli %parallel_loop3A_80, %parallel_loop3A_530 : i32
        %parallel_loop3A_532 = arith.constant 0 : i32
        %parallel_loop3A_533 = arith.constant 4 : i32
        %parallel_loop3A_534 = arith.index_cast %parallel_loop3A_532 : i32 to index
        %parallel_loop3A_535 = arith.index_cast %parallel_loop3A_533 : i32 to index
        %parallel_loop3A_536 = arith.index_cast %parallel_loop3A_531 : i32 to index
        %parallel_loop3A_537 = tpu.vector_load %arg8[%parallel_loop3A_534, %parallel_loop3A_535, %parallel_loop3A_536] {strides = array<i32>} : memref<9x8x128xf32, #tpu.memory_space<vmem>>, vector<16xf32>,
        tpu.vector_store %arg8[%parallel_loop3A_534, %parallel_loop3A_535, %parallel_loop3A_536], %parallel_loop3A_528 {strides = array<i32>} : memref<9x8x128xf32, #tpu.memory_space<vmem>>, vector<16xf32>,
        %parallel_loop3A_538 = arith.constant 16 : i32
        %parallel_loop3A_539 = arith.muli %parallel_loop3A_80, %parallel_loop3A_538 : i32
        %parallel_loop3A_540 = arith.constant 1 : i32
        %parallel_loop3A_541 = arith.constant 4 : i32
        %parallel_loop3A_542 = arith.index_cast %parallel_loop3A_540 : i32 to index
        %parallel_loop3A_543 = arith.index_cast %parallel_loop3A_541 : i32 to index
        %parallel_loop3A_544 = arith.index_cast %parallel_loop3A_539 : i32 to index
        %parallel_loop3A_545 = tpu.vector_load %arg8[%parallel_loop3A_542, %parallel_loop3A_543, %parallel_loop3A_544] {strides = array<i32>} : memref<9x8x128xf32, #tpu.memory_space<vmem>>, vector<16xf32>,
        tpu.vector_store %arg8[%parallel_loop3A_542, %parallel_loop3A_543, %parallel_loop3A_544], %parallel_loop3A_529 {strides = array<i32>} : memref<9x8x128xf32, #tpu.memory_space<vmem>>, vector<16xf32>,
        %parallel_loop3A_546 = arith.constant 1 : i32
        %parallel_loop3A_547 = vector.broadcast %parallel_loop3A_546 : i32 to vector<16xi32>
        %parallel_loop3A_548 = tpu.vector_load_idx %arg5[%parallel_loop3A_547, %parallel_loop3A_523] : memref<8x1024xi32, #tpu.memory_space<vmem>>[vector<16xi32>, vector<16xi32>], vector<16xi32>,
        %parallel_loop3A_549 = vector.bitcast %parallel_loop3A_548 : vector<16xi32> to vector<32xbf16>
        %parallel_loop3A_550 = tpu.unpack_subelements %parallel_loop3A_549, 0 {pack_format = #tpu.pack_format<interleaved>} : vector<32xbf16> -> vector<16xf32>
        %parallel_loop3A_551 = tpu.unpack_subelements %parallel_loop3A_549, 1 {pack_format = #tpu.pack_format<interleaved>} : vector<32xbf16> -> vector<16xf32>
        %parallel_loop3A_552 = arith.constant 16 : i32
        %parallel_loop3A_553 = arith.muli %parallel_loop3A_80, %parallel_loop3A_552 : i32
        %parallel_loop3A_554 = arith.constant 2 : i32
        %parallel_loop3A_555 = arith.constant 4 : i32
        %parallel_loop3A_556 = arith.index_cast %parallel_loop3A_554 : i32 to index
        %parallel_loop3A_557 = arith.index_cast %parallel_loop3A_555 : i32 to index
        %parallel_loop3A_558 = arith.index_cast %parallel_loop3A_553 : i32 to index
        %parallel_loop3A_559 = tpu.vector_load %arg8[%parallel_loop3A_556, %parallel_loop3A_557, %parallel_loop3A_558] {strides = array<i32>} : memref<9x8x128xf32, #tpu.memory_space<vmem>>, vector<16xf32>,
        tpu.vector_store %arg8[%parallel_loop3A_556, %parallel_loop3A_557, %parallel_loop3A_558], %parallel_loop3A_550 {strides = array<i32>} : memref<9x8x128xf32, #tpu.memory_space<vmem>>, vector<16xf32>,
        %parallel_loop3A_560 = arith.constant 16 : i32
        %parallel_loop3A_561 = arith.muli %parallel_loop3A_80, %parallel_loop3A_560 : i32
        %parallel_loop3A_562 = arith.constant 3 : i32
        %parallel_loop3A_563 = arith.constant 4 : i32
        %parallel_loop3A_564 = arith.index_cast %parallel_loop3A_562 : i32 to index
        %parallel_loop3A_565 = arith.index_cast %parallel_loop3A_563 : i32 to index
        %parallel_loop3A_566 = arith.index_cast %parallel_loop3A_561 : i32 to index
        %parallel_loop3A_567 = tpu.vector_load %arg8[%parallel_loop3A_564, %parallel_loop3A_565, %parallel_loop3A_566] {strides = array<i32>} : memref<9x8x128xf32, #tpu.memory_space<vmem>>, vector<16xf32>,
        tpu.vector_store %arg8[%parallel_loop3A_564, %parallel_loop3A_565, %parallel_loop3A_566], %parallel_loop3A_551 {strides = array<i32>} : memref<9x8x128xf32, #tpu.memory_space<vmem>>, vector<16xf32>,
        %parallel_loop3A_568 = arith.constant 2 : i32
        %parallel_loop3A_569 = vector.broadcast %parallel_loop3A_568 : i32 to vector<16xi32>
        %parallel_loop3A_570 = tpu.vector_load_idx %arg5[%parallel_loop3A_569, %parallel_loop3A_523] : memref<8x1024xi32, #tpu.memory_space<vmem>>[vector<16xi32>, vector<16xi32>], vector<16xi32>,
        %parallel_loop3A_571 = vector.bitcast %parallel_loop3A_570 : vector<16xi32> to vector<32xbf16>
        %parallel_loop3A_572 = tpu.unpack_subelements %parallel_loop3A_571, 0 {pack_format = #tpu.pack_format<interleaved>} : vector<32xbf16> -> vector<16xf32>
        %parallel_loop3A_573 = tpu.unpack_subelements %parallel_loop3A_571, 1 {pack_format = #tpu.pack_format<interleaved>} : vector<32xbf16> -> vector<16xf32>
        %parallel_loop3A_574 = arith.constant 16 : i32
        %parallel_loop3A_575 = arith.muli %parallel_loop3A_80, %parallel_loop3A_574 : i32
        %parallel_loop3A_576 = arith.constant 4 : i32
        %parallel_loop3A_577 = arith.constant 4 : i32
        %parallel_loop3A_578 = arith.index_cast %parallel_loop3A_576 : i32 to index
        %parallel_loop3A_579 = arith.index_cast %parallel_loop3A_577 : i32 to index
        %parallel_loop3A_580 = arith.index_cast %parallel_loop3A_575 : i32 to index
        %parallel_loop3A_581 = tpu.vector_load %arg8[%parallel_loop3A_578, %parallel_loop3A_579, %parallel_loop3A_580] {strides = array<i32>} : memref<9x8x128xf32, #tpu.memory_space<vmem>>, vector<16xf32>,
        tpu.vector_store %arg8[%parallel_loop3A_578, %parallel_loop3A_579, %parallel_loop3A_580], %parallel_loop3A_572 {strides = array<i32>} : memref<9x8x128xf32, #tpu.memory_space<vmem>>, vector<16xf32>,
        %parallel_loop3A_582 = arith.constant 16 : i32
        %parallel_loop3A_583 = arith.muli %parallel_loop3A_80, %parallel_loop3A_582 : i32
        %parallel_loop3A_584 = arith.constant 5 : i32
        %parallel_loop3A_585 = arith.constant 4 : i32
        %parallel_loop3A_586 = arith.index_cast %parallel_loop3A_584 : i32 to index
        %parallel_loop3A_587 = arith.index_cast %parallel_loop3A_585 : i32 to index
        %parallel_loop3A_588 = arith.index_cast %parallel_loop3A_583 : i32 to index
        %parallel_loop3A_589 = tpu.vector_load %arg8[%parallel_loop3A_586, %parallel_loop3A_587, %parallel_loop3A_588] {strides = array<i32>} : memref<9x8x128xf32, #tpu.memory_space<vmem>>, vector<16xf32>,
        tpu.vector_store %arg8[%parallel_loop3A_586, %parallel_loop3A_587, %parallel_loop3A_588], %parallel_loop3A_573 {strides = array<i32>} : memref<9x8x128xf32, #tpu.memory_space<vmem>>, vector<16xf32>,
        %parallel_loop3A_590 = arith.constant 3 : i32
        %parallel_loop3A_591 = vector.broadcast %parallel_loop3A_590 : i32 to vector<16xi32>
        %parallel_loop3A_592 = tpu.vector_load_idx %arg5[%parallel_loop3A_591, %parallel_loop3A_523] : memref<8x1024xi32, #tpu.memory_space<vmem>>[vector<16xi32>, vector<16xi32>], vector<16xi32>,
        %parallel_loop3A_593 = vector.bitcast %parallel_loop3A_592 : vector<16xi32> to vector<32xbf16>
        %parallel_loop3A_594 = tpu.unpack_subelements %parallel_loop3A_593, 0 {pack_format = #tpu.pack_format<interleaved>} : vector<32xbf16> -> vector<16xf32>
        %parallel_loop3A_595 = tpu.unpack_subelements %parallel_loop3A_593, 1 {pack_format = #tpu.pack_format<interleaved>} : vector<32xbf16> -> vector<16xf32>
        %parallel_loop3A_596 = arith.constant 16 : i32
        %parallel_loop3A_597 = arith.muli %parallel_loop3A_80, %parallel_loop3A_596 : i32
        %parallel_loop3A_598 = arith.constant 6 : i32
        %parallel_loop3A_599 = arith.constant 4 : i32
        %parallel_loop3A_600 = arith.index_cast %parallel_loop3A_598 : i32 to index
        %parallel_loop3A_601 = arith.index_cast %parallel_loop3A_599 : i32 to index
        %parallel_loop3A_602 = arith.index_cast %parallel_loop3A_597 : i32 to index
        %parallel_loop3A_603 = tpu.vector_load %arg8[%parallel_loop3A_600, %parallel_loop3A_601, %parallel_loop3A_602] {strides = array<i32>} : memref<9x8x128xf32, #tpu.memory_space<vmem>>, vector<16xf32>,
        tpu.vector_store %arg8[%parallel_loop3A_600, %parallel_loop3A_601, %parallel_loop3A_602], %parallel_loop3A_594 {strides = array<i32>} : memref<9x8x128xf32, #tpu.memory_space<vmem>>, vector<16xf32>,
        %parallel_loop3A_604 = arith.constant 16 : i32
        %parallel_loop3A_605 = arith.muli %parallel_loop3A_80, %parallel_loop3A_604 : i32
        %parallel_loop3A_606 = arith.constant 7 : i32
        %parallel_loop3A_607 = arith.constant 4 : i32
        %parallel_loop3A_608 = arith.index_cast %parallel_loop3A_606 : i32 to index
        %parallel_loop3A_609 = arith.index_cast %parallel_loop3A_607 : i32 to index
        %parallel_loop3A_610 = arith.index_cast %parallel_loop3A_605 : i32 to index
        %parallel_loop3A_611 = tpu.vector_load %arg8[%parallel_loop3A_608, %parallel_loop3A_609, %parallel_loop3A_610] {strides = array<i32>} : memref<9x8x128xf32, #tpu.memory_space<vmem>>, vector<16xf32>,
        tpu.vector_store %arg8[%parallel_loop3A_608, %parallel_loop3A_609, %parallel_loop3A_610], %parallel_loop3A_595 {strides = array<i32>} : memref<9x8x128xf32, #tpu.memory_space<vmem>>, vector<16xf32>,
        %parallel_loop3A_612 = arith.constant 4 : i32
        %parallel_loop3A_613 = vector.broadcast %parallel_loop3A_612 : i32 to vector<16xi32>
        %parallel_loop3A_614 = tpu.vector_load_idx %arg5[%parallel_loop3A_613, %parallel_loop3A_523] : memref<8x1024xi32, #tpu.memory_space<vmem>>[vector<16xi32>, vector<16xi32>], vector<16xi32>,
        %parallel_loop3A_615 = vector.bitcast %parallel_loop3A_614 : vector<16xi32> to vector<32xbf16>
        %parallel_loop3A_616 = tpu.unpack_subelements %parallel_loop3A_615, 0 {pack_format = #tpu.pack_format<interleaved>} : vector<32xbf16> -> vector<16xf32>
        %parallel_loop3A_617 = tpu.unpack_subelements %parallel_loop3A_615, 1 {pack_format = #tpu.pack_format<interleaved>} : vector<32xbf16> -> vector<16xf32>
        %parallel_loop3A_618 = arith.constant 16 : i32
        %parallel_loop3A_619 = arith.muli %parallel_loop3A_80, %parallel_loop3A_618 : i32
        %parallel_loop3A_620 = arith.constant 8 : i32
        %parallel_loop3A_621 = arith.constant 4 : i32
        %parallel_loop3A_622 = arith.index_cast %parallel_loop3A_620 : i32 to index
        %parallel_loop3A_623 = arith.index_cast %parallel_loop3A_621 : i32 to index
        %parallel_loop3A_624 = arith.index_cast %parallel_loop3A_619 : i32 to index
        %parallel_loop3A_625 = tpu.vector_load %arg8[%parallel_loop3A_622, %parallel_loop3A_623, %parallel_loop3A_624] {strides = array<i32>} : memref<9x8x128xf32, #tpu.memory_space<vmem>>, vector<16xf32>,
        tpu.vector_store %arg8[%parallel_loop3A_622, %parallel_loop3A_623, %parallel_loop3A_624], %parallel_loop3A_616 {strides = array<i32>} : memref<9x8x128xf32, #tpu.memory_space<vmem>>, vector<16xf32>,
        %parallel_loop3A_626 = arith.constant 5 : i32
        %parallel_loop3A_627 = arith.addi %mul3A_70, %parallel_loop3A_626 : i32
        %parallel_loop3A_628 = arith.constant 16 : i32
        %parallel_loop3A_629 = arith.muli %parallel_loop3A_80, %parallel_loop3A_628 : i32
        %parallel_loop3A_630 = arith.index_cast %parallel_loop3A_627 : i32 to index
        %parallel_loop3A_631 = arith.index_cast %parallel_loop3A_629 : i32 to index
        %parallel_loop3A_632 = tpu.vector_load %arg6[%parallel_loop3A_630, %parallel_loop3A_631] {strides = array<i32>} : memref<200x128xi32, #tpu.memory_space<vmem>>, vector<16xi32>,
        %parallel_loop3A_633 = arith.constant 0 : i32
        %parallel_loop3A_634 = vector.broadcast %parallel_loop3A_633 : i32 to vector<16xi32>
        %parallel_loop3A_635 = tpu.vector_load_idx %arg5[%parallel_loop3A_634, %parallel_loop3A_632] : memref<8x1024xi32, #tpu.memory_space<vmem>>[vector<16xi32>, vector<16xi32>], vector<16xi32>,
        %parallel_loop3A_636 = vector.bitcast %parallel_loop3A_635 : vector<16xi32> to vector<32xbf16>
        %parallel_loop3A_637 = tpu.unpack_subelements %parallel_loop3A_636, 0 {pack_format = #tpu.pack_format<interleaved>} : vector<32xbf16> -> vector<16xf32>
        %parallel_loop3A_638 = tpu.unpack_subelements %parallel_loop3A_636, 1 {pack_format = #tpu.pack_format<interleaved>} : vector<32xbf16> -> vector<16xf32>
        %parallel_loop3A_639 = arith.constant 16 : i32
        %parallel_loop3A_640 = arith.muli %parallel_loop3A_80, %parallel_loop3A_639 : i32
        %parallel_loop3A_641 = arith.constant 0 : i32
        %parallel_loop3A_642 = arith.constant 5 : i32
        %parallel_loop3A_643 = arith.index_cast %parallel_loop3A_641 : i32 to index
        %parallel_loop3A_644 = arith.index_cast %parallel_loop3A_642 : i32 to index
        %parallel_loop3A_645 = arith.index_cast %parallel_loop3A_640 : i32 to index
        %parallel_loop3A_646 = tpu.vector_load %arg8[%parallel_loop3A_643, %parallel_loop3A_644, %parallel_loop3A_645] {strides = array<i32>} : memref<9x8x128xf32, #tpu.memory_space<vmem>>, vector<16xf32>,
        tpu.vector_store %arg8[%parallel_loop3A_643, %parallel_loop3A_644, %parallel_loop3A_645], %parallel_loop3A_637 {strides = array<i32>} : memref<9x8x128xf32, #tpu.memory_space<vmem>>, vector<16xf32>,
        %parallel_loop3A_647 = arith.constant 16 : i32
        %parallel_loop3A_648 = arith.muli %parallel_loop3A_80, %parallel_loop3A_647 : i32
        %parallel_loop3A_649 = arith.constant 1 : i32
        %parallel_loop3A_650 = arith.constant 5 : i32
        %parallel_loop3A_651 = arith.index_cast %parallel_loop3A_649 : i32 to index
        %parallel_loop3A_652 = arith.index_cast %parallel_loop3A_650 : i32 to index
        %parallel_loop3A_653 = arith.index_cast %parallel_loop3A_648 : i32 to index
        %parallel_loop3A_654 = tpu.vector_load %arg8[%parallel_loop3A_651, %parallel_loop3A_652, %parallel_loop3A_653] {strides = array<i32>} : memref<9x8x128xf32, #tpu.memory_space<vmem>>, vector<16xf32>,
        tpu.vector_store %arg8[%parallel_loop3A_651, %parallel_loop3A_652, %parallel_loop3A_653], %parallel_loop3A_638 {strides = array<i32>} : memref<9x8x128xf32, #tpu.memory_space<vmem>>, vector<16xf32>,
        %parallel_loop3A_655 = arith.constant 1 : i32
        %parallel_loop3A_656 = vector.broadcast %parallel_loop3A_655 : i32 to vector<16xi32>
        %parallel_loop3A_657 = tpu.vector_load_idx %arg5[%parallel_loop3A_656, %parallel_loop3A_632] : memref<8x1024xi32, #tpu.memory_space<vmem>>[vector<16xi32>, vector<16xi32>], vector<16xi32>,
        %parallel_loop3A_658 = vector.bitcast %parallel_loop3A_657 : vector<16xi32> to vector<32xbf16>
        %parallel_loop3A_659 = tpu.unpack_subelements %parallel_loop3A_658, 0 {pack_format = #tpu.pack_format<interleaved>} : vector<32xbf16> -> vector<16xf32>
        %parallel_loop3A_660 = tpu.unpack_subelements %parallel_loop3A_658, 1 {pack_format = #tpu.pack_format<interleaved>} : vector<32xbf16> -> vector<16xf32>
        %parallel_loop3A_661 = arith.constant 16 : i32
        %parallel_loop3A_662 = arith.muli %parallel_loop3A_80, %parallel_loop3A_661 : i32
        %parallel_loop3A_663 = arith.constant 2 : i32
        %parallel_loop3A_664 = arith.constant 5 : i32
        %parallel_loop3A_665 = arith.index_cast %parallel_loop3A_663 : i32 to index
        %parallel_loop3A_666 = arith.index_cast %parallel_loop3A_664 : i32 to index
        %parallel_loop3A_667 = arith.index_cast %parallel_loop3A_662 : i32 to index
        %parallel_loop3A_668 = tpu.vector_load %arg8[%parallel_loop3A_665, %parallel_loop3A_666, %parallel_loop3A_667] {strides = array<i32>} : memref<9x8x128xf32, #tpu.memory_space<vmem>>, vector<16xf32>,
        tpu.vector_store %arg8[%parallel_loop3A_665, %parallel_loop3A_666, %parallel_loop3A_667], %parallel_loop3A_659 {strides = array<i32>} : memref<9x8x128xf32, #tpu.memory_space<vmem>>, vector<16xf32>,
        %parallel_loop3A_669 = arith.constant 16 : i32
        %parallel_loop3A_670 = arith.muli %parallel_loop3A_80, %parallel_loop3A_669 : i32
        %parallel_loop3A_671 = arith.constant 3 : i32
        %parallel_loop3A_672 = arith.constant 5 : i32
        %parallel_loop3A_673 = arith.index_cast %parallel_loop3A_671 : i32 to index
        %parallel_loop3A_674 = arith.index_cast %parallel_loop3A_672 : i32 to index
        %parallel_loop3A_675 = arith.index_cast %parallel_loop3A_670 : i32 to index
        %parallel_loop3A_676 = tpu.vector_load %arg8[%parallel_loop3A_673, %parallel_loop3A_674, %parallel_loop3A_675] {strides = array<i32>} : memref<9x8x128xf32, #tpu.memory_space<vmem>>, vector<16xf32>,
        tpu.vector_store %arg8[%parallel_loop3A_673, %parallel_loop3A_674, %parallel_loop3A_675], %parallel_loop3A_660 {strides = array<i32>} : memref<9x8x128xf32, #tpu.memory_space<vmem>>, vector<16xf32>,
        %parallel_loop3A_677 = arith.constant 2 : i32
        %parallel_loop3A_678 = vector.broadcast %parallel_loop3A_677 : i32 to vector<16xi32>
        %parallel_loop3A_679 = tpu.vector_load_idx %arg5[%parallel_loop3A_678, %parallel_loop3A_632] : memref<8x1024xi32, #tpu.memory_space<vmem>>[vector<16xi32>, vector<16xi32>], vector<16xi32>,
        %parallel_loop3A_680 = vector.bitcast %parallel_loop3A_679 : vector<16xi32> to vector<32xbf16>
        %parallel_loop3A_681 = tpu.unpack_subelements %parallel_loop3A_680, 0 {pack_format = #tpu.pack_format<interleaved>} : vector<32xbf16> -> vector<16xf32>
        %parallel_loop3A_682 = tpu.unpack_subelements %parallel_loop3A_680, 1 {pack_format = #tpu.pack_format<interleaved>} : vector<32xbf16> -> vector<16xf32>
        %parallel_loop3A_683 = arith.constant 16 : i32
        %parallel_loop3A_684 = arith.muli %parallel_loop3A_80, %parallel_loop3A_683 : i32
        %parallel_loop3A_685 = arith.constant 4 : i32
        %parallel_loop3A_686 = arith.constant 5 : i32
        %parallel_loop3A_687 = arith.index_cast %parallel_loop3A_685 : i32 to index
        %parallel_loop3A_688 = arith.index_cast %parallel_loop3A_686 : i32 to index
        %parallel_loop3A_689 = arith.index_cast %parallel_loop3A_684 : i32 to index
        %parallel_loop3A_690 = tpu.vector_load %arg8[%parallel_loop3A_687, %parallel_loop3A_688, %parallel_loop3A_689] {strides = array<i32>} : memref<9x8x128xf32, #tpu.memory_space<vmem>>, vector<16xf32>,
        tpu.vector_store %arg8[%parallel_loop3A_687, %parallel_loop3A_688, %parallel_loop3A_689], %parallel_loop3A_681 {strides = array<i32>} : memref<9x8x128xf32, #tpu.memory_space<vmem>>, vector<16xf32>,
        %parallel_loop3A_691 = arith.constant 16 : i32
        %parallel_loop3A_692 = arith.muli %parallel_loop3A_80, %parallel_loop3A_691 : i32
        %parallel_loop3A_693 = arith.constant 5 : i32
        %parallel_loop3A_694 = arith.constant 5 : i32
        %parallel_loop3A_695 = arith.index_cast %parallel_loop3A_693 : i32 to index
        %parallel_loop3A_696 = arith.index_cast %parallel_loop3A_694 : i32 to index
        %parallel_loop3A_697 = arith.index_cast %parallel_loop3A_692 : i32 to index
        %parallel_loop3A_698 = tpu.vector_load %arg8[%parallel_loop3A_695, %parallel_loop3A_696, %parallel_loop3A_697] {strides = array<i32>} : memref<9x8x128xf32, #tpu.memory_space<vmem>>, vector<16xf32>,
        tpu.vector_store %arg8[%parallel_loop3A_695, %parallel_loop3A_696, %parallel_loop3A_697], %parallel_loop3A_682 {strides = array<i32>} : memref<9x8x128xf32, #tpu.memory_space<vmem>>, vector<16xf32>,
        %parallel_loop3A_699 = arith.constant 3 : i32
        %parallel_loop3A_700 = vector.broadcast %parallel_loop3A_699 : i32 to vector<16xi32>
        %parallel_loop3A_701 = tpu.vector_load_idx %arg5[%parallel_loop3A_700, %parallel_loop3A_632] : memref<8x1024xi32, #tpu.memory_space<vmem>>[vector<16xi32>, vector<16xi32>], vector<16xi32>,
        %parallel_loop3A_702 = vector.bitcast %parallel_loop3A_701 : vector<16xi32> to vector<32xbf16>
        %parallel_loop3A_703 = tpu.unpack_subelements %parallel_loop3A_702, 0 {pack_format = #tpu.pack_format<interleaved>} : vector<32xbf16> -> vector<16xf32>
        %parallel_loop3A_704 = tpu.unpack_subelements %parallel_loop3A_702, 1 {pack_format = #tpu.pack_format<interleaved>} : vector<32xbf16> -> vector<16xf32>
        %parallel_loop3A_705 = arith.constant 16 : i32
        %parallel_loop3A_706 = arith.muli %parallel_loop3A_80, %parallel_loop3A_705 : i32
        %parallel_loop3A_707 = arith.constant 6 : i32
        %parallel_loop3A_708 = arith.constant 5 : i32
        %parallel_loop3A_709 = arith.index_cast %parallel_loop3A_707 : i32 to index
        %parallel_loop3A_710 = arith.index_cast %parallel_loop3A_708 : i32 to index
        %parallel_loop3A_711 = arith.index_cast %parallel_loop3A_706 : i32 to index
        %parallel_loop3A_712 = tpu.vector_load %arg8[%parallel_loop3A_709, %parallel_loop3A_710, %parallel_loop3A_711] {strides = array<i32>} : memref<9x8x128xf32, #tpu.memory_space<vmem>>, vector<16xf32>,
        tpu.vector_store %arg8[%parallel_loop3A_709, %parallel_loop3A_710, %parallel_loop3A_711], %parallel_loop3A_703 {strides = array<i32>} : memref<9x8x128xf32, #tpu.memory_space<vmem>>, vector<16xf32>,
        %parallel_loop3A_713 = arith.constant 16 : i32
        %parallel_loop3A_714 = arith.muli %parallel_loop3A_80, %parallel_loop3A_713 : i32
        %parallel_loop3A_715 = arith.constant 7 : i32
        %parallel_loop3A_716 = arith.constant 5 : i32
        %parallel_loop3A_717 = arith.index_cast %parallel_loop3A_715 : i32 to index
        %parallel_loop3A_718 = arith.index_cast %parallel_loop3A_716 : i32 to index
        %parallel_loop3A_719 = arith.index_cast %parallel_loop3A_714 : i32 to index
        %parallel_loop3A_720 = tpu.vector_load %arg8[%parallel_loop3A_717, %parallel_loop3A_718, %parallel_loop3A_719] {strides = array<i32>} : memref<9x8x128xf32, #tpu.memory_space<vmem>>, vector<16xf32>,
        tpu.vector_store %arg8[%parallel_loop3A_717, %parallel_loop3A_718, %parallel_loop3A_719], %parallel_loop3A_704 {strides = array<i32>} : memref<9x8x128xf32, #tpu.memory_space<vmem>>, vector<16xf32>,
        %parallel_loop3A_721 = arith.constant 4 : i32
        %parallel_loop3A_722 = vector.broadcast %parallel_loop3A_721 : i32 to vector<16xi32>
        %parallel_loop3A_723 = tpu.vector_load_idx %arg5[%parallel_loop3A_722, %parallel_loop3A_632] : memref<8x1024xi32, #tpu.memory_space<vmem>>[vector<16xi32>, vector<16xi32>], vector<16xi32>,
        %parallel_loop3A_724 = vector.bitcast %parallel_loop3A_723 : vector<16xi32> to vector<32xbf16>
        %parallel_loop3A_725 = tpu.unpack_subelements %parallel_loop3A_724, 0 {pack_format = #tpu.pack_format<interleaved>} : vector<32xbf16> -> vector<16xf32>
        %parallel_loop3A_726 = tpu.unpack_subelements %parallel_loop3A_724, 1 {pack_format = #tpu.pack_format<interleaved>} : vector<32xbf16> -> vector<16xf32>
        %parallel_loop3A_727 = arith.constant 16 : i32
        %parallel_loop3A_728 = arith.muli %parallel_loop3A_80, %parallel_loop3A_727 : i32
        %parallel_loop3A_729 = arith.constant 8 : i32
        %parallel_loop3A_730 = arith.constant 5 : i32
        %parallel_loop3A_731 = arith.index_cast %parallel_loop3A_729 : i32 to index
        %parallel_loop3A_732 = arith.index_cast %parallel_loop3A_730 : i32 to index
        %parallel_loop3A_733 = arith.index_cast %parallel_loop3A_728 : i32 to index
        %parallel_loop3A_734 = tpu.vector_load %arg8[%parallel_loop3A_731, %parallel_loop3A_732, %parallel_loop3A_733] {strides = array<i32>} : memref<9x8x128xf32, #tpu.memory_space<vmem>>, vector<16xf32>,
        tpu.vector_store %arg8[%parallel_loop3A_731, %parallel_loop3A_732, %parallel_loop3A_733], %parallel_loop3A_725 {strides = array<i32>} : memref<9x8x128xf32, #tpu.memory_space<vmem>>, vector<16xf32>,
        %parallel_loop3A_735 = arith.constant 6 : i32
        %parallel_loop3A_736 = arith.addi %mul3A_70, %parallel_loop3A_735 : i32
        %parallel_loop3A_737 = arith.constant 16 : i32
        %parallel_loop3A_738 = arith.muli %parallel_loop3A_80, %parallel_loop3A_737 : i32
        %parallel_loop3A_739 = arith.index_cast %parallel_loop3A_736 : i32 to index
        %parallel_loop3A_740 = arith.index_cast %parallel_loop3A_738 : i32 to index
        %parallel_loop3A_741 = tpu.vector_load %arg6[%parallel_loop3A_739, %parallel_loop3A_740] {strides = array<i32>} : memref<200x128xi32, #tpu.memory_space<vmem>>, vector<16xi32>,
        %parallel_loop3A_742 = arith.constant 0 : i32
        %parallel_loop3A_743 = vector.broadcast %parallel_loop3A_742 : i32 to vector<16xi32>
        %parallel_loop3A_744 = tpu.vector_load_idx %arg5[%parallel_loop3A_743, %parallel_loop3A_741] : memref<8x1024xi32, #tpu.memory_space<vmem>>[vector<16xi32>, vector<16xi32>], vector<16xi32>,
        %parallel_loop3A_745 = vector.bitcast %parallel_loop3A_744 : vector<16xi32> to vector<32xbf16>
        %parallel_loop3A_746 = tpu.unpack_subelements %parallel_loop3A_745, 0 {pack_format = #tpu.pack_format<interleaved>} : vector<32xbf16> -> vector<16xf32>
        %parallel_loop3A_747 = tpu.unpack_subelements %parallel_loop3A_745, 1 {pack_format = #tpu.pack_format<interleaved>} : vector<32xbf16> -> vector<16xf32>
        %parallel_loop3A_748 = arith.constant 16 : i32
        %parallel_loop3A_749 = arith.muli %parallel_loop3A_80, %parallel_loop3A_748 : i32
        %parallel_loop3A_750 = arith.constant 0 : i32
        %parallel_loop3A_751 = arith.constant 6 : i32
        %parallel_loop3A_752 = arith.index_cast %parallel_loop3A_750 : i32 to index
        %parallel_loop3A_753 = arith.index_cast %parallel_loop3A_751 : i32 to index
        %parallel_loop3A_754 = arith.index_cast %parallel_loop3A_749 : i32 to index
        %parallel_loop3A_755 = tpu.vector_load %arg8[%parallel_loop3A_752, %parallel_loop3A_753, %parallel_loop3A_754] {strides = array<i32>} : memref<9x8x128xf32, #tpu.memory_space<vmem>>, vector<16xf32>,
        tpu.vector_store %arg8[%parallel_loop3A_752, %parallel_loop3A_753, %parallel_loop3A_754], %parallel_loop3A_746 {strides = array<i32>} : memref<9x8x128xf32, #tpu.memory_space<vmem>>, vector<16xf32>,
        %parallel_loop3A_756 = arith.constant 16 : i32
        %parallel_loop3A_757 = arith.muli %parallel_loop3A_80, %parallel_loop3A_756 : i32
        %parallel_loop3A_758 = arith.constant 1 : i32
        %parallel_loop3A_759 = arith.constant 6 : i32
        %parallel_loop3A_760 = arith.index_cast %parallel_loop3A_758 : i32 to index
        %parallel_loop3A_761 = arith.index_cast %parallel_loop3A_759 : i32 to index
        %parallel_loop3A_762 = arith.index_cast %parallel_loop3A_757 : i32 to index
        %parallel_loop3A_763 = tpu.vector_load %arg8[%parallel_loop3A_760, %parallel_loop3A_761, %parallel_loop3A_762] {strides = array<i32>} : memref<9x8x128xf32, #tpu.memory_space<vmem>>, vector<16xf32>,
        tpu.vector_store %arg8[%parallel_loop3A_760, %parallel_loop3A_761, %parallel_loop3A_762], %parallel_loop3A_747 {strides = array<i32>} : memref<9x8x128xf32, #tpu.memory_space<vmem>>, vector<16xf32>,
        %parallel_loop3A_764 = arith.constant 1 : i32
        %parallel_loop3A_765 = vector.broadcast %parallel_loop3A_764 : i32 to vector<16xi32>
        %parallel_loop3A_766 = tpu.vector_load_idx %arg5[%parallel_loop3A_765, %parallel_loop3A_741] : memref<8x1024xi32, #tpu.memory_space<vmem>>[vector<16xi32>, vector<16xi32>], vector<16xi32>,
        %parallel_loop3A_767 = vector.bitcast %parallel_loop3A_766 : vector<16xi32> to vector<32xbf16>
        %parallel_loop3A_768 = tpu.unpack_subelements %parallel_loop3A_767, 0 {pack_format = #tpu.pack_format<interleaved>} : vector<32xbf16> -> vector<16xf32>
        %parallel_loop3A_769 = tpu.unpack_subelements %parallel_loop3A_767, 1 {pack_format = #tpu.pack_format<interleaved>} : vector<32xbf16> -> vector<16xf32>
        %parallel_loop3A_770 = arith.constant 16 : i32
        %parallel_loop3A_771 = arith.muli %parallel_loop3A_80, %parallel_loop3A_770 : i32
        %parallel_loop3A_772 = arith.constant 2 : i32
        %parallel_loop3A_773 = arith.constant 6 : i32
        %parallel_loop3A_774 = arith.index_cast %parallel_loop3A_772 : i32 to index
        %parallel_loop3A_775 = arith.index_cast %parallel_loop3A_773 : i32 to index
        %parallel_loop3A_776 = arith.index_cast %parallel_loop3A_771 : i32 to index
        %parallel_loop3A_777 = tpu.vector_load %arg8[%parallel_loop3A_774, %parallel_loop3A_775, %parallel_loop3A_776] {strides = array<i32>} : memref<9x8x128xf32, #tpu.memory_space<vmem>>, vector<16xf32>,
        tpu.vector_store %arg8[%parallel_loop3A_774, %parallel_loop3A_775, %parallel_loop3A_776], %parallel_loop3A_768 {strides = array<i32>} : memref<9x8x128xf32, #tpu.memory_space<vmem>>, vector<16xf32>,
        %parallel_loop3A_778 = arith.constant 16 : i32
        %parallel_loop3A_779 = arith.muli %parallel_loop3A_80, %parallel_loop3A_778 : i32
        %parallel_loop3A_780 = arith.constant 3 : i32
        %parallel_loop3A_781 = arith.constant 6 : i32
        %parallel_loop3A_782 = arith.index_cast %parallel_loop3A_780 : i32 to index
        %parallel_loop3A_783 = arith.index_cast %parallel_loop3A_781 : i32 to index
        %parallel_loop3A_784 = arith.index_cast %parallel_loop3A_779 : i32 to index
        %parallel_loop3A_785 = tpu.vector_load %arg8[%parallel_loop3A_782, %parallel_loop3A_783, %parallel_loop3A_784] {strides = array<i32>} : memref<9x8x128xf32, #tpu.memory_space<vmem>>, vector<16xf32>,
        tpu.vector_store %arg8[%parallel_loop3A_782, %parallel_loop3A_783, %parallel_loop3A_784], %parallel_loop3A_769 {strides = array<i32>} : memref<9x8x128xf32, #tpu.memory_space<vmem>>, vector<16xf32>,
        %parallel_loop3A_786 = arith.constant 2 : i32
        %parallel_loop3A_787 = vector.broadcast %parallel_loop3A_786 : i32 to vector<16xi32>
        %parallel_loop3A_788 = tpu.vector_load_idx %arg5[%parallel_loop3A_787, %parallel_loop3A_741] : memref<8x1024xi32, #tpu.memory_space<vmem>>[vector<16xi32>, vector<16xi32>], vector<16xi32>,
        %parallel_loop3A_789 = vector.bitcast %parallel_loop3A_788 : vector<16xi32> to vector<32xbf16>
        %parallel_loop3A_790 = tpu.unpack_subelements %parallel_loop3A_789, 0 {pack_format = #tpu.pack_format<interleaved>} : vector<32xbf16> -> vector<16xf32>
        %parallel_loop3A_791 = tpu.unpack_subelements %parallel_loop3A_789, 1 {pack_format = #tpu.pack_format<interleaved>} : vector<32xbf16> -> vector<16xf32>
        %parallel_loop3A_792 = arith.constant 16 : i32
        %parallel_loop3A_793 = arith.muli %parallel_loop3A_80, %parallel_loop3A_792 : i32
        %parallel_loop3A_794 = arith.constant 4 : i32
        %parallel_loop3A_795 = arith.constant 6 : i32
        %parallel_loop3A_796 = arith.index_cast %parallel_loop3A_794 : i32 to index
        %parallel_loop3A_797 = arith.index_cast %parallel_loop3A_795 : i32 to index
        %parallel_loop3A_798 = arith.index_cast %parallel_loop3A_793 : i32 to index
        %parallel_loop3A_799 = tpu.vector_load %arg8[%parallel_loop3A_796, %parallel_loop3A_797, %parallel_loop3A_798] {strides = array<i32>} : memref<9x8x128xf32, #tpu.memory_space<vmem>>, vector<16xf32>,
        tpu.vector_store %arg8[%parallel_loop3A_796, %parallel_loop3A_797, %parallel_loop3A_798], %parallel_loop3A_790 {strides = array<i32>} : memref<9x8x128xf32, #tpu.memory_space<vmem>>, vector<16xf32>,
        %parallel_loop3A_800 = arith.constant 16 : i32
        %parallel_loop3A_801 = arith.muli %parallel_loop3A_80, %parallel_loop3A_800 : i32
        %parallel_loop3A_802 = arith.constant 5 : i32
        %parallel_loop3A_803 = arith.constant 6 : i32
        %parallel_loop3A_804 = arith.index_cast %parallel_loop3A_802 : i32 to index
        %parallel_loop3A_805 = arith.index_cast %parallel_loop3A_803 : i32 to index
        %parallel_loop3A_806 = arith.index_cast %parallel_loop3A_801 : i32 to index
        %parallel_loop3A_807 = tpu.vector_load %arg8[%parallel_loop3A_804, %parallel_loop3A_805, %parallel_loop3A_806] {strides = array<i32>} : memref<9x8x128xf32, #tpu.memory_space<vmem>>, vector<16xf32>,
        tpu.vector_store %arg8[%parallel_loop3A_804, %parallel_loop3A_805, %parallel_loop3A_806], %parallel_loop3A_791 {strides = array<i32>} : memref<9x8x128xf32, #tpu.memory_space<vmem>>, vector<16xf32>,
        %parallel_loop3A_808 = arith.constant 3 : i32
        %parallel_loop3A_809 = vector.broadcast %parallel_loop3A_808 : i32 to vector<16xi32>
        %parallel_loop3A_810 = tpu.vector_load_idx %arg5[%parallel_loop3A_809, %parallel_loop3A_741] : memref<8x1024xi32, #tpu.memory_space<vmem>>[vector<16xi32>, vector<16xi32>], vector<16xi32>,
        %parallel_loop3A_811 = vector.bitcast %parallel_loop3A_810 : vector<16xi32> to vector<32xbf16>
        %parallel_loop3A_812 = tpu.unpack_subelements %parallel_loop3A_811, 0 {pack_format = #tpu.pack_format<interleaved>} : vector<32xbf16> -> vector<16xf32>
        %parallel_loop3A_813 = tpu.unpack_subelements %parallel_loop3A_811, 1 {pack_format = #tpu.pack_format<interleaved>} : vector<32xbf16> -> vector<16xf32>
        %parallel_loop3A_814 = arith.constant 16 : i32
        %parallel_loop3A_815 = arith.muli %parallel_loop3A_80, %parallel_loop3A_814 : i32
        %parallel_loop3A_816 = arith.constant 6 : i32
        %parallel_loop3A_817 = arith.constant 6 : i32
        %parallel_loop3A_818 = arith.index_cast %parallel_loop3A_816 : i32 to index
        %parallel_loop3A_819 = arith.index_cast %parallel_loop3A_817 : i32 to index
        %parallel_loop3A_820 = arith.index_cast %parallel_loop3A_815 : i32 to index
        %parallel_loop3A_821 = tpu.vector_load %arg8[%parallel_loop3A_818, %parallel_loop3A_819, %parallel_loop3A_820] {strides = array<i32>} : memref<9x8x128xf32, #tpu.memory_space<vmem>>, vector<16xf32>,
        tpu.vector_store %arg8[%parallel_loop3A_818, %parallel_loop3A_819, %parallel_loop3A_820], %parallel_loop3A_812 {strides = array<i32>} : memref<9x8x128xf32, #tpu.memory_space<vmem>>, vector<16xf32>,
        %parallel_loop3A_822 = arith.constant 16 : i32
        %parallel_loop3A_823 = arith.muli %parallel_loop3A_80, %parallel_loop3A_822 : i32
        %parallel_loop3A_824 = arith.constant 7 : i32
        %parallel_loop3A_825 = arith.constant 6 : i32
        %parallel_loop3A_826 = arith.index_cast %parallel_loop3A_824 : i32 to index
        %parallel_loop3A_827 = arith.index_cast %parallel_loop3A_825 : i32 to index
        %parallel_loop3A_828 = arith.index_cast %parallel_loop3A_823 : i32 to index
        %parallel_loop3A_829 = tpu.vector_load %arg8[%parallel_loop3A_826, %parallel_loop3A_827, %parallel_loop3A_828] {strides = array<i32>} : memref<9x8x128xf32, #tpu.memory_space<vmem>>, vector<16xf32>,
        tpu.vector_store %arg8[%parallel_loop3A_826, %parallel_loop3A_827, %parallel_loop3A_828], %parallel_loop3A_813 {strides = array<i32>} : memref<9x8x128xf32, #tpu.memory_space<vmem>>, vector<16xf32>,
        %parallel_loop3A_830 = arith.constant 4 : i32
        %parallel_loop3A_831 = vector.broadcast %parallel_loop3A_830 : i32 to vector<16xi32>
        %parallel_loop3A_832 = tpu.vector_load_idx %arg5[%parallel_loop3A_831, %parallel_loop3A_741] : memref<8x1024xi32, #tpu.memory_space<vmem>>[vector<16xi32>, vector<16xi32>], vector<16xi32>,
        %parallel_loop3A_833 = vector.bitcast %parallel_loop3A_832 : vector<16xi32> to vector<32xbf16>
        %parallel_loop3A_834 = tpu.unpack_subelements %parallel_loop3A_833, 0 {pack_format = #tpu.pack_format<interleaved>} : vector<32xbf16> -> vector<16xf32>
        %parallel_loop3A_835 = tpu.unpack_subelements %parallel_loop3A_833, 1 {pack_format = #tpu.pack_format<interleaved>} : vector<32xbf16> -> vector<16xf32>
        %parallel_loop3A_836 = arith.constant 16 : i32
        %parallel_loop3A_837 = arith.muli %parallel_loop3A_80, %parallel_loop3A_836 : i32
        %parallel_loop3A_838 = arith.constant 8 : i32
        %parallel_loop3A_839 = arith.constant 6 : i32
        %parallel_loop3A_840 = arith.index_cast %parallel_loop3A_838 : i32 to index
        %parallel_loop3A_841 = arith.index_cast %parallel_loop3A_839 : i32 to index
        %parallel_loop3A_842 = arith.index_cast %parallel_loop3A_837 : i32 to index
        %parallel_loop3A_843 = tpu.vector_load %arg8[%parallel_loop3A_840, %parallel_loop3A_841, %parallel_loop3A_842] {strides = array<i32>} : memref<9x8x128xf32, #tpu.memory_space<vmem>>, vector<16xf32>,
        tpu.vector_store %arg8[%parallel_loop3A_840, %parallel_loop3A_841, %parallel_loop3A_842], %parallel_loop3A_834 {strides = array<i32>} : memref<9x8x128xf32, #tpu.memory_space<vmem>>, vector<16xf32>,
        %parallel_loop3A_844 = arith.constant 7 : i32
        %parallel_loop3A_845 = arith.addi %mul3A_70, %parallel_loop3A_844 : i32
        %parallel_loop3A_846 = arith.constant 16 : i32
        %parallel_loop3A_847 = arith.muli %parallel_loop3A_80, %parallel_loop3A_846 : i32
        %parallel_loop3A_848 = arith.index_cast %parallel_loop3A_845 : i32 to index
        %parallel_loop3A_849 = arith.index_cast %parallel_loop3A_847 : i32 to index
        %parallel_loop3A_850 = tpu.vector_load %arg6[%parallel_loop3A_848, %parallel_loop3A_849] {strides = array<i32>} : memref<200x128xi32, #tpu.memory_space<vmem>>, vector<16xi32>,
        %parallel_loop3A_851 = arith.constant 0 : i32
        %parallel_loop3A_852 = vector.broadcast %parallel_loop3A_851 : i32 to vector<16xi32>
        %parallel_loop3A_853 = tpu.vector_load_idx %arg5[%parallel_loop3A_852, %parallel_loop3A_850] : memref<8x1024xi32, #tpu.memory_space<vmem>>[vector<16xi32>, vector<16xi32>], vector<16xi32>,
        %parallel_loop3A_854 = vector.bitcast %parallel_loop3A_853 : vector<16xi32> to vector<32xbf16>
        %parallel_loop3A_855 = tpu.unpack_subelements %parallel_loop3A_854, 0 {pack_format = #tpu.pack_format<interleaved>} : vector<32xbf16> -> vector<16xf32>
        %parallel_loop3A_856 = tpu.unpack_subelements %parallel_loop3A_854, 1 {pack_format = #tpu.pack_format<interleaved>} : vector<32xbf16> -> vector<16xf32>
        %parallel_loop3A_857 = arith.constant 16 : i32
        %parallel_loop3A_858 = arith.muli %parallel_loop3A_80, %parallel_loop3A_857 : i32
        %parallel_loop3A_859 = arith.constant 0 : i32
        %parallel_loop3A_860 = arith.constant 7 : i32
        %parallel_loop3A_861 = arith.index_cast %parallel_loop3A_859 : i32 to index
        %parallel_loop3A_862 = arith.index_cast %parallel_loop3A_860 : i32 to index
        %parallel_loop3A_863 = arith.index_cast %parallel_loop3A_858 : i32 to index
        %parallel_loop3A_864 = tpu.vector_load %arg8[%parallel_loop3A_861, %parallel_loop3A_862, %parallel_loop3A_863] {strides = array<i32>} : memref<9x8x128xf32, #tpu.memory_space<vmem>>, vector<16xf32>,
        tpu.vector_store %arg8[%parallel_loop3A_861, %parallel_loop3A_862, %parallel_loop3A_863], %parallel_loop3A_855 {strides = array<i32>} : memref<9x8x128xf32, #tpu.memory_space<vmem>>, vector<16xf32>,
        %parallel_loop3A_865 = arith.constant 16 : i32
        %parallel_loop3A_866 = arith.muli %parallel_loop3A_80, %parallel_loop3A_865 : i32
        %parallel_loop3A_867 = arith.constant 1 : i32
        %parallel_loop3A_868 = arith.constant 7 : i32
        %parallel_loop3A_869 = arith.index_cast %parallel_loop3A_867 : i32 to index
        %parallel_loop3A_870 = arith.index_cast %parallel_loop3A_868 : i32 to index
        %parallel_loop3A_871 = arith.index_cast %parallel_loop3A_866 : i32 to index
        %parallel_loop3A_872 = tpu.vector_load %arg8[%parallel_loop3A_869, %parallel_loop3A_870, %parallel_loop3A_871] {strides = array<i32>} : memref<9x8x128xf32, #tpu.memory_space<vmem>>, vector<16xf32>,
        tpu.vector_store %arg8[%parallel_loop3A_869, %parallel_loop3A_870, %parallel_loop3A_871], %parallel_loop3A_856 {strides = array<i32>} : memref<9x8x128xf32, #tpu.memory_space<vmem>>, vector<16xf32>,
        %parallel_loop3A_873 = arith.constant 1 : i32
        %parallel_loop3A_874 = vector.broadcast %parallel_loop3A_873 : i32 to vector<16xi32>
        %parallel_loop3A_875 = tpu.vector_load_idx %arg5[%parallel_loop3A_874, %parallel_loop3A_850] : memref<8x1024xi32, #tpu.memory_space<vmem>>[vector<16xi32>, vector<16xi32>], vector<16xi32>,
        %parallel_loop3A_876 = vector.bitcast %parallel_loop3A_875 : vector<16xi32> to vector<32xbf16>
        %parallel_loop3A_877 = tpu.unpack_subelements %parallel_loop3A_876, 0 {pack_format = #tpu.pack_format<interleaved>} : vector<32xbf16> -> vector<16xf32>
        %parallel_loop3A_878 = tpu.unpack_subelements %parallel_loop3A_876, 1 {pack_format = #tpu.pack_format<interleaved>} : vector<32xbf16> -> vector<16xf32>
        %parallel_loop3A_879 = arith.constant 16 : i32
        %parallel_loop3A_880 = arith.muli %parallel_loop3A_80, %parallel_loop3A_879 : i32
        %parallel_loop3A_881 = arith.constant 2 : i32
        %parallel_loop3A_882 = arith.constant 7 : i32
        %parallel_loop3A_883 = arith.index_cast %parallel_loop3A_881 : i32 to index
        %parallel_loop3A_884 = arith.index_cast %parallel_loop3A_882 : i32 to index
        %parallel_loop3A_885 = arith.index_cast %parallel_loop3A_880 : i32 to index
        %parallel_loop3A_886 = tpu.vector_load %arg8[%parallel_loop3A_883, %parallel_loop3A_884, %parallel_loop3A_885] {strides = array<i32>} : memref<9x8x128xf32, #tpu.memory_space<vmem>>, vector<16xf32>,
        tpu.vector_store %arg8[%parallel_loop3A_883, %parallel_loop3A_884, %parallel_loop3A_885], %parallel_loop3A_877 {strides = array<i32>} : memref<9x8x128xf32, #tpu.memory_space<vmem>>, vector<16xf32>,
        %parallel_loop3A_887 = arith.constant 16 : i32
        %parallel_loop3A_888 = arith.muli %parallel_loop3A_80, %parallel_loop3A_887 : i32
        %parallel_loop3A_889 = arith.constant 3 : i32
        %parallel_loop3A_890 = arith.constant 7 : i32
        %parallel_loop3A_891 = arith.index_cast %parallel_loop3A_889 : i32 to index
        %parallel_loop3A_892 = arith.index_cast %parallel_loop3A_890 : i32 to index
        %parallel_loop3A_893 = arith.index_cast %parallel_loop3A_888 : i32 to index
        %parallel_loop3A_894 = tpu.vector_load %arg8[%parallel_loop3A_891, %parallel_loop3A_892, %parallel_loop3A_893] {strides = array<i32>} : memref<9x8x128xf32, #tpu.memory_space<vmem>>, vector<16xf32>,
        tpu.vector_store %arg8[%parallel_loop3A_891, %parallel_loop3A_892, %parallel_loop3A_893], %parallel_loop3A_878 {strides = array<i32>} : memref<9x8x128xf32, #tpu.memory_space<vmem>>, vector<16xf32>,
        %parallel_loop3A_895 = arith.constant 2 : i32
        %parallel_loop3A_896 = vector.broadcast %parallel_loop3A_895 : i32 to vector<16xi32>
        %parallel_loop3A_897 = tpu.vector_load_idx %arg5[%parallel_loop3A_896, %parallel_loop3A_850] : memref<8x1024xi32, #tpu.memory_space<vmem>>[vector<16xi32>, vector<16xi32>], vector<16xi32>,
        %parallel_loop3A_898 = vector.bitcast %parallel_loop3A_897 : vector<16xi32> to vector<32xbf16>
        %parallel_loop3A_899 = tpu.unpack_subelements %parallel_loop3A_898, 0 {pack_format = #tpu.pack_format<interleaved>} : vector<32xbf16> -> vector<16xf32>
        %parallel_loop3A_900 = tpu.unpack_subelements %parallel_loop3A_898, 1 {pack_format = #tpu.pack_format<interleaved>} : vector<32xbf16> -> vector<16xf32>
        %parallel_loop3A_901 = arith.constant 16 : i32
        %parallel_loop3A_902 = arith.muli %parallel_loop3A_80, %parallel_loop3A_901 : i32
        %parallel_loop3A_903 = arith.constant 4 : i32
        %parallel_loop3A_904 = arith.constant 7 : i32
        %parallel_loop3A_905 = arith.index_cast %parallel_loop3A_903 : i32 to index
        %parallel_loop3A_906 = arith.index_cast %parallel_loop3A_904 : i32 to index
        %parallel_loop3A_907 = arith.index_cast %parallel_loop3A_902 : i32 to index
        %parallel_loop3A_908 = tpu.vector_load %arg8[%parallel_loop3A_905, %parallel_loop3A_906, %parallel_loop3A_907] {strides = array<i32>} : memref<9x8x128xf32, #tpu.memory_space<vmem>>, vector<16xf32>,
        tpu.vector_store %arg8[%parallel_loop3A_905, %parallel_loop3A_906, %parallel_loop3A_907], %parallel_loop3A_899 {strides = array<i32>} : memref<9x8x128xf32, #tpu.memory_space<vmem>>, vector<16xf32>,
        %parallel_loop3A_909 = arith.constant 16 : i32
        %parallel_loop3A_910 = arith.muli %parallel_loop3A_80, %parallel_loop3A_909 : i32
        %parallel_loop3A_911 = arith.constant 5 : i32
        %parallel_loop3A_912 = arith.constant 7 : i32
        %parallel_loop3A_913 = arith.index_cast %parallel_loop3A_911 : i32 to index
        %parallel_loop3A_914 = arith.index_cast %parallel_loop3A_912 : i32 to index
        %parallel_loop3A_915 = arith.index_cast %parallel_loop3A_910 : i32 to index
        %parallel_loop3A_916 = tpu.vector_load %arg8[%parallel_loop3A_913, %parallel_loop3A_914, %parallel_loop3A_915] {strides = array<i32>} : memref<9x8x128xf32, #tpu.memory_space<vmem>>, vector<16xf32>,
        tpu.vector_store %arg8[%parallel_loop3A_913, %parallel_loop3A_914, %parallel_loop3A_915], %parallel_loop3A_900 {strides = array<i32>} : memref<9x8x128xf32, #tpu.memory_space<vmem>>, vector<16xf32>,
        %parallel_loop3A_917 = arith.constant 3 : i32
        %parallel_loop3A_918 = vector.broadcast %parallel_loop3A_917 : i32 to vector<16xi32>
        %parallel_loop3A_919 = tpu.vector_load_idx %arg5[%parallel_loop3A_918, %parallel_loop3A_850] : memref<8x1024xi32, #tpu.memory_space<vmem>>[vector<16xi32>, vector<16xi32>], vector<16xi32>,
        %parallel_loop3A_920 = vector.bitcast %parallel_loop3A_919 : vector<16xi32> to vector<32xbf16>
        %parallel_loop3A_921 = tpu.unpack_subelements %parallel_loop3A_920, 0 {pack_format = #tpu.pack_format<interleaved>} : vector<32xbf16> -> vector<16xf32>
        %parallel_loop3A_922 = tpu.unpack_subelements %parallel_loop3A_920, 1 {pack_format = #tpu.pack_format<interleaved>} : vector<32xbf16> -> vector<16xf32>
        %parallel_loop3A_923 = arith.constant 16 : i32
        %parallel_loop3A_924 = arith.muli %parallel_loop3A_80, %parallel_loop3A_923 : i32
        %parallel_loop3A_925 = arith.constant 6 : i32
        %parallel_loop3A_926 = arith.constant 7 : i32
        %parallel_loop3A_927 = arith.index_cast %parallel_loop3A_925 : i32 to index
        %parallel_loop3A_928 = arith.index_cast %parallel_loop3A_926 : i32 to index
        %parallel_loop3A_929 = arith.index_cast %parallel_loop3A_924 : i32 to index
        %parallel_loop3A_930 = tpu.vector_load %arg8[%parallel_loop3A_927, %parallel_loop3A_928, %parallel_loop3A_929] {strides = array<i32>} : memref<9x8x128xf32, #tpu.memory_space<vmem>>, vector<16xf32>,
        tpu.vector_store %arg8[%parallel_loop3A_927, %parallel_loop3A_928, %parallel_loop3A_929], %parallel_loop3A_921 {strides = array<i32>} : memref<9x8x128xf32, #tpu.memory_space<vmem>>, vector<16xf32>,
        %parallel_loop3A_931 = arith.constant 16 : i32
        %parallel_loop3A_932 = arith.muli %parallel_loop3A_80, %parallel_loop3A_931 : i32
        %parallel_loop3A_933 = arith.constant 7 : i32
        %parallel_loop3A_934 = arith.constant 7 : i32
        %parallel_loop3A_935 = arith.index_cast %parallel_loop3A_933 : i32 to index
        %parallel_loop3A_936 = arith.index_cast %parallel_loop3A_934 : i32 to index
        %parallel_loop3A_937 = arith.index_cast %parallel_loop3A_932 : i32 to index
        %parallel_loop3A_938 = tpu.vector_load %arg8[%parallel_loop3A_935, %parallel_loop3A_936, %parallel_loop3A_937] {strides = array<i32>} : memref<9x8x128xf32, #tpu.memory_space<vmem>>, vector<16xf32>,
        tpu.vector_store %arg8[%parallel_loop3A_935, %parallel_loop3A_936, %parallel_loop3A_937], %parallel_loop3A_922 {strides = array<i32>} : memref<9x8x128xf32, #tpu.memory_space<vmem>>, vector<16xf32>,
        %parallel_loop3A_939 = arith.constant 4 : i32
        %parallel_loop3A_940 = vector.broadcast %parallel_loop3A_939 : i32 to vector<16xi32>
        %parallel_loop3A_941 = tpu.vector_load_idx %arg5[%parallel_loop3A_940, %parallel_loop3A_850] : memref<8x1024xi32, #tpu.memory_space<vmem>>[vector<16xi32>, vector<16xi32>], vector<16xi32>,
        %parallel_loop3A_942 = vector.bitcast %parallel_loop3A_941 : vector<16xi32> to vector<32xbf16>
        %parallel_loop3A_943 = tpu.unpack_subelements %parallel_loop3A_942, 0 {pack_format = #tpu.pack_format<interleaved>} : vector<32xbf16> -> vector<16xf32>
        %parallel_loop3A_944 = tpu.unpack_subelements %parallel_loop3A_942, 1 {pack_format = #tpu.pack_format<interleaved>} : vector<32xbf16> -> vector<16xf32>
        %parallel_loop3A_945 = arith.constant 16 : i32
        %parallel_loop3A_946 = arith.muli %parallel_loop3A_80, %parallel_loop3A_945 : i32
        %parallel_loop3A_947 = arith.constant 8 : i32
        %parallel_loop3A_948 = arith.constant 7 : i32
        %parallel_loop3A_949 = arith.index_cast %parallel_loop3A_947 : i32 to index
        %parallel_loop3A_950 = arith.index_cast %parallel_loop3A_948 : i32 to index
        %parallel_loop3A_951 = arith.index_cast %parallel_loop3A_946 : i32 to index
        %parallel_loop3A_952 = tpu.vector_load %arg8[%parallel_loop3A_949, %parallel_loop3A_950, %parallel_loop3A_951] {strides = array<i32>} : memref<9x8x128xf32, #tpu.memory_space<vmem>>, vector<16xf32>,
        tpu.vector_store %arg8[%parallel_loop3A_949, %parallel_loop3A_950, %parallel_loop3A_951], %parallel_loop3A_943 {strides = array<i32>} : memref<9x8x128xf32, #tpu.memory_space<vmem>>, vector<16xf32>,
      } {sc.loop_unroll_factor = 4 : i64, sc.parallel_access}
      %mul3A_74 = arith.constant 8 : i32
      %mul3A_75 = arith.muli %add3A_63, %mul3A_74 : i32
      %dma_start3A_76 = arith.constant 0 : i32
      %dma_start3A_77 = tpu.memref_slice %arg4[%dma_start3A_76, %mul3A_75, %mul3A_2] : memref<9x200x4096xf32, #tpu.memory_space<hbm>> -> memref<9x8x128xf32, #tpu.memory_space<hbm>>
      %dma_start3A_78 = arith.constant 0 : i32
      %dma_start3A_79 = tpu.memref_slice %arg4[%dma_start3A_78, %mul3A_75, %mul3A_2] : memref<9x200x4096xf32, #tpu.memory_space<hbm>> -> memref<9x8x128xf32, #tpu.memory_space<hbm>>
      tpu.enqueue_dma source(%arg8 : memref<9x8x128xf32, #tpu.memory_space<vmem>>) target(%dma_start3A_79 : memref<9x8x128xf32, #tpu.memory_space<hbm>>) target_semaphore(%arg10 : memref<!tpu.dma_semaphore, #tpu.memory_space<semaphore_mem>>)
    }
    %scan3A_7 = arith.constant 12 : i32
    %dma_wait3A = arith.constant 0 : i32
    %dma_wait3A_8 = arith.constant 0 : i32
    %dma_wait3A_9 = arith.constant 0 : i32
    %dma_wait3A_10 = tpu.memref_slice %arg4[%dma_wait3A, %dma_wait3A_8, %dma_wait3A_9] : memref<9x200x4096xf32, #tpu.memory_space<hbm>> -> memref<9x8x128xf32, #tpu.memory_space<hbm>>
    %dma_wait3A_11 = arith.constant 0 : i32
    %dma_wait3A_12 = arith.constant 0 : i32
    %dma_wait3A_13 = arith.constant 0 : i32
    %dma_wait3A_14 = tpu.memref_slice %arg4[%dma_wait3A_11, %dma_wait3A_12, %dma_wait3A_13] : memref<9x200x4096xf32, #tpu.memory_space<hbm>> -> memref<9x8x128xf32, #tpu.memory_space<hbm>>
    tpu.wait_dma2 semaphore(%arg9 : memref<!tpu.dma_semaphore, #tpu.memory_space<semaphore_mem>>) src(%dma_wait3A_14 : memref<9x8x128xf32, #tpu.memory_space<hbm>>) dst(%arg7 : memref<9x8x128xf32, #tpu.memory_space<vmem>>)
    %mul3A_15 = arith.constant 24 : i32
    %mul3A_16 = arith.constant 8 : i32
    %mul3A_17 = arith.muli %mul3A_15, %mul3A_16 : i32
    %parallel_loop3A = arith.constant 0 : i32
    %parallel_loop3A_18 = arith.constant 8 : i32
    %parallel_loop3A_19 = arith.constant 1 : i32
    scf.for %parallel_loop3A_42 = %parallel_loop3A to %parallel_loop3A_18 step %parallel_loop3A_19  : i32 {
      %parallel_loop3A_43 = arith.constant 0 : i32
      %parallel_loop3A_44 = arith.addi %mul3A_17, %parallel_loop3A_43 : i32
      %parallel_loop3A_45 = arith.constant 16 : i32
      %parallel_loop3A_46 = arith.muli %parallel_loop3A_42, %parallel_loop3A_45 : i32
      %parallel_loop3A_47 = arith.index_cast %parallel_loop3A_44 : i32 to index
      %parallel_loop3A_48 = arith.index_cast %parallel_loop3A_46 : i32 to index
      %parallel_loop3A_49 = tpu.vector_load %arg6[%parallel_loop3A_47, %parallel_loop3A_48] {strides = array<i32>} : memref<200x128xi32, #tpu.memory_space<vmem>>, vector<16xi32>,
      %parallel_loop3A_50 = arith.constant 0 : i32
      %parallel_loop3A_51 = vector.broadcast %parallel_loop3A_50 : i32 to vector<16xi32>
      %parallel_loop3A_52 = tpu.vector_load_idx %arg5[%parallel_loop3A_51, %parallel_loop3A_49] : memref<8x1024xi32, #tpu.memory_space<vmem>>[vector<16xi32>, vector<16xi32>], vector<16xi32>,
      %parallel_loop3A_53 = vector.bitcast %parallel_loop3A_52 : vector<16xi32> to vector<32xbf16>
      %parallel_loop3A_54 = tpu.unpack_subelements %parallel_loop3A_53, 0 {pack_format = #tpu.pack_format<interleaved>} : vector<32xbf16> -> vector<16xf32>
      %parallel_loop3A_55 = tpu.unpack_subelements %parallel_loop3A_53, 1 {pack_format = #tpu.pack_format<interleaved>} : vector<32xbf16> -> vector<16xf32>
      %parallel_loop3A_56 = arith.constant 16 : i32
      %parallel_loop3A_57 = arith.muli %parallel_loop3A_42, %parallel_loop3A_56 : i32
      %parallel_loop3A_58 = arith.constant 0 : i32
      %parallel_loop3A_59 = arith.constant 0 : i32
      %parallel_loop3A_60 = arith.index_cast %parallel_loop3A_58 : i32 to index
      %parallel_loop3A_61 = arith.index_cast %parallel_loop3A_59 : i32 to index
      %parallel_loop3A_62 = arith.index_cast %parallel_loop3A_57 : i32 to index
      %parallel_loop3A_63 = tpu.vector_load %arg7[%parallel_loop3A_60, %parallel_loop3A_61, %parallel_loop3A_62] {strides = array<i32>} : memref<9x8x128xf32, #tpu.memory_space<vmem>>, vector<16xf32>,
      tpu.vector_store %arg7[%parallel_loop3A_60, %parallel_loop3A_61, %parallel_loop3A_62], %parallel_loop3A_54 {strides = array<i32>} : memref<9x8x128xf32, #tpu.memory_space<vmem>>, vector<16xf32>,
      %parallel_loop3A_64 = arith.constant 16 : i32
      %parallel_loop3A_65 = arith.muli %parallel_loop3A_42, %parallel_loop3A_64 : i32
      %parallel_loop3A_66 = arith.constant 1 : i32
      %parallel_loop3A_67 = arith.constant 0 : i32
      %parallel_loop3A_68 = arith.index_cast %parallel_loop3A_66 : i32 to index
      %parallel_loop3A_69 = arith.index_cast %parallel_loop3A_67 : i32 to index
      %parallel_loop3A_70 = arith.index_cast %parallel_loop3A_65 : i32 to index
      %parallel_loop3A_71 = tpu.vector_load %arg7[%parallel_loop3A_68, %parallel_loop3A_69, %parallel_loop3A_70] {strides = array<i32>} : memref<9x8x128xf32, #tpu.memory_space<vmem>>, vector<16xf32>,
      tpu.vector_store %arg7[%parallel_loop3A_68, %parallel_loop3A_69, %parallel_loop3A_70], %parallel_loop3A_55 {strides = array<i32>} : memref<9x8x128xf32, #tpu.memory_space<vmem>>, vector<16xf32>,
      %parallel_loop3A_72 = arith.constant 1 : i32
      %parallel_loop3A_73 = vector.broadcast %parallel_loop3A_72 : i32 to vector<16xi32>
      %parallel_loop3A_74 = tpu.vector_load_idx %arg5[%parallel_loop3A_73, %parallel_loop3A_49] : memref<8x1024xi32, #tpu.memory_space<vmem>>[vector<16xi32>, vector<16xi32>], vector<16xi32>,
      %parallel_loop3A_75 = vector.bitcast %parallel_loop3A_74 : vector<16xi32> to vector<32xbf16>
      %parallel_loop3A_76 = tpu.unpack_subelements %parallel_loop3A_75, 0 {pack_format = #tpu.pack_format<interleaved>} : vector<32xbf16> -> vector<16xf32>
      %parallel_loop3A_77 = tpu.unpack_subelements %parallel_loop3A_75, 1 {pack_format = #tpu.pack_format<interleaved>} : vector<32xbf16> -> vector<16xf32>
      %parallel_loop3A_78 = arith.constant 16 : i32
      %parallel_loop3A_79 = arith.muli %parallel_loop3A_42, %parallel_loop3A_78 : i32
      %parallel_loop3A_80 = arith.constant 2 : i32
      %parallel_loop3A_81 = arith.constant 0 : i32
      %parallel_loop3A_82 = arith.index_cast %parallel_loop3A_80 : i32 to index
      %parallel_loop3A_83 = arith.index_cast %parallel_loop3A_81 : i32 to index
      %parallel_loop3A_84 = arith.index_cast %parallel_loop3A_79 : i32 to index
      %parallel_loop3A_85 = tpu.vector_load %arg7[%parallel_loop3A_82, %parallel_loop3A_83, %parallel_loop3A_84] {strides = array<i32>} : memref<9x8x128xf32, #tpu.memory_space<vmem>>, vector<16xf32>,
      tpu.vector_store %arg7[%parallel_loop3A_82, %parallel_loop3A_83, %parallel_loop3A_84], %parallel_loop3A_76 {strides = array<i32>} : memref<9x8x128xf32, #tpu.memory_space<vmem>>, vector<16xf32>,
      %parallel_loop3A_86 = arith.constant 16 : i32
      %parallel_loop3A_87 = arith.muli %parallel_loop3A_42, %parallel_loop3A_86 : i32
      %parallel_loop3A_88 = arith.constant 3 : i32
      %parallel_loop3A_89 = arith.constant 0 : i32
      %parallel_loop3A_90 = arith.index_cast %parallel_loop3A_88 : i32 to index
      %parallel_loop3A_91 = arith.index_cast %parallel_loop3A_89 : i32 to index
      %parallel_loop3A_92 = arith.index_cast %parallel_loop3A_87 : i32 to index
      %parallel_loop3A_93 = tpu.vector_load %arg7[%parallel_loop3A_90, %parallel_loop3A_91, %parallel_loop3A_92] {strides = array<i32>} : memref<9x8x128xf32, #tpu.memory_space<vmem>>, vector<16xf32>,
      tpu.vector_store %arg7[%parallel_loop3A_90, %parallel_loop3A_91, %parallel_loop3A_92], %parallel_loop3A_77 {strides = array<i32>} : memref<9x8x128xf32, #tpu.memory_space<vmem>>, vector<16xf32>,
      %parallel_loop3A_94 = arith.constant 2 : i32
      %parallel_loop3A_95 = vector.broadcast %parallel_loop3A_94 : i32 to vector<16xi32>
      %parallel_loop3A_96 = tpu.vector_load_idx %arg5[%parallel_loop3A_95, %parallel_loop3A_49] : memref<8x1024xi32, #tpu.memory_space<vmem>>[vector<16xi32>, vector<16xi32>], vector<16xi32>,
      %parallel_loop3A_97 = vector.bitcast %parallel_loop3A_96 : vector<16xi32> to vector<32xbf16>
      %parallel_loop3A_98 = tpu.unpack_subelements %parallel_loop3A_97, 0 {pack_format = #tpu.pack_format<interleaved>} : vector<32xbf16> -> vector<16xf32>
      %parallel_loop3A_99 = tpu.unpack_subelements %parallel_loop3A_97, 1 {pack_format = #tpu.pack_format<interleaved>} : vector<32xbf16> -> vector<16xf32>
      %parallel_loop3A_100 = arith.constant 16 : i32
      %parallel_loop3A_101 = arith.muli %parallel_loop3A_42, %parallel_loop3A_100 : i32
      %parallel_loop3A_102 = arith.constant 4 : i32
      %parallel_loop3A_103 = arith.constant 0 : i32
      %parallel_loop3A_104 = arith.index_cast %parallel_loop3A_102 : i32 to index
      %parallel_loop3A_105 = arith.index_cast %parallel_loop3A_103 : i32 to index
      %parallel_loop3A_106 = arith.index_cast %parallel_loop3A_101 : i32 to index
      %parallel_loop3A_107 = tpu.vector_load %arg7[%parallel_loop3A_104, %parallel_loop3A_105, %parallel_loop3A_106] {strides = array<i32>} : memref<9x8x128xf32, #tpu.memory_space<vmem>>, vector<16xf32>,
      tpu.vector_store %arg7[%parallel_loop3A_104, %parallel_loop3A_105, %parallel_loop3A_106], %parallel_loop3A_98 {strides = array<i32>} : memref<9x8x128xf32, #tpu.memory_space<vmem>>, vector<16xf32>,
      %parallel_loop3A_108 = arith.constant 16 : i32
      %parallel_loop3A_109 = arith.muli %parallel_loop3A_42, %parallel_loop3A_108 : i32
      %parallel_loop3A_110 = arith.constant 5 : i32
      %parallel_loop3A_111 = arith.constant 0 : i32
      %parallel_loop3A_112 = arith.index_cast %parallel_loop3A_110 : i32 to index
      %parallel_loop3A_113 = arith.index_cast %parallel_loop3A_111 : i32 to index
      %parallel_loop3A_114 = arith.index_cast %parallel_loop3A_109 : i32 to index
      %parallel_loop3A_115 = tpu.vector_load %arg7[%parallel_loop3A_112, %parallel_loop3A_113, %parallel_loop3A_114] {strides = array<i32>} : memref<9x8x128xf32, #tpu.memory_space<vmem>>, vector<16xf32>,
      tpu.vector_store %arg7[%parallel_loop3A_112, %parallel_loop3A_113, %parallel_loop3A_114], %parallel_loop3A_99 {strides = array<i32>} : memref<9x8x128xf32, #tpu.memory_space<vmem>>, vector<16xf32>,
      %parallel_loop3A_116 = arith.constant 3 : i32
      %parallel_loop3A_117 = vector.broadcast %parallel_loop3A_116 : i32 to vector<16xi32>
      %parallel_loop3A_118 = tpu.vector_load_idx %arg5[%parallel_loop3A_117, %parallel_loop3A_49] : memref<8x1024xi32, #tpu.memory_space<vmem>>[vector<16xi32>, vector<16xi32>], vector<16xi32>,
      %parallel_loop3A_119 = vector.bitcast %parallel_loop3A_118 : vector<16xi32> to vector<32xbf16>
      %parallel_loop3A_120 = tpu.unpack_subelements %parallel_loop3A_119, 0 {pack_format = #tpu.pack_format<interleaved>} : vector<32xbf16> -> vector<16xf32>
      %parallel_loop3A_121 = tpu.unpack_subelements %parallel_loop3A_119, 1 {pack_format = #tpu.pack_format<interleaved>} : vector<32xbf16> -> vector<16xf32>
      %parallel_loop3A_122 = arith.constant 16 : i32
      %parallel_loop3A_123 = arith.muli %parallel_loop3A_42, %parallel_loop3A_122 : i32
      %parallel_loop3A_124 = arith.constant 6 : i32
      %parallel_loop3A_125 = arith.constant 0 : i32
      %parallel_loop3A_126 = arith.index_cast %parallel_loop3A_124 : i32 to index
      %parallel_loop3A_127 = arith.index_cast %parallel_loop3A_125 : i32 to index
      %parallel_loop3A_128 = arith.index_cast %parallel_loop3A_123 : i32 to index
      %parallel_loop3A_129 = tpu.vector_load %arg7[%parallel_loop3A_126, %parallel_loop3A_127, %parallel_loop3A_128] {strides = array<i32>} : memref<9x8x128xf32, #tpu.memory_space<vmem>>, vector<16xf32>,
      tpu.vector_store %arg7[%parallel_loop3A_126, %parallel_loop3A_127, %parallel_loop3A_128], %parallel_loop3A_120 {strides = array<i32>} : memref<9x8x128xf32, #tpu.memory_space<vmem>>, vector<16xf32>,
      %parallel_loop3A_130 = arith.constant 16 : i32
      %parallel_loop3A_131 = arith.muli %parallel_loop3A_42, %parallel_loop3A_130 : i32
      %parallel_loop3A_132 = arith.constant 7 : i32
      %parallel_loop3A_133 = arith.constant 0 : i32
      %parallel_loop3A_134 = arith.index_cast %parallel_loop3A_132 : i32 to index
      %parallel_loop3A_135 = arith.index_cast %parallel_loop3A_133 : i32 to index
      %parallel_loop3A_136 = arith.index_cast %parallel_loop3A_131 : i32 to index
      %parallel_loop3A_137 = tpu.vector_load %arg7[%parallel_loop3A_134, %parallel_loop3A_135, %parallel_loop3A_136] {strides = array<i32>} : memref<9x8x128xf32, #tpu.memory_space<vmem>>, vector<16xf32>,
      tpu.vector_store %arg7[%parallel_loop3A_134, %parallel_loop3A_135, %parallel_loop3A_136], %parallel_loop3A_121 {strides = array<i32>} : memref<9x8x128xf32, #tpu.memory_space<vmem>>, vector<16xf32>,
      %parallel_loop3A_138 = arith.constant 4 : i32
      %parallel_loop3A_139 = vector.broadcast %parallel_loop3A_138 : i32 to vector<16xi32>
      %parallel_loop3A_140 = tpu.vector_load_idx %arg5[%parallel_loop3A_139, %parallel_loop3A_49] : memref<8x1024xi32, #tpu.memory_space<vmem>>[vector<16xi32>, vector<16xi32>], vector<16xi32>,
      %parallel_loop3A_141 = vector.bitcast %parallel_loop3A_140 : vector<16xi32> to vector<32xbf16>
      %parallel_loop3A_142 = tpu.unpack_subelements %parallel_loop3A_141, 0 {pack_format = #tpu.pack_format<interleaved>} : vector<32xbf16> -> vector<16xf32>
      %parallel_loop3A_143 = tpu.unpack_subelements %parallel_loop3A_141, 1 {pack_format = #tpu.pack_format<interleaved>} : vector<32xbf16> -> vector<16xf32>
      %parallel_loop3A_144 = arith.constant 16 : i32
      %parallel_loop3A_145 = arith.muli %parallel_loop3A_42, %parallel_loop3A_144 : i32
      %parallel_loop3A_146 = arith.constant 8 : i32
      %parallel_loop3A_147 = arith.constant 0 : i32
      %parallel_loop3A_148 = arith.index_cast %parallel_loop3A_146 : i32 to index
      %parallel_loop3A_149 = arith.index_cast %parallel_loop3A_147 : i32 to index
      %parallel_loop3A_150 = arith.index_cast %parallel_loop3A_145 : i32 to index
      %parallel_loop3A_151 = tpu.vector_load %arg7[%parallel_loop3A_148, %parallel_loop3A_149, %parallel_loop3A_150] {strides = array<i32>} : memref<9x8x128xf32, #tpu.memory_space<vmem>>, vector<16xf32>,
      tpu.vector_store %arg7[%parallel_loop3A_148, %parallel_loop3A_149, %parallel_loop3A_150], %parallel_loop3A_142 {strides = array<i32>} : memref<9x8x128xf32, #tpu.memory_space<vmem>>, vector<16xf32>,
      %parallel_loop3A_152 = arith.constant 1 : i32
      %parallel_loop3A_153 = arith.addi %mul3A_17, %parallel_loop3A_152 : i32
      %parallel_loop3A_154 = arith.constant 16 : i32
      %parallel_loop3A_155 = arith.muli %parallel_loop3A_42, %parallel_loop3A_154 : i32
      %parallel_loop3A_156 = arith.index_cast %parallel_loop3A_153 : i32 to index
      %parallel_loop3A_157 = arith.index_cast %parallel_loop3A_155 : i32 to index
      %parallel_loop3A_158 = tpu.vector_load %arg6[%parallel_loop3A_156, %parallel_loop3A_157] {strides = array<i32>} : memref<200x128xi32, #tpu.memory_space<vmem>>, vector<16xi32>,
      %parallel_loop3A_159 = arith.constant 0 : i32
      %parallel_loop3A_160 = vector.broadcast %parallel_loop3A_159 : i32 to vector<16xi32>
      %parallel_loop3A_161 = tpu.vector_load_idx %arg5[%parallel_loop3A_160, %parallel_loop3A_158] : memref<8x1024xi32, #tpu.memory_space<vmem>>[vector<16xi32>, vector<16xi32>], vector<16xi32>,
      %parallel_loop3A_162 = vector.bitcast %parallel_loop3A_161 : vector<16xi32> to vector<32xbf16>
      %parallel_loop3A_163 = tpu.unpack_subelements %parallel_loop3A_162, 0 {pack_format = #tpu.pack_format<interleaved>} : vector<32xbf16> -> vector<16xf32>
      %parallel_loop3A_164 = tpu.unpack_subelements %parallel_loop3A_162, 1 {pack_format = #tpu.pack_format<interleaved>} : vector<32xbf16> -> vector<16xf32>
      %parallel_loop3A_165 = arith.constant 16 : i32
      %parallel_loop3A_166 = arith.muli %parallel_loop3A_42, %parallel_loop3A_165 : i32
      %parallel_loop3A_167 = arith.constant 0 : i32
      %parallel_loop3A_168 = arith.constant 1 : i32
      %parallel_loop3A_169 = arith.index_cast %parallel_loop3A_167 : i32 to index
      %parallel_loop3A_170 = arith.index_cast %parallel_loop3A_168 : i32 to index
      %parallel_loop3A_171 = arith.index_cast %parallel_loop3A_166 : i32 to index
      %parallel_loop3A_172 = tpu.vector_load %arg7[%parallel_loop3A_169, %parallel_loop3A_170, %parallel_loop3A_171] {strides = array<i32>} : memref<9x8x128xf32, #tpu.memory_space<vmem>>, vector<16xf32>,
      tpu.vector_store %arg7[%parallel_loop3A_169, %parallel_loop3A_170, %parallel_loop3A_171], %parallel_loop3A_163 {strides = array<i32>} : memref<9x8x128xf32, #tpu.memory_space<vmem>>, vector<16xf32>,
      %parallel_loop3A_173 = arith.constant 16 : i32
      %parallel_loop3A_174 = arith.muli %parallel_loop3A_42, %parallel_loop3A_173 : i32
      %parallel_loop3A_175 = arith.constant 1 : i32
      %parallel_loop3A_176 = arith.constant 1 : i32
      %parallel_loop3A_177 = arith.index_cast %parallel_loop3A_175 : i32 to index
      %parallel_loop3A_178 = arith.index_cast %parallel_loop3A_176 : i32 to index
      %parallel_loop3A_179 = arith.index_cast %parallel_loop3A_174 : i32 to index
      %parallel_loop3A_180 = tpu.vector_load %arg7[%parallel_loop3A_177, %parallel_loop3A_178, %parallel_loop3A_179] {strides = array<i32>} : memref<9x8x128xf32, #tpu.memory_space<vmem>>, vector<16xf32>,
      tpu.vector_store %arg7[%parallel_loop3A_177, %parallel_loop3A_178, %parallel_loop3A_179], %parallel_loop3A_164 {strides = array<i32>} : memref<9x8x128xf32, #tpu.memory_space<vmem>>, vector<16xf32>,
      %parallel_loop3A_181 = arith.constant 1 : i32
      %parallel_loop3A_182 = vector.broadcast %parallel_loop3A_181 : i32 to vector<16xi32>
      %parallel_loop3A_183 = tpu.vector_load_idx %arg5[%parallel_loop3A_182, %parallel_loop3A_158] : memref<8x1024xi32, #tpu.memory_space<vmem>>[vector<16xi32>, vector<16xi32>], vector<16xi32>,
      %parallel_loop3A_184 = vector.bitcast %parallel_loop3A_183 : vector<16xi32> to vector<32xbf16>
      %parallel_loop3A_185 = tpu.unpack_subelements %parallel_loop3A_184, 0 {pack_format = #tpu.pack_format<interleaved>} : vector<32xbf16> -> vector<16xf32>
      %parallel_loop3A_186 = tpu.unpack_subelements %parallel_loop3A_184, 1 {pack_format = #tpu.pack_format<interleaved>} : vector<32xbf16> -> vector<16xf32>
      %parallel_loop3A_187 = arith.constant 16 : i32
      %parallel_loop3A_188 = arith.muli %parallel_loop3A_42, %parallel_loop3A_187 : i32
      %parallel_loop3A_189 = arith.constant 2 : i32
      %parallel_loop3A_190 = arith.constant 1 : i32
      %parallel_loop3A_191 = arith.index_cast %parallel_loop3A_189 : i32 to index
      %parallel_loop3A_192 = arith.index_cast %parallel_loop3A_190 : i32 to index
      %parallel_loop3A_193 = arith.index_cast %parallel_loop3A_188 : i32 to index
      %parallel_loop3A_194 = tpu.vector_load %arg7[%parallel_loop3A_191, %parallel_loop3A_192, %parallel_loop3A_193] {strides = array<i32>} : memref<9x8x128xf32, #tpu.memory_space<vmem>>, vector<16xf32>,
      tpu.vector_store %arg7[%parallel_loop3A_191, %parallel_loop3A_192, %parallel_loop3A_193], %parallel_loop3A_185 {strides = array<i32>} : memref<9x8x128xf32, #tpu.memory_space<vmem>>, vector<16xf32>,
      %parallel_loop3A_195 = arith.constant 16 : i32
      %parallel_loop3A_196 = arith.muli %parallel_loop3A_42, %parallel_loop3A_195 : i32
      %parallel_loop3A_197 = arith.constant 3 : i32
      %parallel_loop3A_198 = arith.constant 1 : i32
      %parallel_loop3A_199 = arith.index_cast %parallel_loop3A_197 : i32 to index
      %parallel_loop3A_200 = arith.index_cast %parallel_loop3A_198 : i32 to index
      %parallel_loop3A_201 = arith.index_cast %parallel_loop3A_196 : i32 to index
      %parallel_loop3A_202 = tpu.vector_load %arg7[%parallel_loop3A_199, %parallel_loop3A_200, %parallel_loop3A_201] {strides = array<i32>} : memref<9x8x128xf32, #tpu.memory_space<vmem>>, vector<16xf32>,
      tpu.vector_store %arg7[%parallel_loop3A_199, %parallel_loop3A_200, %parallel_loop3A_201], %parallel_loop3A_186 {strides = array<i32>} : memref<9x8x128xf32, #tpu.memory_space<vmem>>, vector<16xf32>,
      %parallel_loop3A_203 = arith.constant 2 : i32
      %parallel_loop3A_204 = vector.broadcast %parallel_loop3A_203 : i32 to vector<16xi32>
      %parallel_loop3A_205 = tpu.vector_load_idx %arg5[%parallel_loop3A_204, %parallel_loop3A_158] : memref<8x1024xi32, #tpu.memory_space<vmem>>[vector<16xi32>, vector<16xi32>], vector<16xi32>,
      %parallel_loop3A_206 = vector.bitcast %parallel_loop3A_205 : vector<16xi32> to vector<32xbf16>
      %parallel_loop3A_207 = tpu.unpack_subelements %parallel_loop3A_206, 0 {pack_format = #tpu.pack_format<interleaved>} : vector<32xbf16> -> vector<16xf32>
      %parallel_loop3A_208 = tpu.unpack_subelements %parallel_loop3A_206, 1 {pack_format = #tpu.pack_format<interleaved>} : vector<32xbf16> -> vector<16xf32>
      %parallel_loop3A_209 = arith.constant 16 : i32
      %parallel_loop3A_210 = arith.muli %parallel_loop3A_42, %parallel_loop3A_209 : i32
      %parallel_loop3A_211 = arith.constant 4 : i32
      %parallel_loop3A_212 = arith.constant 1 : i32
      %parallel_loop3A_213 = arith.index_cast %parallel_loop3A_211 : i32 to index
      %parallel_loop3A_214 = arith.index_cast %parallel_loop3A_212 : i32 to index
      %parallel_loop3A_215 = arith.index_cast %parallel_loop3A_210 : i32 to index
      %parallel_loop3A_216 = tpu.vector_load %arg7[%parallel_loop3A_213, %parallel_loop3A_214, %parallel_loop3A_215] {strides = array<i32>} : memref<9x8x128xf32, #tpu.memory_space<vmem>>, vector<16xf32>,
      tpu.vector_store %arg7[%parallel_loop3A_213, %parallel_loop3A_214, %parallel_loop3A_215], %parallel_loop3A_207 {strides = array<i32>} : memref<9x8x128xf32, #tpu.memory_space<vmem>>, vector<16xf32>,
      %parallel_loop3A_217 = arith.constant 16 : i32
      %parallel_loop3A_218 = arith.muli %parallel_loop3A_42, %parallel_loop3A_217 : i32
      %parallel_loop3A_219 = arith.constant 5 : i32
      %parallel_loop3A_220 = arith.constant 1 : i32
      %parallel_loop3A_221 = arith.index_cast %parallel_loop3A_219 : i32 to index
      %parallel_loop3A_222 = arith.index_cast %parallel_loop3A_220 : i32 to index
      %parallel_loop3A_223 = arith.index_cast %parallel_loop3A_218 : i32 to index
      %parallel_loop3A_224 = tpu.vector_load %arg7[%parallel_loop3A_221, %parallel_loop3A_222, %parallel_loop3A_223] {strides = array<i32>} : memref<9x8x128xf32, #tpu.memory_space<vmem>>, vector<16xf32>,
      tpu.vector_store %arg7[%parallel_loop3A_221, %parallel_loop3A_222, %parallel_loop3A_223], %parallel_loop3A_208 {strides = array<i32>} : memref<9x8x128xf32, #tpu.memory_space<vmem>>, vector<16xf32>,
      %parallel_loop3A_225 = arith.constant 3 : i32
      %parallel_loop3A_226 = vector.broadcast %parallel_loop3A_225 : i32 to vector<16xi32>
      %parallel_loop3A_227 = tpu.vector_load_idx %arg5[%parallel_loop3A_226, %parallel_loop3A_158] : memref<8x1024xi32, #tpu.memory_space<vmem>>[vector<16xi32>, vector<16xi32>], vector<16xi32>,
      %parallel_loop3A_228 = vector.bitcast %parallel_loop3A_227 : vector<16xi32> to vector<32xbf16>
      %parallel_loop3A_229 = tpu.unpack_subelements %parallel_loop3A_228, 0 {pack_format = #tpu.pack_format<interleaved>} : vector<32xbf16> -> vector<16xf32>
      %parallel_loop3A_230 = tpu.unpack_subelements %parallel_loop3A_228, 1 {pack_format = #tpu.pack_format<interleaved>} : vector<32xbf16> -> vector<16xf32>
      %parallel_loop3A_231 = arith.constant 16 : i32
      %parallel_loop3A_232 = arith.muli %parallel_loop3A_42, %parallel_loop3A_231 : i32
      %parallel_loop3A_233 = arith.constant 6 : i32
      %parallel_loop3A_234 = arith.constant 1 : i32
      %parallel_loop3A_235 = arith.index_cast %parallel_loop3A_233 : i32 to index
      %parallel_loop3A_236 = arith.index_cast %parallel_loop3A_234 : i32 to index
      %parallel_loop3A_237 = arith.index_cast %parallel_loop3A_232 : i32 to index
      %parallel_loop3A_238 = tpu.vector_load %arg7[%parallel_loop3A_235, %parallel_loop3A_236, %parallel_loop3A_237] {strides = array<i32>} : memref<9x8x128xf32, #tpu.memory_space<vmem>>, vector<16xf32>,
      tpu.vector_store %arg7[%parallel_loop3A_235, %parallel_loop3A_236, %parallel_loop3A_237], %parallel_loop3A_229 {strides = array<i32>} : memref<9x8x128xf32, #tpu.memory_space<vmem>>, vector<16xf32>,
      %parallel_loop3A_239 = arith.constant 16 : i32
      %parallel_loop3A_240 = arith.muli %parallel_loop3A_42, %parallel_loop3A_239 : i32
      %parallel_loop3A_241 = arith.constant 7 : i32
      %parallel_loop3A_242 = arith.constant 1 : i32
      %parallel_loop3A_243 = arith.index_cast %parallel_loop3A_241 : i32 to index
      %parallel_loop3A_244 = arith.index_cast %parallel_loop3A_242 : i32 to index
      %parallel_loop3A_245 = arith.index_cast %parallel_loop3A_240 : i32 to index
      %parallel_loop3A_246 = tpu.vector_load %arg7[%parallel_loop3A_243, %parallel_loop3A_244, %parallel_loop3A_245] {strides = array<i32>} : memref<9x8x128xf32, #tpu.memory_space<vmem>>, vector<16xf32>,
      tpu.vector_store %arg7[%parallel_loop3A_243, %parallel_loop3A_244, %parallel_loop3A_245], %parallel_loop3A_230 {strides = array<i32>} : memref<9x8x128xf32, #tpu.memory_space<vmem>>, vector<16xf32>,
      %parallel_loop3A_247 = arith.constant 4 : i32
      %parallel_loop3A_248 = vector.broadcast %parallel_loop3A_247 : i32 to vector<16xi32>
      %parallel_loop3A_249 = tpu.vector_load_idx %arg5[%parallel_loop3A_248, %parallel_loop3A_158] : memref<8x1024xi32, #tpu.memory_space<vmem>>[vector<16xi32>, vector<16xi32>], vector<16xi32>,
      %parallel_loop3A_250 = vector.bitcast %parallel_loop3A_249 : vector<16xi32> to vector<32xbf16>
      %parallel_loop3A_251 = tpu.unpack_subelements %parallel_loop3A_250, 0 {pack_format = #tpu.pack_format<interleaved>} : vector<32xbf16> -> vector<16xf32>
      %parallel_loop3A_252 = tpu.unpack_subelements %parallel_loop3A_250, 1 {pack_format = #tpu.pack_format<interleaved>} : vector<32xbf16> -> vector<16xf32>
      %parallel_loop3A_253 = arith.constant 16 : i32
      %parallel_loop3A_254 = arith.muli %parallel_loop3A_42, %parallel_loop3A_253 : i32
      %parallel_loop3A_255 = arith.constant 8 : i32
      %parallel_loop3A_256 = arith.constant 1 : i32
      %parallel_loop3A_257 = arith.index_cast %parallel_loop3A_255 : i32 to index
      %parallel_loop3A_258 = arith.index_cast %parallel_loop3A_256 : i32 to index
      %parallel_loop3A_259 = arith.index_cast %parallel_loop3A_254 : i32 to index
      %parallel_loop3A_260 = tpu.vector_load %arg7[%parallel_loop3A_257, %parallel_loop3A_258, %parallel_loop3A_259] {strides = array<i32>} : memref<9x8x128xf32, #tpu.memory_space<vmem>>, vector<16xf32>,
      tpu.vector_store %arg7[%parallel_loop3A_257, %parallel_loop3A_258, %parallel_loop3A_259], %parallel_loop3A_251 {strides = array<i32>} : memref<9x8x128xf32, #tpu.memory_space<vmem>>, vector<16xf32>,
      %parallel_loop3A_261 = arith.constant 2 : i32
      %parallel_loop3A_262 = arith.addi %mul3A_17, %parallel_loop3A_261 : i32
      %parallel_loop3A_263 = arith.constant 16 : i32
      %parallel_loop3A_264 = arith.muli %parallel_loop3A_42, %parallel_loop3A_263 : i32
      %parallel_loop3A_265 = arith.index_cast %parallel_loop3A_262 : i32 to index
      %parallel_loop3A_266 = arith.index_cast %parallel_loop3A_264 : i32 to index
      %parallel_loop3A_267 = tpu.vector_load %arg6[%parallel_loop3A_265, %parallel_loop3A_266] {strides = array<i32>} : memref<200x128xi32, #tpu.memory_space<vmem>>, vector<16xi32>,
      %parallel_loop3A_268 = arith.constant 0 : i32
      %parallel_loop3A_269 = vector.broadcast %parallel_loop3A_268 : i32 to vector<16xi32>
      %parallel_loop3A_270 = tpu.vector_load_idx %arg5[%parallel_loop3A_269, %parallel_loop3A_267] : memref<8x1024xi32, #tpu.memory_space<vmem>>[vector<16xi32>, vector<16xi32>], vector<16xi32>,
      %parallel_loop3A_271 = vector.bitcast %parallel_loop3A_270 : vector<16xi32> to vector<32xbf16>
      %parallel_loop3A_272 = tpu.unpack_subelements %parallel_loop3A_271, 0 {pack_format = #tpu.pack_format<interleaved>} : vector<32xbf16> -> vector<16xf32>
      %parallel_loop3A_273 = tpu.unpack_subelements %parallel_loop3A_271, 1 {pack_format = #tpu.pack_format<interleaved>} : vector<32xbf16> -> vector<16xf32>
      %parallel_loop3A_274 = arith.constant 16 : i32
      %parallel_loop3A_275 = arith.muli %parallel_loop3A_42, %parallel_loop3A_274 : i32
      %parallel_loop3A_276 = arith.constant 0 : i32
      %parallel_loop3A_277 = arith.constant 2 : i32
      %parallel_loop3A_278 = arith.index_cast %parallel_loop3A_276 : i32 to index
      %parallel_loop3A_279 = arith.index_cast %parallel_loop3A_277 : i32 to index
      %parallel_loop3A_280 = arith.index_cast %parallel_loop3A_275 : i32 to index
      %parallel_loop3A_281 = tpu.vector_load %arg7[%parallel_loop3A_278, %parallel_loop3A_279, %parallel_loop3A_280] {strides = array<i32>} : memref<9x8x128xf32, #tpu.memory_space<vmem>>, vector<16xf32>,
      tpu.vector_store %arg7[%parallel_loop3A_278, %parallel_loop3A_279, %parallel_loop3A_280], %parallel_loop3A_272 {strides = array<i32>} : memref<9x8x128xf32, #tpu.memory_space<vmem>>, vector<16xf32>,
      %parallel_loop3A_282 = arith.constant 16 : i32
      %parallel_loop3A_283 = arith.muli %parallel_loop3A_42, %parallel_loop3A_282 : i32
      %parallel_loop3A_284 = arith.constant 1 : i32
      %parallel_loop3A_285 = arith.constant 2 : i32
      %parallel_loop3A_286 = arith.index_cast %parallel_loop3A_284 : i32 to index
      %parallel_loop3A_287 = arith.index_cast %parallel_loop3A_285 : i32 to index
      %parallel_loop3A_288 = arith.index_cast %parallel_loop3A_283 : i32 to index
      %parallel_loop3A_289 = tpu.vector_load %arg7[%parallel_loop3A_286, %parallel_loop3A_287, %parallel_loop3A_288] {strides = array<i32>} : memref<9x8x128xf32, #tpu.memory_space<vmem>>, vector<16xf32>,
      tpu.vector_store %arg7[%parallel_loop3A_286, %parallel_loop3A_287, %parallel_loop3A_288], %parallel_loop3A_273 {strides = array<i32>} : memref<9x8x128xf32, #tpu.memory_space<vmem>>, vector<16xf32>,
      %parallel_loop3A_290 = arith.constant 1 : i32
      %parallel_loop3A_291 = vector.broadcast %parallel_loop3A_290 : i32 to vector<16xi32>
      %parallel_loop3A_292 = tpu.vector_load_idx %arg5[%parallel_loop3A_291, %parallel_loop3A_267] : memref<8x1024xi32, #tpu.memory_space<vmem>>[vector<16xi32>, vector<16xi32>], vector<16xi32>,
      %parallel_loop3A_293 = vector.bitcast %parallel_loop3A_292 : vector<16xi32> to vector<32xbf16>
      %parallel_loop3A_294 = tpu.unpack_subelements %parallel_loop3A_293, 0 {pack_format = #tpu.pack_format<interleaved>} : vector<32xbf16> -> vector<16xf32>
      %parallel_loop3A_295 = tpu.unpack_subelements %parallel_loop3A_293, 1 {pack_format = #tpu.pack_format<interleaved>} : vector<32xbf16> -> vector<16xf32>
      %parallel_loop3A_296 = arith.constant 16 : i32
      %parallel_loop3A_297 = arith.muli %parallel_loop3A_42, %parallel_loop3A_296 : i32
      %parallel_loop3A_298 = arith.constant 2 : i32
      %parallel_loop3A_299 = arith.constant 2 : i32
      %parallel_loop3A_300 = arith.index_cast %parallel_loop3A_298 : i32 to index
      %parallel_loop3A_301 = arith.index_cast %parallel_loop3A_299 : i32 to index
      %parallel_loop3A_302 = arith.index_cast %parallel_loop3A_297 : i32 to index
      %parallel_loop3A_303 = tpu.vector_load %arg7[%parallel_loop3A_300, %parallel_loop3A_301, %parallel_loop3A_302] {strides = array<i32>} : memref<9x8x128xf32, #tpu.memory_space<vmem>>, vector<16xf32>,
      tpu.vector_store %arg7[%parallel_loop3A_300, %parallel_loop3A_301, %parallel_loop3A_302], %parallel_loop3A_294 {strides = array<i32>} : memref<9x8x128xf32, #tpu.memory_space<vmem>>, vector<16xf32>,
      %parallel_loop3A_304 = arith.constant 16 : i32
      %parallel_loop3A_305 = arith.muli %parallel_loop3A_42, %parallel_loop3A_304 : i32
      %parallel_loop3A_306 = arith.constant 3 : i32
      %parallel_loop3A_307 = arith.constant 2 : i32
      %parallel_loop3A_308 = arith.index_cast %parallel_loop3A_306 : i32 to index
      %parallel_loop3A_309 = arith.index_cast %parallel_loop3A_307 : i32 to index
      %parallel_loop3A_310 = arith.index_cast %parallel_loop3A_305 : i32 to index
      %parallel_loop3A_311 = tpu.vector_load %arg7[%parallel_loop3A_308, %parallel_loop3A_309, %parallel_loop3A_310] {strides = array<i32>} : memref<9x8x128xf32, #tpu.memory_space<vmem>>, vector<16xf32>,
      tpu.vector_store %arg7[%parallel_loop3A_308, %parallel_loop3A_309, %parallel_loop3A_310], %parallel_loop3A_295 {strides = array<i32>} : memref<9x8x128xf32, #tpu.memory_space<vmem>>, vector<16xf32>,
      %parallel_loop3A_312 = arith.constant 2 : i32
      %parallel_loop3A_313 = vector.broadcast %parallel_loop3A_312 : i32 to vector<16xi32>
      %parallel_loop3A_314 = tpu.vector_load_idx %arg5[%parallel_loop3A_313, %parallel_loop3A_267] : memref<8x1024xi32, #tpu.memory_space<vmem>>[vector<16xi32>, vector<16xi32>], vector<16xi32>,
      %parallel_loop3A_315 = vector.bitcast %parallel_loop3A_314 : vector<16xi32> to vector<32xbf16>
      %parallel_loop3A_316 = tpu.unpack_subelements %parallel_loop3A_315, 0 {pack_format = #tpu.pack_format<interleaved>} : vector<32xbf16> -> vector<16xf32>
      %parallel_loop3A_317 = tpu.unpack_subelements %parallel_loop3A_315, 1 {pack_format = #tpu.pack_format<interleaved>} : vector<32xbf16> -> vector<16xf32>
      %parallel_loop3A_318 = arith.constant 16 : i32
      %parallel_loop3A_319 = arith.muli %parallel_loop3A_42, %parallel_loop3A_318 : i32
      %parallel_loop3A_320 = arith.constant 4 : i32
      %parallel_loop3A_321 = arith.constant 2 : i32
      %parallel_loop3A_322 = arith.index_cast %parallel_loop3A_320 : i32 to index
      %parallel_loop3A_323 = arith.index_cast %parallel_loop3A_321 : i32 to index
      %parallel_loop3A_324 = arith.index_cast %parallel_loop3A_319 : i32 to index
      %parallel_loop3A_325 = tpu.vector_load %arg7[%parallel_loop3A_322, %parallel_loop3A_323, %parallel_loop3A_324] {strides = array<i32>} : memref<9x8x128xf32, #tpu.memory_space<vmem>>, vector<16xf32>,
      tpu.vector_store %arg7[%parallel_loop3A_322, %parallel_loop3A_323, %parallel_loop3A_324], %parallel_loop3A_316 {strides = array<i32>} : memref<9x8x128xf32, #tpu.memory_space<vmem>>, vector<16xf32>,
      %parallel_loop3A_326 = arith.constant 16 : i32
      %parallel_loop3A_327 = arith.muli %parallel_loop3A_42, %parallel_loop3A_326 : i32
      %parallel_loop3A_328 = arith.constant 5 : i32
      %parallel_loop3A_329 = arith.constant 2 : i32
      %parallel_loop3A_330 = arith.index_cast %parallel_loop3A_328 : i32 to index
      %parallel_loop3A_331 = arith.index_cast %parallel_loop3A_329 : i32 to index
      %parallel_loop3A_332 = arith.index_cast %parallel_loop3A_327 : i32 to index
      %parallel_loop3A_333 = tpu.vector_load %arg7[%parallel_loop3A_330, %parallel_loop3A_331, %parallel_loop3A_332] {strides = array<i32>} : memref<9x8x128xf32, #tpu.memory_space<vmem>>, vector<16xf32>,
      tpu.vector_store %arg7[%parallel_loop3A_330, %parallel_loop3A_331, %parallel_loop3A_332], %parallel_loop3A_317 {strides = array<i32>} : memref<9x8x128xf32, #tpu.memory_space<vmem>>, vector<16xf32>,
      %parallel_loop3A_334 = arith.constant 3 : i32
      %parallel_loop3A_335 = vector.broadcast %parallel_loop3A_334 : i32 to vector<16xi32>
      %parallel_loop3A_336 = tpu.vector_load_idx %arg5[%parallel_loop3A_335, %parallel_loop3A_267] : memref<8x1024xi32, #tpu.memory_space<vmem>>[vector<16xi32>, vector<16xi32>], vector<16xi32>,
      %parallel_loop3A_337 = vector.bitcast %parallel_loop3A_336 : vector<16xi32> to vector<32xbf16>
      %parallel_loop3A_338 = tpu.unpack_subelements %parallel_loop3A_337, 0 {pack_format = #tpu.pack_format<interleaved>} : vector<32xbf16> -> vector<16xf32>
      %parallel_loop3A_339 = tpu.unpack_subelements %parallel_loop3A_337, 1 {pack_format = #tpu.pack_format<interleaved>} : vector<32xbf16> -> vector<16xf32>
      %parallel_loop3A_340 = arith.constant 16 : i32
      %parallel_loop3A_341 = arith.muli %parallel_loop3A_42, %parallel_loop3A_340 : i32
      %parallel_loop3A_342 = arith.constant 6 : i32
      %parallel_loop3A_343 = arith.constant 2 : i32
      %parallel_loop3A_344 = arith.index_cast %parallel_loop3A_342 : i32 to index
      %parallel_loop3A_345 = arith.index_cast %parallel_loop3A_343 : i32 to index
      %parallel_loop3A_346 = arith.index_cast %parallel_loop3A_341 : i32 to index
      %parallel_loop3A_347 = tpu.vector_load %arg7[%parallel_loop3A_344, %parallel_loop3A_345, %parallel_loop3A_346] {strides = array<i32>} : memref<9x8x128xf32, #tpu.memory_space<vmem>>, vector<16xf32>,
      tpu.vector_store %arg7[%parallel_loop3A_344, %parallel_loop3A_345, %parallel_loop3A_346], %parallel_loop3A_338 {strides = array<i32>} : memref<9x8x128xf32, #tpu.memory_space<vmem>>, vector<16xf32>,
      %parallel_loop3A_348 = arith.constant 16 : i32
      %parallel_loop3A_349 = arith.muli %parallel_loop3A_42, %parallel_loop3A_348 : i32
      %parallel_loop3A_350 = arith.constant 7 : i32
      %parallel_loop3A_351 = arith.constant 2 : i32
      %parallel_loop3A_352 = arith.index_cast %parallel_loop3A_350 : i32 to index
      %parallel_loop3A_353 = arith.index_cast %parallel_loop3A_351 : i32 to index
      %parallel_loop3A_354 = arith.index_cast %parallel_loop3A_349 : i32 to index
      %parallel_loop3A_355 = tpu.vector_load %arg7[%parallel_loop3A_352, %parallel_loop3A_353, %parallel_loop3A_354] {strides = array<i32>} : memref<9x8x128xf32, #tpu.memory_space<vmem>>, vector<16xf32>,
      tpu.vector_store %arg7[%parallel_loop3A_352, %parallel_loop3A_353, %parallel_loop3A_354], %parallel_loop3A_339 {strides = array<i32>} : memref<9x8x128xf32, #tpu.memory_space<vmem>>, vector<16xf32>,
      %parallel_loop3A_356 = arith.constant 4 : i32
      %parallel_loop3A_357 = vector.broadcast %parallel_loop3A_356 : i32 to vector<16xi32>
      %parallel_loop3A_358 = tpu.vector_load_idx %arg5[%parallel_loop3A_357, %parallel_loop3A_267] : memref<8x1024xi32, #tpu.memory_space<vmem>>[vector<16xi32>, vector<16xi32>], vector<16xi32>,
      %parallel_loop3A_359 = vector.bitcast %parallel_loop3A_358 : vector<16xi32> to vector<32xbf16>
      %parallel_loop3A_360 = tpu.unpack_subelements %parallel_loop3A_359, 0 {pack_format = #tpu.pack_format<interleaved>} : vector<32xbf16> -> vector<16xf32>
      %parallel_loop3A_361 = tpu.unpack_subelements %parallel_loop3A_359, 1 {pack_format = #tpu.pack_format<interleaved>} : vector<32xbf16> -> vector<16xf32>
      %parallel_loop3A_362 = arith.constant 16 : i32
      %parallel_loop3A_363 = arith.muli %parallel_loop3A_42, %parallel_loop3A_362 : i32
      %parallel_loop3A_364 = arith.constant 8 : i32
      %parallel_loop3A_365 = arith.constant 2 : i32
      %parallel_loop3A_366 = arith.index_cast %parallel_loop3A_364 : i32 to index
      %parallel_loop3A_367 = arith.index_cast %parallel_loop3A_365 : i32 to index
      %parallel_loop3A_368 = arith.index_cast %parallel_loop3A_363 : i32 to index
      %parallel_loop3A_369 = tpu.vector_load %arg7[%parallel_loop3A_366, %parallel_loop3A_367, %parallel_loop3A_368] {strides = array<i32>} : memref<9x8x128xf32, #tpu.memory_space<vmem>>, vector<16xf32>,
      tpu.vector_store %arg7[%parallel_loop3A_366, %parallel_loop3A_367, %parallel_loop3A_368], %parallel_loop3A_360 {strides = array<i32>} : memref<9x8x128xf32, #tpu.memory_space<vmem>>, vector<16xf32>,
      %parallel_loop3A_370 = arith.constant 3 : i32
      %parallel_loop3A_371 = arith.addi %mul3A_17, %parallel_loop3A_370 : i32
      %parallel_loop3A_372 = arith.constant 16 : i32
      %parallel_loop3A_373 = arith.muli %parallel_loop3A_42, %parallel_loop3A_372 : i32
      %parallel_loop3A_374 = arith.index_cast %parallel_loop3A_371 : i32 to index
      %parallel_loop3A_375 = arith.index_cast %parallel_loop3A_373 : i32 to index
      %parallel_loop3A_376 = tpu.vector_load %arg6[%parallel_loop3A_374, %parallel_loop3A_375] {strides = array<i32>} : memref<200x128xi32, #tpu.memory_space<vmem>>, vector<16xi32>,
      %parallel_loop3A_377 = arith.constant 0 : i32
      %parallel_loop3A_378 = vector.broadcast %parallel_loop3A_377 : i32 to vector<16xi32>
      %parallel_loop3A_379 = tpu.vector_load_idx %arg5[%parallel_loop3A_378, %parallel_loop3A_376] : memref<8x1024xi32, #tpu.memory_space<vmem>>[vector<16xi32>, vector<16xi32>], vector<16xi32>,
      %parallel_loop3A_380 = vector.bitcast %parallel_loop3A_379 : vector<16xi32> to vector<32xbf16>
      %parallel_loop3A_381 = tpu.unpack_subelements %parallel_loop3A_380, 0 {pack_format = #tpu.pack_format<interleaved>} : vector<32xbf16> -> vector<16xf32>
      %parallel_loop3A_382 = tpu.unpack_subelements %parallel_loop3A_380, 1 {pack_format = #tpu.pack_format<interleaved>} : vector<32xbf16> -> vector<16xf32>
      %parallel_loop3A_383 = arith.constant 16 : i32
      %parallel_loop3A_384 = arith.muli %parallel_loop3A_42, %parallel_loop3A_383 : i32
      %parallel_loop3A_385 = arith.constant 0 : i32
      %parallel_loop3A_386 = arith.constant 3 : i32
      %parallel_loop3A_387 = arith.index_cast %parallel_loop3A_385 : i32 to index
      %parallel_loop3A_388 = arith.index_cast %parallel_loop3A_386 : i32 to index
      %parallel_loop3A_389 = arith.index_cast %parallel_loop3A_384 : i32 to index
      %parallel_loop3A_390 = tpu.vector_load %arg7[%parallel_loop3A_387, %parallel_loop3A_388, %parallel_loop3A_389] {strides = array<i32>} : memref<9x8x128xf32, #tpu.memory_space<vmem>>, vector<16xf32>,
      tpu.vector_store %arg7[%parallel_loop3A_387, %parallel_loop3A_388, %parallel_loop3A_389], %parallel_loop3A_381 {strides = array<i32>} : memref<9x8x128xf32, #tpu.memory_space<vmem>>, vector<16xf32>,
      %parallel_loop3A_391 = arith.constant 16 : i32
      %parallel_loop3A_392 = arith.muli %parallel_loop3A_42, %parallel_loop3A_391 : i32
      %parallel_loop3A_393 = arith.constant 1 : i32
      %parallel_loop3A_394 = arith.constant 3 : i32
      %parallel_loop3A_395 = arith.index_cast %parallel_loop3A_393 : i32 to index
      %parallel_loop3A_396 = arith.index_cast %parallel_loop3A_394 : i32 to index
      %parallel_loop3A_397 = arith.index_cast %parallel_loop3A_392 : i32 to index
      %parallel_loop3A_398 = tpu.vector_load %arg7[%parallel_loop3A_395, %parallel_loop3A_396, %parallel_loop3A_397] {strides = array<i32>} : memref<9x8x128xf32, #tpu.memory_space<vmem>>, vector<16xf32>,
      tpu.vector_store %arg7[%parallel_loop3A_395, %parallel_loop3A_396, %parallel_loop3A_397], %parallel_loop3A_382 {strides = array<i32>} : memref<9x8x128xf32, #tpu.memory_space<vmem>>, vector<16xf32>,
      %parallel_loop3A_399 = arith.constant 1 : i32
      %parallel_loop3A_400 = vector.broadcast %parallel_loop3A_399 : i32 to vector<16xi32>
      %parallel_loop3A_401 = tpu.vector_load_idx %arg5[%parallel_loop3A_400, %parallel_loop3A_376] : memref<8x1024xi32, #tpu.memory_space<vmem>>[vector<16xi32>, vector<16xi32>], vector<16xi32>,
      %parallel_loop3A_402 = vector.bitcast %parallel_loop3A_401 : vector<16xi32> to vector<32xbf16>
      %parallel_loop3A_403 = tpu.unpack_subelements %parallel_loop3A_402, 0 {pack_format = #tpu.pack_format<interleaved>} : vector<32xbf16> -> vector<16xf32>
      %parallel_loop3A_404 = tpu.unpack_subelements %parallel_loop3A_402, 1 {pack_format = #tpu.pack_format<interleaved>} : vector<32xbf16> -> vector<16xf32>
      %parallel_loop3A_405 = arith.constant 16 : i32
      %parallel_loop3A_406 = arith.muli %parallel_loop3A_42, %parallel_loop3A_405 : i32
      %parallel_loop3A_407 = arith.constant 2 : i32
      %parallel_loop3A_408 = arith.constant 3 : i32
      %parallel_loop3A_409 = arith.index_cast %parallel_loop3A_407 : i32 to index
      %parallel_loop3A_410 = arith.index_cast %parallel_loop3A_408 : i32 to index
      %parallel_loop3A_411 = arith.index_cast %parallel_loop3A_406 : i32 to index
      %parallel_loop3A_412 = tpu.vector_load %arg7[%parallel_loop3A_409, %parallel_loop3A_410, %parallel_loop3A_411] {strides = array<i32>} : memref<9x8x128xf32, #tpu.memory_space<vmem>>, vector<16xf32>,
      tpu.vector_store %arg7[%parallel_loop3A_409, %parallel_loop3A_410, %parallel_loop3A_411], %parallel_loop3A_403 {strides = array<i32>} : memref<9x8x128xf32, #tpu.memory_space<vmem>>, vector<16xf32>,
      %parallel_loop3A_413 = arith.constant 16 : i32
      %parallel_loop3A_414 = arith.muli %parallel_loop3A_42, %parallel_loop3A_413 : i32
      %parallel_loop3A_415 = arith.constant 3 : i32
      %parallel_loop3A_416 = arith.constant 3 : i32
      %parallel_loop3A_417 = arith.index_cast %parallel_loop3A_415 : i32 to index
      %parallel_loop3A_418 = arith.index_cast %parallel_loop3A_416 : i32 to index
      %parallel_loop3A_419 = arith.index_cast %parallel_loop3A_414 : i32 to index
      %parallel_loop3A_420 = tpu.vector_load %arg7[%parallel_loop3A_417, %parallel_loop3A_418, %parallel_loop3A_419] {strides = array<i32>} : memref<9x8x128xf32, #tpu.memory_space<vmem>>, vector<16xf32>,
      tpu.vector_store %arg7[%parallel_loop3A_417, %parallel_loop3A_418, %parallel_loop3A_419], %parallel_loop3A_404 {strides = array<i32>} : memref<9x8x128xf32, #tpu.memory_space<vmem>>, vector<16xf32>,
      %parallel_loop3A_421 = arith.constant 2 : i32
      %parallel_loop3A_422 = vector.broadcast %parallel_loop3A_421 : i32 to vector<16xi32>
      %parallel_loop3A_423 = tpu.vector_load_idx %arg5[%parallel_loop3A_422, %parallel_loop3A_376] : memref<8x1024xi32, #tpu.memory_space<vmem>>[vector<16xi32>, vector<16xi32>], vector<16xi32>,
      %parallel_loop3A_424 = vector.bitcast %parallel_loop3A_423 : vector<16xi32> to vector<32xbf16>
      %parallel_loop3A_425 = tpu.unpack_subelements %parallel_loop3A_424, 0 {pack_format = #tpu.pack_format<interleaved>} : vector<32xbf16> -> vector<16xf32>
      %parallel_loop3A_426 = tpu.unpack_subelements %parallel_loop3A_424, 1 {pack_format = #tpu.pack_format<interleaved>} : vector<32xbf16> -> vector<16xf32>
      %parallel_loop3A_427 = arith.constant 16 : i32
      %parallel_loop3A_428 = arith.muli %parallel_loop3A_42, %parallel_loop3A_427 : i32
      %parallel_loop3A_429 = arith.constant 4 : i32
      %parallel_loop3A_430 = arith.constant 3 : i32
      %parallel_loop3A_431 = arith.index_cast %parallel_loop3A_429 : i32 to index
      %parallel_loop3A_432 = arith.index_cast %parallel_loop3A_430 : i32 to index
      %parallel_loop3A_433 = arith.index_cast %parallel_loop3A_428 : i32 to index
      %parallel_loop3A_434 = tpu.vector_load %arg7[%parallel_loop3A_431, %parallel_loop3A_432, %parallel_loop3A_433] {strides = array<i32>} : memref<9x8x128xf32, #tpu.memory_space<vmem>>, vector<16xf32>,
      tpu.vector_store %arg7[%parallel_loop3A_431, %parallel_loop3A_432, %parallel_loop3A_433], %parallel_loop3A_425 {strides = array<i32>} : memref<9x8x128xf32, #tpu.memory_space<vmem>>, vector<16xf32>,
      %parallel_loop3A_435 = arith.constant 16 : i32
      %parallel_loop3A_436 = arith.muli %parallel_loop3A_42, %parallel_loop3A_435 : i32
      %parallel_loop3A_437 = arith.constant 5 : i32
      %parallel_loop3A_438 = arith.constant 3 : i32
      %parallel_loop3A_439 = arith.index_cast %parallel_loop3A_437 : i32 to index
      %parallel_loop3A_440 = arith.index_cast %parallel_loop3A_438 : i32 to index
      %parallel_loop3A_441 = arith.index_cast %parallel_loop3A_436 : i32 to index
      %parallel_loop3A_442 = tpu.vector_load %arg7[%parallel_loop3A_439, %parallel_loop3A_440, %parallel_loop3A_441] {strides = array<i32>} : memref<9x8x128xf32, #tpu.memory_space<vmem>>, vector<16xf32>,
      tpu.vector_store %arg7[%parallel_loop3A_439, %parallel_loop3A_440, %parallel_loop3A_441], %parallel_loop3A_426 {strides = array<i32>} : memref<9x8x128xf32, #tpu.memory_space<vmem>>, vector<16xf32>,
      %parallel_loop3A_443 = arith.constant 3 : i32
      %parallel_loop3A_444 = vector.broadcast %parallel_loop3A_443 : i32 to vector<16xi32>
      %parallel_loop3A_445 = tpu.vector_load_idx %arg5[%parallel_loop3A_444, %parallel_loop3A_376] : memref<8x1024xi32, #tpu.memory_space<vmem>>[vector<16xi32>, vector<16xi32>], vector<16xi32>,
      %parallel_loop3A_446 = vector.bitcast %parallel_loop3A_445 : vector<16xi32> to vector<32xbf16>
      %parallel_loop3A_447 = tpu.unpack_subelements %parallel_loop3A_446, 0 {pack_format = #tpu.pack_format<interleaved>} : vector<32xbf16> -> vector<16xf32>
      %parallel_loop3A_448 = tpu.unpack_subelements %parallel_loop3A_446, 1 {pack_format = #tpu.pack_format<interleaved>} : vector<32xbf16> -> vector<16xf32>
      %parallel_loop3A_449 = arith.constant 16 : i32
      %parallel_loop3A_450 = arith.muli %parallel_loop3A_42, %parallel_loop3A_449 : i32
      %parallel_loop3A_451 = arith.constant 6 : i32
      %parallel_loop3A_452 = arith.constant 3 : i32
      %parallel_loop3A_453 = arith.index_cast %parallel_loop3A_451 : i32 to index
      %parallel_loop3A_454 = arith.index_cast %parallel_loop3A_452 : i32 to index
      %parallel_loop3A_455 = arith.index_cast %parallel_loop3A_450 : i32 to index
      %parallel_loop3A_456 = tpu.vector_load %arg7[%parallel_loop3A_453, %parallel_loop3A_454, %parallel_loop3A_455] {strides = array<i32>} : memref<9x8x128xf32, #tpu.memory_space<vmem>>, vector<16xf32>,
      tpu.vector_store %arg7[%parallel_loop3A_453, %parallel_loop3A_454, %parallel_loop3A_455], %parallel_loop3A_447 {strides = array<i32>} : memref<9x8x128xf32, #tpu.memory_space<vmem>>, vector<16xf32>,
      %parallel_loop3A_457 = arith.constant 16 : i32
      %parallel_loop3A_458 = arith.muli %parallel_loop3A_42, %parallel_loop3A_457 : i32
      %parallel_loop3A_459 = arith.constant 7 : i32
      %parallel_loop3A_460 = arith.constant 3 : i32
      %parallel_loop3A_461 = arith.index_cast %parallel_loop3A_459 : i32 to index
      %parallel_loop3A_462 = arith.index_cast %parallel_loop3A_460 : i32 to index
      %parallel_loop3A_463 = arith.index_cast %parallel_loop3A_458 : i32 to index
      %parallel_loop3A_464 = tpu.vector_load %arg7[%parallel_loop3A_461, %parallel_loop3A_462, %parallel_loop3A_463] {strides = array<i32>} : memref<9x8x128xf32, #tpu.memory_space<vmem>>, vector<16xf32>,
      tpu.vector_store %arg7[%parallel_loop3A_461, %parallel_loop3A_462, %parallel_loop3A_463], %parallel_loop3A_448 {strides = array<i32>} : memref<9x8x128xf32, #tpu.memory_space<vmem>>, vector<16xf32>,
      %parallel_loop3A_465 = arith.constant 4 : i32
      %parallel_loop3A_466 = vector.broadcast %parallel_loop3A_465 : i32 to vector<16xi32>
      %parallel_loop3A_467 = tpu.vector_load_idx %arg5[%parallel_loop3A_466, %parallel_loop3A_376] : memref<8x1024xi32, #tpu.memory_space<vmem>>[vector<16xi32>, vector<16xi32>], vector<16xi32>,
      %parallel_loop3A_468 = vector.bitcast %parallel_loop3A_467 : vector<16xi32> to vector<32xbf16>
      %parallel_loop3A_469 = tpu.unpack_subelements %parallel_loop3A_468, 0 {pack_format = #tpu.pack_format<interleaved>} : vector<32xbf16> -> vector<16xf32>
      %parallel_loop3A_470 = tpu.unpack_subelements %parallel_loop3A_468, 1 {pack_format = #tpu.pack_format<interleaved>} : vector<32xbf16> -> vector<16xf32>
      %parallel_loop3A_471 = arith.constant 16 : i32
      %parallel_loop3A_472 = arith.muli %parallel_loop3A_42, %parallel_loop3A_471 : i32
      %parallel_loop3A_473 = arith.constant 8 : i32
      %parallel_loop3A_474 = arith.constant 3 : i32
      %parallel_loop3A_475 = arith.index_cast %parallel_loop3A_473 : i32 to index
      %parallel_loop3A_476 = arith.index_cast %parallel_loop3A_474 : i32 to index
      %parallel_loop3A_477 = arith.index_cast %parallel_loop3A_472 : i32 to index
      %parallel_loop3A_478 = tpu.vector_load %arg7[%parallel_loop3A_475, %parallel_loop3A_476, %parallel_loop3A_477] {strides = array<i32>} : memref<9x8x128xf32, #tpu.memory_space<vmem>>, vector<16xf32>,
      tpu.vector_store %arg7[%parallel_loop3A_475, %parallel_loop3A_476, %parallel_loop3A_477], %parallel_loop3A_469 {strides = array<i32>} : memref<9x8x128xf32, #tpu.memory_space<vmem>>, vector<16xf32>,
      %parallel_loop3A_479 = arith.constant 4 : i32
      %parallel_loop3A_480 = arith.addi %mul3A_17, %parallel_loop3A_479 : i32
      %parallel_loop3A_481 = arith.constant 16 : i32
      %parallel_loop3A_482 = arith.muli %parallel_loop3A_42, %parallel_loop3A_481 : i32
      %parallel_loop3A_483 = arith.index_cast %parallel_loop3A_480 : i32 to index
      %parallel_loop3A_484 = arith.index_cast %parallel_loop3A_482 : i32 to index
      %parallel_loop3A_485 = tpu.vector_load %arg6[%parallel_loop3A_483, %parallel_loop3A_484] {strides = array<i32>} : memref<200x128xi32, #tpu.memory_space<vmem>>, vector<16xi32>,
      %parallel_loop3A_486 = arith.constant 0 : i32
      %parallel_loop3A_487 = vector.broadcast %parallel_loop3A_486 : i32 to vector<16xi32>
      %parallel_loop3A_488 = tpu.vector_load_idx %arg5[%parallel_loop3A_487, %parallel_loop3A_485] : memref<8x1024xi32, #tpu.memory_space<vmem>>[vector<16xi32>, vector<16xi32>], vector<16xi32>,
      %parallel_loop3A_489 = vector.bitcast %parallel_loop3A_488 : vector<16xi32> to vector<32xbf16>
      %parallel_loop3A_490 = tpu.unpack_subelements %parallel_loop3A_489, 0 {pack_format = #tpu.pack_format<interleaved>} : vector<32xbf16> -> vector<16xf32>
      %parallel_loop3A_491 = tpu.unpack_subelements %parallel_loop3A_489, 1 {pack_format = #tpu.pack_format<interleaved>} : vector<32xbf16> -> vector<16xf32>
      %parallel_loop3A_492 = arith.constant 16 : i32
      %parallel_loop3A_493 = arith.muli %parallel_loop3A_42, %parallel_loop3A_492 : i32
      %parallel_loop3A_494 = arith.constant 0 : i32
      %parallel_loop3A_495 = arith.constant 4 : i32
      %parallel_loop3A_496 = arith.index_cast %parallel_loop3A_494 : i32 to index
      %parallel_loop3A_497 = arith.index_cast %parallel_loop3A_495 : i32 to index
      %parallel_loop3A_498 = arith.index_cast %parallel_loop3A_493 : i32 to index
      %parallel_loop3A_499 = tpu.vector_load %arg7[%parallel_loop3A_496, %parallel_loop3A_497, %parallel_loop3A_498] {strides = array<i32>} : memref<9x8x128xf32, #tpu.memory_space<vmem>>, vector<16xf32>,
      tpu.vector_store %arg7[%parallel_loop3A_496, %parallel_loop3A_497, %parallel_loop3A_498], %parallel_loop3A_490 {strides = array<i32>} : memref<9x8x128xf32, #tpu.memory_space<vmem>>, vector<16xf32>,
      %parallel_loop3A_500 = arith.constant 16 : i32
      %parallel_loop3A_501 = arith.muli %parallel_loop3A_42, %parallel_loop3A_500 : i32
      %parallel_loop3A_502 = arith.constant 1 : i32
      %parallel_loop3A_503 = arith.constant 4 : i32
      %parallel_loop3A_504 = arith.index_cast %parallel_loop3A_502 : i32 to index
      %parallel_loop3A_505 = arith.index_cast %parallel_loop3A_503 : i32 to index
      %parallel_loop3A_506 = arith.index_cast %parallel_loop3A_501 : i32 to index
      %parallel_loop3A_507 = tpu.vector_load %arg7[%parallel_loop3A_504, %parallel_loop3A_505, %parallel_loop3A_506] {strides = array<i32>} : memref<9x8x128xf32, #tpu.memory_space<vmem>>, vector<16xf32>,
      tpu.vector_store %arg7[%parallel_loop3A_504, %parallel_loop3A_505, %parallel_loop3A_506], %parallel_loop3A_491 {strides = array<i32>} : memref<9x8x128xf32, #tpu.memory_space<vmem>>, vector<16xf32>,
      %parallel_loop3A_508 = arith.constant 1 : i32
      %parallel_loop3A_509 = vector.broadcast %parallel_loop3A_508 : i32 to vector<16xi32>
      %parallel_loop3A_510 = tpu.vector_load_idx %arg5[%parallel_loop3A_509, %parallel_loop3A_485] : memref<8x1024xi32, #tpu.memory_space<vmem>>[vector<16xi32>, vector<16xi32>], vector<16xi32>,
      %parallel_loop3A_511 = vector.bitcast %parallel_loop3A_510 : vector<16xi32> to vector<32xbf16>
      %parallel_loop3A_512 = tpu.unpack_subelements %parallel_loop3A_511, 0 {pack_format = #tpu.pack_format<interleaved>} : vector<32xbf16> -> vector<16xf32>
      %parallel_loop3A_513 = tpu.unpack_subelements %parallel_loop3A_511, 1 {pack_format = #tpu.pack_format<interleaved>} : vector<32xbf16> -> vector<16xf32>
      %parallel_loop3A_514 = arith.constant 16 : i32
      %parallel_loop3A_515 = arith.muli %parallel_loop3A_42, %parallel_loop3A_514 : i32
      %parallel_loop3A_516 = arith.constant 2 : i32
      %parallel_loop3A_517 = arith.constant 4 : i32
      %parallel_loop3A_518 = arith.index_cast %parallel_loop3A_516 : i32 to index
      %parallel_loop3A_519 = arith.index_cast %parallel_loop3A_517 : i32 to index
      %parallel_loop3A_520 = arith.index_cast %parallel_loop3A_515 : i32 to index
      %parallel_loop3A_521 = tpu.vector_load %arg7[%parallel_loop3A_518, %parallel_loop3A_519, %parallel_loop3A_520] {strides = array<i32>} : memref<9x8x128xf32, #tpu.memory_space<vmem>>, vector<16xf32>,
      tpu.vector_store %arg7[%parallel_loop3A_518, %parallel_loop3A_519, %parallel_loop3A_520], %parallel_loop3A_512 {strides = array<i32>} : memref<9x8x128xf32, #tpu.memory_space<vmem>>, vector<16xf32>,
      %parallel_loop3A_522 = arith.constant 16 : i32
      %parallel_loop3A_523 = arith.muli %parallel_loop3A_42, %parallel_loop3A_522 : i32
      %parallel_loop3A_524 = arith.constant 3 : i32
      %parallel_loop3A_525 = arith.constant 4 : i32
      %parallel_loop3A_526 = arith.index_cast %parallel_loop3A_524 : i32 to index
      %parallel_loop3A_527 = arith.index_cast %parallel_loop3A_525 : i32 to index
      %parallel_loop3A_528 = arith.index_cast %parallel_loop3A_523 : i32 to index
      %parallel_loop3A_529 = tpu.vector_load %arg7[%parallel_loop3A_526, %parallel_loop3A_527, %parallel_loop3A_528] {strides = array<i32>} : memref<9x8x128xf32, #tpu.memory_space<vmem>>, vector<16xf32>,
      tpu.vector_store %arg7[%parallel_loop3A_526, %parallel_loop3A_527, %parallel_loop3A_528], %parallel_loop3A_513 {strides = array<i32>} : memref<9x8x128xf32, #tpu.memory_space<vmem>>, vector<16xf32>,
      %parallel_loop3A_530 = arith.constant 2 : i32
      %parallel_loop3A_531 = vector.broadcast %parallel_loop3A_530 : i32 to vector<16xi32>
      %parallel_loop3A_532 = tpu.vector_load_idx %arg5[%parallel_loop3A_531, %parallel_loop3A_485] : memref<8x1024xi32, #tpu.memory_space<vmem>>[vector<16xi32>, vector<16xi32>], vector<16xi32>,
      %parallel_loop3A_533 = vector.bitcast %parallel_loop3A_532 : vector<16xi32> to vector<32xbf16>
      %parallel_loop3A_534 = tpu.unpack_subelements %parallel_loop3A_533, 0 {pack_format = #tpu.pack_format<interleaved>} : vector<32xbf16> -> vector<16xf32>
      %parallel_loop3A_535 = tpu.unpack_subelements %parallel_loop3A_533, 1 {pack_format = #tpu.pack_format<interleaved>} : vector<32xbf16> -> vector<16xf32>
      %parallel_loop3A_536 = arith.constant 16 : i32
      %parallel_loop3A_537 = arith.muli %parallel_loop3A_42, %parallel_loop3A_536 : i32
      %parallel_loop3A_538 = arith.constant 4 : i32
      %parallel_loop3A_539 = arith.constant 4 : i32
      %parallel_loop3A_540 = arith.index_cast %parallel_loop3A_538 : i32 to index
      %parallel_loop3A_541 = arith.index_cast %parallel_loop3A_539 : i32 to index
      %parallel_loop3A_542 = arith.index_cast %parallel_loop3A_537 : i32 to index
      %parallel_loop3A_543 = tpu.vector_load %arg7[%parallel_loop3A_540, %parallel_loop3A_541, %parallel_loop3A_542] {strides = array<i32>} : memref<9x8x128xf32, #tpu.memory_space<vmem>>, vector<16xf32>,
      tpu.vector_store %arg7[%parallel_loop3A_540, %parallel_loop3A_541, %parallel_loop3A_542], %parallel_loop3A_534 {strides = array<i32>} : memref<9x8x128xf32, #tpu.memory_space<vmem>>, vector<16xf32>,
      %parallel_loop3A_544 = arith.constant 16 : i32
      %parallel_loop3A_545 = arith.muli %parallel_loop3A_42, %parallel_loop3A_544 : i32
      %parallel_loop3A_546 = arith.constant 5 : i32
      %parallel_loop3A_547 = arith.constant 4 : i32
      %parallel_loop3A_548 = arith.index_cast %parallel_loop3A_546 : i32 to index
      %parallel_loop3A_549 = arith.index_cast %parallel_loop3A_547 : i32 to index
      %parallel_loop3A_550 = arith.index_cast %parallel_loop3A_545 : i32 to index
      %parallel_loop3A_551 = tpu.vector_load %arg7[%parallel_loop3A_548, %parallel_loop3A_549, %parallel_loop3A_550] {strides = array<i32>} : memref<9x8x128xf32, #tpu.memory_space<vmem>>, vector<16xf32>,
      tpu.vector_store %arg7[%parallel_loop3A_548, %parallel_loop3A_549, %parallel_loop3A_550], %parallel_loop3A_535 {strides = array<i32>} : memref<9x8x128xf32, #tpu.memory_space<vmem>>, vector<16xf32>,
      %parallel_loop3A_552 = arith.constant 3 : i32
      %parallel_loop3A_553 = vector.broadcast %parallel_loop3A_552 : i32 to vector<16xi32>
      %parallel_loop3A_554 = tpu.vector_load_idx %arg5[%parallel_loop3A_553, %parallel_loop3A_485] : memref<8x1024xi32, #tpu.memory_space<vmem>>[vector<16xi32>, vector<16xi32>], vector<16xi32>,
      %parallel_loop3A_555 = vector.bitcast %parallel_loop3A_554 : vector<16xi32> to vector<32xbf16>
      %parallel_loop3A_556 = tpu.unpack_subelements %parallel_loop3A_555, 0 {pack_format = #tpu.pack_format<interleaved>} : vector<32xbf16> -> vector<16xf32>
      %parallel_loop3A_557 = tpu.unpack_subelements %parallel_loop3A_555, 1 {pack_format = #tpu.pack_format<interleaved>} : vector<32xbf16> -> vector<16xf32>
      %parallel_loop3A_558 = arith.constant 16 : i32
      %parallel_loop3A_559 = arith.muli %parallel_loop3A_42, %parallel_loop3A_558 : i32
      %parallel_loop3A_560 = arith.constant 6 : i32
      %parallel_loop3A_561 = arith.constant 4 : i32
      %parallel_loop3A_562 = arith.index_cast %parallel_loop3A_560 : i32 to index
      %parallel_loop3A_563 = arith.index_cast %parallel_loop3A_561 : i32 to index
      %parallel_loop3A_564 = arith.index_cast %parallel_loop3A_559 : i32 to index
      %parallel_loop3A_565 = tpu.vector_load %arg7[%parallel_loop3A_562, %parallel_loop3A_563, %parallel_loop3A_564] {strides = array<i32>} : memref<9x8x128xf32, #tpu.memory_space<vmem>>, vector<16xf32>,
      tpu.vector_store %arg7[%parallel_loop3A_562, %parallel_loop3A_563, %parallel_loop3A_564], %parallel_loop3A_556 {strides = array<i32>} : memref<9x8x128xf32, #tpu.memory_space<vmem>>, vector<16xf32>,
      %parallel_loop3A_566 = arith.constant 16 : i32
      %parallel_loop3A_567 = arith.muli %parallel_loop3A_42, %parallel_loop3A_566 : i32
      %parallel_loop3A_568 = arith.constant 7 : i32
      %parallel_loop3A_569 = arith.constant 4 : i32
      %parallel_loop3A_570 = arith.index_cast %parallel_loop3A_568 : i32 to index
      %parallel_loop3A_571 = arith.index_cast %parallel_loop3A_569 : i32 to index
      %parallel_loop3A_572 = arith.index_cast %parallel_loop3A_567 : i32 to index
      %parallel_loop3A_573 = tpu.vector_load %arg7[%parallel_loop3A_570, %parallel_loop3A_571, %parallel_loop3A_572] {strides = array<i32>} : memref<9x8x128xf32, #tpu.memory_space<vmem>>, vector<16xf32>,
      tpu.vector_store %arg7[%parallel_loop3A_570, %parallel_loop3A_571, %parallel_loop3A_572], %parallel_loop3A_557 {strides = array<i32>} : memref<9x8x128xf32, #tpu.memory_space<vmem>>, vector<16xf32>,
      %parallel_loop3A_574 = arith.constant 4 : i32
      %parallel_loop3A_575 = vector.broadcast %parallel_loop3A_574 : i32 to vector<16xi32>
      %parallel_loop3A_576 = tpu.vector_load_idx %arg5[%parallel_loop3A_575, %parallel_loop3A_485] : memref<8x1024xi32, #tpu.memory_space<vmem>>[vector<16xi32>, vector<16xi32>], vector<16xi32>,
      %parallel_loop3A_577 = vector.bitcast %parallel_loop3A_576 : vector<16xi32> to vector<32xbf16>
      %parallel_loop3A_578 = tpu.unpack_subelements %parallel_loop3A_577, 0 {pack_format = #tpu.pack_format<interleaved>} : vector<32xbf16> -> vector<16xf32>
      %parallel_loop3A_579 = tpu.unpack_subelements %parallel_loop3A_577, 1 {pack_format = #tpu.pack_format<interleaved>} : vector<32xbf16> -> vector<16xf32>
      %parallel_loop3A_580 = arith.constant 16 : i32
      %parallel_loop3A_581 = arith.muli %parallel_loop3A_42, %parallel_loop3A_580 : i32
      %parallel_loop3A_582 = arith.constant 8 : i32
      %parallel_loop3A_583 = arith.constant 4 : i32
      %parallel_loop3A_584 = arith.index_cast %parallel_loop3A_582 : i32 to index
      %parallel_loop3A_585 = arith.index_cast %parallel_loop3A_583 : i32 to index
      %parallel_loop3A_586 = arith.index_cast %parallel_loop3A_581 : i32 to index
      %parallel_loop3A_587 = tpu.vector_load %arg7[%parallel_loop3A_584, %parallel_loop3A_585, %parallel_loop3A_586] {strides = array<i32>} : memref<9x8x128xf32, #tpu.memory_space<vmem>>, vector<16xf32>,
      tpu.vector_store %arg7[%parallel_loop3A_584, %parallel_loop3A_585, %parallel_loop3A_586], %parallel_loop3A_578 {strides = array<i32>} : memref<9x8x128xf32, #tpu.memory_space<vmem>>, vector<16xf32>,
      %parallel_loop3A_588 = arith.constant 5 : i32
      %parallel_loop3A_589 = arith.addi %mul3A_17, %parallel_loop3A_588 : i32
      %parallel_loop3A_590 = arith.constant 16 : i32
      %parallel_loop3A_591 = arith.muli %parallel_loop3A_42, %parallel_loop3A_590 : i32
      %parallel_loop3A_592 = arith.index_cast %parallel_loop3A_589 : i32 to index
      %parallel_loop3A_593 = arith.index_cast %parallel_loop3A_591 : i32 to index
      %parallel_loop3A_594 = tpu.vector_load %arg6[%parallel_loop3A_592, %parallel_loop3A_593] {strides = array<i32>} : memref<200x128xi32, #tpu.memory_space<vmem>>, vector<16xi32>,
      %parallel_loop3A_595 = arith.constant 0 : i32
      %parallel_loop3A_596 = vector.broadcast %parallel_loop3A_595 : i32 to vector<16xi32>
      %parallel_loop3A_597 = tpu.vector_load_idx %arg5[%parallel_loop3A_596, %parallel_loop3A_594] : memref<8x1024xi32, #tpu.memory_space<vmem>>[vector<16xi32>, vector<16xi32>], vector<16xi32>,
      %parallel_loop3A_598 = vector.bitcast %parallel_loop3A_597 : vector<16xi32> to vector<32xbf16>
      %parallel_loop3A_599 = tpu.unpack_subelements %parallel_loop3A_598, 0 {pack_format = #tpu.pack_format<interleaved>} : vector<32xbf16> -> vector<16xf32>
      %parallel_loop3A_600 = tpu.unpack_subelements %parallel_loop3A_598, 1 {pack_format = #tpu.pack_format<interleaved>} : vector<32xbf16> -> vector<16xf32>
      %parallel_loop3A_601 = arith.constant 16 : i32
      %parallel_loop3A_602 = arith.muli %parallel_loop3A_42, %parallel_loop3A_601 : i32
      %parallel_loop3A_603 = arith.constant 0 : i32
      %parallel_loop3A_604 = arith.constant 5 : i32
      %parallel_loop3A_605 = arith.index_cast %parallel_loop3A_603 : i32 to index
      %parallel_loop3A_606 = arith.index_cast %parallel_loop3A_604 : i32 to index
      %parallel_loop3A_607 = arith.index_cast %parallel_loop3A_602 : i32 to index
      %parallel_loop3A_608 = tpu.vector_load %arg7[%parallel_loop3A_605, %parallel_loop3A_606, %parallel_loop3A_607] {strides = array<i32>} : memref<9x8x128xf32, #tpu.memory_space<vmem>>, vector<16xf32>,
      tpu.vector_store %arg7[%parallel_loop3A_605, %parallel_loop3A_606, %parallel_loop3A_607], %parallel_loop3A_599 {strides = array<i32>} : memref<9x8x128xf32, #tpu.memory_space<vmem>>, vector<16xf32>,
      %parallel_loop3A_609 = arith.constant 16 : i32
      %parallel_loop3A_610 = arith.muli %parallel_loop3A_42, %parallel_loop3A_609 : i32
      %parallel_loop3A_611 = arith.constant 1 : i32
      %parallel_loop3A_612 = arith.constant 5 : i32
      %parallel_loop3A_613 = arith.index_cast %parallel_loop3A_611 : i32 to index
      %parallel_loop3A_614 = arith.index_cast %parallel_loop3A_612 : i32 to index
      %parallel_loop3A_615 = arith.index_cast %parallel_loop3A_610 : i32 to index
      %parallel_loop3A_616 = tpu.vector_load %arg7[%parallel_loop3A_613, %parallel_loop3A_614, %parallel_loop3A_615] {strides = array<i32>} : memref<9x8x128xf32, #tpu.memory_space<vmem>>, vector<16xf32>,
      tpu.vector_store %arg7[%parallel_loop3A_613, %parallel_loop3A_614, %parallel_loop3A_615], %parallel_loop3A_600 {strides = array<i32>} : memref<9x8x128xf32, #tpu.memory_space<vmem>>, vector<16xf32>,
      %parallel_loop3A_617 = arith.constant 1 : i32
      %parallel_loop3A_618 = vector.broadcast %parallel_loop3A_617 : i32 to vector<16xi32>
      %parallel_loop3A_619 = tpu.vector_load_idx %arg5[%parallel_loop3A_618, %parallel_loop3A_594] : memref<8x1024xi32, #tpu.memory_space<vmem>>[vector<16xi32>, vector<16xi32>], vector<16xi32>,
      %parallel_loop3A_620 = vector.bitcast %parallel_loop3A_619 : vector<16xi32> to vector<32xbf16>
      %parallel_loop3A_621 = tpu.unpack_subelements %parallel_loop3A_620, 0 {pack_format = #tpu.pack_format<interleaved>} : vector<32xbf16> -> vector<16xf32>
      %parallel_loop3A_622 = tpu.unpack_subelements %parallel_loop3A_620, 1 {pack_format = #tpu.pack_format<interleaved>} : vector<32xbf16> -> vector<16xf32>
      %parallel_loop3A_623 = arith.constant 16 : i32
      %parallel_loop3A_624 = arith.muli %parallel_loop3A_42, %parallel_loop3A_623 : i32
      %parallel_loop3A_625 = arith.constant 2 : i32
      %parallel_loop3A_626 = arith.constant 5 : i32
      %parallel_loop3A_627 = arith.index_cast %parallel_loop3A_625 : i32 to index
      %parallel_loop3A_628 = arith.index_cast %parallel_loop3A_626 : i32 to index
      %parallel_loop3A_629 = arith.index_cast %parallel_loop3A_624 : i32 to index
      %parallel_loop3A_630 = tpu.vector_load %arg7[%parallel_loop3A_627, %parallel_loop3A_628, %parallel_loop3A_629] {strides = array<i32>} : memref<9x8x128xf32, #tpu.memory_space<vmem>>, vector<16xf32>,
      tpu.vector_store %arg7[%parallel_loop3A_627, %parallel_loop3A_628, %parallel_loop3A_629], %parallel_loop3A_621 {strides = array<i32>} : memref<9x8x128xf32, #tpu.memory_space<vmem>>, vector<16xf32>,
      %parallel_loop3A_631 = arith.constant 16 : i32
      %parallel_loop3A_632 = arith.muli %parallel_loop3A_42, %parallel_loop3A_631 : i32
      %parallel_loop3A_633 = arith.constant 3 : i32
      %parallel_loop3A_634 = arith.constant 5 : i32
      %parallel_loop3A_635 = arith.index_cast %parallel_loop3A_633 : i32 to index
      %parallel_loop3A_636 = arith.index_cast %parallel_loop3A_634 : i32 to index
      %parallel_loop3A_637 = arith.index_cast %parallel_loop3A_632 : i32 to index
      %parallel_loop3A_638 = tpu.vector_load %arg7[%parallel_loop3A_635, %parallel_loop3A_636, %parallel_loop3A_637] {strides = array<i32>} : memref<9x8x128xf32, #tpu.memory_space<vmem>>, vector<16xf32>,
      tpu.vector_store %arg7[%parallel_loop3A_635, %parallel_loop3A_636, %parallel_loop3A_637], %parallel_loop3A_622 {strides = array<i32>} : memref<9x8x128xf32, #tpu.memory_space<vmem>>, vector<16xf32>,
      %parallel_loop3A_639 = arith.constant 2 : i32
      %parallel_loop3A_640 = vector.broadcast %parallel_loop3A_639 : i32 to vector<16xi32>
      %parallel_loop3A_641 = tpu.vector_load_idx %arg5[%parallel_loop3A_640, %parallel_loop3A_594] : memref<8x1024xi32, #tpu.memory_space<vmem>>[vector<16xi32>, vector<16xi32>], vector<16xi32>,
      %parallel_loop3A_642 = vector.bitcast %parallel_loop3A_641 : vector<16xi32> to vector<32xbf16>
      %parallel_loop3A_643 = tpu.unpack_subelements %parallel_loop3A_642, 0 {pack_format = #tpu.pack_format<interleaved>} : vector<32xbf16> -> vector<16xf32>
      %parallel_loop3A_644 = tpu.unpack_subelements %parallel_loop3A_642, 1 {pack_format = #tpu.pack_format<interleaved>} : vector<32xbf16> -> vector<16xf32>
      %parallel_loop3A_645 = arith.constant 16 : i32
      %parallel_loop3A_646 = arith.muli %parallel_loop3A_42, %parallel_loop3A_645 : i32
      %parallel_loop3A_647 = arith.constant 4 : i32
      %parallel_loop3A_648 = arith.constant 5 : i32
      %parallel_loop3A_649 = arith.index_cast %parallel_loop3A_647 : i32 to index
      %parallel_loop3A_650 = arith.index_cast %parallel_loop3A_648 : i32 to index
      %parallel_loop3A_651 = arith.index_cast %parallel_loop3A_646 : i32 to index
      %parallel_loop3A_652 = tpu.vector_load %arg7[%parallel_loop3A_649, %parallel_loop3A_650, %parallel_loop3A_651] {strides = array<i32>} : memref<9x8x128xf32, #tpu.memory_space<vmem>>, vector<16xf32>,
      tpu.vector_store %arg7[%parallel_loop3A_649, %parallel_loop3A_650, %parallel_loop3A_651], %parallel_loop3A_643 {strides = array<i32>} : memref<9x8x128xf32, #tpu.memory_space<vmem>>, vector<16xf32>,
      %parallel_loop3A_653 = arith.constant 16 : i32
      %parallel_loop3A_654 = arith.muli %parallel_loop3A_42, %parallel_loop3A_653 : i32
      %parallel_loop3A_655 = arith.constant 5 : i32
      %parallel_loop3A_656 = arith.constant 5 : i32
      %parallel_loop3A_657 = arith.index_cast %parallel_loop3A_655 : i32 to index
      %parallel_loop3A_658 = arith.index_cast %parallel_loop3A_656 : i32 to index
      %parallel_loop3A_659 = arith.index_cast %parallel_loop3A_654 : i32 to index
      %parallel_loop3A_660 = tpu.vector_load %arg7[%parallel_loop3A_657, %parallel_loop3A_658, %parallel_loop3A_659] {strides = array<i32>} : memref<9x8x128xf32, #tpu.memory_space<vmem>>, vector<16xf32>,
      tpu.vector_store %arg7[%parallel_loop3A_657, %parallel_loop3A_658, %parallel_loop3A_659], %parallel_loop3A_644 {strides = array<i32>} : memref<9x8x128xf32, #tpu.memory_space<vmem>>, vector<16xf32>,
      %parallel_loop3A_661 = arith.constant 3 : i32
      %parallel_loop3A_662 = vector.broadcast %parallel_loop3A_661 : i32 to vector<16xi32>
      %parallel_loop3A_663 = tpu.vector_load_idx %arg5[%parallel_loop3A_662, %parallel_loop3A_594] : memref<8x1024xi32, #tpu.memory_space<vmem>>[vector<16xi32>, vector<16xi32>], vector<16xi32>,
      %parallel_loop3A_664 = vector.bitcast %parallel_loop3A_663 : vector<16xi32> to vector<32xbf16>
      %parallel_loop3A_665 = tpu.unpack_subelements %parallel_loop3A_664, 0 {pack_format = #tpu.pack_format<interleaved>} : vector<32xbf16> -> vector<16xf32>
      %parallel_loop3A_666 = tpu.unpack_subelements %parallel_loop3A_664, 1 {pack_format = #tpu.pack_format<interleaved>} : vector<32xbf16> -> vector<16xf32>
      %parallel_loop3A_667 = arith.constant 16 : i32
      %parallel_loop3A_668 = arith.muli %parallel_loop3A_42, %parallel_loop3A_667 : i32
      %parallel_loop3A_669 = arith.constant 6 : i32
      %parallel_loop3A_670 = arith.constant 5 : i32
      %parallel_loop3A_671 = arith.index_cast %parallel_loop3A_669 : i32 to index
      %parallel_loop3A_672 = arith.index_cast %parallel_loop3A_670 : i32 to index
      %parallel_loop3A_673 = arith.index_cast %parallel_loop3A_668 : i32 to index
      %parallel_loop3A_674 = tpu.vector_load %arg7[%parallel_loop3A_671, %parallel_loop3A_672, %parallel_loop3A_673] {strides = array<i32>} : memref<9x8x128xf32, #tpu.memory_space<vmem>>, vector<16xf32>,
      tpu.vector_store %arg7[%parallel_loop3A_671, %parallel_loop3A_672, %parallel_loop3A_673], %parallel_loop3A_665 {strides = array<i32>} : memref<9x8x128xf32, #tpu.memory_space<vmem>>, vector<16xf32>,
      %parallel_loop3A_675 = arith.constant 16 : i32
      %parallel_loop3A_676 = arith.muli %parallel_loop3A_42, %parallel_loop3A_675 : i32
      %parallel_loop3A_677 = arith.constant 7 : i32
      %parallel_loop3A_678 = arith.constant 5 : i32
      %parallel_loop3A_679 = arith.index_cast %parallel_loop3A_677 : i32 to index
      %parallel_loop3A_680 = arith.index_cast %parallel_loop3A_678 : i32 to index
      %parallel_loop3A_681 = arith.index_cast %parallel_loop3A_676 : i32 to index
      %parallel_loop3A_682 = tpu.vector_load %arg7[%parallel_loop3A_679, %parallel_loop3A_680, %parallel_loop3A_681] {strides = array<i32>} : memref<9x8x128xf32, #tpu.memory_space<vmem>>, vector<16xf32>,
      tpu.vector_store %arg7[%parallel_loop3A_679, %parallel_loop3A_680, %parallel_loop3A_681], %parallel_loop3A_666 {strides = array<i32>} : memref<9x8x128xf32, #tpu.memory_space<vmem>>, vector<16xf32>,
      %parallel_loop3A_683 = arith.constant 4 : i32
      %parallel_loop3A_684 = vector.broadcast %parallel_loop3A_683 : i32 to vector<16xi32>
      %parallel_loop3A_685 = tpu.vector_load_idx %arg5[%parallel_loop3A_684, %parallel_loop3A_594] : memref<8x1024xi32, #tpu.memory_space<vmem>>[vector<16xi32>, vector<16xi32>], vector<16xi32>,
      %parallel_loop3A_686 = vector.bitcast %parallel_loop3A_685 : vector<16xi32> to vector<32xbf16>
      %parallel_loop3A_687 = tpu.unpack_subelements %parallel_loop3A_686, 0 {pack_format = #tpu.pack_format<interleaved>} : vector<32xbf16> -> vector<16xf32>
      %parallel_loop3A_688 = tpu.unpack_subelements %parallel_loop3A_686, 1 {pack_format = #tpu.pack_format<interleaved>} : vector<32xbf16> -> vector<16xf32>
      %parallel_loop3A_689 = arith.constant 16 : i32
      %parallel_loop3A_690 = arith.muli %parallel_loop3A_42, %parallel_loop3A_689 : i32
      %parallel_loop3A_691 = arith.constant 8 : i32
      %parallel_loop3A_692 = arith.constant 5 : i32
      %parallel_loop3A_693 = arith.index_cast %parallel_loop3A_691 : i32 to index
      %parallel_loop3A_694 = arith.index_cast %parallel_loop3A_692 : i32 to index
      %parallel_loop3A_695 = arith.index_cast %parallel_loop3A_690 : i32 to index
      %parallel_loop3A_696 = tpu.vector_load %arg7[%parallel_loop3A_693, %parallel_loop3A_694, %parallel_loop3A_695] {strides = array<i32>} : memref<9x8x128xf32, #tpu.memory_space<vmem>>, vector<16xf32>,
      tpu.vector_store %arg7[%parallel_loop3A_693, %parallel_loop3A_694, %parallel_loop3A_695], %parallel_loop3A_687 {strides = array<i32>} : memref<9x8x128xf32, #tpu.memory_space<vmem>>, vector<16xf32>,
      %parallel_loop3A_697 = arith.constant 6 : i32
      %parallel_loop3A_698 = arith.addi %mul3A_17, %parallel_loop3A_697 : i32
      %parallel_loop3A_699 = arith.constant 16 : i32
      %parallel_loop3A_700 = arith.muli %parallel_loop3A_42, %parallel_loop3A_699 : i32
      %parallel_loop3A_701 = arith.index_cast %parallel_loop3A_698 : i32 to index
      %parallel_loop3A_702 = arith.index_cast %parallel_loop3A_700 : i32 to index
      %parallel_loop3A_703 = tpu.vector_load %arg6[%parallel_loop3A_701, %parallel_loop3A_702] {strides = array<i32>} : memref<200x128xi32, #tpu.memory_space<vmem>>, vector<16xi32>,
      %parallel_loop3A_704 = arith.constant 0 : i32
      %parallel_loop3A_705 = vector.broadcast %parallel_loop3A_704 : i32 to vector<16xi32>
      %parallel_loop3A_706 = tpu.vector_load_idx %arg5[%parallel_loop3A_705, %parallel_loop3A_703] : memref<8x1024xi32, #tpu.memory_space<vmem>>[vector<16xi32>, vector<16xi32>], vector<16xi32>,
      %parallel_loop3A_707 = vector.bitcast %parallel_loop3A_706 : vector<16xi32> to vector<32xbf16>
      %parallel_loop3A_708 = tpu.unpack_subelements %parallel_loop3A_707, 0 {pack_format = #tpu.pack_format<interleaved>} : vector<32xbf16> -> vector<16xf32>
      %parallel_loop3A_709 = tpu.unpack_subelements %parallel_loop3A_707, 1 {pack_format = #tpu.pack_format<interleaved>} : vector<32xbf16> -> vector<16xf32>
      %parallel_loop3A_710 = arith.constant 16 : i32
      %parallel_loop3A_711 = arith.muli %parallel_loop3A_42, %parallel_loop3A_710 : i32
      %parallel_loop3A_712 = arith.constant 0 : i32
      %parallel_loop3A_713 = arith.constant 6 : i32
      %parallel_loop3A_714 = arith.index_cast %parallel_loop3A_712 : i32 to index
      %parallel_loop3A_715 = arith.index_cast %parallel_loop3A_713 : i32 to index
      %parallel_loop3A_716 = arith.index_cast %parallel_loop3A_711 : i32 to index
      %parallel_loop3A_717 = tpu.vector_load %arg7[%parallel_loop3A_714, %parallel_loop3A_715, %parallel_loop3A_716] {strides = array<i32>} : memref<9x8x128xf32, #tpu.memory_space<vmem>>, vector<16xf32>,
      tpu.vector_store %arg7[%parallel_loop3A_714, %parallel_loop3A_715, %parallel_loop3A_716], %parallel_loop3A_708 {strides = array<i32>} : memref<9x8x128xf32, #tpu.memory_space<vmem>>, vector<16xf32>,
      %parallel_loop3A_718 = arith.constant 16 : i32
      %parallel_loop3A_719 = arith.muli %parallel_loop3A_42, %parallel_loop3A_718 : i32
      %parallel_loop3A_720 = arith.constant 1 : i32
      %parallel_loop3A_721 = arith.constant 6 : i32
      %parallel_loop3A_722 = arith.index_cast %parallel_loop3A_720 : i32 to index
      %parallel_loop3A_723 = arith.index_cast %parallel_loop3A_721 : i32 to index
      %parallel_loop3A_724 = arith.index_cast %parallel_loop3A_719 : i32 to index
      %parallel_loop3A_725 = tpu.vector_load %arg7[%parallel_loop3A_722, %parallel_loop3A_723, %parallel_loop3A_724] {strides = array<i32>} : memref<9x8x128xf32, #tpu.memory_space<vmem>>, vector<16xf32>,
      tpu.vector_store %arg7[%parallel_loop3A_722, %parallel_loop3A_723, %parallel_loop3A_724], %parallel_loop3A_709 {strides = array<i32>} : memref<9x8x128xf32, #tpu.memory_space<vmem>>, vector<16xf32>,
      %parallel_loop3A_726 = arith.constant 1 : i32
      %parallel_loop3A_727 = vector.broadcast %parallel_loop3A_726 : i32 to vector<16xi32>
      %parallel_loop3A_728 = tpu.vector_load_idx %arg5[%parallel_loop3A_727, %parallel_loop3A_703] : memref<8x1024xi32, #tpu.memory_space<vmem>>[vector<16xi32>, vector<16xi32>], vector<16xi32>,
      %parallel_loop3A_729 = vector.bitcast %parallel_loop3A_728 : vector<16xi32> to vector<32xbf16>
      %parallel_loop3A_730 = tpu.unpack_subelements %parallel_loop3A_729, 0 {pack_format = #tpu.pack_format<interleaved>} : vector<32xbf16> -> vector<16xf32>
      %parallel_loop3A_731 = tpu.unpack_subelements %parallel_loop3A_729, 1 {pack_format = #tpu.pack_format<interleaved>} : vector<32xbf16> -> vector<16xf32>
      %parallel_loop3A_732 = arith.constant 16 : i32
      %parallel_loop3A_733 = arith.muli %parallel_loop3A_42, %parallel_loop3A_732 : i32
      %parallel_loop3A_734 = arith.constant 2 : i32
      %parallel_loop3A_735 = arith.constant 6 : i32
      %parallel_loop3A_736 = arith.index_cast %parallel_loop3A_734 : i32 to index
      %parallel_loop3A_737 = arith.index_cast %parallel_loop3A_735 : i32 to index
      %parallel_loop3A_738 = arith.index_cast %parallel_loop3A_733 : i32 to index
      %parallel_loop3A_739 = tpu.vector_load %arg7[%parallel_loop3A_736, %parallel_loop3A_737, %parallel_loop3A_738] {strides = array<i32>} : memref<9x8x128xf32, #tpu.memory_space<vmem>>, vector<16xf32>,
      tpu.vector_store %arg7[%parallel_loop3A_736, %parallel_loop3A_737, %parallel_loop3A_738], %parallel_loop3A_730 {strides = array<i32>} : memref<9x8x128xf32, #tpu.memory_space<vmem>>, vector<16xf32>,
      %parallel_loop3A_740 = arith.constant 16 : i32
      %parallel_loop3A_741 = arith.muli %parallel_loop3A_42, %parallel_loop3A_740 : i32
      %parallel_loop3A_742 = arith.constant 3 : i32
      %parallel_loop3A_743 = arith.constant 6 : i32
      %parallel_loop3A_744 = arith.index_cast %parallel_loop3A_742 : i32 to index
      %parallel_loop3A_745 = arith.index_cast %parallel_loop3A_743 : i32 to index
      %parallel_loop3A_746 = arith.index_cast %parallel_loop3A_741 : i32 to index
      %parallel_loop3A_747 = tpu.vector_load %arg7[%parallel_loop3A_744, %parallel_loop3A_745, %parallel_loop3A_746] {strides = array<i32>} : memref<9x8x128xf32, #tpu.memory_space<vmem>>, vector<16xf32>,
      tpu.vector_store %arg7[%parallel_loop3A_744, %parallel_loop3A_745, %parallel_loop3A_746], %parallel_loop3A_731 {strides = array<i32>} : memref<9x8x128xf32, #tpu.memory_space<vmem>>, vector<16xf32>,
      %parallel_loop3A_748 = arith.constant 2 : i32
      %parallel_loop3A_749 = vector.broadcast %parallel_loop3A_748 : i32 to vector<16xi32>
      %parallel_loop3A_750 = tpu.vector_load_idx %arg5[%parallel_loop3A_749, %parallel_loop3A_703] : memref<8x1024xi32, #tpu.memory_space<vmem>>[vector<16xi32>, vector<16xi32>], vector<16xi32>,
      %parallel_loop3A_751 = vector.bitcast %parallel_loop3A_750 : vector<16xi32> to vector<32xbf16>
      %parallel_loop3A_752 = tpu.unpack_subelements %parallel_loop3A_751, 0 {pack_format = #tpu.pack_format<interleaved>} : vector<32xbf16> -> vector<16xf32>
      %parallel_loop3A_753 = tpu.unpack_subelements %parallel_loop3A_751, 1 {pack_format = #tpu.pack_format<interleaved>} : vector<32xbf16> -> vector<16xf32>
      %parallel_loop3A_754 = arith.constant 16 : i32
      %parallel_loop3A_755 = arith.muli %parallel_loop3A_42, %parallel_loop3A_754 : i32
      %parallel_loop3A_756 = arith.constant 4 : i32
      %parallel_loop3A_757 = arith.constant 6 : i32
      %parallel_loop3A_758 = arith.index_cast %parallel_loop3A_756 : i32 to index
      %parallel_loop3A_759 = arith.index_cast %parallel_loop3A_757 : i32 to index
      %parallel_loop3A_760 = arith.index_cast %parallel_loop3A_755 : i32 to index
      %parallel_loop3A_761 = tpu.vector_load %arg7[%parallel_loop3A_758, %parallel_loop3A_759, %parallel_loop3A_760] {strides = array<i32>} : memref<9x8x128xf32, #tpu.memory_space<vmem>>, vector<16xf32>,
      tpu.vector_store %arg7[%parallel_loop3A_758, %parallel_loop3A_759, %parallel_loop3A_760], %parallel_loop3A_752 {strides = array<i32>} : memref<9x8x128xf32, #tpu.memory_space<vmem>>, vector<16xf32>,
      %parallel_loop3A_762 = arith.constant 16 : i32
      %parallel_loop3A_763 = arith.muli %parallel_loop3A_42, %parallel_loop3A_762 : i32
      %parallel_loop3A_764 = arith.constant 5 : i32
      %parallel_loop3A_765 = arith.constant 6 : i32
      %parallel_loop3A_766 = arith.index_cast %parallel_loop3A_764 : i32 to index
      %parallel_loop3A_767 = arith.index_cast %parallel_loop3A_765 : i32 to index
      %parallel_loop3A_768 = arith.index_cast %parallel_loop3A_763 : i32 to index
      %parallel_loop3A_769 = tpu.vector_load %arg7[%parallel_loop3A_766, %parallel_loop3A_767, %parallel_loop3A_768] {strides = array<i32>} : memref<9x8x128xf32, #tpu.memory_space<vmem>>, vector<16xf32>,
      tpu.vector_store %arg7[%parallel_loop3A_766, %parallel_loop3A_767, %parallel_loop3A_768], %parallel_loop3A_753 {strides = array<i32>} : memref<9x8x128xf32, #tpu.memory_space<vmem>>, vector<16xf32>,
      %parallel_loop3A_770 = arith.constant 3 : i32
      %parallel_loop3A_771 = vector.broadcast %parallel_loop3A_770 : i32 to vector<16xi32>
      %parallel_loop3A_772 = tpu.vector_load_idx %arg5[%parallel_loop3A_771, %parallel_loop3A_703] : memref<8x1024xi32, #tpu.memory_space<vmem>>[vector<16xi32>, vector<16xi32>], vector<16xi32>,
      %parallel_loop3A_773 = vector.bitcast %parallel_loop3A_772 : vector<16xi32> to vector<32xbf16>
      %parallel_loop3A_774 = tpu.unpack_subelements %parallel_loop3A_773, 0 {pack_format = #tpu.pack_format<interleaved>} : vector<32xbf16> -> vector<16xf32>
      %parallel_loop3A_775 = tpu.unpack_subelements %parallel_loop3A_773, 1 {pack_format = #tpu.pack_format<interleaved>} : vector<32xbf16> -> vector<16xf32>
      %parallel_loop3A_776 = arith.constant 16 : i32
      %parallel_loop3A_777 = arith.muli %parallel_loop3A_42, %parallel_loop3A_776 : i32
      %parallel_loop3A_778 = arith.constant 6 : i32
      %parallel_loop3A_779 = arith.constant 6 : i32
      %parallel_loop3A_780 = arith.index_cast %parallel_loop3A_778 : i32 to index
      %parallel_loop3A_781 = arith.index_cast %parallel_loop3A_779 : i32 to index
      %parallel_loop3A_782 = arith.index_cast %parallel_loop3A_777 : i32 to index
      %parallel_loop3A_783 = tpu.vector_load %arg7[%parallel_loop3A_780, %parallel_loop3A_781, %parallel_loop3A_782] {strides = array<i32>} : memref<9x8x128xf32, #tpu.memory_space<vmem>>, vector<16xf32>,
      tpu.vector_store %arg7[%parallel_loop3A_780, %parallel_loop3A_781, %parallel_loop3A_782], %parallel_loop3A_774 {strides = array<i32>} : memref<9x8x128xf32, #tpu.memory_space<vmem>>, vector<16xf32>,
      %parallel_loop3A_784 = arith.constant 16 : i32
      %parallel_loop3A_785 = arith.muli %parallel_loop3A_42, %parallel_loop3A_784 : i32
      %parallel_loop3A_786 = arith.constant 7 : i32
      %parallel_loop3A_787 = arith.constant 6 : i32
      %parallel_loop3A_788 = arith.index_cast %parallel_loop3A_786 : i32 to index
      %parallel_loop3A_789 = arith.index_cast %parallel_loop3A_787 : i32 to index
      %parallel_loop3A_790 = arith.index_cast %parallel_loop3A_785 : i32 to index
      %parallel_loop3A_791 = tpu.vector_load %arg7[%parallel_loop3A_788, %parallel_loop3A_789, %parallel_loop3A_790] {strides = array<i32>} : memref<9x8x128xf32, #tpu.memory_space<vmem>>, vector<16xf32>,
      tpu.vector_store %arg7[%parallel_loop3A_788, %parallel_loop3A_789, %parallel_loop3A_790], %parallel_loop3A_775 {strides = array<i32>} : memref<9x8x128xf32, #tpu.memory_space<vmem>>, vector<16xf32>,
      %parallel_loop3A_792 = arith.constant 4 : i32
      %parallel_loop3A_793 = vector.broadcast %parallel_loop3A_792 : i32 to vector<16xi32>
      %parallel_loop3A_794 = tpu.vector_load_idx %arg5[%parallel_loop3A_793, %parallel_loop3A_703] : memref<8x1024xi32, #tpu.memory_space<vmem>>[vector<16xi32>, vector<16xi32>], vector<16xi32>,
      %parallel_loop3A_795 = vector.bitcast %parallel_loop3A_794 : vector<16xi32> to vector<32xbf16>
      %parallel_loop3A_796 = tpu.unpack_subelements %parallel_loop3A_795, 0 {pack_format = #tpu.pack_format<interleaved>} : vector<32xbf16> -> vector<16xf32>
      %parallel_loop3A_797 = tpu.unpack_subelements %parallel_loop3A_795, 1 {pack_format = #tpu.pack_format<interleaved>} : vector<32xbf16> -> vector<16xf32>
      %parallel_loop3A_798 = arith.constant 16 : i32
      %parallel_loop3A_799 = arith.muli %parallel_loop3A_42, %parallel_loop3A_798 : i32
      %parallel_loop3A_800 = arith.constant 8 : i32
      %parallel_loop3A_801 = arith.constant 6 : i32
      %parallel_loop3A_802 = arith.index_cast %parallel_loop3A_800 : i32 to index
      %parallel_loop3A_803 = arith.index_cast %parallel_loop3A_801 : i32 to index
      %parallel_loop3A_804 = arith.index_cast %parallel_loop3A_799 : i32 to index
      %parallel_loop3A_805 = tpu.vector_load %arg7[%parallel_loop3A_802, %parallel_loop3A_803, %parallel_loop3A_804] {strides = array<i32>} : memref<9x8x128xf32, #tpu.memory_space<vmem>>, vector<16xf32>,
      tpu.vector_store %arg7[%parallel_loop3A_802, %parallel_loop3A_803, %parallel_loop3A_804], %parallel_loop3A_796 {strides = array<i32>} : memref<9x8x128xf32, #tpu.memory_space<vmem>>, vector<16xf32>,
      %parallel_loop3A_806 = arith.constant 7 : i32
      %parallel_loop3A_807 = arith.addi %mul3A_17, %parallel_loop3A_806 : i32
      %parallel_loop3A_808 = arith.constant 16 : i32
      %parallel_loop3A_809 = arith.muli %parallel_loop3A_42, %parallel_loop3A_808 : i32
      %parallel_loop3A_810 = arith.index_cast %parallel_loop3A_807 : i32 to index
      %parallel_loop3A_811 = arith.index_cast %parallel_loop3A_809 : i32 to index
      %parallel_loop3A_812 = tpu.vector_load %arg6[%parallel_loop3A_810, %parallel_loop3A_811] {strides = array<i32>} : memref<200x128xi32, #tpu.memory_space<vmem>>, vector<16xi32>,
      %parallel_loop3A_813 = arith.constant 0 : i32
      %parallel_loop3A_814 = vector.broadcast %parallel_loop3A_813 : i32 to vector<16xi32>
      %parallel_loop3A_815 = tpu.vector_load_idx %arg5[%parallel_loop3A_814, %parallel_loop3A_812] : memref<8x1024xi32, #tpu.memory_space<vmem>>[vector<16xi32>, vector<16xi32>], vector<16xi32>,
      %parallel_loop3A_816 = vector.bitcast %parallel_loop3A_815 : vector<16xi32> to vector<32xbf16>
      %parallel_loop3A_817 = tpu.unpack_subelements %parallel_loop3A_816, 0 {pack_format = #tpu.pack_format<interleaved>} : vector<32xbf16> -> vector<16xf32>
      %parallel_loop3A_818 = tpu.unpack_subelements %parallel_loop3A_816, 1 {pack_format = #tpu.pack_format<interleaved>} : vector<32xbf16> -> vector<16xf32>
      %parallel_loop3A_819 = arith.constant 16 : i32
      %parallel_loop3A_820 = arith.muli %parallel_loop3A_42, %parallel_loop3A_819 : i32
      %parallel_loop3A_821 = arith.constant 0 : i32
      %parallel_loop3A_822 = arith.constant 7 : i32
      %parallel_loop3A_823 = arith.index_cast %parallel_loop3A_821 : i32 to index
      %parallel_loop3A_824 = arith.index_cast %parallel_loop3A_822 : i32 to index
      %parallel_loop3A_825 = arith.index_cast %parallel_loop3A_820 : i32 to index
      %parallel_loop3A_826 = tpu.vector_load %arg7[%parallel_loop3A_823, %parallel_loop3A_824, %parallel_loop3A_825] {strides = array<i32>} : memref<9x8x128xf32, #tpu.memory_space<vmem>>, vector<16xf32>,
      tpu.vector_store %arg7[%parallel_loop3A_823, %parallel_loop3A_824, %parallel_loop3A_825], %parallel_loop3A_817 {strides = array<i32>} : memref<9x8x128xf32, #tpu.memory_space<vmem>>, vector<16xf32>,
      %parallel_loop3A_827 = arith.constant 16 : i32
      %parallel_loop3A_828 = arith.muli %parallel_loop3A_42, %parallel_loop3A_827 : i32
      %parallel_loop3A_829 = arith.constant 1 : i32
      %parallel_loop3A_830 = arith.constant 7 : i32
      %parallel_loop3A_831 = arith.index_cast %parallel_loop3A_829 : i32 to index
      %parallel_loop3A_832 = arith.index_cast %parallel_loop3A_830 : i32 to index
      %parallel_loop3A_833 = arith.index_cast %parallel_loop3A_828 : i32 to index
      %parallel_loop3A_834 = tpu.vector_load %arg7[%parallel_loop3A_831, %parallel_loop3A_832, %parallel_loop3A_833] {strides = array<i32>} : memref<9x8x128xf32, #tpu.memory_space<vmem>>, vector<16xf32>,
      tpu.vector_store %arg7[%parallel_loop3A_831, %parallel_loop3A_832, %parallel_loop3A_833], %parallel_loop3A_818 {strides = array<i32>} : memref<9x8x128xf32, #tpu.memory_space<vmem>>, vector<16xf32>,
      %parallel_loop3A_835 = arith.constant 1 : i32
      %parallel_loop3A_836 = vector.broadcast %parallel_loop3A_835 : i32 to vector<16xi32>
      %parallel_loop3A_837 = tpu.vector_load_idx %arg5[%parallel_loop3A_836, %parallel_loop3A_812] : memref<8x1024xi32, #tpu.memory_space<vmem>>[vector<16xi32>, vector<16xi32>], vector<16xi32>,
      %parallel_loop3A_838 = vector.bitcast %parallel_loop3A_837 : vector<16xi32> to vector<32xbf16>
      %parallel_loop3A_839 = tpu.unpack_subelements %parallel_loop3A_838, 0 {pack_format = #tpu.pack_format<interleaved>} : vector<32xbf16> -> vector<16xf32>
      %parallel_loop3A_840 = tpu.unpack_subelements %parallel_loop3A_838, 1 {pack_format = #tpu.pack_format<interleaved>} : vector<32xbf16> -> vector<16xf32>
      %parallel_loop3A_841 = arith.constant 16 : i32
      %parallel_loop3A_842 = arith.muli %parallel_loop3A_42, %parallel_loop3A_841 : i32
      %parallel_loop3A_843 = arith.constant 2 : i32
      %parallel_loop3A_844 = arith.constant 7 : i32
      %parallel_loop3A_845 = arith.index_cast %parallel_loop3A_843 : i32 to index
      %parallel_loop3A_846 = arith.index_cast %parallel_loop3A_844 : i32 to index
      %parallel_loop3A_847 = arith.index_cast %parallel_loop3A_842 : i32 to index
      %parallel_loop3A_848 = tpu.vector_load %arg7[%parallel_loop3A_845, %parallel_loop3A_846, %parallel_loop3A_847] {strides = array<i32>} : memref<9x8x128xf32, #tpu.memory_space<vmem>>, vector<16xf32>,
      tpu.vector_store %arg7[%parallel_loop3A_845, %parallel_loop3A_846, %parallel_loop3A_847], %parallel_loop3A_839 {strides = array<i32>} : memref<9x8x128xf32, #tpu.memory_space<vmem>>, vector<16xf32>,
      %parallel_loop3A_849 = arith.constant 16 : i32
      %parallel_loop3A_850 = arith.muli %parallel_loop3A_42, %parallel_loop3A_849 : i32
      %parallel_loop3A_851 = arith.constant 3 : i32
      %parallel_loop3A_852 = arith.constant 7 : i32
      %parallel_loop3A_853 = arith.index_cast %parallel_loop3A_851 : i32 to index
      %parallel_loop3A_854 = arith.index_cast %parallel_loop3A_852 : i32 to index
      %parallel_loop3A_855 = arith.index_cast %parallel_loop3A_850 : i32 to index
      %parallel_loop3A_856 = tpu.vector_load %arg7[%parallel_loop3A_853, %parallel_loop3A_854, %parallel_loop3A_855] {strides = array<i32>} : memref<9x8x128xf32, #tpu.memory_space<vmem>>, vector<16xf32>,
      tpu.vector_store %arg7[%parallel_loop3A_853, %parallel_loop3A_854, %parallel_loop3A_855], %parallel_loop3A_840 {strides = array<i32>} : memref<9x8x128xf32, #tpu.memory_space<vmem>>, vector<16xf32>,
      %parallel_loop3A_857 = arith.constant 2 : i32
      %parallel_loop3A_858 = vector.broadcast %parallel_loop3A_857 : i32 to vector<16xi32>
      %parallel_loop3A_859 = tpu.vector_load_idx %arg5[%parallel_loop3A_858, %parallel_loop3A_812] : memref<8x1024xi32, #tpu.memory_space<vmem>>[vector<16xi32>, vector<16xi32>], vector<16xi32>,
      %parallel_loop3A_860 = vector.bitcast %parallel_loop3A_859 : vector<16xi32> to vector<32xbf16>
      %parallel_loop3A_861 = tpu.unpack_subelements %parallel_loop3A_860, 0 {pack_format = #tpu.pack_format<interleaved>} : vector<32xbf16> -> vector<16xf32>
      %parallel_loop3A_862 = tpu.unpack_subelements %parallel_loop3A_860, 1 {pack_format = #tpu.pack_format<interleaved>} : vector<32xbf16> -> vector<16xf32>
      %parallel_loop3A_863 = arith.constant 16 : i32
      %parallel_loop3A_864 = arith.muli %parallel_loop3A_42, %parallel_loop3A_863 : i32
      %parallel_loop3A_865 = arith.constant 4 : i32
      %parallel_loop3A_866 = arith.constant 7 : i32
      %parallel_loop3A_867 = arith.index_cast %parallel_loop3A_865 : i32 to index
      %parallel_loop3A_868 = arith.index_cast %parallel_loop3A_866 : i32 to index
      %parallel_loop3A_869 = arith.index_cast %parallel_loop3A_864 : i32 to index
      %parallel_loop3A_870 = tpu.vector_load %arg7[%parallel_loop3A_867, %parallel_loop3A_868, %parallel_loop3A_869] {strides = array<i32>} : memref<9x8x128xf32, #tpu.memory_space<vmem>>, vector<16xf32>,
      tpu.vector_store %arg7[%parallel_loop3A_867, %parallel_loop3A_868, %parallel_loop3A_869], %parallel_loop3A_861 {strides = array<i32>} : memref<9x8x128xf32, #tpu.memory_space<vmem>>, vector<16xf32>,
      %parallel_loop3A_871 = arith.constant 16 : i32
      %parallel_loop3A_872 = arith.muli %parallel_loop3A_42, %parallel_loop3A_871 : i32
      %parallel_loop3A_873 = arith.constant 5 : i32
      %parallel_loop3A_874 = arith.constant 7 : i32
      %parallel_loop3A_875 = arith.index_cast %parallel_loop3A_873 : i32 to index
      %parallel_loop3A_876 = arith.index_cast %parallel_loop3A_874 : i32 to index
      %parallel_loop3A_877 = arith.index_cast %parallel_loop3A_872 : i32 to index
      %parallel_loop3A_878 = tpu.vector_load %arg7[%parallel_loop3A_875, %parallel_loop3A_876, %parallel_loop3A_877] {strides = array<i32>} : memref<9x8x128xf32, #tpu.memory_space<vmem>>, vector<16xf32>,
      tpu.vector_store %arg7[%parallel_loop3A_875, %parallel_loop3A_876, %parallel_loop3A_877], %parallel_loop3A_862 {strides = array<i32>} : memref<9x8x128xf32, #tpu.memory_space<vmem>>, vector<16xf32>,
      %parallel_loop3A_879 = arith.constant 3 : i32
      %parallel_loop3A_880 = vector.broadcast %parallel_loop3A_879 : i32 to vector<16xi32>
      %parallel_loop3A_881 = tpu.vector_load_idx %arg5[%parallel_loop3A_880, %parallel_loop3A_812] : memref<8x1024xi32, #tpu.memory_space<vmem>>[vector<16xi32>, vector<16xi32>], vector<16xi32>,
      %parallel_loop3A_882 = vector.bitcast %parallel_loop3A_881 : vector<16xi32> to vector<32xbf16>
      %parallel_loop3A_883 = tpu.unpack_subelements %parallel_loop3A_882, 0 {pack_format = #tpu.pack_format<interleaved>} : vector<32xbf16> -> vector<16xf32>
      %parallel_loop3A_884 = tpu.unpack_subelements %parallel_loop3A_882, 1 {pack_format = #tpu.pack_format<interleaved>} : vector<32xbf16> -> vector<16xf32>
      %parallel_loop3A_885 = arith.constant 16 : i32
      %parallel_loop3A_886 = arith.muli %parallel_loop3A_42, %parallel_loop3A_885 : i32
      %parallel_loop3A_887 = arith.constant 6 : i32
      %parallel_loop3A_888 = arith.constant 7 : i32
      %parallel_loop3A_889 = arith.index_cast %parallel_loop3A_887 : i32 to index
      %parallel_loop3A_890 = arith.index_cast %parallel_loop3A_888 : i32 to index
      %parallel_loop3A_891 = arith.index_cast %parallel_loop3A_886 : i32 to index
      %parallel_loop3A_892 = tpu.vector_load %arg7[%parallel_loop3A_889, %parallel_loop3A_890, %parallel_loop3A_891] {strides = array<i32>} : memref<9x8x128xf32, #tpu.memory_space<vmem>>, vector<16xf32>,
      tpu.vector_store %arg7[%parallel_loop3A_889, %parallel_loop3A_890, %parallel_loop3A_891], %parallel_loop3A_883 {strides = array<i32>} : memref<9x8x128xf32, #tpu.memory_space<vmem>>, vector<16xf32>,
      %parallel_loop3A_893 = arith.constant 16 : i32
      %parallel_loop3A_894 = arith.muli %parallel_loop3A_42, %parallel_loop3A_893 : i32
      %parallel_loop3A_895 = arith.constant 7 : i32
      %parallel_loop3A_896 = arith.constant 7 : i32
      %parallel_loop3A_897 = arith.index_cast %parallel_loop3A_895 : i32 to index
      %parallel_loop3A_898 = arith.index_cast %parallel_loop3A_896 : i32 to index
      %parallel_loop3A_899 = arith.index_cast %parallel_loop3A_894 : i32 to index
      %parallel_loop3A_900 = tpu.vector_load %arg7[%parallel_loop3A_897, %parallel_loop3A_898, %parallel_loop3A_899] {strides = array<i32>} : memref<9x8x128xf32, #tpu.memory_space<vmem>>, vector<16xf32>,
      tpu.vector_store %arg7[%parallel_loop3A_897, %parallel_loop3A_898, %parallel_loop3A_899], %parallel_loop3A_884 {strides = array<i32>} : memref<9x8x128xf32, #tpu.memory_space<vmem>>, vector<16xf32>,
      %parallel_loop3A_901 = arith.constant 4 : i32
      %parallel_loop3A_902 = vector.broadcast %parallel_loop3A_901 : i32 to vector<16xi32>
      %parallel_loop3A_903 = tpu.vector_load_idx %arg5[%parallel_loop3A_902, %parallel_loop3A_812] : memref<8x1024xi32, #tpu.memory_space<vmem>>[vector<16xi32>, vector<16xi32>], vector<16xi32>,
      %parallel_loop3A_904 = vector.bitcast %parallel_loop3A_903 : vector<16xi32> to vector<32xbf16>
      %parallel_loop3A_905 = tpu.unpack_subelements %parallel_loop3A_904, 0 {pack_format = #tpu.pack_format<interleaved>} : vector<32xbf16> -> vector<16xf32>
      %parallel_loop3A_906 = tpu.unpack_subelements %parallel_loop3A_904, 1 {pack_format = #tpu.pack_format<interleaved>} : vector<32xbf16> -> vector<16xf32>
      %parallel_loop3A_907 = arith.constant 16 : i32
      %parallel_loop3A_908 = arith.muli %parallel_loop3A_42, %parallel_loop3A_907 : i32
      %parallel_loop3A_909 = arith.constant 8 : i32
      %parallel_loop3A_910 = arith.constant 7 : i32
      %parallel_loop3A_911 = arith.index_cast %parallel_loop3A_909 : i32 to index
      %parallel_loop3A_912 = arith.index_cast %parallel_loop3A_910 : i32 to index
      %parallel_loop3A_913 = arith.index_cast %parallel_loop3A_908 : i32 to index
      %parallel_loop3A_914 = tpu.vector_load %arg7[%parallel_loop3A_911, %parallel_loop3A_912, %parallel_loop3A_913] {strides = array<i32>} : memref<9x8x128xf32, #tpu.memory_space<vmem>>, vector<16xf32>,
      tpu.vector_store %arg7[%parallel_loop3A_911, %parallel_loop3A_912, %parallel_loop3A_913], %parallel_loop3A_905 {strides = array<i32>} : memref<9x8x128xf32, #tpu.memory_space<vmem>>, vector<16xf32>,
    } {sc.loop_unroll_factor = 4 : i64, sc.parallel_access}
    %mul3A_20 = arith.constant 24 : i32
    %mul3A_21 = arith.constant 8 : i32
    %mul3A_22 = arith.muli %mul3A_20, %mul3A_21 : i32
    %dma_start3A = arith.constant 0 : i32
    %dma_start3A_23 = tpu.memref_slice %arg4[%dma_start3A, %mul3A_22, %mul3A_2] : memref<9x200x4096xf32, #tpu.memory_space<hbm>> -> memref<9x8x128xf32, #tpu.memory_space<hbm>>
    %dma_start3A_24 = arith.constant 0 : i32
    %dma_start3A_25 = tpu.memref_slice %arg4[%dma_start3A_24, %mul3A_22, %mul3A_2] : memref<9x200x4096xf32, #tpu.memory_space<hbm>> -> memref<9x8x128xf32, #tpu.memory_space<hbm>>
    tpu.enqueue_dma source(%arg7 : memref<9x8x128xf32, #tpu.memory_space<vmem>>) target(%dma_start3A_25 : memref<9x8x128xf32, #tpu.memory_space<hbm>>) target_semaphore(%arg9 : memref<!tpu.dma_semaphore, #tpu.memory_space<semaphore_mem>>)
    %dma_wait3A_26 = arith.constant 0 : i32
    %dma_wait3A_27 = arith.constant 0 : i32
    %dma_wait3A_28 = arith.constant 0 : i32
    %dma_wait3A_29 = tpu.memref_slice %arg4[%dma_wait3A_26, %dma_wait3A_27, %dma_wait3A_28] : memref<9x200x4096xf32, #tpu.memory_space<hbm>> -> memref<9x8x128xf32, #tpu.memory_space<hbm>>
    %dma_wait3A_30 = arith.constant 0 : i32
    %dma_wait3A_31 = arith.constant 0 : i32
    %dma_wait3A_32 = arith.constant 0 : i32
    %dma_wait3A_33 = tpu.memref_slice %arg4[%dma_wait3A_30, %dma_wait3A_31, %dma_wait3A_32] : memref<9x200x4096xf32, #tpu.memory_space<hbm>> -> memref<9x8x128xf32, #tpu.memory_space<hbm>>
    tpu.wait_dma2 semaphore(%arg9 : memref<!tpu.dma_semaphore, #tpu.memory_space<semaphore_mem>>) src(%dma_wait3A_33 : memref<9x8x128xf32, #tpu.memory_space<hbm>>) dst(%arg7 : memref<9x8x128xf32, #tpu.memory_space<vmem>>)
    %dma_wait3A_34 = arith.constant 0 : i32
    %dma_wait3A_35 = arith.constant 0 : i32
    %dma_wait3A_36 = arith.constant 0 : i32
    %dma_wait3A_37 = tpu.memref_slice %arg4[%dma_wait3A_34, %dma_wait3A_35, %dma_wait3A_36] : memref<9x200x4096xf32, #tpu.memory_space<hbm>> -> memref<9x8x128xf32, #tpu.memory_space<hbm>>
    %dma_wait3A_38 = arith.constant 0 : i32
    %dma_wait3A_39 = arith.constant 0 : i32
    %dma_wait3A_40 = arith.constant 0 : i32
    %dma_wait3A_41 = tpu.memref_slice %arg4[%dma_wait3A_38, %dma_wait3A_39, %dma_wait3A_40] : memref<9x200x4096xf32, #tpu.memory_space<hbm>> -> memref<9x8x128xf32, #tpu.memory_space<hbm>>
    tpu.wait_dma2 semaphore(%arg10 : memref<!tpu.dma_semaphore, #tpu.memory_space<semaphore_mem>>) src(%dma_wait3A_41 : memref<9x8x128xf32, #tpu.memory_space<hbm>>) dst(%arg8 : memref<9x8x128xf32, #tpu.memory_space<vmem>>)
    return
  }
}

module attributes {stable_mosaic.version = 14 : i64} {
  func.func @_proj_body(%arg0: memref<64x1000xf32, #tpu.memory_space<vmem>>, %arg1: memref<9x64xf32, #tpu.memory_space<vmem>>, %arg2: memref<1x9xf32, #tpu.memory_space<vmem>>, %arg3: memref<8x1024xi32, #tpu.memory_space<vmem>>) attributes {dimension_semantics = [], scalar_prefetch = 0 : i64, scratch_operands = 0 : i64, tpu.core_type = #tpu.core_type<tc>} {
    %get3A = arith.constant 0 : index
    %get3A_0 = arith.constant 0 : index
    %get3A_1 = vector.load %arg1[%get3A, %get3A_0] : memref<9x64xf32, #tpu.memory_space<vmem>>, vector<9x64xf32>
    %get3A_2 = arith.constant 0 : index
    %get3A_3 = arith.constant 0 : index
    %get3A_4 = vector.load %arg0[%get3A_2, %get3A_3] : memref<64x1000xf32, #tpu.memory_space<vmem>>, vector<64x1000xf32>
    %dot_general3A = arith.constant dense<0.000000e+00> : vector<9x1000xf32>
    %dot_general3A_5 = tpu.matmul %get3A_1, %get3A_4, %dot_general3A {dimension_numbers = #tpu.dot_dimension_numbers<[1], [0], [0], [1], [0, 0, 1, 1], [], []>, transpose_lhs_hint = false} : vector<9x64xf32>, vector<64x1000xf32>, vector<9x1000xf32> -> vector<9x1000xf32>
    %get3A_6 = arith.constant 0 : index
    %get3A_7 = arith.constant 0 : index
    %get3A_8 = vector.load %arg2[%get3A_6, %get3A_7] : memref<1x9xf32, #tpu.memory_space<vmem>>, vector<1x9xf32>
    %transpose3A = tpu.transpose %get3A_8, [1, 0] : vector<1x9xf32> -> vector<9x1xf32>
    %add3A = vector.broadcast %transpose3A : vector<9x1xf32> to vector<9x1000xf32>
    %add3A_9 = arith.addf %dot_general3A_5, %add3A : vector<9x1000xf32>
    %convert_element_type3A = arith.truncf %add3A_9 : vector<9x1000xf32> to vector<9x1000xbf16>
    %bitcast_convert_type3A = tpu.bitcast %convert_element_type3A : vector<9x1000xbf16> -> vector<9x1000xi16>
    %convert_element_type3A_10 = arith.extui %bitcast_convert_type3A : vector<9x1000xi16> to vector<9x1000xi32>
    %slice3A = vector.extract_strided_slice %convert_element_type3A_10 {offsets = [0, 0], sizes = [1, 1000], strides = [1, 1]} : vector<9x1000xi32> to vector<1x1000xi32>
    %slice3A_11 = vector.extract_strided_slice %convert_element_type3A_10 {offsets = [1, 0], sizes = [1, 1000], strides = [1, 1]} : vector<9x1000xi32> to vector<1x1000xi32>
    %shift_left3A = arith.constant 16 : i32
    %shift_left3A_12 = vector.broadcast %shift_left3A : i32 to vector<1x1000xi32>
    %shift_left3A_13 = arith.shli %slice3A_11, %shift_left3A_12 : vector<1x1000xi32>
    %or3A = arith.ori %slice3A, %shift_left3A_13 : vector<1x1000xi32>
    %slice3A_14 = vector.extract_strided_slice %convert_element_type3A_10 {offsets = [2, 0], sizes = [1, 1000], strides = [1, 1]} : vector<9x1000xi32> to vector<1x1000xi32>
    %slice3A_15 = vector.extract_strided_slice %convert_element_type3A_10 {offsets = [3, 0], sizes = [1, 1000], strides = [1, 1]} : vector<9x1000xi32> to vector<1x1000xi32>
    %shift_left3A_16 = arith.constant 16 : i32
    %shift_left3A_17 = vector.broadcast %shift_left3A_16 : i32 to vector<1x1000xi32>
    %shift_left3A_18 = arith.shli %slice3A_15, %shift_left3A_17 : vector<1x1000xi32>
    %or3A_19 = arith.ori %slice3A_14, %shift_left3A_18 : vector<1x1000xi32>
    %slice3A_20 = vector.extract_strided_slice %convert_element_type3A_10 {offsets = [4, 0], sizes = [1, 1000], strides = [1, 1]} : vector<9x1000xi32> to vector<1x1000xi32>
    %slice3A_21 = vector.extract_strided_slice %convert_element_type3A_10 {offsets = [5, 0], sizes = [1, 1000], strides = [1, 1]} : vector<9x1000xi32> to vector<1x1000xi32>
    %shift_left3A_22 = arith.constant 16 : i32
    %shift_left3A_23 = vector.broadcast %shift_left3A_22 : i32 to vector<1x1000xi32>
    %shift_left3A_24 = arith.shli %slice3A_21, %shift_left3A_23 : vector<1x1000xi32>
    %or3A_25 = arith.ori %slice3A_20, %shift_left3A_24 : vector<1x1000xi32>
    %slice3A_26 = vector.extract_strided_slice %convert_element_type3A_10 {offsets = [6, 0], sizes = [1, 1000], strides = [1, 1]} : vector<9x1000xi32> to vector<1x1000xi32>
    %slice3A_27 = vector.extract_strided_slice %convert_element_type3A_10 {offsets = [7, 0], sizes = [1, 1000], strides = [1, 1]} : vector<9x1000xi32> to vector<1x1000xi32>
    %shift_left3A_28 = arith.constant 16 : i32
    %shift_left3A_29 = vector.broadcast %shift_left3A_28 : i32 to vector<1x1000xi32>
    %shift_left3A_30 = arith.shli %slice3A_27, %shift_left3A_29 : vector<1x1000xi32>
    %or3A_31 = arith.ori %slice3A_26, %shift_left3A_30 : vector<1x1000xi32>
    %slice3A_32 = vector.extract_strided_slice %convert_element_type3A_10 {offsets = [8, 0], sizes = [1, 1000], strides = [1, 1]} : vector<9x1000xi32> to vector<1x1000xi32>
    %concatenate3A = tpu.concatenate %or3A, %or3A_19, %or3A_25, %or3A_31, %slice3A_32 in 0 : vector<1x1000xi32>, vector<1x1000xi32>, vector<1x1000xi32>, vector<1x1000xi32>, vector<1x1000xi32> -> vector<5x1000xi32>
    %bitcast_convert_type3A_33 = tpu.bitcast %concatenate3A : vector<5x1000xi32> -> vector<5x1000xi32>
    %swap3A = arith.constant 0 : index
    %swap3A_34 = arith.constant 0 : index
    %swap3A_35 = vector.load %arg3[%swap3A, %swap3A_34] : memref<8x1024xi32, #tpu.memory_space<vmem>>, vector<5x1000xi32>
    tpu.vector_store %arg3[%swap3A, %swap3A_34], %bitcast_convert_type3A_33 {strides = array<i32>} : memref<8x1024xi32, #tpu.memory_space<vmem>>, vector<5x1000xi32>,
    return
  }
}

</mosaic_0001>

<sc_bundles>
// kernel: kernel.4.cloned.1.call-start
scs
__scs_entry_jumppad:
0x0: {  	(pc) =	sbr.rel $0x88, $3  }
0x1: {  	(tag) =	ssettag $0x0;
	lr =	simm.s32 $0x1  }
0x2: {  	[smem:$0x3F9D] =	sst lr;
	_ =	strace $0xD0000000  }
0x3: {  	_ = 	snop  }
0x4: {  	_ = 	snop  }
0x5: {  	_ = 	snop  }
0x6: {  	_ = 	snop  }
0x7: {  	_ = 	snop  }
__scs_overlays_trampoline_lowered:
0x8: {  	[smem:$0x3FAC] =	sst s0  }
0x9: {  	[smem:$0x3FAD] =	sst s1  }
0xa: {  	[smem:$0x3FAE] =	sst s2  }
0xb: {  	[smem:$0x3FAF] =	sst s3  }
0xc: {  	[smem:$0x3FB0] =	sst s4  }
0xd: {  	[smem:$0x3FB1] =	sst s5  }
0xe: {  	[smem:$0x3FB2] =	sst s6  }
0xf: {  	[smem:$0x3FB3] =	sst s7  }
0x10: {  	[smem:$0x3FB4] =	sst s8  }
0x11: {  	[smem:$0x3FB5] =	sst s9;
	s0 =	simm.s32 @!p0 $0x0  }
0x12: {  	s1 =	sld [smem:$0x3F9B];
	s0 =	simm.s32 @p0 $0x1  }
0x13: {  	[smem:$0x3FB6] =	sst s0;
	s0 =	simm.s32 @!p1 $0x0  }
0x14: {  	s2 =	sld [smem:$0x3F9A];
	s0 =	simm.s32 @p1 $0x1  }
0x15: {  	[smem:$0x3FB7] =	sst s0;
	s0 =	simm.s32 @!p2 $0x0  }
0x16: {  	s3 =	sld [smem:$0x3FDB];
	s0 =	simm.s32 @p2 $0x1  }
0x17: {  	s4 =	simm.s32 $0x1BF5;
	[smem:$0x3FB9] =	sst s0  }
0x18: {  	s0 =	sld [smem:$0x3F9C];
	_ =	swait.ge [sflag:s4], $0x0  }
0x19: {  	s7 =	sld [smem:$0x3F9D]  }
0x1a: {  	s8 =	sadd.s32 $0xFFFFE003, lr  }
0x1b: {  	s9 =	sadd.s32 $0xFFFFFEF7, lr;
	s5 =	simm.s32 $0xFFFFFFFF;
	p2 =	slt.u32 s8, $0xFFFFF086  }
0x1c: {  	p1 =	slt.u32 s9, $0xF7A;
	s5 =	simm.s32 @!p2 $0x0  }
0x1d: {  	s5 =	simm.s32 @p1 $0x1;
	p0 =	seq.s32 s7, s2  }
0x1e: {  	s7 =	smul.u32 @!p0 $0xF7A, s2;
	p2 =	seq.s32 @!p0 s5, $0x0  }
0x1f: {  	s9 =	smul.u32 $0xF7A, s1;
	s8 =	simm.s32 @!p0 $0x1BF5;
	p2 =	por !p2, p0  }
0x20: {  	[sflag:s8] =	ssyncset.s32 @!p0 $0xFFFFF086;
	s6 =	sadd.s32 @!p0 s3, s7;
	s7 =	simm.s32 @!p0 $0x108  }
0x21: {  	s3 =	sadd.s32 s3, s9;
	s6 =	sadd.s32 @!p0 $0x88, s6;
	s7 =	simm.s32 @p2 $0x1082  }
0x22: {  	[simem:s7], [sflag:s8] =	dma.local @!p0 [hbm:s6], $0xF7A  }
0x23: {  	s9 =	sor.u32 $0xD0000000, s2;
	s6 =	simm.s32 $0x108;
	_ =	swait.ge @!p0 [sflag:s8], $0x0  }
0x24: {  	s3 =	sadd.s32 $0x88, s3;
	s6 =	simm.s32 @!p1 $0x1082;
	[sflag:s4] =	ssyncset.s32 $0xFFFFF086  }
0x25: {  	[simem:s6], [sflag:s4] =	dma.local [hbm:s3], $0xF7A  }
0x26: {  	[smem:$0x3F9D] =	sst s1;
	(tag) =	ssettag s2;
	_ =	strace s9  }
0x27: {  	s1 =	sld [smem:$0x3FAD]  }
0x28: {  	s2 =	sld [smem:$0x3FAE]  }
0x29: {  	s4 =	sld [smem:$0x3FB0]  }
0x2a: {  	p0 =	seq.s32 s5, $0x0;
	s5 =	sld [smem:$0x3FB1]  }
0x2b: {  	s6 =	sld [smem:$0x3FB2]  }
0x2c: {  	s7 =	sld [smem:$0x3FB3]  }
0x2d: {  	s3 =	simm.s32 $0x108;
	s8 =	sld [smem:$0x3FB4]  }
0x2e: {  	s3 =	simm.s32 @!p0 $0x1082;
	s9 =	sld [smem:$0x3FB5]  }
0x2f: {  	lr =	sadd.s32 s0, s3;
	s0 =	sld [smem:$0x3FAC]  }
0x30: {  	s3 =	sld [smem:$0x3FAF]  }
0x31: {  	[smem:$0x3FB8] =	sst s10  }
0x32: {  	s10 =	sld [smem:$0x3FB6];
	_ =	sdelay $0x3  }
0x33: {  	p0 =	seq.s32 s10, $0x1;
	s10 =	sld [smem:$0x3FB8];
	_ =	sdelay $0x3  }
0x34: {  	[smem:$0x3FB8] =	sst s10  }
0x35: {  	s10 =	sld [smem:$0x3FB7];
	_ =	sdelay $0x3  }
0x36: {  	p1 =	seq.s32 s10, $0x1;
	s10 =	sld [smem:$0x3FB8];
	_ =	sdelay $0x3  }
0x37: {  	[smem:$0x3FB8] =	sst s10  }
0x38: {  	s10 =	sld [smem:$0x3FB9]  }
0x39: {  	_ = 	snop;
	(pc) =	sbr.ind lr, $3  }
0x3a: {  	_ = 	snop  }
0x3b: {  	_ = 	snop  }
0x3c: {  	p2 =	seq.s32 s10, $0x1;
	s10 =	sld [smem:$0x3FB8]  }
0x3d: {  	_ =	shalt  }
0x3e: {  	_ =	shalt  }
0x3f: {  	_ =	shalt  }
0x40: {  	_ =	shalt  }
0x41: {  	_ =	shalt  }
0x42: {  	_ =	shalt  }
0x43: {  	_ =	shalt  }
0x44: {  	_ =	shalt  }
0x45: {  	_ =	shalt  }
0x46: {  	_ =	shalt  }
0x47: {  	_ =	shalt  }
0x48: {  	_ =	shalt  }
0x49: {  	_ =	shalt  }
0x4a: {  	_ =	shalt  }
0x4b: {  	_ =	shalt  }
0x4c: {  	_ =	shalt  }
0x4d: {  	_ =	shalt  }
0x4e: {  	_ =	shalt  }
0x4f: {  	_ =	shalt  }
0x50: {  	_ =	shalt  }
0x51: {  	_ =	shalt  }
0x52: {  	_ =	shalt  }
0x53: {  	_ =	shalt  }
0x54: {  	_ =	shalt  }
0x55: {  	_ =	shalt  }
0x56: {  	_ =	shalt  }
0x57: {  	_ =	shalt  }
0x58: {  	_ =	shalt  }
0x59: {  	_ =	shalt  }
0x5a: {  	_ =	shalt  }
0x5b: {  	_ =	shalt  }
0x5c: {  	_ =	shalt  }
0x5d: {  	_ =	shalt  }
0x5e: {  	_ =	shalt  }
0x5f: {  	_ =	shalt  }
0x60: {  	_ =	shalt  }
0x61: {  	_ =	shalt  }
0x62: {  	_ =	shalt  }
0x63: {  	_ =	shalt  }
0x64: {  	_ =	shalt  }
0x65: {  	_ =	shalt  }
0x66: {  	_ =	shalt  }
0x67: {  	_ =	shalt  }
0x68: {  	_ =	shalt  }
0x69: {  	_ =	shalt  }
0x6a: {  	_ =	shalt  }
0x6b: {  	_ =	shalt  }
0x6c: {  	_ =	shalt  }
0x6d: {  	_ =	shalt  }
0x6e: {  	_ =	shalt  }
0x6f: {  	_ =	shalt  }
0x70: {  	_ =	shalt  }
0x71: {  	_ =	shalt  }
0x72: {  	_ =	shalt  }
0x73: {  	_ =	shalt  }
0x74: {  	_ =	shalt  }
0x75: {  	_ =	shalt  }
0x76: {  	_ =	shalt  }
0x77: {  	_ =	shalt  }
0x78: {  	_ =	shalt  }
0x79: {  	_ =	shalt  }
0x7a: {  	_ =	shalt  }
0x7b: {  	_ =	shalt  }
0x7c: {  	_ =	shalt  }
0x7d: {  	_ =	shalt  }
0x7e: {  	_ =	shalt  }
0x7f: {  	_ =	shalt  }
0x80: {  	_ =	shalt  }
0x81: {  	_ =	shalt  }
0x82: {  	_ =	shalt  }
0x83: {  	_ =	shalt  }
0x84: {  	_ =	shalt  }
0x85: {  	_ =	shalt  }
0x86: {  	_ =	shalt  }
0x87: {  	_ =	shalt  }
.Lfunc_end0:
.L_simem_size_0:
called_computation_lowered:
.L_overlay_start_0:
0x88: {  	s2 =	sld [smem:$0x3FD9]  }
0x89: {  	s3 =	sld [smem:$0x3FFE];
	_ =	sdelay $0x1  }
0x8a: {  	s1 =	srdreg.scid  }
0x8b: {  	s0 =	sand.u32 $0x1, s1  }
0x8c: {  	s17 =	sshll.u32 s0, $0xA;
	s2 =	sadd.s32 s3, s2  }
0x8d: {  	s2 =	sadd.s32 s2, s17  }
0x8e: {  	[smem:$0x3FC4] =	sst s2  }
0x8f: {  	_ = 	snop  }
0x90: {  	s2 =	sld [smem:$0x3FC9]  }
0x91: {  	s18 =	sld [smem:$0x3FD0];
	(tm) =	ssettm $0x1  }
0x92: {  	s4 =	sld [smem:$0x3FFB];
	_ =	sdelay $0x3  }
0x93: {  	_ =	strace s4  }
0x94: {  	s4 =	sld [smem:$0x3FFC];
	_ =	sdelay $0x3  }
0x95: {  	_ =	strace s4  }
0x96: {  	s4 =	sld [smem:$0x3FFD];
	_ =	sdelay $0x3  }
0x97: {  	_ =	strace s4  }
0x98: {  	_ =	strace $0x8FFFFFFF  }
0x99: {  	s19 =	sld [smem:$0x3FDB];
	_ =	sdelay $0x1  }
0x9a: {  	s5 =	simm.s32 $_scs_section_size  }
0x9b: {  	s6 =	simm.s32 $_size__tile_overlayer_lowered;
	s7 =	simm.s32 $_tile_overlayer_lowered  }
0x9c: {  	s22 =	simm.s32 $0x1BFF;
	s21 =	sshll.u32 s7, $0x1;
	s4 =	sadd.s32 s5, s19  }
0x9d: {  	s8 =	simm.s32 $0x0;
	s20 =	sshll.u32 s6, $0x1;
	s6 =	sadd.s32 s21, s4  }
0x9e: {  	[timem:s8], [sflag:s22] =	dma.local [hbm:s6], s20  }
0x9f: {  	_ =	swait.ge [sflag:s22], s20  }
0xa0: {  	s5 =	ssub.s32 $0x0, s20;
	[sflag:s22] =	ssyncset.done $0x0  }
0xa1: {  	[sflag:s22] =	ssyncadd.s32 s5;
	_ =	sdelay $0x1  }
0xa2: {  	s23 =	simm.s32 $0x1B8B  }
0xa3: {  	_ =	swait.ge [sflag:s23], $0x1  }
0xa4: {  	[sflag:s23] =	ssyncset.done $0x0  }
0xa5: {  	s25 =	simm.s32 $0x1B8E;
	s24 =	sld [smem:$0x3FFE];
	[sflag:s23] =	ssyncadd.s32 $0xFFFFFFFF  }
0xa6: {  	s26 =	simm.s32 $execute0_lowered;
	[smem:$0x3FD2] =	sst s25  }
0xa7: {  	s6 =	sshll.u32 s26, $0x1;
	_ =	strace $0x80000046;
	[dreg:$0x1] =	wrdreg $0xFFFFFFFF  }
0xa8: {  	s28 =	simm.s32 $_size_execute0_lowered;
	s4 =	sadd.s32 s4, s6;
	[dreg:$0x0] =	wrdreg $0x0  }
0xa9: {  	s6 =	sshll.u32 s28, $0x1;
	[dreg:$0x2] =	wrdreg s4  }
0xaa: {  	[dreg:$0x3] =	wrdreg s6  }
0xab: {  	[dreg:$0x4] =	wrdreg $0xC0  }
0xac: {  	_ =	task [dreg:s8], $0x5FFFF  }
0xad: {  	[dreg:$0x1] =	wrdreg $0xFFFFFFFF  }
0xae: {  	[dreg:$0x0] =	wrdreg $0x60  }
0xaf: {  	[dreg:$0x2] =	wrdreg s24  }
0xb0: {  	[dreg:$0x3] =	wrdreg s2  }
0xb1: {  	[dreg:$0x4] =	wrdreg s18  }
0xb2: {  	[dreg:$0x5] =	wrdreg $0x9  }
0xb3: {  	_ =	task.clear_ibuf [dreg:s8], $0x6FFFF;
	_ =	strace $0x90000046  }
0xb4: {  	s29 =	simm.s32 $0x9;
	_ =	strace $0x80000048  }
0xb5: {  	_ =	swait.ge [sflag:s29], $0x1  }
0xb6: {  	[sflag:s29] =	ssyncadd.s32 $0xFFFFFFFF  }
0xb7: {  	_ =	strace $0x90000048  }
0xb8: {  	_ =	sfence  }
0xb9: {  	s30 =	sld [smem:$0x0];
	_ =	sdelay $0x2  }
0xba: {  	s31 =	sshll.u32 s1, $0xD;
	s1 =	sshrl.u32 s1, $0x2  }
0xbb: {  	s3 =	sand.u32 $0x4000, s31;
	s1 =	sadd.s32 s1, s30  }
0xbc: {  	s0 =	sor.u32 s3, s0;
	s1 =	sshll.u32 s1, $0x11  }
0xbd: {  	s0 =	sor.u32 s1, s0  }
0xbe: {  	s0 =	sadd.s32 $0x8F2B, s0  }
0xbf: {  	[sflag:s0] =	ssyncadd.remote.s32 $0x1  }
0xc0: {  	_ =	sfence.sel $0xFFFF  }
0xc1: {  	[dreg:$0x0] =	wrdreg $0xFFFFFFFF;
	(pc) =	sbr.abs _section_cstart, $3  }
0xc2: {  	[dreg:$0x1] =	wrdreg $0xFFFFFFFF  }
0xc3: {  	_ =	task.clear_ibuf [dreg:s8], $0x2FFFF;
	_ =	strace $0x9FFFFFFF  }
0xc4: {  	(tm) =	ssettm $0x7FFFFFFF  }
0xc5: {  	_ =	shalt  }
tec
execute0_lowered:
.L_overlay_start_1:
0x0: {  	(tag) =	ssettag $0x1  }
0x1: {  	s5 =	rddreg [dreg:$0x0]  }
0x2: {  	s6 =	rddreg [dreg:$0x1]  }
0x3: {  	s2 =	rddreg [dreg:$0x2]  }
0x4: {  	s0 =	rddreg [dreg:$0x3];
	s4 =	srdreg.scid  }
0x5: {  	s3 =	simm.s32 $0x0;
	s1 =	stileid.u32;
	s10 =	simm.s32 $0x400  }
0x6: {  	s11 =	simm.s32 $0x8000;
	s12 =	simm.s32 $0x2000;
	s13 =	simm.s32 $0xC8000  }
0x7: {  	s14 =	simm.s32 $0x8400;
	s15 =	simm.s32 $0xA800;
	s16 =	simm.s32 $0x1  }
0x8: {  	s17 =	simm.s32 $0x2;
	s18 =	simm.s32 $0x0;
	s4 =	sand.u32 $0x1, s4  }
0x9: {  	[smem:$0x7FF] =	sst s3;
	s7 =	sshll.u32 s1, $0xB;
	s8 =	sshll.u32 s4, $0xA  }
0xa: {  	s5 =	sadd.s32 $0xC00, s5;
	s9 =	ssub.s32 $0x2, s4;
	s4 =	sor.u32 s8, s7  }
0xb: {  	_ =	strace $0x80000047;
	s30 =	sshrl.u32 s9, $0x1;
	s8 =	sshrl.u32 s4, $0x3  }
0xc: {  	s9 =	ssub.s32 s9, s30;
	s6 =	sadd.s32 s6, s8;
	s31 =	sadd.s32 s8, s2  }
0xd: {  	s8 =	smax.u32 s9, $0x1;
	s9 =	simm.s32 $0x3;
	s7 =	sadd.s32 $0x18000, s31  }
.LBB2_1:
0xe: {  	[tilespmem:s3], [sflag:$0x3] =	stream.linear.gather [hbm4b:s5+s3], $0x2000, $0x38;
	[tilespmem:$0xCC00] =	vst v63  }
0xf: {  	_ =	swait.ge [sflag:s9], $0x2000  }
0x10: {  	[sflag:s9] =	ssyncset.done $0x0  }
0x11: {  	[sflag:s9] =	ssyncadd.s32 $0xFFFFE000  }
0x12: {  	[tilespmem:s12], [sflag:$0x3] =	stream.strided.gather [hbm4b:s6+s10], $0x6400, s11, s10, $0x38;
	[tilespmem:$0xCC00] =	vst v63  }
0x13: {  	_ =	swait.ge [sflag:s9], $0x6400  }
0x14: {  	[sflag:s9] =	ssyncset.done $0x0  }
0x15: {  	s19 =	simm.s32 $0x0;
	[sflag:s9] =	ssyncadd.s32 $0xFFFF9C00  }
.LBB2_2:
0x16: {  	s20 =	sshll.u32 s19, $0xD  }
0x17: {  	s20 =	sshra.s32 s20, $0x2  }
0x18: {  	p0 =	seq.s32 s19, $0x0;
	s22 =	sadd.s32 $0x2000, s20  }
0x19: {  	s21 =	simm.s32 @!p0 $0x1;
	v0 =	vmov s22  }
0x1a: {  	_ =	swait.ge @!p0 [sflag:s21], $0x2400;
	s23 =	sadd.s32 $0x2080, s20;
	s24 =	sadd.s32 $0x2100, s20  }
0x1b: {  	s25 =	sadd.s32 $0x2180, s20;
	s26 =	sadd.s32 $0x2200, s20;
	s30 =	sadd.s32 $0x2280, s20;
	v1 =	vmov s23  }
0x1c: {  	s31 =	sadd.s32 $0x2300, s20;
	s28 =	sadd.s32 $0x2380, s20;
	[sflag:s21] =	ssyncset.done @!p0 $0x0;
	v2 =	vmov s24;
	v3 =	vmov s25;
	v4 =	vmov s26  }
0x1d: {  	p1 =	por $0x1, $0x1;
	v5 =	vmov s30;
	v6 =	vmov s31;
	v7 =	vmov s28;
	[sflag:s21] =	ssyncadd.s32 @!p0 $0xFFFFDC00;
	s21 =	simm.s32 $0x0  }
.LBB2_3:
0x1e: {  	v8 =	vld.idx.msk [tilespmem:v0+s21+$0x0 ss:$0x1], $0xffff  }
0x1f: {  	s24 =	sor.u32 $0x10, s21  }
0x20: {  	v9 =	vld.idx.msk [tilespmem:v0+s24+$0x0 ss:$0x1], $0xffff  }
0x21: {  	s23 =	sor.u32 $0x20, s21  }
0x22: {  	v10 =	vld.idx.msk [tilespmem:v0+s23+$0x0 ss:$0x1], $0xffff  }
0x23: {  	s22 =	sor.u32 $0x30, s21;
	v11 =	vshll.u32 v8, $0x3  }
0x24: {  	v12 =	vld.idx.msk [tilespmem:v0+s22+$0x0 ss:$0x1], $0xffff;
	v8 =	vand.u32 $0x7F, v8;
	v11 =	vand.u32 $0xFFFFFC00, v11  }
0x25: {  	v50 =	vshll.u32 v9, $0x3;
	v8 =	vor.u32 v8, v11  }
0x26: {  	v9 =	vand.u32 $0x7F, v9;
	v11 =	vand.u32 $0xFFFFFC00, v50  }
0x27: {  	v51 =	vshll.u32 v10, $0x3;
	v9 =	vor.u32 v9, v11  }
0x28: {  	v10 =	vand.u32 $0x7F, v10;
	v11 =	vand.u32 $0xFFFFFC00, v51  }
0x29: {  	v52 =	vshll.u32 v12, $0x3;
	v10 =	vor.u32 v10, v11  }
0x2a: {  	v12 =	vand.u32 $0x7F, v12;
	v11 =	vand.u32 $0xFFFFFC00, v52;
	v13 =	vld.idx.msk [tilespmem:v8+s3+$0x0], $0xffff  }
0x2b: {  	v11 =	vor.u32 v12, v11  }
0x2c: {  	v53 =	vld.idx.msk [tilespmem:v9+s3+$0x0], $0xffff  }
0x2d: {  	v14 =	vor.u32 $0x80, v8  }
0x2e: {  	v15 =	vld.idx.msk [tilespmem:v10+s3+$0x0], $0xffff  }
0x2f: {  	v17 =	vor.u32 $0x80, v9;
	v16 =	vunpack.i.l.bf16.f32 v13  }
0x30: {  	v54 =	vld.idx.msk [tilespmem:v11+s3+$0x0], $0xffff;
	v13 =	vunpack.i.u.bf16.f32 v13;
	[tilespmem:s21+$0x8400] =	vst v16  }
0x31: {  	v18 =	vor.u32 $0x80, v10;
	[tilespmem:s21+$0x8800] =	vst v13;
	v55 =	vunpack.i.l.bf16.f32 v53  }
0x32: {  	v12 =	vunpack.i.u.bf16.f32 v53;
	v14 =	vld.idx.msk [tilespmem:v14+s3+$0x0], $0xffff;
	[tilespmem:s21+$0x8410] =	vst v55  }
0x33: {  	v57 =	vor.u32 $0x80, v11;
	[tilespmem:s21+$0x8810] =	vst v12;
	v56 =	vunpack.i.l.bf16.f32 v15  }
0x34: {  	v15 =	vunpack.i.u.bf16.f32 v15;
	v17 =	vld.idx.msk [tilespmem:v17+s3+$0x0], $0xffff;
	[tilespmem:s21+$0x8420] =	vst v56  }
0x35: {  	v58 =	vor.u32 $0x100, v8;
	[tilespmem:s21+$0x8820] =	vst v15;
	v59 =	vunpack.i.l.bf16.f32 v54  }
0x36: {  	v16 =	vunpack.i.u.bf16.f32 v54;
	v18 =	vld.idx.msk [tilespmem:v18+s3+$0x0], $0xffff;
	[tilespmem:s21+$0x8430] =	vst v59  }
0x37: {  	v61 =	vor.u32 $0x100, v9;
	[tilespmem:s21+$0x8830] =	vst v16;
	v60 =	vunpack.i.l.bf16.f32 v14  }
0x38: {  	v13 =	vld.idx.msk [tilespmem:v57+s3+$0x0], $0xffff;
	v14 =	vunpack.i.u.bf16.f32 v14;
	[tilespmem:s21+$0x8C00] =	vst v60  }
0x39: {  	v63 =	vor.u32 $0x100, v10;
	[tilespmem:s21+$0x9000] =	vst v14;
	v62 =	vunpack.i.l.bf16.f32 v17  }
0x3a: {  	v17 =	vunpack.i.u.bf16.f32 v17;
	v12 =	vld.idx.msk [tilespmem:v58+s3+$0x0], $0xffff;
	[tilespmem:s21+$0x8C10] =	vst v62  }
0x3b: {  	v22 =	vor.u32 $0x100, v11;
	[tilespmem:s21+$0x9010] =	vst v17;
	v21 =	vunpack.i.l.bf16.f32 v18  }
0x3c: {  	v18 =	vunpack.i.u.bf16.f32 v18;
	v16 =	vld.idx.msk [tilespmem:v61+s3+$0x0], $0xffff;
	[tilespmem:s21+$0x8C20] =	vst v21  }
0x3d: {  	v23 =	vor.u32 $0x180, v8;
	[tilespmem:s21+$0x9020] =	vst v18;
	v24 =	vunpack.i.l.bf16.f32 v13  }
0x3e: {  	v13 =	vunpack.i.u.bf16.f32 v13;
	v15 =	vld.idx.msk [tilespmem:v63+s3+$0x0], $0xffff;
	[tilespmem:s21+$0x8C30] =	vst v24  }
0x3f: {  	v26 =	vor.u32 $0x180, v9;
	[tilespmem:s21+$0x9030] =	vst v13;
	v25 =	vunpack.i.l.bf16.f32 v12  }
0x40: {  	v17 =	vld.idx.msk [tilespmem:v22+s3+$0x0], $0xffff;
	v12 =	vunpack.i.u.bf16.f32 v12;
	[tilespmem:s21+$0x9400] =	vst v25  }
0x41: {  	v28 =	vor.u32 $0x180, v10;
	[tilespmem:s21+$0x9800] =	vst v12;
	v27 =	vunpack.i.l.bf16.f32 v16  }
0x42: {  	v16 =	vunpack.i.u.bf16.f32 v16;
	v14 =	vld.idx.msk [tilespmem:v23+s3+$0x0], $0xffff;
	[tilespmem:s21+$0x9410] =	vst v27  }
0x43: {  	v30 =	vor.u32 $0x180, v11;
	[tilespmem:s21+$0x9810] =	vst v16;
	v29 =	vunpack.i.l.bf16.f32 v15  }
0x44: {  	v15 =	vunpack.i.u.bf16.f32 v15;
	v13 =	vld.idx.msk [tilespmem:v26+s3+$0x0], $0xffff;
	[tilespmem:s21+$0x9420] =	vst v29  }
0x45: {  	v8 =	vor.u32 $0x200, v8;
	[tilespmem:s21+$0x9820] =	vst v15;
	v31 =	vunpack.i.l.bf16.f32 v17  }
0x46: {  	v17 =	vunpack.i.u.bf16.f32 v17;
	v15 =	vld.idx.msk [tilespmem:v28+s3+$0x0], $0xffff;
	[tilespmem:s21+$0x9430] =	vst v31  }
0x47: {  	v9 =	vor.u32 $0x200, v9;
	[tilespmem:s21+$0x9830] =	vst v17;
	v32 =	vunpack.i.l.bf16.f32 v14  }
0x48: {  	v33 =	vld.idx.msk [tilespmem:v30+s3+$0x0], $0xffff;
	v14 =	vunpack.i.u.bf16.f32 v14;
	[tilespmem:s21+$0x9C00] =	vst v32  }
0x49: {  	v10 =	vor.u32 $0x200, v10;
	[tilespmem:s21+$0xA000] =	vst v14;
	v34 =	vunpack.i.l.bf16.f32 v13  }
0x4a: {  	v13 =	vunpack.i.u.bf16.f32 v13;
	v8 =	vld.idx.msk [tilespmem:v8+s3+$0x0], $0xffff;
	[tilespmem:s21+$0x9C10] =	vst v34  }
0x4b: {  	v11 =	vor.u32 $0x200, v11;
	[tilespmem:s21+$0xA010] =	vst v13;
	v35 =	vunpack.i.l.bf16.f32 v15  }
0x4c: {  	v36 =	vunpack.i.u.bf16.f32 v15;
	v9 =	vld.idx.msk [tilespmem:v9+s3+$0x0], $0xffff;
	[tilespmem:s21+$0x9C20] =	vst v35  }
0x4d: {  	[tilespmem:s21+$0xA020] =	vst v36;
	v37 =	vunpack.i.l.bf16.f32 v33  }
0x4e: {  	v12 =	vunpack.i.u.bf16.f32 v33;
	v10 =	vld.idx.msk [tilespmem:v10+s3+$0x0], $0xffff;
	[tilespmem:s21+$0x9C30] =	vst v37  }
0x4f: {  	[tilespmem:s21+$0xA030] =	vst v12;
	v8 =	vunpack.i.l.bf16.f32 v8  }
0x50: {  	[tilespmem:s21+$0xA400] =	vst v8;
	v8 =	vld.idx.msk [tilespmem:v11+s3+$0x0], $0xffff  }
0x51: {  	v9 =	vunpack.i.l.bf16.f32 v9;
	v38 =	vld.idx.msk [tilespmem:v1+s21+$0x0 ss:$0x1], $0xffff  }
0x52: {  	[tilespmem:s21+$0xA410] =	vst v9  }
0x53: {  	v10 =	vunpack.i.l.bf16.f32 v10;
	v9 =	vld.idx.msk [tilespmem:v1+s24+$0x0 ss:$0x1], $0xffff  }
0x54: {  	[tilespmem:s21+$0xA420] =	vst v10  }
0x55: {  	v10 =	vld.idx.msk [tilespmem:v1+s23+$0x0 ss:$0x1], $0xffff;
	v8 =	vunpack.i.l.bf16.f32 v8  }
0x56: {  	v39 =	vshll.u32 v38, $0x3;
	[tilespmem:s21+$0xA430] =	vst v8  }
0x57: {  	v8 =	vand.u32 $0x7F, v38;
	v40 =	vand.u32 $0xFFFFFC00, v39;
	v41 =	vld.idx.msk [tilespmem:v1+s22+$0x0 ss:$0x1], $0xffff  }
0x58: {  	v42 =	vshll.u32 v9, $0x3;
	v8 =	vor.u32 v8, v40  }
0x59: {  	v9 =	vand.u32 $0x7F, v9;
	v11 =	vand.u32 $0xFFFFFC00, v42  }
0x5a: {  	v43 =	vshll.u32 v10, $0x3;
	v9 =	vor.u32 v9, v11  }
0x5b: {  	v10 =	vand.u32 $0x7F, v10;
	v11 =	vand.u32 $0xFFFFFC00, v43  }
0x5c: {  	v10 =	vor.u32 v10, v11;
	v44 =	vshll.u32 v41, $0x3  }
0x5d: {  	v12 =	vand.u32 $0x7F, v41;
	v45 =	vld.idx.msk [tilespmem:v8+s3+$0x0], $0xffff;
	v11 =	vand.u32 $0xFFFFFC00, v44  }
0x5e: {  	v11 =	vor.u32 v12, v11  }
0x5f: {  	v46 =	vld.idx.msk [tilespmem:v9+s3+$0x0], $0xffff  }
0x60: {  	v47 =	vor.u32 $0x80, v8  }
0x61: {  	v48 =	vld.idx.msk [tilespmem:v10+s3+$0x0], $0xffff  }
0x62: {  	v50 =	vor.u32 $0x80, v9;
	v49 =	vunpack.i.l.bf16.f32 v45  }
0x63: {  	v13 =	vunpack.i.u.bf16.f32 v45;
	[tilespmem:s21+$0x8480] =	vst v49;
	v51 =	vld.idx.msk [tilespmem:v11+s3+$0x0], $0xffff  }
0x64: {  	v53 =	vor.u32 $0x80, v10;
	[tilespmem:s21+$0x8880] =	vst v13;
	v52 =	vunpack.i.l.bf16.f32 v46  }
0x65: {  	v12 =	vunpack.i.u.bf16.f32 v46;
	v14 =	vld.idx.msk [tilespmem:v47+s3+$0x0], $0xffff;
	[tilespmem:s21+$0x8490] =	vst v52  }
0x66: {  	v55 =	vor.u32 $0x80, v11;
	[tilespmem:s21+$0x8890] =	vst v12;
	v54 =	vunpack.i.l.bf16.f32 v48  }
0x67: {  	v15 =	vunpack.i.u.bf16.f32 v48;
	v17 =	vld.idx.msk [tilespmem:v50+s3+$0x0], $0xffff;
	[tilespmem:s21+$0x84A0] =	vst v54  }
0x68: {  	v56 =	vor.u32 $0x100, v8;
	[tilespmem:s21+$0x88A0] =	vst v15;
	v57 =	vunpack.i.l.bf16.f32 v51  }
0x69: {  	v18 =	vld.idx.msk [tilespmem:v53+s3+$0x0], $0xffff;
	v16 =	vunpack.i.u.bf16.f32 v51;
	[tilespmem:s21+$0x84B0] =	vst v57  }
0x6a: {  	v59 =	vor.u32 $0x100, v9;
	v58 =	vunpack.i.l.bf16.f32 v14;
	[tilespmem:s21+$0x88B0] =	vst v16  }
0x6b: {  	v14 =	vunpack.i.u.bf16.f32 v14;
	[tilespmem:s21+$0x8C80] =	vst v58;
	v13 =	vld.idx.msk [tilespmem:v55+s3+$0x0], $0xffff  }
0x6c: {  	v61 =	vor.u32 $0x100, v10;
	[tilespmem:s21+$0x9080] =	vst v14;
	v60 =	vunpack.i.l.bf16.f32 v17  }
0x6d: {  	v17 =	vunpack.i.u.bf16.f32 v17;
	v12 =	vld.idx.msk [tilespmem:v56+s3+$0x0], $0xffff;
	[tilespmem:s21+$0x8C90] =	vst v60  }
0x6e: {  	v63 =	vor.u32 $0x100, v11;
	[tilespmem:s21+$0x9090] =	vst v17;
	v62 =	vunpack.i.l.bf16.f32 v18  }
0x6f: {  	v18 =	vunpack.i.u.bf16.f32 v18;
	v16 =	vld.idx.msk [tilespmem:v59+s3+$0x0], $0xffff;
	[tilespmem:s21+$0x8CA0] =	vst v62  }
0x70: {  	v21 =	vor.u32 $0x180, v8;
	[tilespmem:s21+$0x90A0] =	vst v18;
	v22 =	vunpack.i.l.bf16.f32 v13  }
0x71: {  	v15 =	vld.idx.msk [tilespmem:v61+s3+$0x0], $0xffff;
	v13 =	vunpack.i.u.bf16.f32 v13;
	[tilespmem:s21+$0x8CB0] =	vst v22  }
0x72: {  	v24 =	vor.u32 $0x180, v9;
	v23 =	vunpack.i.l.bf16.f32 v12;
	[tilespmem:s21+$0x90B0] =	vst v13  }
0x73: {  	v12 =	vunpack.i.u.bf16.f32 v12;
	[tilespmem:s21+$0x9480] =	vst v23;
	v17 =	vld.idx.msk [tilespmem:v63+s3+$0x0], $0xffff  }
0x74: {  	v26 =	vor.u32 $0x180, v10;
	[tilespmem:s21+$0x9880] =	vst v12;
	v25 =	vunpack.i.l.bf16.f32 v16  }
0x75: {  	v16 =	vunpack.i.u.bf16.f32 v16;
	v14 =	vld.idx.msk [tilespmem:v21+s3+$0x0], $0xffff;
	[tilespmem:s21+$0x9490] =	vst v25  }
0x76: {  	v28 =	vor.u32 $0x180, v11;
	[tilespmem:s21+$0x9890] =	vst v16;
	v27 =	vunpack.i.l.bf16.f32 v15  }
0x77: {  	v15 =	vunpack.i.u.bf16.f32 v15;
	v13 =	vld.idx.msk [tilespmem:v24+s3+$0x0], $0xffff;
	[tilespmem:s21+$0x94A0] =	vst v27  }
0x78: {  	v8 =	vor.u32 $0x200, v8;
	[tilespmem:s21+$0x98A0] =	vst v15;
	v29 =	vunpack.i.l.bf16.f32 v17  }
0x79: {  	v15 =	vld.idx.msk [tilespmem:v26+s3+$0x0], $0xffff;
	v17 =	vunpack.i.u.bf16.f32 v17;
	[tilespmem:s21+$0x94B0] =	vst v29  }
0x7a: {  	v9 =	vor.u32 $0x200, v9;
	v30 =	vunpack.i.l.bf16.f32 v14;
	[tilespmem:s21+$0x98B0] =	vst v17  }
0x7b: {  	v14 =	vunpack.i.u.bf16.f32 v14;
	[tilespmem:s21+$0x9C80] =	vst v30;
	v31 =	vld.idx.msk [tilespmem:v28+s3+$0x0], $0xffff  }
0x7c: {  	v10 =	vor.u32 $0x200, v10;
	[tilespmem:s21+$0xA080] =	vst v14;
	v32 =	vunpack.i.l.bf16.f32 v13  }
0x7d: {  	v13 =	vunpack.i.u.bf16.f32 v13;
	v8 =	vld.idx.msk [tilespmem:v8+s3+$0x0], $0xffff;
	[tilespmem:s21+$0x9C90] =	vst v32  }
0x7e: {  	v11 =	vor.u32 $0x200, v11;
	[tilespmem:s21+$0xA090] =	vst v13;
	v33 =	vunpack.i.l.bf16.f32 v15  }
0x7f: {  	v34 =	vunpack.i.u.bf16.f32 v15;
	v9 =	vld.idx.msk [tilespmem:v9+s3+$0x0], $0xffff;
	[tilespmem:s21+$0x9CA0] =	vst v33  }
0x80: {  	[tilespmem:s21+$0xA0A0] =	vst v34;
	v35 =	vunpack.i.l.bf16.f32 v31  }
0x81: {  	v10 =	vld.idx.msk [tilespmem:v10+s3+$0x0], $0xffff;
	v12 =	vunpack.i.u.bf16.f32 v31;
	[tilespmem:s21+$0x9CB0] =	vst v35  }
0x82: {  	v8 =	vunpack.i.l.bf16.f32 v8;
	[tilespmem:s21+$0xA0B0] =	vst v12  }
0x83: {  	[tilespmem:s21+$0xA480] =	vst v8;
	v8 =	vld.idx.msk [tilespmem:v11+s3+$0x0], $0xffff  }
0x84: {  	v9 =	vunpack.i.l.bf16.f32 v9;
	v36 =	vld.idx.msk [tilespmem:v2+s21+$0x0 ss:$0x1], $0xffff  }
0x85: {  	[tilespmem:s21+$0xA490] =	vst v9  }
0x86: {  	v10 =	vunpack.i.l.bf16.f32 v10;
	v9 =	vld.idx.msk [tilespmem:v2+s24+$0x0 ss:$0x1], $0xffff  }
0x87: {  	[tilespmem:s21+$0xA4A0] =	vst v10  }
0x88: {  	v10 =	vld.idx.msk [tilespmem:v2+s23+$0x0 ss:$0x1], $0xffff;
	v8 =	vunpack.i.l.bf16.f32 v8  }
0x89: {  	v37 =	vshll.u32 v36, $0x3;
	[tilespmem:s21+$0xA4B0] =	vst v8  }
0x8a: {  	v8 =	vand.u32 $0x7F, v36;
	v38 =	vand.u32 $0xFFFFFC00, v37;
	v39 =	vld.idx.msk [tilespmem:v2+s22+$0x0 ss:$0x1], $0xffff  }
0x8b: {  	v40 =	vshll.u32 v9, $0x3;
	v8 =	vor.u32 v8, v38  }
0x8c: {  	v9 =	vand.u32 $0x7F, v9;
	v11 =	vand.u32 $0xFFFFFC00, v40  }
0x8d: {  	v41 =	vshll.u32 v10, $0x3;
	v9 =	vor.u32 v9, v11  }
0x8e: {  	v10 =	vand.u32 $0x7F, v10;
	v11 =	vand.u32 $0xFFFFFC00, v41  }
0x8f: {  	v10 =	vor.u32 v10, v11;
	v42 =	vshll.u32 v39, $0x3  }
0x90: {  	v12 =	vand.u32 $0x7F, v39;
	v43 =	vld.idx.msk [tilespmem:v8+s3+$0x0], $0xffff;
	v11 =	vand.u32 $0xFFFFFC00, v42  }
0x91: {  	v11 =	vor.u32 v12, v11  }
0x92: {  	v44 =	vld.idx.msk [tilespmem:v9+s3+$0x0], $0xffff  }
0x93: {  	v45 =	vor.u32 $0x80, v8  }
0x94: {  	v46 =	vld.idx.msk [tilespmem:v10+s3+$0x0], $0xffff  }
0x95: {  	v48 =	vor.u32 $0x80, v9;
	v47 =	vunpack.i.l.bf16.f32 v43  }
0x96: {  	v13 =	vunpack.i.u.bf16.f32 v43;
	[tilespmem:s21+$0x8500] =	vst v47;
	v49 =	vld.idx.msk [tilespmem:v11+s3+$0x0], $0xffff  }
0x97: {  	v51 =	vor.u32 $0x80, v10;
	[tilespmem:s21+$0x8900] =	vst v13;
	v50 =	vunpack.i.l.bf16.f32 v44  }
0x98: {  	v12 =	vunpack.i.u.bf16.f32 v44;
	v14 =	vld.idx.msk [tilespmem:v45+s3+$0x0], $0xffff;
	[tilespmem:s21+$0x8510] =	vst v50  }
0x99: {  	v53 =	vor.u32 $0x80, v11;
	[tilespmem:s21+$0x8910] =	vst v12;
	v52 =	vunpack.i.l.bf16.f32 v46  }
0x9a: {  	v15 =	vunpack.i.u.bf16.f32 v46;
	v17 =	vld.idx.msk [tilespmem:v48+s3+$0x0], $0xffff;
	[tilespmem:s21+$0x8520] =	vst v52  }
0x9b: {  	v54 =	vor.u32 $0x100, v8;
	[tilespmem:s21+$0x8920] =	vst v15;
	v55 =	vunpack.i.l.bf16.f32 v49  }
0x9c: {  	v18 =	vld.idx.msk [tilespmem:v51+s3+$0x0], $0xffff;
	v16 =	vunpack.i.u.bf16.f32 v49;
	[tilespmem:s21+$0x8530] =	vst v55  }
0x9d: {  	v57 =	vor.u32 $0x100, v9;
	v56 =	vunpack.i.l.bf16.f32 v14;
	[tilespmem:s21+$0x8930] =	vst v16  }
0x9e: {  	v14 =	vunpack.i.u.bf16.f32 v14;
	[tilespmem:s21+$0x8D00] =	vst v56;
	v13 =	vld.idx.msk [tilespmem:v53+s3+$0x0], $0xffff  }
0x9f: {  	v59 =	vor.u32 $0x100, v10;
	[tilespmem:s21+$0x9100] =	vst v14;
	v58 =	vunpack.i.l.bf16.f32 v17  }
0xa0: {  	v17 =	vunpack.i.u.bf16.f32 v17;
	v12 =	vld.idx.msk [tilespmem:v54+s3+$0x0], $0xffff;
	[tilespmem:s21+$0x8D10] =	vst v58  }
0xa1: {  	v61 =	vor.u32 $0x100, v11;
	[tilespmem:s21+$0x9110] =	vst v17;
	v60 =	vunpack.i.l.bf16.f32 v18  }
0xa2: {  	v18 =	vunpack.i.u.bf16.f32 v18;
	v16 =	vld.idx.msk [tilespmem:v57+s3+$0x0], $0xffff;
	[tilespmem:s21+$0x8D20] =	vst v60  }
0xa3: {  	v62 =	vor.u32 $0x180, v8;
	[tilespmem:s21+$0x9120] =	vst v18;
	v63 =	vunpack.i.l.bf16.f32 v13  }
0xa4: {  	v15 =	vld.idx.msk [tilespmem:v59+s3+$0x0], $0xffff;
	v13 =	vunpack.i.u.bf16.f32 v13;
	[tilespmem:s21+$0x8D30] =	vst v63  }
0xa5: {  	v22 =	vor.u32 $0x180, v9;
	v21 =	vunpack.i.l.bf16.f32 v12;
	[tilespmem:s21+$0x9130] =	vst v13  }
0xa6: {  	v12 =	vunpack.i.u.bf16.f32 v12;
	[tilespmem:s21+$0x9500] =	vst v21;
	v17 =	vld.idx.msk [tilespmem:v61+s3+$0x0], $0xffff  }
0xa7: {  	v24 =	vor.u32 $0x180, v10;
	[tilespmem:s21+$0x9900] =	vst v12;
	v23 =	vunpack.i.l.bf16.f32 v16  }
0xa8: {  	v16 =	vunpack.i.u.bf16.f32 v16;
	v14 =	vld.idx.msk [tilespmem:v62+s3+$0x0], $0xffff;
	[tilespmem:s21+$0x9510] =	vst v23  }
0xa9: {  	v26 =	vor.u32 $0x180, v11;
	[tilespmem:s21+$0x9910] =	vst v16;
	v25 =	vunpack.i.l.bf16.f32 v15  }
0xaa: {  	v15 =	vunpack.i.u.bf16.f32 v15;
	v13 =	vld.idx.msk [tilespmem:v22+s3+$0x0], $0xffff;
	[tilespmem:s21+$0x9520] =	vst v25  }
0xab: {  	v8 =	vor.u32 $0x200, v8;
	[tilespmem:s21+$0x9920] =	vst v15;
	v27 =	vunpack.i.l.bf16.f32 v17  }
0xac: {  	v15 =	vld.idx.msk [tilespmem:v24+s3+$0x0], $0xffff;
	v17 =	vunpack.i.u.bf16.f32 v17;
	[tilespmem:s21+$0x9530] =	vst v27  }
0xad: {  	v9 =	vor.u32 $0x200, v9;
	v28 =	vunpack.i.l.bf16.f32 v14;
	[tilespmem:s21+$0x9930] =	vst v17  }
0xae: {  	v14 =	vunpack.i.u.bf16.f32 v14;
	[tilespmem:s21+$0x9D00] =	vst v28;
	v29 =	vld.idx.msk [tilespmem:v26+s3+$0x0], $0xffff  }
0xaf: {  	v10 =	vor.u32 $0x200, v10;
	[tilespmem:s21+$0xA100] =	vst v14;
	v30 =	vunpack.i.l.bf16.f32 v13  }
0xb0: {  	v13 =	vunpack.i.u.bf16.f32 v13;
	v8 =	vld.idx.msk [tilespmem:v8+s3+$0x0], $0xffff;
	[tilespmem:s21+$0x9D10] =	vst v30  }
0xb1: {  	v11 =	vor.u32 $0x200, v11;
	[tilespmem:s21+$0xA110] =	vst v13;
	v31 =	vunpack.i.l.bf16.f32 v15  }
0xb2: {  	v32 =	vunpack.i.u.bf16.f32 v15;
	v9 =	vld.idx.msk [tilespmem:v9+s3+$0x0], $0xffff;
	[tilespmem:s21+$0x9D20] =	vst v31  }
0xb3: {  	[tilespmem:s21+$0xA120] =	vst v32;
	v33 =	vunpack.i.l.bf16.f32 v29  }
0xb4: {  	v10 =	vld.idx.msk [tilespmem:v10+s3+$0x0], $0xffff;
	v12 =	vunpack.i.u.bf16.f32 v29;
	[tilespmem:s21+$0x9D30] =	vst v33  }
0xb5: {  	v8 =	vunpack.i.l.bf16.f32 v8;
	[tilespmem:s21+$0xA130] =	vst v12  }
0xb6: {  	[tilespmem:s21+$0xA500] =	vst v8;
	v8 =	vld.idx.msk [tilespmem:v11+s3+$0x0], $0xffff  }
0xb7: {  	v9 =	vunpack.i.l.bf16.f32 v9;
	v34 =	vld.idx.msk [tilespmem:v3+s21+$0x0 ss:$0x1], $0xffff  }
0xb8: {  	[tilespmem:s21+$0xA510] =	vst v9  }
0xb9: {  	v10 =	vunpack.i.l.bf16.f32 v10;
	v9 =	vld.idx.msk [tilespmem:v3+s24+$0x0 ss:$0x1], $0xffff  }
0xba: {  	[tilespmem:s21+$0xA520] =	vst v10  }
0xbb: {  	v10 =	vld.idx.msk [tilespmem:v3+s23+$0x0 ss:$0x1], $0xffff;
	v8 =	vunpack.i.l.bf16.f32 v8  }
0xbc: {  	v35 =	vshll.u32 v34, $0x3;
	[tilespmem:s21+$0xA530] =	vst v8  }
0xbd: {  	v8 =	vand.u32 $0x7F, v34;
	v36 =	vand.u32 $0xFFFFFC00, v35;
	v37 =	vld.idx.msk [tilespmem:v3+s22+$0x0 ss:$0x1], $0xffff  }
0xbe: {  	v38 =	vshll.u32 v9, $0x3;
	v8 =	vor.u32 v8, v36  }
0xbf: {  	v9 =	vand.u32 $0x7F, v9;
	v11 =	vand.u32 $0xFFFFFC00, v38  }
0xc0: {  	v39 =	vshll.u32 v10, $0x3;
	v9 =	vor.u32 v9, v11  }
0xc1: {  	v10 =	vand.u32 $0x7F, v10;
	v11 =	vand.u32 $0xFFFFFC00, v39  }
0xc2: {  	v10 =	vor.u32 v10, v11;
	v40 =	vshll.u32 v37, $0x3  }
0xc3: {  	v12 =	vand.u32 $0x7F, v37;
	v41 =	vld.idx.msk [tilespmem:v8+s3+$0x0], $0xffff;
	v11 =	vand.u32 $0xFFFFFC00, v40  }
0xc4: {  	v11 =	vor.u32 v12, v11  }
0xc5: {  	v42 =	vld.idx.msk [tilespmem:v9+s3+$0x0], $0xffff  }
0xc6: {  	v43 =	vor.u32 $0x80, v8  }
0xc7: {  	v44 =	vld.idx.msk [tilespmem:v10+s3+$0x0], $0xffff  }
0xc8: {  	v46 =	vor.u32 $0x80, v9;
	v45 =	vunpack.i.l.bf16.f32 v41  }
0xc9: {  	v13 =	vunpack.i.u.bf16.f32 v41;
	[tilespmem:s21+$0x8580] =	vst v45;
	v47 =	vld.idx.msk [tilespmem:v11+s3+$0x0], $0xffff  }
0xca: {  	v49 =	vor.u32 $0x80, v10;
	[tilespmem:s21+$0x8980] =	vst v13;
	v48 =	vunpack.i.l.bf16.f32 v42  }
0xcb: {  	v12 =	vunpack.i.u.bf16.f32 v42;
	v14 =	vld.idx.msk [tilespmem:v43+s3+$0x0], $0xffff;
	[tilespmem:s21+$0x8590] =	vst v48  }
0xcc: {  	v51 =	vor.u32 $0x80, v11;
	[tilespmem:s21+$0x8990] =	vst v12;
	v50 =	vunpack.i.l.bf16.f32 v44  }
0xcd: {  	v15 =	vunpack.i.u.bf16.f32 v44;
	v17 =	vld.idx.msk [tilespmem:v46+s3+$0x0], $0xffff;
	[tilespmem:s21+$0x85A0] =	vst v50  }
0xce: {  	v52 =	vor.u32 $0x100, v8;
	[tilespmem:s21+$0x89A0] =	vst v15;
	v53 =	vunpack.i.l.bf16.f32 v47  }
0xcf: {  	v18 =	vld.idx.msk [tilespmem:v49+s3+$0x0], $0xffff;
	v16 =	vunpack.i.u.bf16.f32 v47;
	[tilespmem:s21+$0x85B0] =	vst v53  }
0xd0: {  	v55 =	vor.u32 $0x100, v9;
	v54 =	vunpack.i.l.bf16.f32 v14;
	[tilespmem:s21+$0x89B0] =	vst v16  }
0xd1: {  	v14 =	vunpack.i.u.bf16.f32 v14;
	[tilespmem:s21+$0x8D80] =	vst v54;
	v13 =	vld.idx.msk [tilespmem:v51+s3+$0x0], $0xffff  }
0xd2: {  	v57 =	vor.u32 $0x100, v10;
	[tilespmem:s21+$0x9180] =	vst v14;
	v56 =	vunpack.i.l.bf16.f32 v17  }
0xd3: {  	v17 =	vunpack.i.u.bf16.f32 v17;
	v12 =	vld.idx.msk [tilespmem:v52+s3+$0x0], $0xffff;
	[tilespmem:s21+$0x8D90] =	vst v56  }
0xd4: {  	v59 =	vor.u32 $0x100, v11;
	[tilespmem:s21+$0x9190] =	vst v17;
	v58 =	vunpack.i.l.bf16.f32 v18  }
0xd5: {  	v18 =	vunpack.i.u.bf16.f32 v18;
	v16 =	vld.idx.msk [tilespmem:v55+s3+$0x0], $0xffff;
	[tilespmem:s21+$0x8DA0] =	vst v58  }
0xd6: {  	v60 =	vor.u32 $0x180, v8;
	[tilespmem:s21+$0x91A0] =	vst v18;
	v61 =	vunpack.i.l.bf16.f32 v13  }
0xd7: {  	v15 =	vld.idx.msk [tilespmem:v57+s3+$0x0], $0xffff;
	v13 =	vunpack.i.u.bf16.f32 v13;
	[tilespmem:s21+$0x8DB0] =	vst v61  }
0xd8: {  	v63 =	vor.u32 $0x180, v9;
	v62 =	vunpack.i.l.bf16.f32 v12;
	[tilespmem:s21+$0x91B0] =	vst v13  }
0xd9: {  	v12 =	vunpack.i.u.bf16.f32 v12;
	[tilespmem:s21+$0x9580] =	vst v62;
	v17 =	vld.idx.msk [tilespmem:v59+s3+$0x0], $0xffff  }
0xda: {  	v22 =	vor.u32 $0x180, v10;
	[tilespmem:s21+$0x9980] =	vst v12;
	v21 =	vunpack.i.l.bf16.f32 v16  }
0xdb: {  	v16 =	vunpack.i.u.bf16.f32 v16;
	v14 =	vld.idx.msk [tilespmem:v60+s3+$0x0], $0xffff;
	[tilespmem:s21+$0x9590] =	vst v21  }
0xdc: {  	v24 =	vor.u32 $0x180, v11;
	[tilespmem:s21+$0x9990] =	vst v16;
	v23 =	vunpack.i.l.bf16.f32 v15  }
0xdd: {  	v15 =	vunpack.i.u.bf16.f32 v15;
	v13 =	vld.idx.msk [tilespmem:v63+s3+$0x0], $0xffff;
	[tilespmem:s21+$0x95A0] =	vst v23  }
0xde: {  	v8 =	vor.u32 $0x200, v8;
	[tilespmem:s21+$0x99A0] =	vst v15;
	v25 =	vunpack.i.l.bf16.f32 v17  }
0xdf: {  	v15 =	vld.idx.msk [tilespmem:v22+s3+$0x0], $0xffff;
	v17 =	vunpack.i.u.bf16.f32 v17;
	[tilespmem:s21+$0x95B0] =	vst v25  }
0xe0: {  	v9 =	vor.u32 $0x200, v9;
	v26 =	vunpack.i.l.bf16.f32 v14;
	[tilespmem:s21+$0x99B0] =	vst v17  }
0xe1: {  	v14 =	vunpack.i.u.bf16.f32 v14;
	[tilespmem:s21+$0x9D80] =	vst v26;
	v27 =	vld.idx.msk [tilespmem:v24+s3+$0x0], $0xffff  }
0xe2: {  	v10 =	vor.u32 $0x200, v10;
	[tilespmem:s21+$0xA180] =	vst v14;
	v28 =	vunpack.i.l.bf16.f32 v13  }
0xe3: {  	v13 =	vunpack.i.u.bf16.f32 v13;
	v8 =	vld.idx.msk [tilespmem:v8+s3+$0x0], $0xffff;
	[tilespmem:s21+$0x9D90] =	vst v28  }
0xe4: {  	v11 =	vor.u32 $0x200, v11;
	[tilespmem:s21+$0xA190] =	vst v13;
	v29 =	vunpack.i.l.bf16.f32 v15  }
0xe5: {  	v30 =	vunpack.i.u.bf16.f32 v15;
	v9 =	vld.idx.msk [tilespmem:v9+s3+$0x0], $0xffff;
	[tilespmem:s21+$0x9DA0] =	vst v29  }
0xe6: {  	[tilespmem:s21+$0xA1A0] =	vst v30;
	v31 =	vunpack.i.l.bf16.f32 v27  }
0xe7: {  	v10 =	vld.idx.msk [tilespmem:v10+s3+$0x0], $0xffff;
	v12 =	vunpack.i.u.bf16.f32 v27;
	[tilespmem:s21+$0x9DB0] =	vst v31  }
0xe8: {  	v8 =	vunpack.i.l.bf16.f32 v8;
	[tilespmem:s21+$0xA1B0] =	vst v12  }
0xe9: {  	[tilespmem:s21+$0xA580] =	vst v8;
	v8 =	vld.idx.msk [tilespmem:v11+s3+$0x0], $0xffff  }
0xea: {  	v9 =	vunpack.i.l.bf16.f32 v9;
	v32 =	vld.idx.msk [tilespmem:v4+s21+$0x0 ss:$0x1], $0xffff  }
0xeb: {  	[tilespmem:s21+$0xA590] =	vst v9  }
0xec: {  	v10 =	vunpack.i.l.bf16.f32 v10;
	v9 =	vld.idx.msk [tilespmem:v4+s24+$0x0 ss:$0x1], $0xffff  }
0xed: {  	[tilespmem:s21+$0xA5A0] =	vst v10  }
0xee: {  	v10 =	vld.idx.msk [tilespmem:v4+s23+$0x0 ss:$0x1], $0xffff;
	v8 =	vunpack.i.l.bf16.f32 v8  }
0xef: {  	v33 =	vshll.u32 v32, $0x3;
	[tilespmem:s21+$0xA5B0] =	vst v8  }
0xf0: {  	v8 =	vand.u32 $0x7F, v32;
	v34 =	vand.u32 $0xFFFFFC00, v33;
	v35 =	vld.idx.msk [tilespmem:v4+s22+$0x0 ss:$0x1], $0xffff  }
0xf1: {  	v36 =	vshll.u32 v9, $0x3;
	v8 =	vor.u32 v8, v34  }
0xf2: {  	v9 =	vand.u32 $0x7F, v9;
	v11 =	vand.u32 $0xFFFFFC00, v36  }
0xf3: {  	v37 =	vshll.u32 v10, $0x3;
	v9 =	vor.u32 v9, v11  }
0xf4: {  	v10 =	vand.u32 $0x7F, v10;
	v11 =	vand.u32 $0xFFFFFC00, v37  }
0xf5: {  	v10 =	vor.u32 v10, v11;
	v38 =	vshll.u32 v35, $0x3  }
0xf6: {  	v12 =	vand.u32 $0x7F, v35;
	v39 =	vld.idx.msk [tilespmem:v8+s3+$0x0], $0xffff;
	v11 =	vand.u32 $0xFFFFFC00, v38  }
0xf7: {  	v11 =	vor.u32 v12, v11  }
0xf8: {  	v40 =	vld.idx.msk [tilespmem:v9+s3+$0x0], $0xffff  }
0xf9: {  	v41 =	vor.u32 $0x80, v8  }
0xfa: {  	v42 =	vld.idx.msk [tilespmem:v10+s3+$0x0], $0xffff  }
0xfb: {  	v44 =	vor.u32 $0x80, v9;
	v43 =	vunpack.i.l.bf16.f32 v39  }
0xfc: {  	v13 =	vunpack.i.u.bf16.f32 v39;
	[tilespmem:s21+$0x8600] =	vst v43;
	v45 =	vld.idx.msk [tilespmem:v11+s3+$0x0], $0xffff  }
0xfd: {  	v47 =	vor.u32 $0x80, v10;
	[tilespmem:s21+$0x8A00] =	vst v13;
	v46 =	vunpack.i.l.bf16.f32 v40  }
0xfe: {  	v12 =	vunpack.i.u.bf16.f32 v40;
	v14 =	vld.idx.msk [tilespmem:v41+s3+$0x0], $0xffff;
	[tilespmem:s21+$0x8610] =	vst v46  }
0xff: {  	v49 =	vor.u32 $0x80, v11;
	[tilespmem:s21+$0x8A10] =	vst v12;
	v48 =	vunpack.i.l.bf16.f32 v42  }
0x100: {  	v15 =	vunpack.i.u.bf16.f32 v42;
	v17 =	vld.idx.msk [tilespmem:v44+s3+$0x0], $0xffff;
	[tilespmem:s21+$0x8620] =	vst v48  }
0x101: {  	v50 =	vor.u32 $0x100, v8;
	[tilespmem:s21+$0x8A20] =	vst v15;
	v51 =	vunpack.i.l.bf16.f32 v45  }
0x102: {  	v18 =	vld.idx.msk [tilespmem:v47+s3+$0x0], $0xffff;
	v16 =	vunpack.i.u.bf16.f32 v45;
	[tilespmem:s21+$0x8630] =	vst v51  }
0x103: {  	v53 =	vor.u32 $0x100, v9;
	v52 =	vunpack.i.l.bf16.f32 v14;
	[tilespmem:s21+$0x8A30] =	vst v16  }
0x104: {  	v14 =	vunpack.i.u.bf16.f32 v14;
	[tilespmem:s21+$0x8E00] =	vst v52;
	v13 =	vld.idx.msk [tilespmem:v49+s3+$0x0], $0xffff  }
0x105: {  	v55 =	vor.u32 $0x100, v10;
	[tilespmem:s21+$0x9200] =	vst v14;
	v54 =	vunpack.i.l.bf16.f32 v17  }
0x106: {  	v17 =	vunpack.i.u.bf16.f32 v17;
	v12 =	vld.idx.msk [tilespmem:v50+s3+$0x0], $0xffff;
	[tilespmem:s21+$0x8E10] =	vst v54  }
0x107: {  	v57 =	vor.u32 $0x100, v11;
	[tilespmem:s21+$0x9210] =	vst v17;
	v56 =	vunpack.i.l.bf16.f32 v18  }
0x108: {  	v18 =	vunpack.i.u.bf16.f32 v18;
	v16 =	vld.idx.msk [tilespmem:v53+s3+$0x0], $0xffff;
	[tilespmem:s21+$0x8E20] =	vst v56  }
0x109: {  	v58 =	vor.u32 $0x180, v8;
	[tilespmem:s21+$0x9220] =	vst v18;
	v59 =	vunpack.i.l.bf16.f32 v13  }
0x10a: {  	v15 =	vld.idx.msk [tilespmem:v55+s3+$0x0], $0xffff;
	v13 =	vunpack.i.u.bf16.f32 v13;
	[tilespmem:s21+$0x8E30] =	vst v59  }
0x10b: {  	v61 =	vor.u32 $0x180, v9;
	v60 =	vunpack.i.l.bf16.f32 v12;
	[tilespmem:s21+$0x9230] =	vst v13  }
0x10c: {  	v12 =	vunpack.i.u.bf16.f32 v12;
	[tilespmem:s21+$0x9600] =	vst v60;
	v17 =	vld.idx.msk [tilespmem:v57+s3+$0x0], $0xffff  }
0x10d: {  	v63 =	vor.u32 $0x180, v10;
	[tilespmem:s21+$0x9A00] =	vst v12;
	v62 =	vunpack.i.l.bf16.f32 v16  }
0x10e: {  	v16 =	vunpack.i.u.bf16.f32 v16;
	v14 =	vld.idx.msk [tilespmem:v58+s3+$0x0], $0xffff;
	[tilespmem:s21+$0x9610] =	vst v62  }
0x10f: {  	v21 =	vor.u32 $0x180, v11;
	[tilespmem:s21+$0x9A10] =	vst v16;
	v20 =	vunpack.i.l.bf16.f32 v15  }
0x110: {  	v15 =	vunpack.i.u.bf16.f32 v15;
	v13 =	vld.idx.msk [tilespmem:v61+s3+$0x0], $0xffff;
	[tilespmem:s21+$0x9620] =	vst v20  }
0x111: {  	v8 =	vor.u32 $0x200, v8;
	[tilespmem:s21+$0x9A20] =	vst v15;
	v22 =	vunpack.i.l.bf16.f32 v17  }
0x112: {  	v15 =	vld.idx.msk [tilespmem:v63+s3+$0x0], $0xffff;
	v17 =	vunpack.i.u.bf16.f32 v17;
	[tilespmem:s21+$0x9630] =	vst v22  }
0x113: {  	v9 =	vor.u32 $0x200, v9;
	v23 =	vunpack.i.l.bf16.f32 v14;
	[tilespmem:s21+$0x9A30] =	vst v17  }
0x114: {  	v14 =	vunpack.i.u.bf16.f32 v14;
	[tilespmem:s21+$0x9E00] =	vst v23;
	v24 =	vld.idx.msk [tilespmem:v21+s3+$0x0], $0xffff  }
0x115: {  	v10 =	vor.u32 $0x200, v10;
	[tilespmem:s21+$0xA200] =	vst v14;
	v25 =	vunpack.i.l.bf16.f32 v13  }
0x116: {  	v13 =	vunpack.i.u.bf16.f32 v13;
	v8 =	vld.idx.msk [tilespmem:v8+s3+$0x0], $0xffff;
	[tilespmem:s21+$0x9E10] =	vst v25  }
0x117: {  	v11 =	vor.u32 $0x200, v11;
	[tilespmem:s21+$0xA210] =	vst v13;
	v26 =	vunpack.i.l.bf16.f32 v15  }
0x118: {  	v27 =	vunpack.i.u.bf16.f32 v15;
	v9 =	vld.idx.msk [tilespmem:v9+s3+$0x0], $0xffff;
	[tilespmem:s21+$0x9E20] =	vst v26  }
0x119: {  	[tilespmem:s21+$0xA220] =	vst v27;
	v28 =	vunpack.i.l.bf16.f32 v24  }
0x11a: {  	v10 =	vld.idx.msk [tilespmem:v10+s3+$0x0], $0xffff;
	v12 =	vunpack.i.u.bf16.f32 v24;
	[tilespmem:s21+$0x9E30] =	vst v28  }
0x11b: {  	v8 =	vunpack.i.l.bf16.f32 v8;
	[tilespmem:s21+$0xA230] =	vst v12  }
0x11c: {  	[tilespmem:s21+$0xA600] =	vst v8;
	v8 =	vld.idx.msk [tilespmem:v11+s3+$0x0], $0xffff  }
0x11d: {  	v9 =	vunpack.i.l.bf16.f32 v9;
	v29 =	vld.idx.msk [tilespmem:v5+s21+$0x0 ss:$0x1], $0xffff  }
0x11e: {  	[tilespmem:s21+$0xA610] =	vst v9  }
0x11f: {  	v10 =	vunpack.i.l.bf16.f32 v10;
	v9 =	vld.idx.msk [tilespmem:v5+s24+$0x0 ss:$0x1], $0xffff  }
0x120: {  	[tilespmem:s21+$0xA620] =	vst v10  }
0x121: {  	v10 =	vld.idx.msk [tilespmem:v5+s23+$0x0 ss:$0x1], $0xffff;
	v8 =	vunpack.i.l.bf16.f32 v8  }
0x122: {  	v30 =	vshll.u32 v29, $0x3;
	[tilespmem:s21+$0xA630] =	vst v8  }
0x123: {  	v8 =	vand.u32 $0x7F, v29;
	v31 =	vand.u32 $0xFFFFFC00, v30;
	v32 =	vld.idx.msk [tilespmem:v5+s22+$0x0 ss:$0x1], $0xffff  }
0x124: {  	v33 =	vshll.u32 v9, $0x3;
	v8 =	vor.u32 v8, v31  }
0x125: {  	v9 =	vand.u32 $0x7F, v9;
	v11 =	vand.u32 $0xFFFFFC00, v33  }
0x126: {  	v34 =	vshll.u32 v10, $0x3;
	v9 =	vor.u32 v9, v11  }
0x127: {  	v10 =	vand.u32 $0x7F, v10;
	v11 =	vand.u32 $0xFFFFFC00, v34  }
0x128: {  	v10 =	vor.u32 v10, v11;
	v35 =	vshll.u32 v32, $0x3  }
0x129: {  	v12 =	vand.u32 $0x7F, v32;
	v36 =	vld.idx.msk [tilespmem:v8+s3+$0x0], $0xffff;
	v11 =	vand.u32 $0xFFFFFC00, v35  }
0x12a: {  	v11 =	vor.u32 v12, v11  }
0x12b: {  	v37 =	vld.idx.msk [tilespmem:v9+s3+$0x0], $0xffff  }
0x12c: {  	v38 =	vor.u32 $0x80, v8  }
0x12d: {  	v39 =	vld.idx.msk [tilespmem:v10+s3+$0x0], $0xffff  }
0x12e: {  	v41 =	vor.u32 $0x80, v9;
	v40 =	vunpack.i.l.bf16.f32 v36  }
0x12f: {  	v13 =	vunpack.i.u.bf16.f32 v36;
	[tilespmem:s21+$0x8680] =	vst v40;
	v42 =	vld.idx.msk [tilespmem:v11+s3+$0x0], $0xffff  }
0x130: {  	v44 =	vor.u32 $0x80, v10;
	[tilespmem:s21+$0x8A80] =	vst v13;
	v43 =	vunpack.i.l.bf16.f32 v37  }
0x131: {  	v12 =	vunpack.i.u.bf16.f32 v37;
	v14 =	vld.idx.msk [tilespmem:v38+s3+$0x0], $0xffff;
	[tilespmem:s21+$0x8690] =	vst v43  }
0x132: {  	v46 =	vor.u32 $0x80, v11;
	[tilespmem:s21+$0x8A90] =	vst v12;
	v45 =	vunpack.i.l.bf16.f32 v39  }
0x133: {  	v15 =	vunpack.i.u.bf16.f32 v39;
	v17 =	vld.idx.msk [tilespmem:v41+s3+$0x0], $0xffff;
	[tilespmem:s21+$0x86A0] =	vst v45  }
0x134: {  	v47 =	vor.u32 $0x100, v8;
	[tilespmem:s21+$0x8AA0] =	vst v15;
	v48 =	vunpack.i.l.bf16.f32 v42  }
0x135: {  	v18 =	vld.idx.msk [tilespmem:v44+s3+$0x0], $0xffff;
	v16 =	vunpack.i.u.bf16.f32 v42;
	[tilespmem:s21+$0x86B0] =	vst v48  }
0x136: {  	v50 =	vor.u32 $0x100, v9;
	v49 =	vunpack.i.l.bf16.f32 v14;
	[tilespmem:s21+$0x8AB0] =	vst v16  }
0x137: {  	v14 =	vunpack.i.u.bf16.f32 v14;
	[tilespmem:s21+$0x8E80] =	vst v49;
	v13 =	vld.idx.msk [tilespmem:v46+s3+$0x0], $0xffff  }
0x138: {  	v52 =	vor.u32 $0x100, v10;
	[tilespmem:s21+$0x9280] =	vst v14;
	v51 =	vunpack.i.l.bf16.f32 v17  }
0x139: {  	v17 =	vunpack.i.u.bf16.f32 v17;
	v12 =	vld.idx.msk [tilespmem:v47+s3+$0x0], $0xffff;
	[tilespmem:s21+$0x8E90] =	vst v51  }
0x13a: {  	v54 =	vor.u32 $0x100, v11;
	[tilespmem:s21+$0x9290] =	vst v17;
	v53 =	vunpack.i.l.bf16.f32 v18  }
0x13b: {  	v18 =	vunpack.i.u.bf16.f32 v18;
	v16 =	vld.idx.msk [tilespmem:v50+s3+$0x0], $0xffff;
	[tilespmem:s21+$0x8EA0] =	vst v53  }
0x13c: {  	v55 =	vor.u32 $0x180, v8;
	[tilespmem:s21+$0x92A0] =	vst v18;
	v56 =	vunpack.i.l.bf16.f32 v13  }
0x13d: {  	v15 =	vld.idx.msk [tilespmem:v52+s3+$0x0], $0xffff;
	v13 =	vunpack.i.u.bf16.f32 v13;
	[tilespmem:s21+$0x8EB0] =	vst v56  }
0x13e: {  	v58 =	vor.u32 $0x180, v9;
	v57 =	vunpack.i.l.bf16.f32 v12;
	[tilespmem:s21+$0x92B0] =	vst v13  }
0x13f: {  	v12 =	vunpack.i.u.bf16.f32 v12;
	[tilespmem:s21+$0x9680] =	vst v57;
	v17 =	vld.idx.msk [tilespmem:v54+s3+$0x0], $0xffff  }
0x140: {  	v60 =	vor.u32 $0x180, v10;
	[tilespmem:s21+$0x9A80] =	vst v12;
	v59 =	vunpack.i.l.bf16.f32 v16  }
0x141: {  	v16 =	vunpack.i.u.bf16.f32 v16;
	v14 =	vld.idx.msk [tilespmem:v55+s3+$0x0], $0xffff;
	[tilespmem:s21+$0x9690] =	vst v59  }
0x142: {  	v62 =	vor.u32 $0x180, v11;
	[tilespmem:s21+$0x9A90] =	vst v16;
	v61 =	vunpack.i.l.bf16.f32 v15  }
0x143: {  	v15 =	vunpack.i.u.bf16.f32 v15;
	v13 =	vld.idx.msk [tilespmem:v58+s3+$0x0], $0xffff;
	[tilespmem:s21+$0x96A0] =	vst v61  }
0x144: {  	v8 =	vor.u32 $0x200, v8;
	[tilespmem:s21+$0x9AA0] =	vst v15;
	v63 =	vunpack.i.l.bf16.f32 v17  }
0x145: {  	v15 =	vld.idx.msk [tilespmem:v60+s3+$0x0], $0xffff;
	v17 =	vunpack.i.u.bf16.f32 v17;
	[tilespmem:s21+$0x96B0] =	vst v63  }
0x146: {  	v9 =	vor.u32 $0x200, v9;
	v19 =	vunpack.i.l.bf16.f32 v14;
	[tilespmem:s21+$0x9AB0] =	vst v17  }
0x147: {  	v14 =	vunpack.i.u.bf16.f32 v14;
	[tilespmem:s21+$0x9E80] =	vst v19;
	v20 =	vld.idx.msk [tilespmem:v62+s3+$0x0], $0xffff  }
0x148: {  	v10 =	vor.u32 $0x200, v10;
	[tilespmem:s21+$0xA280] =	vst v14;
	v21 =	vunpack.i.l.bf16.f32 v13  }
0x149: {  	v13 =	vunpack.i.u.bf16.f32 v13;
	v8 =	vld.idx.msk [tilespmem:v8+s3+$0x0], $0xffff;
	[tilespmem:s21+$0x9E90] =	vst v21  }
0x14a: {  	v11 =	vor.u32 $0x200, v11;
	[tilespmem:s21+$0xA290] =	vst v13;
	v22 =	vunpack.i.l.bf16.f32 v15  }
0x14b: {  	v23 =	vunpack.i.u.bf16.f32 v15;
	v9 =	vld.idx.msk [tilespmem:v9+s3+$0x0], $0xffff;
	[tilespmem:s21+$0x9EA0] =	vst v22  }
0x14c: {  	[tilespmem:s21+$0xA2A0] =	vst v23;
	v24 =	vunpack.i.l.bf16.f32 v20  }
0x14d: {  	v10 =	vld.idx.msk [tilespmem:v10+s3+$0x0], $0xffff;
	v12 =	vunpack.i.u.bf16.f32 v20;
	[tilespmem:s21+$0x9EB0] =	vst v24  }
0x14e: {  	v8 =	vunpack.i.l.bf16.f32 v8;
	[tilespmem:s21+$0xA2B0] =	vst v12  }
0x14f: {  	[tilespmem:s21+$0xA680] =	vst v8;
	v8 =	vld.idx.msk [tilespmem:v11+s3+$0x0], $0xffff  }
0x150: {  	v9 =	vunpack.i.l.bf16.f32 v9;
	v25 =	vld.idx.msk [tilespmem:v6+s21+$0x0 ss:$0x1], $0xffff  }
0x151: {  	[tilespmem:s21+$0xA690] =	vst v9  }
0x152: {  	v10 =	vunpack.i.l.bf16.f32 v10;
	v9 =	vld.idx.msk [tilespmem:v6+s24+$0x0 ss:$0x1], $0xffff  }
0x153: {  	[tilespmem:s21+$0xA6A0] =	vst v10  }
0x154: {  	v10 =	vld.idx.msk [tilespmem:v6+s23+$0x0 ss:$0x1], $0xffff;
	v8 =	vunpack.i.l.bf16.f32 v8  }
0x155: {  	v26 =	vshll.u32 v25, $0x3;
	[tilespmem:s21+$0xA6B0] =	vst v8  }
0x156: {  	v8 =	vand.u32 $0x7F, v25;
	v27 =	vand.u32 $0xFFFFFC00, v26;
	v28 =	vld.idx.msk [tilespmem:v6+s22+$0x0 ss:$0x1], $0xffff  }
0x157: {  	v29 =	vshll.u32 v9, $0x3;
	v8 =	vor.u32 v8, v27  }
0x158: {  	v9 =	vand.u32 $0x7F, v9;
	v11 =	vand.u32 $0xFFFFFC00, v29  }
0x159: {  	v30 =	vshll.u32 v10, $0x3;
	v9 =	vor.u32 v9, v11  }
0x15a: {  	v10 =	vand.u32 $0x7F, v10;
	v11 =	vand.u32 $0xFFFFFC00, v30  }
0x15b: {  	v10 =	vor.u32 v10, v11;
	v31 =	vshll.u32 v28, $0x3  }
0x15c: {  	v12 =	vand.u32 $0x7F, v28;
	v32 =	vld.idx.msk [tilespmem:v8+s3+$0x0], $0xffff;
	v11 =	vand.u32 $0xFFFFFC00, v31  }
0x15d: {  	v11 =	vor.u32 v12, v11  }
0x15e: {  	v33 =	vld.idx.msk [tilespmem:v9+s3+$0x0], $0xffff  }
0x15f: {  	v34 =	vor.u32 $0x80, v8  }
0x160: {  	v35 =	vld.idx.msk [tilespmem:v10+s3+$0x0], $0xffff  }
0x161: {  	v37 =	vor.u32 $0x80, v9;
	v36 =	vunpack.i.l.bf16.f32 v32  }
0x162: {  	v13 =	vunpack.i.u.bf16.f32 v32;
	[tilespmem:s21+$0x8700] =	vst v36;
	v38 =	vld.idx.msk [tilespmem:v11+s3+$0x0], $0xffff  }
0x163: {  	v40 =	vor.u32 $0x80, v10;
	[tilespmem:s21+$0x8B00] =	vst v13;
	v39 =	vunpack.i.l.bf16.f32 v33  }
0x164: {  	v12 =	vunpack.i.u.bf16.f32 v33;
	v14 =	vld.idx.msk [tilespmem:v34+s3+$0x0], $0xffff;
	[tilespmem:s21+$0x8710] =	vst v39  }
0x165: {  	v42 =	vor.u32 $0x80, v11;
	[tilespmem:s21+$0x8B10] =	vst v12;
	v41 =	vunpack.i.l.bf16.f32 v35  }
0x166: {  	v15 =	vunpack.i.u.bf16.f32 v35;
	v17 =	vld.idx.msk [tilespmem:v37+s3+$0x0], $0xffff;
	[tilespmem:s21+$0x8720] =	vst v41  }
0x167: {  	v43 =	vor.u32 $0x100, v8;
	[tilespmem:s21+$0x8B20] =	vst v15;
	v44 =	vunpack.i.l.bf16.f32 v38  }
0x168: {  	v18 =	vld.idx.msk [tilespmem:v40+s3+$0x0], $0xffff;
	v16 =	vunpack.i.u.bf16.f32 v38;
	[tilespmem:s21+$0x8730] =	vst v44  }
0x169: {  	v46 =	vor.u32 $0x100, v9;
	v45 =	vunpack.i.l.bf16.f32 v14;
	[tilespmem:s21+$0x8B30] =	vst v16  }
0x16a: {  	v14 =	vunpack.i.u.bf16.f32 v14;
	[tilespmem:s21+$0x8F00] =	vst v45;
	v13 =	vld.idx.msk [tilespmem:v42+s3+$0x0], $0xffff  }
0x16b: {  	v48 =	vor.u32 $0x100, v10;
	[tilespmem:s21+$0x9300] =	vst v14;
	v47 =	vunpack.i.l.bf16.f32 v17  }
0x16c: {  	v17 =	vunpack.i.u.bf16.f32 v17;
	v12 =	vld.idx.msk [tilespmem:v43+s3+$0x0], $0xffff;
	[tilespmem:s21+$0x8F10] =	vst v47  }
0x16d: {  	v50 =	vor.u32 $0x100, v11;
	[tilespmem:s21+$0x9310] =	vst v17;
	v49 =	vunpack.i.l.bf16.f32 v18  }
0x16e: {  	v18 =	vunpack.i.u.bf16.f32 v18;
	v16 =	vld.idx.msk [tilespmem:v46+s3+$0x0], $0xffff;
	[tilespmem:s21+$0x8F20] =	vst v49  }
0x16f: {  	v51 =	vor.u32 $0x180, v8;
	[tilespmem:s21+$0x9320] =	vst v18;
	v52 =	vunpack.i.l.bf16.f32 v13  }
0x170: {  	v15 =	vld.idx.msk [tilespmem:v48+s3+$0x0], $0xffff;
	v13 =	vunpack.i.u.bf16.f32 v13;
	[tilespmem:s21+$0x8F30] =	vst v52  }
0x171: {  	v54 =	vor.u32 $0x180, v9;
	v53 =	vunpack.i.l.bf16.f32 v12;
	[tilespmem:s21+$0x9330] =	vst v13  }
0x172: {  	v12 =	vunpack.i.u.bf16.f32 v12;
	[tilespmem:s21+$0x9700] =	vst v53;
	v17 =	vld.idx.msk [tilespmem:v50+s3+$0x0], $0xffff  }
0x173: {  	v56 =	vor.u32 $0x180, v10;
	[tilespmem:s21+$0x9B00] =	vst v12;
	v55 =	vunpack.i.l.bf16.f32 v16  }
0x174: {  	v16 =	vunpack.i.u.bf16.f32 v16;
	v14 =	vld.idx.msk [tilespmem:v51+s3+$0x0], $0xffff;
	[tilespmem:s21+$0x9710] =	vst v55  }
0x175: {  	v58 =	vor.u32 $0x180, v11;
	[tilespmem:s21+$0x9B10] =	vst v16;
	v57 =	vunpack.i.l.bf16.f32 v15  }
0x176: {  	v15 =	vunpack.i.u.bf16.f32 v15;
	v13 =	vld.idx.msk [tilespmem:v54+s3+$0x0], $0xffff;
	[tilespmem:s21+$0x9720] =	vst v57  }
0x177: {  	v8 =	vor.u32 $0x200, v8;
	[tilespmem:s21+$0x9B20] =	vst v15;
	v59 =	vunpack.i.l.bf16.f32 v17  }
0x178: {  	v15 =	vld.idx.msk [tilespmem:v56+s3+$0x0], $0xffff;
	v17 =	vunpack.i.u.bf16.f32 v17;
	[tilespmem:s21+$0x9730] =	vst v59  }
0x179: {  	v9 =	vor.u32 $0x200, v9;
	v60 =	vunpack.i.l.bf16.f32 v14;
	[tilespmem:s21+$0x9B30] =	vst v17  }
0x17a: {  	v14 =	vunpack.i.u.bf16.f32 v14;
	[tilespmem:s21+$0x9F00] =	vst v60;
	v61 =	vld.idx.msk [tilespmem:v58+s3+$0x0], $0xffff  }
0x17b: {  	v10 =	vor.u32 $0x200, v10;
	[tilespmem:s21+$0xA300] =	vst v14;
	v62 =	vunpack.i.l.bf16.f32 v13  }
0x17c: {  	v13 =	vunpack.i.u.bf16.f32 v13;
	v8 =	vld.idx.msk [tilespmem:v8+s3+$0x0], $0xffff;
	[tilespmem:s21+$0x9F10] =	vst v62  }
0x17d: {  	v11 =	vor.u32 $0x200, v11;
	[tilespmem:s21+$0xA310] =	vst v13;
	v63 =	vunpack.i.l.bf16.f32 v15  }
0x17e: {  	v16 =	vunpack.i.u.bf16.f32 v15;
	v9 =	vld.idx.msk [tilespmem:v9+s3+$0x0], $0xffff;
	[tilespmem:s21+$0x9F20] =	vst v63  }
0x17f: {  	[tilespmem:s21+$0xA320] =	vst v16;
	v17 =	vunpack.i.l.bf16.f32 v61  }
0x180: {  	v10 =	vld.idx.msk [tilespmem:v10+s3+$0x0], $0xffff;
	v12 =	vunpack.i.u.bf16.f32 v61;
	[tilespmem:s21+$0x9F30] =	vst v17  }
0x181: {  	v8 =	vunpack.i.l.bf16.f32 v8;
	[tilespmem:s21+$0xA330] =	vst v12  }
0x182: {  	[tilespmem:s21+$0xA700] =	vst v8;
	v8 =	vld.idx.msk [tilespmem:v11+s3+$0x0], $0xffff  }
0x183: {  	v9 =	vunpack.i.l.bf16.f32 v9;
	v18 =	vld.idx.msk [tilespmem:v7+s21+$0x0 ss:$0x1], $0xffff  }
0x184: {  	[tilespmem:s21+$0xA710] =	vst v9  }
0x185: {  	v10 =	vunpack.i.l.bf16.f32 v10;
	v9 =	vld.idx.msk [tilespmem:v7+s24+$0x0 ss:$0x1], $0xffff  }
0x186: {  	[tilespmem:s21+$0xA720] =	vst v10  }
0x187: {  	v10 =	vld.idx.msk [tilespmem:v7+s23+$0x0 ss:$0x1], $0xffff;
	v8 =	vunpack.i.l.bf16.f32 v8  }
0x188: {  	v19 =	vshll.u32 v18, $0x3;
	[tilespmem:s21+$0xA730] =	vst v8  }
0x189: {  	v8 =	vand.u32 $0x7F, v18;
	v20 =	vand.u32 $0xFFFFFC00, v19;
	v21 =	vld.idx.msk [tilespmem:v7+s22+$0x0 ss:$0x1], $0xffff  }
0x18a: {  	v22 =	vshll.u32 v9, $0x3;
	v8 =	vor.u32 v8, v20  }
0x18b: {  	v9 =	vand.u32 $0x7F, v9;
	v11 =	vand.u32 $0xFFFFFC00, v22  }
0x18c: {  	v23 =	vshll.u32 v10, $0x3;
	v9 =	vor.u32 v9, v11  }
0x18d: {  	v10 =	vand.u32 $0x7F, v10;
	v11 =	vand.u32 $0xFFFFFC00, v23  }
0x18e: {  	v10 =	vor.u32 v10, v11;
	v24 =	vshll.u32 v21, $0x3  }
0x18f: {  	v12 =	vand.u32 $0x7F, v21;
	v25 =	vld.idx.msk [tilespmem:v8+s3+$0x0], $0xffff;
	v11 =	vand.u32 $0xFFFFFC00, v24  }
0x190: {  	v11 =	vor.u32 v12, v11  }
0x191: {  	v26 =	vld.idx.msk [tilespmem:v9+s3+$0x0], $0xffff  }
0x192: {  	v27 =	vor.u32 $0x80, v8  }
0x193: {  	v28 =	vld.idx.msk [tilespmem:v10+s3+$0x0], $0xffff  }
0x194: {  	v30 =	vor.u32 $0x80, v9;
	v29 =	vunpack.i.l.bf16.f32 v25  }
0x195: {  	v13 =	vunpack.i.u.bf16.f32 v25;
	[tilespmem:s21+$0x8780] =	vst v29;
	v31 =	vld.idx.msk [tilespmem:v11+s3+$0x0], $0xffff  }
0x196: {  	v33 =	vor.u32 $0x80, v10;
	[tilespmem:s21+$0x8B80] =	vst v13;
	v32 =	vunpack.i.l.bf16.f32 v26  }
0x197: {  	v12 =	vunpack.i.u.bf16.f32 v26;
	v14 =	vld.idx.msk [tilespmem:v27+s3+$0x0], $0xffff;
	[tilespmem:s21+$0x8790] =	vst v32  }
0x198: {  	v35 =	vor.u32 $0x80, v11;
	[tilespmem:s21+$0x8B90] =	vst v12;
	v34 =	vunpack.i.l.bf16.f32 v28  }
0x199: {  	v15 =	vunpack.i.u.bf16.f32 v28;
	v17 =	vld.idx.msk [tilespmem:v30+s3+$0x0], $0xffff;
	[tilespmem:s21+$0x87A0] =	vst v34  }
0x19a: {  	v36 =	vor.u32 $0x100, v8;
	[tilespmem:s21+$0x8BA0] =	vst v15;
	v37 =	vunpack.i.l.bf16.f32 v31  }
0x19b: {  	v18 =	vld.idx.msk [tilespmem:v33+s3+$0x0], $0xffff;
	v16 =	vunpack.i.u.bf16.f32 v31;
	[tilespmem:s21+$0x87B0] =	vst v37  }
0x19c: {  	v39 =	vor.u32 $0x100, v9;
	v38 =	vunpack.i.l.bf16.f32 v14;
	[tilespmem:s21+$0x8BB0] =	vst v16  }
0x19d: {  	v14 =	vunpack.i.u.bf16.f32 v14;
	[tilespmem:s21+$0x8F80] =	vst v38;
	v13 =	vld.idx.msk [tilespmem:v35+s3+$0x0], $0xffff  }
0x19e: {  	v41 =	vor.u32 $0x100, v10;
	[tilespmem:s21+$0x9380] =	vst v14;
	v40 =	vunpack.i.l.bf16.f32 v17  }
0x19f: {  	v17 =	vunpack.i.u.bf16.f32 v17;
	v12 =	vld.idx.msk [tilespmem:v36+s3+$0x0], $0xffff;
	[tilespmem:s21+$0x8F90] =	vst v40  }
0x1a0: {  	v43 =	vor.u32 $0x100, v11;
	[tilespmem:s21+$0x9390] =	vst v17;
	v42 =	vunpack.i.l.bf16.f32 v18  }
0x1a1: {  	v18 =	vunpack.i.u.bf16.f32 v18;
	v16 =	vld.idx.msk [tilespmem:v39+s3+$0x0], $0xffff;
	[tilespmem:s21+$0x8FA0] =	vst v42  }
0x1a2: {  	v44 =	vor.u32 $0x180, v8;
	[tilespmem:s21+$0x93A0] =	vst v18;
	v45 =	vunpack.i.l.bf16.f32 v13  }
0x1a3: {  	v15 =	vld.idx.msk [tilespmem:v41+s3+$0x0], $0xffff;
	v13 =	vunpack.i.u.bf16.f32 v13;
	[tilespmem:s21+$0x8FB0] =	vst v45  }
0x1a4: {  	v47 =	vor.u32 $0x180, v9;
	v46 =	vunpack.i.l.bf16.f32 v12;
	[tilespmem:s21+$0x93B0] =	vst v13  }
0x1a5: {  	v12 =	vunpack.i.u.bf16.f32 v12;
	[tilespmem:s21+$0x9780] =	vst v46;
	v17 =	vld.idx.msk [tilespmem:v43+s3+$0x0], $0xffff  }
0x1a6: {  	v49 =	vor.u32 $0x180, v10;
	[tilespmem:s21+$0x9B80] =	vst v12;
	v48 =	vunpack.i.l.bf16.f32 v16  }
0x1a7: {  	v16 =	vunpack.i.u.bf16.f32 v16;
	v14 =	vld.idx.msk [tilespmem:v44+s3+$0x0], $0xffff;
	[tilespmem:s21+$0x9790] =	vst v48  }
0x1a8: {  	v51 =	vor.u32 $0x180, v11;
	[tilespmem:s21+$0x9B90] =	vst v16;
	v50 =	vunpack.i.l.bf16.f32 v15  }
0x1a9: {  	v53 =	vunpack.i.u.bf16.f32 v15;
	[tilespmem:s21+$0x97A0] =	vst v50;
	v52 =	vld.idx.msk [tilespmem:v47+s3+$0x0], $0xffff  }
0x1aa: {  	[tilespmem:s21+$0x9BA0] =	vst v53;
	v54 =	vunpack.i.l.bf16.f32 v17  }
0x1ab: {  	v55 =	vld.idx.msk [tilespmem:v49+s3+$0x0], $0xffff;
	v56 =	vunpack.i.u.bf16.f32 v17;
	[tilespmem:s21+$0x97B0] =	vst v54  }
0x1ac: {  	[tilespmem:s21+$0x9BB0] =	vst v56;
	v57 =	vunpack.i.l.bf16.f32 v14  }
0x1ad: {  	v8 =	vor.u32 $0x200, v8;
	v14 =	vunpack.i.u.bf16.f32 v14;
	[tilespmem:s21+$0x9F80] =	vst v57;
	v58 =	vld.idx.msk [tilespmem:v51+s3+$0x0], $0xffff  }
0x1ae: {  	v9 =	vor.u32 $0x200, v9;
	[tilespmem:s21+$0xA380] =	vst v14;
	v59 =	vunpack.i.l.bf16.f32 v52  }
0x1af: {  	v10 =	vor.u32 $0x200, v10;
	v12 =	vunpack.i.u.bf16.f32 v52;
	[tilespmem:s21+$0x9F90] =	vst v59  }
0x1b0: {  	v11 =	vor.u32 $0x200, v11;
	[tilespmem:s21+$0xA390] =	vst v12;
	v60 =	vunpack.i.l.bf16.f32 v55  }
0x1b1: {  	v61 =	vunpack.i.u.bf16.f32 v55;
	[tilespmem:s21+$0x9FA0] =	vst v60  }
0x1b2: {  	v8 =	vld.idx.msk [tilespmem:v8+s3+$0x0], $0xffff;
	[tilespmem:s21+$0xA3A0] =	vst v61;
	v62 =	vunpack.i.l.bf16.f32 v58  }
0x1b3: {  	v9 =	vld.idx.msk [tilespmem:v9+s3+$0x0], $0xffff;
	v63 =	vunpack.i.u.bf16.f32 v58;
	[tilespmem:s21+$0x9FB0] =	vst v62  }
0x1b4: {  	v10 =	vld.idx.msk [tilespmem:v10+s3+$0x0], $0xffff;
	[tilespmem:s21+$0xA3B0] =	vst v63  }
0x1b5: {  	v11 =	vld.idx.msk [tilespmem:v11+s3+$0x0], $0xffff  }
0x1b6: {  	p2 =	por p1, p1  }
.Ltmp0:
0x1b7: {  	v8 =	vunpack.i.l.bf16.f32 v8;
	(pc) =	sbr.rel @p2 .LBB2_3-.Ltmp0, $4  }
0x1b8: {  	[tilespmem:s21+$0xA780] =	vst v8;
	v8 =	vunpack.i.l.bf16.f32 v9  }
0x1b9: {  	[tilespmem:s21+$0xA790] =	vst v8;
	v8 =	vunpack.i.l.bf16.f32 v10  }
0x1ba: {  	[tilespmem:s21+$0xA7A0] =	vst v8;
	v8 =	vunpack.i.l.bf16.f32 v11  }
0x1bb: {  	p1 =	por $0x0, $0x0;
	[tilespmem:s21+$0xA7B0] =	vst v8;
	s21 =	simm.s32 $0x40  }
0x1bc: {  	s21 =	sshll.u32 s19, $0x10  }
0x1bd: {  	s21 =	sor.u32 s4, s21  }
0x1be: {  	s21 =	sshrl.u32 s21, $0x3  }
0x1bf: {  	s29 =	sshll.u32 s19, $0x4;
	s21 =	sadd.s32 s2, s21  }
0x1c0: {  	[hbm4b:s21+s10] =	stream.strided.scatter [tilespmem:s14], [sflag:$0x1], $0x2400, s13, s10, $0x38;
	[tilespmem:$0xCC00] =	vst v63  }
0x1c1: {  	s21 =	sor.u32 $0x8, s29  }
0x1c2: {  	s23 =	sshll.u32 s21, $0x7  }
0x1c3: {  	s23 =	sand.u32 $0x3FFFFF80, s23  }
0x1c4: {  	s23 =	sadd.s32 $0x2000, s23  }
0x1c5: {  	s22 =	simm.s32 @!p0 $0x2;
	v0 =	vmov s23  }
0x1c6: {  	s24 =	sadd.s32 $0x2480, s20;
	s25 =	sadd.s32 $0x2500, s20;
	s26 =	sadd.s32 $0x2580, s20  }
0x1c7: {  	s28 =	sadd.s32 $0x2600, s20;
	s30 =	sadd.s32 $0x2680, s20;
	v1 =	vmov s24;
	_ =	swait.ge @!p0 [sflag:s22], $0x2400  }
0x1c8: {  	s31 =	sadd.s32 $0x2700, s20;
	v2 =	vmov s25;
	v3 =	vmov s26;
	v4 =	vmov s28;
	s29 =	sadd.s32 $0x2780, s20;
	[sflag:s22] =	ssyncset.done @!p0 $0x0  }
0x1c9: {  	v5 =	vmov s30;
	v6 =	vmov s31;
	s20 =	simm.s32 $0x0;
	v7 =	vmov s29;
	[sflag:s22] =	ssyncadd.s32 @!p0 $0xFFFFDC00;
	p0 =	por $0x1, $0x1  }
.LBB2_5:
0x1ca: {  	v8 =	vld.idx.msk [tilespmem:v0+s20+$0x0 ss:$0x1], $0xffff  }
0x1cb: {  	s24 =	sor.u32 $0x10, s20  }
0x1cc: {  	v9 =	vld.idx.msk [tilespmem:v0+s24+$0x0 ss:$0x1], $0xffff  }
0x1cd: {  	s23 =	sor.u32 $0x20, s20  }
0x1ce: {  	v10 =	vld.idx.msk [tilespmem:v0+s23+$0x0 ss:$0x1], $0xffff  }
0x1cf: {  	s22 =	sor.u32 $0x30, s20;
	v11 =	vshll.u32 v8, $0x3  }
0x1d0: {  	v12 =	vld.idx.msk [tilespmem:v0+s22+$0x0 ss:$0x1], $0xffff;
	v8 =	vand.u32 $0x7F, v8;
	v11 =	vand.u32 $0xFFFFFC00, v11  }
0x1d1: {  	v50 =	vshll.u32 v9, $0x3;
	v8 =	vor.u32 v8, v11  }
0x1d2: {  	v9 =	vand.u32 $0x7F, v9;
	v11 =	vand.u32 $0xFFFFFC00, v50  }
0x1d3: {  	v51 =	vshll.u32 v10, $0x3;
	v9 =	vor.u32 v9, v11  }
0x1d4: {  	v10 =	vand.u32 $0x7F, v10;
	v11 =	vand.u32 $0xFFFFFC00, v51  }
0x1d5: {  	v52 =	vshll.u32 v12, $0x3;
	v10 =	vor.u32 v10, v11  }
0x1d6: {  	v12 =	vand.u32 $0x7F, v12;
	v11 =	vand.u32 $0xFFFFFC00, v52;
	v13 =	vld.idx.msk [tilespmem:v8+s3+$0x0], $0xffff  }
0x1d7: {  	v11 =	vor.u32 v12, v11  }
0x1d8: {  	v53 =	vld.idx.msk [tilespmem:v9+s3+$0x0], $0xffff  }
0x1d9: {  	v14 =	vor.u32 $0x80, v8  }
0x1da: {  	v15 =	vld.idx.msk [tilespmem:v10+s3+$0x0], $0xffff  }
0x1db: {  	v17 =	vor.u32 $0x80, v9;
	v16 =	vunpack.i.l.bf16.f32 v13  }
0x1dc: {  	v54 =	vld.idx.msk [tilespmem:v11+s3+$0x0], $0xffff;
	v13 =	vunpack.i.u.bf16.f32 v13;
	[tilespmem:s20+$0xA800] =	vst v16  }
0x1dd: {  	v18 =	vor.u32 $0x80, v10;
	[tilespmem:s20+$0xAC00] =	vst v13;
	v55 =	vunpack.i.l.bf16.f32 v53  }
0x1de: {  	v12 =	vunpack.i.u.bf16.f32 v53;
	v14 =	vld.idx.msk [tilespmem:v14+s3+$0x0], $0xffff;
	[tilespmem:s20+$0xA810] =	vst v55  }
0x1df: {  	v57 =	vor.u32 $0x80, v11;
	[tilespmem:s20+$0xAC10] =	vst v12;
	v56 =	vunpack.i.l.bf16.f32 v15  }
0x1e0: {  	v15 =	vunpack.i.u.bf16.f32 v15;
	v17 =	vld.idx.msk [tilespmem:v17+s3+$0x0], $0xffff;
	[tilespmem:s20+$0xA820] =	vst v56  }
0x1e1: {  	v58 =	vor.u32 $0x100, v8;
	[tilespmem:s20+$0xAC20] =	vst v15;
	v59 =	vunpack.i.l.bf16.f32 v54  }
0x1e2: {  	v16 =	vunpack.i.u.bf16.f32 v54;
	v18 =	vld.idx.msk [tilespmem:v18+s3+$0x0], $0xffff;
	[tilespmem:s20+$0xA830] =	vst v59  }
0x1e3: {  	v61 =	vor.u32 $0x100, v9;
	[tilespmem:s20+$0xAC30] =	vst v16;
	v60 =	vunpack.i.l.bf16.f32 v14  }
0x1e4: {  	v13 =	vld.idx.msk [tilespmem:v57+s3+$0x0], $0xffff;
	v14 =	vunpack.i.u.bf16.f32 v14;
	[tilespmem:s20+$0xB000] =	vst v60  }
0x1e5: {  	v63 =	vor.u32 $0x100, v10;
	[tilespmem:s20+$0xB400] =	vst v14;
	v62 =	vunpack.i.l.bf16.f32 v17  }
0x1e6: {  	v17 =	vunpack.i.u.bf16.f32 v17;
	v12 =	vld.idx.msk [tilespmem:v58+s3+$0x0], $0xffff;
	[tilespmem:s20+$0xB010] =	vst v62  }
0x1e7: {  	v22 =	vor.u32 $0x100, v11;
	[tilespmem:s20+$0xB410] =	vst v17;
	v21 =	vunpack.i.l.bf16.f32 v18  }
0x1e8: {  	v18 =	vunpack.i.u.bf16.f32 v18;
	v16 =	vld.idx.msk [tilespmem:v61+s3+$0x0], $0xffff;
	[tilespmem:s20+$0xB020] =	vst v21  }
0x1e9: {  	v23 =	vor.u32 $0x180, v8;
	[tilespmem:s20+$0xB420] =	vst v18;
	v24 =	vunpack.i.l.bf16.f32 v13  }
0x1ea: {  	v13 =	vunpack.i.u.bf16.f32 v13;
	v15 =	vld.idx.msk [tilespmem:v63+s3+$0x0], $0xffff;
	[tilespmem:s20+$0xB030] =	vst v24  }
0x1eb: {  	v26 =	vor.u32 $0x180, v9;
	[tilespmem:s20+$0xB430] =	vst v13;
	v25 =	vunpack.i.l.bf16.f32 v12  }
0x1ec: {  	v17 =	vld.idx.msk [tilespmem:v22+s3+$0x0], $0xffff;
	v12 =	vunpack.i.u.bf16.f32 v12;
	[tilespmem:s20+$0xB800] =	vst v25  }
0x1ed: {  	v28 =	vor.u32 $0x180, v10;
	[tilespmem:s20+$0xBC00] =	vst v12;
	v27 =	vunpack.i.l.bf16.f32 v16  }
0x1ee: {  	v16 =	vunpack.i.u.bf16.f32 v16;
	v14 =	vld.idx.msk [tilespmem:v23+s3+$0x0], $0xffff;
	[tilespmem:s20+$0xB810] =	vst v27  }
0x1ef: {  	v30 =	vor.u32 $0x180, v11;
	[tilespmem:s20+$0xBC10] =	vst v16;
	v29 =	vunpack.i.l.bf16.f32 v15  }
0x1f0: {  	v15 =	vunpack.i.u.bf16.f32 v15;
	v13 =	vld.idx.msk [tilespmem:v26+s3+$0x0], $0xffff;
	[tilespmem:s20+$0xB820] =	vst v29  }
0x1f1: {  	v8 =	vor.u32 $0x200, v8;
	[tilespmem:s20+$0xBC20] =	vst v15;
	v31 =	vunpack.i.l.bf16.f32 v17  }
0x1f2: {  	v17 =	vunpack.i.u.bf16.f32 v17;
	v15 =	vld.idx.msk [tilespmem:v28+s3+$0x0], $0xffff;
	[tilespmem:s20+$0xB830] =	vst v31  }
0x1f3: {  	v9 =	vor.u32 $0x200, v9;
	[tilespmem:s20+$0xBC30] =	vst v17;
	v32 =	vunpack.i.l.bf16.f32 v14  }
0x1f4: {  	v33 =	vld.idx.msk [tilespmem:v30+s3+$0x0], $0xffff;
	v14 =	vunpack.i.u.bf16.f32 v14;
	[tilespmem:s20+$0xC000] =	vst v32  }
0x1f5: {  	v10 =	vor.u32 $0x200, v10;
	[tilespmem:s20+$0xC400] =	vst v14;
	v34 =	vunpack.i.l.bf16.f32 v13  }
0x1f6: {  	v13 =	vunpack.i.u.bf16.f32 v13;
	v8 =	vld.idx.msk [tilespmem:v8+s3+$0x0], $0xffff;
	[tilespmem:s20+$0xC010] =	vst v34  }
0x1f7: {  	v11 =	vor.u32 $0x200, v11;
	[tilespmem:s20+$0xC410] =	vst v13;
	v35 =	vunpack.i.l.bf16.f32 v15  }
0x1f8: {  	v36 =	vunpack.i.u.bf16.f32 v15;
	v9 =	vld.idx.msk [tilespmem:v9+s3+$0x0], $0xffff;
	[tilespmem:s20+$0xC020] =	vst v35  }
0x1f9: {  	[tilespmem:s20+$0xC420] =	vst v36;
	v37 =	vunpack.i.l.bf16.f32 v33  }
0x1fa: {  	v12 =	vunpack.i.u.bf16.f32 v33;
	v10 =	vld.idx.msk [tilespmem:v10+s3+$0x0], $0xffff;
	[tilespmem:s20+$0xC030] =	vst v37  }
0x1fb: {  	[tilespmem:s20+$0xC430] =	vst v12;
	v8 =	vunpack.i.l.bf16.f32 v8  }
0x1fc: {  	[tilespmem:s20+$0xC800] =	vst v8;
	v8 =	vld.idx.msk [tilespmem:v11+s3+$0x0], $0xffff  }
0x1fd: {  	v9 =	vunpack.i.l.bf16.f32 v9;
	v38 =	vld.idx.msk [tilespmem:v1+s20+$0x0 ss:$0x1], $0xffff  }
0x1fe: {  	[tilespmem:s20+$0xC810] =	vst v9  }
0x1ff: {  	v10 =	vunpack.i.l.bf16.f32 v10;
	v9 =	vld.idx.msk [tilespmem:v1+s24+$0x0 ss:$0x1], $0xffff  }
0x200: {  	[tilespmem:s20+$0xC820] =	vst v10  }
0x201: {  	v10 =	vld.idx.msk [tilespmem:v1+s23+$0x0 ss:$0x1], $0xffff;
	v8 =	vunpack.i.l.bf16.f32 v8  }
0x202: {  	v39 =	vshll.u32 v38, $0x3;
	[tilespmem:s20+$0xC830] =	vst v8  }
0x203: {  	v8 =	vand.u32 $0x7F, v38;
	v40 =	vand.u32 $0xFFFFFC00, v39;
	v41 =	vld.idx.msk [tilespmem:v1+s22+$0x0 ss:$0x1], $0xffff  }
0x204: {  	v42 =	vshll.u32 v9, $0x3;
	v8 =	vor.u32 v8, v40  }
0x205: {  	v9 =	vand.u32 $0x7F, v9;
	v11 =	vand.u32 $0xFFFFFC00, v42  }
0x206: {  	v43 =	vshll.u32 v10, $0x3;
	v9 =	vor.u32 v9, v11  }
0x207: {  	v10 =	vand.u32 $0x7F, v10;
	v11 =	vand.u32 $0xFFFFFC00, v43  }
0x208: {  	v10 =	vor.u32 v10, v11;
	v44 =	vshll.u32 v41, $0x3  }
0x209: {  	v12 =	vand.u32 $0x7F, v41;
	v45 =	vld.idx.msk [tilespmem:v8+s3+$0x0], $0xffff;
	v11 =	vand.u32 $0xFFFFFC00, v44  }
0x20a: {  	v11 =	vor.u32 v12, v11  }
0x20b: {  	v46 =	vld.idx.msk [tilespmem:v9+s3+$0x0], $0xffff  }
0x20c: {  	v47 =	vor.u32 $0x80, v8  }
0x20d: {  	v48 =	vld.idx.msk [tilespmem:v10+s3+$0x0], $0xffff  }
0x20e: {  	v50 =	vor.u32 $0x80, v9;
	v49 =	vunpack.i.l.bf16.f32 v45  }
0x20f: {  	v13 =	vunpack.i.u.bf16.f32 v45;
	[tilespmem:s20+$0xA880] =	vst v49;
	v51 =	vld.idx.msk [tilespmem:v11+s3+$0x0], $0xffff  }
0x210: {  	v53 =	vor.u32 $0x80, v10;
	[tilespmem:s20+$0xAC80] =	vst v13;
	v52 =	vunpack.i.l.bf16.f32 v46  }
0x211: {  	v12 =	vunpack.i.u.bf16.f32 v46;
	v14 =	vld.idx.msk [tilespmem:v47+s3+$0x0], $0xffff;
	[tilespmem:s20+$0xA890] =	vst v52  }
0x212: {  	v55 =	vor.u32 $0x80, v11;
	[tilespmem:s20+$0xAC90] =	vst v12;
	v54 =	vunpack.i.l.bf16.f32 v48  }
0x213: {  	v15 =	vunpack.i.u.bf16.f32 v48;
	v17 =	vld.idx.msk [tilespmem:v50+s3+$0x0], $0xffff;
	[tilespmem:s20+$0xA8A0] =	vst v54  }
0x214: {  	v56 =	vor.u32 $0x100, v8;
	[tilespmem:s20+$0xACA0] =	vst v15;
	v57 =	vunpack.i.l.bf16.f32 v51  }
0x215: {  	v18 =	vld.idx.msk [tilespmem:v53+s3+$0x0], $0xffff;
	v16 =	vunpack.i.u.bf16.f32 v51;
	[tilespmem:s20+$0xA8B0] =	vst v57  }
0x216: {  	v59 =	vor.u32 $0x100, v9;
	v58 =	vunpack.i.l.bf16.f32 v14;
	[tilespmem:s20+$0xACB0] =	vst v16  }
0x217: {  	v14 =	vunpack.i.u.bf16.f32 v14;
	[tilespmem:s20+$0xB080] =	vst v58;
	v13 =	vld.idx.msk [tilespmem:v55+s3+$0x0], $0xffff  }
0x218: {  	v61 =	vor.u32 $0x100, v10;
	[tilespmem:s20+$0xB480] =	vst v14;
	v60 =	vunpack.i.l.bf16.f32 v17  }
0x219: {  	v17 =	vunpack.i.u.bf16.f32 v17;
	v12 =	vld.idx.msk [tilespmem:v56+s3+$0x0], $0xffff;
	[tilespmem:s20+$0xB090] =	vst v60  }
0x21a: {  	v63 =	vor.u32 $0x100, v11;
	[tilespmem:s20+$0xB490] =	vst v17;
	v62 =	vunpack.i.l.bf16.f32 v18  }
0x21b: {  	v18 =	vunpack.i.u.bf16.f32 v18;
	v16 =	vld.idx.msk [tilespmem:v59+s3+$0x0], $0xffff;
	[tilespmem:s20+$0xB0A0] =	vst v62  }
0x21c: {  	v21 =	vor.u32 $0x180, v8;
	[tilespmem:s20+$0xB4A0] =	vst v18;
	v22 =	vunpack.i.l.bf16.f32 v13  }
0x21d: {  	v15 =	vld.idx.msk [tilespmem:v61+s3+$0x0], $0xffff;
	v13 =	vunpack.i.u.bf16.f32 v13;
	[tilespmem:s20+$0xB0B0] =	vst v22  }
0x21e: {  	v24 =	vor.u32 $0x180, v9;
	v23 =	vunpack.i.l.bf16.f32 v12;
	[tilespmem:s20+$0xB4B0] =	vst v13  }
0x21f: {  	v12 =	vunpack.i.u.bf16.f32 v12;
	[tilespmem:s20+$0xB880] =	vst v23;
	v17 =	vld.idx.msk [tilespmem:v63+s3+$0x0], $0xffff  }
0x220: {  	v26 =	vor.u32 $0x180, v10;
	[tilespmem:s20+$0xBC80] =	vst v12;
	v25 =	vunpack.i.l.bf16.f32 v16  }
0x221: {  	v16 =	vunpack.i.u.bf16.f32 v16;
	v14 =	vld.idx.msk [tilespmem:v21+s3+$0x0], $0xffff;
	[tilespmem:s20+$0xB890] =	vst v25  }
0x222: {  	v28 =	vor.u32 $0x180, v11;
	[tilespmem:s20+$0xBC90] =	vst v16;
	v27 =	vunpack.i.l.bf16.f32 v15  }
0x223: {  	v15 =	vunpack.i.u.bf16.f32 v15;
	v13 =	vld.idx.msk [tilespmem:v24+s3+$0x0], $0xffff;
	[tilespmem:s20+$0xB8A0] =	vst v27  }
0x224: {  	v8 =	vor.u32 $0x200, v8;
	[tilespmem:s20+$0xBCA0] =	vst v15;
	v29 =	vunpack.i.l.bf16.f32 v17  }
0x225: {  	v15 =	vld.idx.msk [tilespmem:v26+s3+$0x0], $0xffff;
	v17 =	vunpack.i.u.bf16.f32 v17;
	[tilespmem:s20+$0xB8B0] =	vst v29  }
0x226: {  	v9 =	vor.u32 $0x200, v9;
	v30 =	vunpack.i.l.bf16.f32 v14;
	[tilespmem:s20+$0xBCB0] =	vst v17  }
0x227: {  	v14 =	vunpack.i.u.bf16.f32 v14;
	[tilespmem:s20+$0xC080] =	vst v30;
	v31 =	vld.idx.msk [tilespmem:v28+s3+$0x0], $0xffff  }
0x228: {  	v10 =	vor.u32 $0x200, v10;
	[tilespmem:s20+$0xC480] =	vst v14;
	v32 =	vunpack.i.l.bf16.f32 v13  }
0x229: {  	v13 =	vunpack.i.u.bf16.f32 v13;
	v8 =	vld.idx.msk [tilespmem:v8+s3+$0x0], $0xffff;
	[tilespmem:s20+$0xC090] =	vst v32  }
0x22a: {  	v11 =	vor.u32 $0x200, v11;
	[tilespmem:s20+$0xC490] =	vst v13;
	v33 =	vunpack.i.l.bf16.f32 v15  }
0x22b: {  	v34 =	vunpack.i.u.bf16.f32 v15;
	v9 =	vld.idx.msk [tilespmem:v9+s3+$0x0], $0xffff;
	[tilespmem:s20+$0xC0A0] =	vst v33  }
0x22c: {  	[tilespmem:s20+$0xC4A0] =	vst v34;
	v35 =	vunpack.i.l.bf16.f32 v31  }
0x22d: {  	v10 =	vld.idx.msk [tilespmem:v10+s3+$0x0], $0xffff;
	v12 =	vunpack.i.u.bf16.f32 v31;
	[tilespmem:s20+$0xC0B0] =	vst v35  }
0x22e: {  	v8 =	vunpack.i.l.bf16.f32 v8;
	[tilespmem:s20+$0xC4B0] =	vst v12  }
0x22f: {  	[tilespmem:s20+$0xC880] =	vst v8;
	v8 =	vld.idx.msk [tilespmem:v11+s3+$0x0], $0xffff  }
0x230: {  	v9 =	vunpack.i.l.bf16.f32 v9;
	v36 =	vld.idx.msk [tilespmem:v2+s20+$0x0 ss:$0x1], $0xffff  }
0x231: {  	[tilespmem:s20+$0xC890] =	vst v9  }
0x232: {  	v10 =	vunpack.i.l.bf16.f32 v10;
	v9 =	vld.idx.msk [tilespmem:v2+s24+$0x0 ss:$0x1], $0xffff  }
0x233: {  	[tilespmem:s20+$0xC8A0] =	vst v10  }
0x234: {  	v10 =	vld.idx.msk [tilespmem:v2+s23+$0x0 ss:$0x1], $0xffff;
	v8 =	vunpack.i.l.bf16.f32 v8  }
0x235: {  	v37 =	vshll.u32 v36, $0x3;
	[tilespmem:s20+$0xC8B0] =	vst v8  }
0x236: {  	v8 =	vand.u32 $0x7F, v36;
	v38 =	vand.u32 $0xFFFFFC00, v37;
	v39 =	vld.idx.msk [tilespmem:v2+s22+$0x0 ss:$0x1], $0xffff  }
0x237: {  	v40 =	vshll.u32 v9, $0x3;
	v8 =	vor.u32 v8, v38  }
0x238: {  	v9 =	vand.u32 $0x7F, v9;
	v11 =	vand.u32 $0xFFFFFC00, v40  }
0x239: {  	v41 =	vshll.u32 v10, $0x3;
	v9 =	vor.u32 v9, v11  }
0x23a: {  	v10 =	vand.u32 $0x7F, v10;
	v11 =	vand.u32 $0xFFFFFC00, v41  }
0x23b: {  	v10 =	vor.u32 v10, v11;
	v42 =	vshll.u32 v39, $0x3  }
0x23c: {  	v12 =	vand.u32 $0x7F, v39;
	v43 =	vld.idx.msk [tilespmem:v8+s3+$0x0], $0xffff;
	v11 =	vand.u32 $0xFFFFFC00, v42  }
0x23d: {  	v11 =	vor.u32 v12, v11  }
0x23e: {  	v44 =	vld.idx.msk [tilespmem:v9+s3+$0x0], $0xffff  }
0x23f: {  	v45 =	vor.u32 $0x80, v8  }
0x240: {  	v46 =	vld.idx.msk [tilespmem:v10+s3+$0x0], $0xffff  }
0x241: {  	v48 =	vor.u32 $0x80, v9;
	v47 =	vunpack.i.l.bf16.f32 v43  }
0x242: {  	v13 =	vunpack.i.u.bf16.f32 v43;
	[tilespmem:s20+$0xA900] =	vst v47;
	v49 =	vld.idx.msk [tilespmem:v11+s3+$0x0], $0xffff  }
0x243: {  	v51 =	vor.u32 $0x80, v10;
	[tilespmem:s20+$0xAD00] =	vst v13;
	v50 =	vunpack.i.l.bf16.f32 v44  }
0x244: {  	v12 =	vunpack.i.u.bf16.f32 v44;
	v14 =	vld.idx.msk [tilespmem:v45+s3+$0x0], $0xffff;
	[tilespmem:s20+$0xA910] =	vst v50  }
0x245: {  	v53 =	vor.u32 $0x80, v11;
	[tilespmem:s20+$0xAD10] =	vst v12;
	v52 =	vunpack.i.l.bf16.f32 v46  }
0x246: {  	v15 =	vunpack.i.u.bf16.f32 v46;
	v17 =	vld.idx.msk [tilespmem:v48+s3+$0x0], $0xffff;
	[tilespmem:s20+$0xA920] =	vst v52  }
0x247: {  	v54 =	vor.u32 $0x100, v8;
	[tilespmem:s20+$0xAD20] =	vst v15;
	v55 =	vunpack.i.l.bf16.f32 v49  }
0x248: {  	v18 =	vld.idx.msk [tilespmem:v51+s3+$0x0], $0xffff;
	v16 =	vunpack.i.u.bf16.f32 v49;
	[tilespmem:s20+$0xA930] =	vst v55  }
0x249: {  	v57 =	vor.u32 $0x100, v9;
	v56 =	vunpack.i.l.bf16.f32 v14;
	[tilespmem:s20+$0xAD30] =	vst v16  }
0x24a: {  	v14 =	vunpack.i.u.bf16.f32 v14;
	[tilespmem:s20+$0xB100] =	vst v56;
	v13 =	vld.idx.msk [tilespmem:v53+s3+$0x0], $0xffff  }
0x24b: {  	v59 =	vor.u32 $0x100, v10;
	[tilespmem:s20+$0xB500] =	vst v14;
	v58 =	vunpack.i.l.bf16.f32 v17  }
0x24c: {  	v17 =	vunpack.i.u.bf16.f32 v17;
	v12 =	vld.idx.msk [tilespmem:v54+s3+$0x0], $0xffff;
	[tilespmem:s20+$0xB110] =	vst v58  }
0x24d: {  	v61 =	vor.u32 $0x100, v11;
	[tilespmem:s20+$0xB510] =	vst v17;
	v60 =	vunpack.i.l.bf16.f32 v18  }
0x24e: {  	v18 =	vunpack.i.u.bf16.f32 v18;
	v16 =	vld.idx.msk [tilespmem:v57+s3+$0x0], $0xffff;
	[tilespmem:s20+$0xB120] =	vst v60  }
0x24f: {  	v62 =	vor.u32 $0x180, v8;
	[tilespmem:s20+$0xB520] =	vst v18;
	v63 =	vunpack.i.l.bf16.f32 v13  }
0x250: {  	v15 =	vld.idx.msk [tilespmem:v59+s3+$0x0], $0xffff;
	v13 =	vunpack.i.u.bf16.f32 v13;
	[tilespmem:s20+$0xB130] =	vst v63  }
0x251: {  	v22 =	vor.u32 $0x180, v9;
	v21 =	vunpack.i.l.bf16.f32 v12;
	[tilespmem:s20+$0xB530] =	vst v13  }
0x252: {  	v12 =	vunpack.i.u.bf16.f32 v12;
	[tilespmem:s20+$0xB900] =	vst v21;
	v17 =	vld.idx.msk [tilespmem:v61+s3+$0x0], $0xffff  }
0x253: {  	v24 =	vor.u32 $0x180, v10;
	[tilespmem:s20+$0xBD00] =	vst v12;
	v23 =	vunpack.i.l.bf16.f32 v16  }
0x254: {  	v16 =	vunpack.i.u.bf16.f32 v16;
	v14 =	vld.idx.msk [tilespmem:v62+s3+$0x0], $0xffff;
	[tilespmem:s20+$0xB910] =	vst v23  }
0x255: {  	v26 =	vor.u32 $0x180, v11;
	[tilespmem:s20+$0xBD10] =	vst v16;
	v25 =	vunpack.i.l.bf16.f32 v15  }
0x256: {  	v15 =	vunpack.i.u.bf16.f32 v15;
	v13 =	vld.idx.msk [tilespmem:v22+s3+$0x0], $0xffff;
	[tilespmem:s20+$0xB920] =	vst v25  }
0x257: {  	v8 =	vor.u32 $0x200, v8;
	[tilespmem:s20+$0xBD20] =	vst v15;
	v27 =	vunpack.i.l.bf16.f32 v17  }
0x258: {  	v15 =	vld.idx.msk [tilespmem:v24+s3+$0x0], $0xffff;
	v17 =	vunpack.i.u.bf16.f32 v17;
	[tilespmem:s20+$0xB930] =	vst v27  }
0x259: {  	v9 =	vor.u32 $0x200, v9;
	v28 =	vunpack.i.l.bf16.f32 v14;
	[tilespmem:s20+$0xBD30] =	vst v17  }
0x25a: {  	v14 =	vunpack.i.u.bf16.f32 v14;
	[tilespmem:s20+$0xC100] =	vst v28;
	v29 =	vld.idx.msk [tilespmem:v26+s3+$0x0], $0xffff  }
0x25b: {  	v10 =	vor.u32 $0x200, v10;
	[tilespmem:s20+$0xC500] =	vst v14;
	v30 =	vunpack.i.l.bf16.f32 v13  }
0x25c: {  	v13 =	vunpack.i.u.bf16.f32 v13;
	v8 =	vld.idx.msk [tilespmem:v8+s3+$0x0], $0xffff;
	[tilespmem:s20+$0xC110] =	vst v30  }
0x25d: {  	v11 =	vor.u32 $0x200, v11;
	[tilespmem:s20+$0xC510] =	vst v13;
	v31 =	vunpack.i.l.bf16.f32 v15  }
0x25e: {  	v32 =	vunpack.i.u.bf16.f32 v15;
	v9 =	vld.idx.msk [tilespmem:v9+s3+$0x0], $0xffff;
	[tilespmem:s20+$0xC120] =	vst v31  }
0x25f: {  	[tilespmem:s20+$0xC520] =	vst v32;
	v33 =	vunpack.i.l.bf16.f32 v29  }
0x260: {  	v10 =	vld.idx.msk [tilespmem:v10+s3+$0x0], $0xffff;
	v12 =	vunpack.i.u.bf16.f32 v29;
	[tilespmem:s20+$0xC130] =	vst v33  }
0x261: {  	v8 =	vunpack.i.l.bf16.f32 v8;
	[tilespmem:s20+$0xC530] =	vst v12  }
0x262: {  	[tilespmem:s20+$0xC900] =	vst v8;
	v8 =	vld.idx.msk [tilespmem:v11+s3+$0x0], $0xffff  }
0x263: {  	v9 =	vunpack.i.l.bf16.f32 v9;
	v34 =	vld.idx.msk [tilespmem:v3+s20+$0x0 ss:$0x1], $0xffff  }
0x264: {  	[tilespmem:s20+$0xC910] =	vst v9  }
0x265: {  	v10 =	vunpack.i.l.bf16.f32 v10;
	v9 =	vld.idx.msk [tilespmem:v3+s24+$0x0 ss:$0x1], $0xffff  }
0x266: {  	[tilespmem:s20+$0xC920] =	vst v10  }
0x267: {  	v10 =	vld.idx.msk [tilespmem:v3+s23+$0x0 ss:$0x1], $0xffff;
	v8 =	vunpack.i.l.bf16.f32 v8  }
0x268: {  	v35 =	vshll.u32 v34, $0x3;
	[tilespmem:s20+$0xC930] =	vst v8  }
0x269: {  	v8 =	vand.u32 $0x7F, v34;
	v36 =	vand.u32 $0xFFFFFC00, v35;
	v37 =	vld.idx.msk [tilespmem:v3+s22+$0x0 ss:$0x1], $0xffff  }
0x26a: {  	v38 =	vshll.u32 v9, $0x3;
	v8 =	vor.u32 v8, v36  }
0x26b: {  	v9 =	vand.u32 $0x7F, v9;
	v11 =	vand.u32 $0xFFFFFC00, v38  }
0x26c: {  	v39 =	vshll.u32 v10, $0x3;
	v9 =	vor.u32 v9, v11  }
0x26d: {  	v10 =	vand.u32 $0x7F, v10;
	v11 =	vand.u32 $0xFFFFFC00, v39  }
0x26e: {  	v10 =	vor.u32 v10, v11;
	v40 =	vshll.u32 v37, $0x3  }
0x26f: {  	v12 =	vand.u32 $0x7F, v37;
	v41 =	vld.idx.msk [tilespmem:v8+s3+$0x0], $0xffff;
	v11 =	vand.u32 $0xFFFFFC00, v40  }
0x270: {  	v11 =	vor.u32 v12, v11  }
0x271: {  	v42 =	vld.idx.msk [tilespmem:v9+s3+$0x0], $0xffff  }
0x272: {  	v43 =	vor.u32 $0x80, v8  }
0x273: {  	v44 =	vld.idx.msk [tilespmem:v10+s3+$0x0], $0xffff  }
0x274: {  	v46 =	vor.u32 $0x80, v9;
	v45 =	vunpack.i.l.bf16.f32 v41  }
0x275: {  	v13 =	vunpack.i.u.bf16.f32 v41;
	[tilespmem:s20+$0xA980] =	vst v45;
	v47 =	vld.idx.msk [tilespmem:v11+s3+$0x0], $0xffff  }
0x276: {  	v49 =	vor.u32 $0x80, v10;
	[tilespmem:s20+$0xAD80] =	vst v13;
	v48 =	vunpack.i.l.bf16.f32 v42  }
0x277: {  	v12 =	vunpack.i.u.bf16.f32 v42;
	v14 =	vld.idx.msk [tilespmem:v43+s3+$0x0], $0xffff;
	[tilespmem:s20+$0xA990] =	vst v48  }
0x278: {  	v51 =	vor.u32 $0x80, v11;
	[tilespmem:s20+$0xAD90] =	vst v12;
	v50 =	vunpack.i.l.bf16.f32 v44  }
0x279: {  	v15 =	vunpack.i.u.bf16.f32 v44;
	v17 =	vld.idx.msk [tilespmem:v46+s3+$0x0], $0xffff;
	[tilespmem:s20+$0xA9A0] =	vst v50  }
0x27a: {  	v52 =	vor.u32 $0x100, v8;
	[tilespmem:s20+$0xADA0] =	vst v15;
	v53 =	vunpack.i.l.bf16.f32 v47  }
0x27b: {  	v18 =	vld.idx.msk [tilespmem:v49+s3+$0x0], $0xffff;
	v16 =	vunpack.i.u.bf16.f32 v47;
	[tilespmem:s20+$0xA9B0] =	vst v53  }
0x27c: {  	v55 =	vor.u32 $0x100, v9;
	v54 =	vunpack.i.l.bf16.f32 v14;
	[tilespmem:s20+$0xADB0] =	vst v16  }
0x27d: {  	v14 =	vunpack.i.u.bf16.f32 v14;
	[tilespmem:s20+$0xB180] =	vst v54;
	v13 =	vld.idx.msk [tilespmem:v51+s3+$0x0], $0xffff  }
0x27e: {  	v57 =	vor.u32 $0x100, v10;
	[tilespmem:s20+$0xB580] =	vst v14;
	v56 =	vunpack.i.l.bf16.f32 v17  }
0x27f: {  	v17 =	vunpack.i.u.bf16.f32 v17;
	v12 =	vld.idx.msk [tilespmem:v52+s3+$0x0], $0xffff;
	[tilespmem:s20+$0xB190] =	vst v56  }
0x280: {  	v59 =	vor.u32 $0x100, v11;
	[tilespmem:s20+$0xB590] =	vst v17;
	v58 =	vunpack.i.l.bf16.f32 v18  }
0x281: {  	v18 =	vunpack.i.u.bf16.f32 v18;
	v16 =	vld.idx.msk [tilespmem:v55+s3+$0x0], $0xffff;
	[tilespmem:s20+$0xB1A0] =	vst v58  }
0x282: {  	v60 =	vor.u32 $0x180, v8;
	[tilespmem:s20+$0xB5A0] =	vst v18;
	v61 =	vunpack.i.l.bf16.f32 v13  }
0x283: {  	v15 =	vld.idx.msk [tilespmem:v57+s3+$0x0], $0xffff;
	v13 =	vunpack.i.u.bf16.f32 v13;
	[tilespmem:s20+$0xB1B0] =	vst v61  }
0x284: {  	v63 =	vor.u32 $0x180, v9;
	v62 =	vunpack.i.l.bf16.f32 v12;
	[tilespmem:s20+$0xB5B0] =	vst v13  }
0x285: {  	v12 =	vunpack.i.u.bf16.f32 v12;
	[tilespmem:s20+$0xB980] =	vst v62;
	v17 =	vld.idx.msk [tilespmem:v59+s3+$0x0], $0xffff  }
0x286: {  	v22 =	vor.u32 $0x180, v10;
	[tilespmem:s20+$0xBD80] =	vst v12;
	v21 =	vunpack.i.l.bf16.f32 v16  }
0x287: {  	v16 =	vunpack.i.u.bf16.f32 v16;
	v14 =	vld.idx.msk [tilespmem:v60+s3+$0x0], $0xffff;
	[tilespmem:s20+$0xB990] =	vst v21  }
0x288: {  	v24 =	vor.u32 $0x180, v11;
	[tilespmem:s20+$0xBD90] =	vst v16;
	v23 =	vunpack.i.l.bf16.f32 v15  }
0x289: {  	v15 =	vunpack.i.u.bf16.f32 v15;
	v13 =	vld.idx.msk [tilespmem:v63+s3+$0x0], $0xffff;
	[tilespmem:s20+$0xB9A0] =	vst v23  }
0x28a: {  	v8 =	vor.u32 $0x200, v8;
	[tilespmem:s20+$0xBDA0] =	vst v15;
	v25 =	vunpack.i.l.bf16.f32 v17  }
0x28b: {  	v15 =	vld.idx.msk [tilespmem:v22+s3+$0x0], $0xffff;
	v17 =	vunpack.i.u.bf16.f32 v17;
	[tilespmem:s20+$0xB9B0] =	vst v25  }
0x28c: {  	v9 =	vor.u32 $0x200, v9;
	v26 =	vunpack.i.l.bf16.f32 v14;
	[tilespmem:s20+$0xBDB0] =	vst v17  }
0x28d: {  	v14 =	vunpack.i.u.bf16.f32 v14;
	[tilespmem:s20+$0xC180] =	vst v26;
	v27 =	vld.idx.msk [tilespmem:v24+s3+$0x0], $0xffff  }
0x28e: {  	v10 =	vor.u32 $0x200, v10;
	[tilespmem:s20+$0xC580] =	vst v14;
	v28 =	vunpack.i.l.bf16.f32 v13  }
0x28f: {  	v13 =	vunpack.i.u.bf16.f32 v13;
	v8 =	vld.idx.msk [tilespmem:v8+s3+$0x0], $0xffff;
	[tilespmem:s20+$0xC190] =	vst v28  }
0x290: {  	v11 =	vor.u32 $0x200, v11;
	[tilespmem:s20+$0xC590] =	vst v13;
	v29 =	vunpack.i.l.bf16.f32 v15  }
0x291: {  	v30 =	vunpack.i.u.bf16.f32 v15;
	v9 =	vld.idx.msk [tilespmem:v9+s3+$0x0], $0xffff;
	[tilespmem:s20+$0xC1A0] =	vst v29  }
0x292: {  	[tilespmem:s20+$0xC5A0] =	vst v30;
	v31 =	vunpack.i.l.bf16.f32 v27  }
0x293: {  	v10 =	vld.idx.msk [tilespmem:v10+s3+$0x0], $0xffff;
	v12 =	vunpack.i.u.bf16.f32 v27;
	[tilespmem:s20+$0xC1B0] =	vst v31  }
0x294: {  	v8 =	vunpack.i.l.bf16.f32 v8;
	[tilespmem:s20+$0xC5B0] =	vst v12  }
0x295: {  	[tilespmem:s20+$0xC980] =	vst v8;
	v8 =	vld.idx.msk [tilespmem:v11+s3+$0x0], $0xffff  }
0x296: {  	v9 =	vunpack.i.l.bf16.f32 v9;
	v32 =	vld.idx.msk [tilespmem:v4+s20+$0x0 ss:$0x1], $0xffff  }
0x297: {  	[tilespmem:s20+$0xC990] =	vst v9  }
0x298: {  	v10 =	vunpack.i.l.bf16.f32 v10;
	v9 =	vld.idx.msk [tilespmem:v4+s24+$0x0 ss:$0x1], $0xffff  }
0x299: {  	[tilespmem:s20+$0xC9A0] =	vst v10  }
0x29a: {  	v10 =	vld.idx.msk [tilespmem:v4+s23+$0x0 ss:$0x1], $0xffff;
	v8 =	vunpack.i.l.bf16.f32 v8  }
0x29b: {  	v33 =	vshll.u32 v32, $0x3;
	[tilespmem:s20+$0xC9B0] =	vst v8  }
0x29c: {  	v8 =	vand.u32 $0x7F, v32;
	v34 =	vand.u32 $0xFFFFFC00, v33;
	v35 =	vld.idx.msk [tilespmem:v4+s22+$0x0 ss:$0x1], $0xffff  }
0x29d: {  	v36 =	vshll.u32 v9, $0x3;
	v8 =	vor.u32 v8, v34  }
0x29e: {  	v9 =	vand.u32 $0x7F, v9;
	v11 =	vand.u32 $0xFFFFFC00, v36  }
0x29f: {  	v37 =	vshll.u32 v10, $0x3;
	v9 =	vor.u32 v9, v11  }
0x2a0: {  	v10 =	vand.u32 $0x7F, v10;
	v11 =	vand.u32 $0xFFFFFC00, v37  }
0x2a1: {  	v10 =	vor.u32 v10, v11;
	v38 =	vshll.u32 v35, $0x3  }
0x2a2: {  	v12 =	vand.u32 $0x7F, v35;
	v39 =	vld.idx.msk [tilespmem:v8+s3+$0x0], $0xffff;
	v11 =	vand.u32 $0xFFFFFC00, v38  }
0x2a3: {  	v11 =	vor.u32 v12, v11  }
0x2a4: {  	v40 =	vld.idx.msk [tilespmem:v9+s3+$0x0], $0xffff  }
0x2a5: {  	v41 =	vor.u32 $0x80, v8  }
0x2a6: {  	v42 =	vld.idx.msk [tilespmem:v10+s3+$0x0], $0xffff  }
0x2a7: {  	v44 =	vor.u32 $0x80, v9;
	v43 =	vunpack.i.l.bf16.f32 v39  }
0x2a8: {  	v13 =	vunpack.i.u.bf16.f32 v39;
	[tilespmem:s20+$0xAA00] =	vst v43;
	v45 =	vld.idx.msk [tilespmem:v11+s3+$0x0], $0xffff  }
0x2a9: {  	v47 =	vor.u32 $0x80, v10;
	[tilespmem:s20+$0xAE00] =	vst v13;
	v46 =	vunpack.i.l.bf16.f32 v40  }
0x2aa: {  	v12 =	vunpack.i.u.bf16.f32 v40;
	v14 =	vld.idx.msk [tilespmem:v41+s3+$0x0], $0xffff;
	[tilespmem:s20+$0xAA10] =	vst v46  }
0x2ab: {  	v49 =	vor.u32 $0x80, v11;
	[tilespmem:s20+$0xAE10] =	vst v12;
	v48 =	vunpack.i.l.bf16.f32 v42  }
0x2ac: {  	v15 =	vunpack.i.u.bf16.f32 v42;
	v17 =	vld.idx.msk [tilespmem:v44+s3+$0x0], $0xffff;
	[tilespmem:s20+$0xAA20] =	vst v48  }
0x2ad: {  	v50 =	vor.u32 $0x100, v8;
	[tilespmem:s20+$0xAE20] =	vst v15;
	v51 =	vunpack.i.l.bf16.f32 v45  }
0x2ae: {  	v18 =	vld.idx.msk [tilespmem:v47+s3+$0x0], $0xffff;
	v16 =	vunpack.i.u.bf16.f32 v45;
	[tilespmem:s20+$0xAA30] =	vst v51  }
0x2af: {  	v53 =	vor.u32 $0x100, v9;
	v52 =	vunpack.i.l.bf16.f32 v14;
	[tilespmem:s20+$0xAE30] =	vst v16  }
0x2b0: {  	v14 =	vunpack.i.u.bf16.f32 v14;
	[tilespmem:s20+$0xB200] =	vst v52;
	v13 =	vld.idx.msk [tilespmem:v49+s3+$0x0], $0xffff  }
0x2b1: {  	v55 =	vor.u32 $0x100, v10;
	[tilespmem:s20+$0xB600] =	vst v14;
	v54 =	vunpack.i.l.bf16.f32 v17  }
0x2b2: {  	v17 =	vunpack.i.u.bf16.f32 v17;
	v12 =	vld.idx.msk [tilespmem:v50+s3+$0x0], $0xffff;
	[tilespmem:s20+$0xB210] =	vst v54  }
0x2b3: {  	v57 =	vor.u32 $0x100, v11;
	[tilespmem:s20+$0xB610] =	vst v17;
	v56 =	vunpack.i.l.bf16.f32 v18  }
0x2b4: {  	v18 =	vunpack.i.u.bf16.f32 v18;
	v16 =	vld.idx.msk [tilespmem:v53+s3+$0x0], $0xffff;
	[tilespmem:s20+$0xB220] =	vst v56  }
0x2b5: {  	v58 =	vor.u32 $0x180, v8;
	[tilespmem:s20+$0xB620] =	vst v18;
	v59 =	vunpack.i.l.bf16.f32 v13  }
0x2b6: {  	v15 =	vld.idx.msk [tilespmem:v55+s3+$0x0], $0xffff;
	v13 =	vunpack.i.u.bf16.f32 v13;
	[tilespmem:s20+$0xB230] =	vst v59  }
0x2b7: {  	v61 =	vor.u32 $0x180, v9;
	v60 =	vunpack.i.l.bf16.f32 v12;
	[tilespmem:s20+$0xB630] =	vst v13  }
0x2b8: {  	v12 =	vunpack.i.u.bf16.f32 v12;
	[tilespmem:s20+$0xBA00] =	vst v60;
	v17 =	vld.idx.msk [tilespmem:v57+s3+$0x0], $0xffff  }
0x2b9: {  	v63 =	vor.u32 $0x180, v10;
	[tilespmem:s20+$0xBE00] =	vst v12;
	v62 =	vunpack.i.l.bf16.f32 v16  }
0x2ba: {  	v16 =	vunpack.i.u.bf16.f32 v16;
	v14 =	vld.idx.msk [tilespmem:v58+s3+$0x0], $0xffff;
	[tilespmem:s20+$0xBA10] =	vst v62  }
0x2bb: {  	v21 =	vor.u32 $0x180, v11;
	[tilespmem:s20+$0xBE10] =	vst v16;
	v20 =	vunpack.i.l.bf16.f32 v15  }
0x2bc: {  	v15 =	vunpack.i.u.bf16.f32 v15;
	v13 =	vld.idx.msk [tilespmem:v61+s3+$0x0], $0xffff;
	[tilespmem:s20+$0xBA20] =	vst v20  }
0x2bd: {  	v8 =	vor.u32 $0x200, v8;
	[tilespmem:s20+$0xBE20] =	vst v15;
	v22 =	vunpack.i.l.bf16.f32 v17  }
0x2be: {  	v15 =	vld.idx.msk [tilespmem:v63+s3+$0x0], $0xffff;
	v17 =	vunpack.i.u.bf16.f32 v17;
	[tilespmem:s20+$0xBA30] =	vst v22  }
0x2bf: {  	v9 =	vor.u32 $0x200, v9;
	v23 =	vunpack.i.l.bf16.f32 v14;
	[tilespmem:s20+$0xBE30] =	vst v17  }
0x2c0: {  	v14 =	vunpack.i.u.bf16.f32 v14;
	[tilespmem:s20+$0xC200] =	vst v23;
	v24 =	vld.idx.msk [tilespmem:v21+s3+$0x0], $0xffff  }
0x2c1: {  	v10 =	vor.u32 $0x200, v10;
	[tilespmem:s20+$0xC600] =	vst v14;
	v25 =	vunpack.i.l.bf16.f32 v13  }
0x2c2: {  	v13 =	vunpack.i.u.bf16.f32 v13;
	v8 =	vld.idx.msk [tilespmem:v8+s3+$0x0], $0xffff;
	[tilespmem:s20+$0xC210] =	vst v25  }
0x2c3: {  	v11 =	vor.u32 $0x200, v11;
	[tilespmem:s20+$0xC610] =	vst v13;
	v26 =	vunpack.i.l.bf16.f32 v15  }
0x2c4: {  	v27 =	vunpack.i.u.bf16.f32 v15;
	v9 =	vld.idx.msk [tilespmem:v9+s3+$0x0], $0xffff;
	[tilespmem:s20+$0xC220] =	vst v26  }
0x2c5: {  	[tilespmem:s20+$0xC620] =	vst v27;
	v28 =	vunpack.i.l.bf16.f32 v24  }
0x2c6: {  	v10 =	vld.idx.msk [tilespmem:v10+s3+$0x0], $0xffff;
	v12 =	vunpack.i.u.bf16.f32 v24;
	[tilespmem:s20+$0xC230] =	vst v28  }
0x2c7: {  	v8 =	vunpack.i.l.bf16.f32 v8;
	[tilespmem:s20+$0xC630] =	vst v12  }
0x2c8: {  	[tilespmem:s20+$0xCA00] =	vst v8;
	v8 =	vld.idx.msk [tilespmem:v11+s3+$0x0], $0xffff  }
0x2c9: {  	v9 =	vunpack.i.l.bf16.f32 v9;
	v29 =	vld.idx.msk [tilespmem:v5+s20+$0x0 ss:$0x1], $0xffff  }
0x2ca: {  	[tilespmem:s20+$0xCA10] =	vst v9  }
0x2cb: {  	v10 =	vunpack.i.l.bf16.f32 v10;
	v9 =	vld.idx.msk [tilespmem:v5+s24+$0x0 ss:$0x1], $0xffff  }
0x2cc: {  	[tilespmem:s20+$0xCA20] =	vst v10  }
0x2cd: {  	v10 =	vld.idx.msk [tilespmem:v5+s23+$0x0 ss:$0x1], $0xffff;
	v8 =	vunpack.i.l.bf16.f32 v8  }
0x2ce: {  	v30 =	vshll.u32 v29, $0x3;
	[tilespmem:s20+$0xCA30] =	vst v8  }
0x2cf: {  	v8 =	vand.u32 $0x7F, v29;
	v31 =	vand.u32 $0xFFFFFC00, v30;
	v32 =	vld.idx.msk [tilespmem:v5+s22+$0x0 ss:$0x1], $0xffff  }
0x2d0: {  	v33 =	vshll.u32 v9, $0x3;
	v8 =	vor.u32 v8, v31  }
0x2d1: {  	v9 =	vand.u32 $0x7F, v9;
	v11 =	vand.u32 $0xFFFFFC00, v33  }
0x2d2: {  	v34 =	vshll.u32 v10, $0x3;
	v9 =	vor.u32 v9, v11  }
0x2d3: {  	v10 =	vand.u32 $0x7F, v10;
	v11 =	vand.u32 $0xFFFFFC00, v34  }
0x2d4: {  	v10 =	vor.u32 v10, v11;
	v35 =	vshll.u32 v32, $0x3  }
0x2d5: {  	v12 =	vand.u32 $0x7F, v32;
	v36 =	vld.idx.msk [tilespmem:v8+s3+$0x0], $0xffff;
	v11 =	vand.u32 $0xFFFFFC00, v35  }
0x2d6: {  	v11 =	vor.u32 v12, v11  }
0x2d7: {  	v37 =	vld.idx.msk [tilespmem:v9+s3+$0x0], $0xffff  }
0x2d8: {  	v38 =	vor.u32 $0x80, v8  }
0x2d9: {  	v39 =	vld.idx.msk [tilespmem:v10+s3+$0x0], $0xffff  }
0x2da: {  	v41 =	vor.u32 $0x80, v9;
	v40 =	vunpack.i.l.bf16.f32 v36  }
0x2db: {  	v13 =	vunpack.i.u.bf16.f32 v36;
	[tilespmem:s20+$0xAA80] =	vst v40;
	v42 =	vld.idx.msk [tilespmem:v11+s3+$0x0], $0xffff  }
0x2dc: {  	v44 =	vor.u32 $0x80, v10;
	[tilespmem:s20+$0xAE80] =	vst v13;
	v43 =	vunpack.i.l.bf16.f32 v37  }
0x2dd: {  	v12 =	vunpack.i.u.bf16.f32 v37;
	v14 =	vld.idx.msk [tilespmem:v38+s3+$0x0], $0xffff;
	[tilespmem:s20+$0xAA90] =	vst v43  }
0x2de: {  	v46 =	vor.u32 $0x80, v11;
	[tilespmem:s20+$0xAE90] =	vst v12;
	v45 =	vunpack.i.l.bf16.f32 v39  }
0x2df: {  	v15 =	vunpack.i.u.bf16.f32 v39;
	v17 =	vld.idx.msk [tilespmem:v41+s3+$0x0], $0xffff;
	[tilespmem:s20+$0xAAA0] =	vst v45  }
0x2e0: {  	v47 =	vor.u32 $0x100, v8;
	[tilespmem:s20+$0xAEA0] =	vst v15;
	v48 =	vunpack.i.l.bf16.f32 v42  }
0x2e1: {  	v18 =	vld.idx.msk [tilespmem:v44+s3+$0x0], $0xffff;
	v16 =	vunpack.i.u.bf16.f32 v42;
	[tilespmem:s20+$0xAAB0] =	vst v48  }
0x2e2: {  	v50 =	vor.u32 $0x100, v9;
	v49 =	vunpack.i.l.bf16.f32 v14;
	[tilespmem:s20+$0xAEB0] =	vst v16  }
0x2e3: {  	v14 =	vunpack.i.u.bf16.f32 v14;
	[tilespmem:s20+$0xB280] =	vst v49;
	v13 =	vld.idx.msk [tilespmem:v46+s3+$0x0], $0xffff  }
0x2e4: {  	v52 =	vor.u32 $0x100, v10;
	[tilespmem:s20+$0xB680] =	vst v14;
	v51 =	vunpack.i.l.bf16.f32 v17  }
0x2e5: {  	v17 =	vunpack.i.u.bf16.f32 v17;
	v12 =	vld.idx.msk [tilespmem:v47+s3+$0x0], $0xffff;
	[tilespmem:s20+$0xB290] =	vst v51  }
0x2e6: {  	v54 =	vor.u32 $0x100, v11;
	[tilespmem:s20+$0xB690] =	vst v17;
	v53 =	vunpack.i.l.bf16.f32 v18  }
0x2e7: {  	v18 =	vunpack.i.u.bf16.f32 v18;
	v16 =	vld.idx.msk [tilespmem:v50+s3+$0x0], $0xffff;
	[tilespmem:s20+$0xB2A0] =	vst v53  }
0x2e8: {  	v55 =	vor.u32 $0x180, v8;
	[tilespmem:s20+$0xB6A0] =	vst v18;
	v56 =	vunpack.i.l.bf16.f32 v13  }
0x2e9: {  	v15 =	vld.idx.msk [tilespmem:v52+s3+$0x0], $0xffff;
	v13 =	vunpack.i.u.bf16.f32 v13;
	[tilespmem:s20+$0xB2B0] =	vst v56  }
0x2ea: {  	v58 =	vor.u32 $0x180, v9;
	v57 =	vunpack.i.l.bf16.f32 v12;
	[tilespmem:s20+$0xB6B0] =	vst v13  }
0x2eb: {  	v12 =	vunpack.i.u.bf16.f32 v12;
	[tilespmem:s20+$0xBA80] =	vst v57;
	v17 =	vld.idx.msk [tilespmem:v54+s3+$0x0], $0xffff  }
0x2ec: {  	v60 =	vor.u32 $0x180, v10;
	[tilespmem:s20+$0xBE80] =	vst v12;
	v59 =	vunpack.i.l.bf16.f32 v16  }
0x2ed: {  	v16 =	vunpack.i.u.bf16.f32 v16;
	v14 =	vld.idx.msk [tilespmem:v55+s3+$0x0], $0xffff;
	[tilespmem:s20+$0xBA90] =	vst v59  }
0x2ee: {  	v62 =	vor.u32 $0x180, v11;
	[tilespmem:s20+$0xBE90] =	vst v16;
	v61 =	vunpack.i.l.bf16.f32 v15  }
0x2ef: {  	v15 =	vunpack.i.u.bf16.f32 v15;
	v13 =	vld.idx.msk [tilespmem:v58+s3+$0x0], $0xffff;
	[tilespmem:s20+$0xBAA0] =	vst v61  }
0x2f0: {  	v8 =	vor.u32 $0x200, v8;
	[tilespmem:s20+$0xBEA0] =	vst v15;
	v63 =	vunpack.i.l.bf16.f32 v17  }
0x2f1: {  	v15 =	vld.idx.msk [tilespmem:v60+s3+$0x0], $0xffff;
	v17 =	vunpack.i.u.bf16.f32 v17;
	[tilespmem:s20+$0xBAB0] =	vst v63  }
0x2f2: {  	v9 =	vor.u32 $0x200, v9;
	v19 =	vunpack.i.l.bf16.f32 v14;
	[tilespmem:s20+$0xBEB0] =	vst v17  }
0x2f3: {  	v14 =	vunpack.i.u.bf16.f32 v14;
	[tilespmem:s20+$0xC280] =	vst v19;
	v20 =	vld.idx.msk [tilespmem:v62+s3+$0x0], $0xffff  }
0x2f4: {  	v10 =	vor.u32 $0x200, v10;
	[tilespmem:s20+$0xC680] =	vst v14;
	v21 =	vunpack.i.l.bf16.f32 v13  }
0x2f5: {  	v13 =	vunpack.i.u.bf16.f32 v13;
	v8 =	vld.idx.msk [tilespmem:v8+s3+$0x0], $0xffff;
	[tilespmem:s20+$0xC290] =	vst v21  }
0x2f6: {  	v11 =	vor.u32 $0x200, v11;
	[tilespmem:s20+$0xC690] =	vst v13;
	v22 =	vunpack.i.l.bf16.f32 v15  }
0x2f7: {  	v23 =	vunpack.i.u.bf16.f32 v15;
	v9 =	vld.idx.msk [tilespmem:v9+s3+$0x0], $0xffff;
	[tilespmem:s20+$0xC2A0] =	vst v22  }
0x2f8: {  	[tilespmem:s20+$0xC6A0] =	vst v23;
	v24 =	vunpack.i.l.bf16.f32 v20  }
0x2f9: {  	v10 =	vld.idx.msk [tilespmem:v10+s3+$0x0], $0xffff;
	v12 =	vunpack.i.u.bf16.f32 v20;
	[tilespmem:s20+$0xC2B0] =	vst v24  }
0x2fa: {  	v8 =	vunpack.i.l.bf16.f32 v8;
	[tilespmem:s20+$0xC6B0] =	vst v12  }
0x2fb: {  	[tilespmem:s20+$0xCA80] =	vst v8;
	v8 =	vld.idx.msk [tilespmem:v11+s3+$0x0], $0xffff  }
0x2fc: {  	v9 =	vunpack.i.l.bf16.f32 v9;
	v25 =	vld.idx.msk [tilespmem:v6+s20+$0x0 ss:$0x1], $0xffff  }
0x2fd: {  	[tilespmem:s20+$0xCA90] =	vst v9  }
0x2fe: {  	v10 =	vunpack.i.l.bf16.f32 v10;
	v9 =	vld.idx.msk [tilespmem:v6+s24+$0x0 ss:$0x1], $0xffff  }
0x2ff: {  	[tilespmem:s20+$0xCAA0] =	vst v10  }
0x300: {  	v10 =	vld.idx.msk [tilespmem:v6+s23+$0x0 ss:$0x1], $0xffff;
	v8 =	vunpack.i.l.bf16.f32 v8  }
0x301: {  	v26 =	vshll.u32 v25, $0x3;
	[tilespmem:s20+$0xCAB0] =	vst v8  }
0x302: {  	v8 =	vand.u32 $0x7F, v25;
	v27 =	vand.u32 $0xFFFFFC00, v26;
	v28 =	vld.idx.msk [tilespmem:v6+s22+$0x0 ss:$0x1], $0xffff  }
0x303: {  	v29 =	vshll.u32 v9, $0x3;
	v8 =	vor.u32 v8, v27  }
0x304: {  	v9 =	vand.u32 $0x7F, v9;
	v11 =	vand.u32 $0xFFFFFC00, v29  }
0x305: {  	v30 =	vshll.u32 v10, $0x3;
	v9 =	vor.u32 v9, v11  }
0x306: {  	v10 =	vand.u32 $0x7F, v10;
	v11 =	vand.u32 $0xFFFFFC00, v30  }
0x307: {  	v10 =	vor.u32 v10, v11;
	v31 =	vshll.u32 v28, $0x3  }
0x308: {  	v12 =	vand.u32 $0x7F, v28;
	v32 =	vld.idx.msk [tilespmem:v8+s3+$0x0], $0xffff;
	v11 =	vand.u32 $0xFFFFFC00, v31  }
0x309: {  	v11 =	vor.u32 v12, v11  }
0x30a: {  	v33 =	vld.idx.msk [tilespmem:v9+s3+$0x0], $0xffff  }
0x30b: {  	v34 =	vor.u32 $0x80, v8  }
0x30c: {  	v35 =	vld.idx.msk [tilespmem:v10+s3+$0x0], $0xffff  }
0x30d: {  	v37 =	vor.u32 $0x80, v9;
	v36 =	vunpack.i.l.bf16.f32 v32  }
0x30e: {  	v13 =	vunpack.i.u.bf16.f32 v32;
	[tilespmem:s20+$0xAB00] =	vst v36;
	v38 =	vld.idx.msk [tilespmem:v11+s3+$0x0], $0xffff  }
0x30f: {  	v40 =	vor.u32 $0x80, v10;
	[tilespmem:s20+$0xAF00] =	vst v13;
	v39 =	vunpack.i.l.bf16.f32 v33  }
0x310: {  	v12 =	vunpack.i.u.bf16.f32 v33;
	v14 =	vld.idx.msk [tilespmem:v34+s3+$0x0], $0xffff;
	[tilespmem:s20+$0xAB10] =	vst v39  }
0x311: {  	v42 =	vor.u32 $0x80, v11;
	[tilespmem:s20+$0xAF10] =	vst v12;
	v41 =	vunpack.i.l.bf16.f32 v35  }
0x312: {  	v15 =	vunpack.i.u.bf16.f32 v35;
	v17 =	vld.idx.msk [tilespmem:v37+s3+$0x0], $0xffff;
	[tilespmem:s20+$0xAB20] =	vst v41  }
0x313: {  	v43 =	vor.u32 $0x100, v8;
	[tilespmem:s20+$0xAF20] =	vst v15;
	v44 =	vunpack.i.l.bf16.f32 v38  }
0x314: {  	v18 =	vld.idx.msk [tilespmem:v40+s3+$0x0], $0xffff;
	v16 =	vunpack.i.u.bf16.f32 v38;
	[tilespmem:s20+$0xAB30] =	vst v44  }
0x315: {  	v46 =	vor.u32 $0x100, v9;
	v45 =	vunpack.i.l.bf16.f32 v14;
	[tilespmem:s20+$0xAF30] =	vst v16  }
0x316: {  	v14 =	vunpack.i.u.bf16.f32 v14;
	[tilespmem:s20+$0xB300] =	vst v45;
	v13 =	vld.idx.msk [tilespmem:v42+s3+$0x0], $0xffff  }
0x317: {  	v48 =	vor.u32 $0x100, v10;
	[tilespmem:s20+$0xB700] =	vst v14;
	v47 =	vunpack.i.l.bf16.f32 v17  }
0x318: {  	v17 =	vunpack.i.u.bf16.f32 v17;
	v12 =	vld.idx.msk [tilespmem:v43+s3+$0x0], $0xffff;
	[tilespmem:s20+$0xB310] =	vst v47  }
0x319: {  	v50 =	vor.u32 $0x100, v11;
	[tilespmem:s20+$0xB710] =	vst v17;
	v49 =	vunpack.i.l.bf16.f32 v18  }
0x31a: {  	v18 =	vunpack.i.u.bf16.f32 v18;
	v16 =	vld.idx.msk [tilespmem:v46+s3+$0x0], $0xffff;
	[tilespmem:s20+$0xB320] =	vst v49  }
0x31b: {  	v51 =	vor.u32 $0x180, v8;
	[tilespmem:s20+$0xB720] =	vst v18;
	v52 =	vunpack.i.l.bf16.f32 v13  }
0x31c: {  	v15 =	vld.idx.msk [tilespmem:v48+s3+$0x0], $0xffff;
	v13 =	vunpack.i.u.bf16.f32 v13;
	[tilespmem:s20+$0xB330] =	vst v52  }
0x31d: {  	v54 =	vor.u32 $0x180, v9;
	v53 =	vunpack.i.l.bf16.f32 v12;
	[tilespmem:s20+$0xB730] =	vst v13  }
0x31e: {  	v12 =	vunpack.i.u.bf16.f32 v12;
	[tilespmem:s20+$0xBB00] =	vst v53;
	v17 =	vld.idx.msk [tilespmem:v50+s3+$0x0], $0xffff  }
0x31f: {  	v56 =	vor.u32 $0x180, v10;
	[tilespmem:s20+$0xBF00] =	vst v12;
	v55 =	vunpack.i.l.bf16.f32 v16  }
0x320: {  	v16 =	vunpack.i.u.bf16.f32 v16;
	v14 =	vld.idx.msk [tilespmem:v51+s3+$0x0], $0xffff;
	[tilespmem:s20+$0xBB10] =	vst v55  }
0x321: {  	v58 =	vor.u32 $0x180, v11;
	[tilespmem:s20+$0xBF10] =	vst v16;
	v57 =	vunpack.i.l.bf16.f32 v15  }
0x322: {  	v15 =	vunpack.i.u.bf16.f32 v15;
	v13 =	vld.idx.msk [tilespmem:v54+s3+$0x0], $0xffff;
	[tilespmem:s20+$0xBB20] =	vst v57  }
0x323: {  	v8 =	vor.u32 $0x200, v8;
	[tilespmem:s20+$0xBF20] =	vst v15;
	v59 =	vunpack.i.l.bf16.f32 v17  }
0x324: {  	v15 =	vld.idx.msk [tilespmem:v56+s3+$0x0], $0xffff;
	v17 =	vunpack.i.u.bf16.f32 v17;
	[tilespmem:s20+$0xBB30] =	vst v59  }
0x325: {  	v9 =	vor.u32 $0x200, v9;
	v60 =	vunpack.i.l.bf16.f32 v14;
	[tilespmem:s20+$0xBF30] =	vst v17  }
0x326: {  	v14 =	vunpack.i.u.bf16.f32 v14;
	[tilespmem:s20+$0xC300] =	vst v60;
	v61 =	vld.idx.msk [tilespmem:v58+s3+$0x0], $0xffff  }
0x327: {  	v10 =	vor.u32 $0x200, v10;
	[tilespmem:s20+$0xC700] =	vst v14;
	v62 =	vunpack.i.l.bf16.f32 v13  }
0x328: {  	v13 =	vunpack.i.u.bf16.f32 v13;
	v8 =	vld.idx.msk [tilespmem:v8+s3+$0x0], $0xffff;
	[tilespmem:s20+$0xC310] =	vst v62  }
0x329: {  	v11 =	vor.u32 $0x200, v11;
	[tilespmem:s20+$0xC710] =	vst v13;
	v63 =	vunpack.i.l.bf16.f32 v15  }
0x32a: {  	v16 =	vunpack.i.u.bf16.f32 v15;
	v9 =	vld.idx.msk [tilespmem:v9+s3+$0x0], $0xffff;
	[tilespmem:s20+$0xC320] =	vst v63  }
0x32b: {  	[tilespmem:s20+$0xC720] =	vst v16;
	v17 =	vunpack.i.l.bf16.f32 v61  }
0x32c: {  	v10 =	vld.idx.msk [tilespmem:v10+s3+$0x0], $0xffff;
	v12 =	vunpack.i.u.bf16.f32 v61;
	[tilespmem:s20+$0xC330] =	vst v17  }
0x32d: {  	v8 =	vunpack.i.l.bf16.f32 v8;
	[tilespmem:s20+$0xC730] =	vst v12  }
0x32e: {  	[tilespmem:s20+$0xCB00] =	vst v8;
	v8 =	vld.idx.msk [tilespmem:v11+s3+$0x0], $0xffff  }
0x32f: {  	v9 =	vunpack.i.l.bf16.f32 v9;
	v18 =	vld.idx.msk [tilespmem:v7+s20+$0x0 ss:$0x1], $0xffff  }
0x330: {  	[tilespmem:s20+$0xCB10] =	vst v9  }
0x331: {  	v10 =	vunpack.i.l.bf16.f32 v10;
	v9 =	vld.idx.msk [tilespmem:v7+s24+$0x0 ss:$0x1], $0xffff  }
0x332: {  	[tilespmem:s20+$0xCB20] =	vst v10  }
0x333: {  	v10 =	vld.idx.msk [tilespmem:v7+s23+$0x0 ss:$0x1], $0xffff;
	v8 =	vunpack.i.l.bf16.f32 v8  }
0x334: {  	v19 =	vshll.u32 v18, $0x3;
	[tilespmem:s20+$0xCB30] =	vst v8  }
0x335: {  	v8 =	vand.u32 $0x7F, v18;
	v20 =	vand.u32 $0xFFFFFC00, v19;
	v21 =	vld.idx.msk [tilespmem:v7+s22+$0x0 ss:$0x1], $0xffff  }
0x336: {  	v22 =	vshll.u32 v9, $0x3;
	v8 =	vor.u32 v8, v20  }
0x337: {  	v9 =	vand.u32 $0x7F, v9;
	v11 =	vand.u32 $0xFFFFFC00, v22  }
0x338: {  	v23 =	vshll.u32 v10, $0x3;
	v9 =	vor.u32 v9, v11  }
0x339: {  	v10 =	vand.u32 $0x7F, v10;
	v11 =	vand.u32 $0xFFFFFC00, v23  }
0x33a: {  	v10 =	vor.u32 v10, v11;
	v24 =	vshll.u32 v21, $0x3  }
0x33b: {  	v12 =	vand.u32 $0x7F, v21;
	v25 =	vld.idx.msk [tilespmem:v8+s3+$0x0], $0xffff;
	v11 =	vand.u32 $0xFFFFFC00, v24  }
0x33c: {  	v11 =	vor.u32 v12, v11  }
0x33d: {  	v26 =	vld.idx.msk [tilespmem:v9+s3+$0x0], $0xffff  }
0x33e: {  	v27 =	vor.u32 $0x80, v8  }
0x33f: {  	v28 =	vld.idx.msk [tilespmem:v10+s3+$0x0], $0xffff  }
0x340: {  	v30 =	vor.u32 $0x80, v9;
	v29 =	vunpack.i.l.bf16.f32 v25  }
0x341: {  	v13 =	vunpack.i.u.bf16.f32 v25;
	[tilespmem:s20+$0xAB80] =	vst v29;
	v31 =	vld.idx.msk [tilespmem:v11+s3+$0x0], $0xffff  }
0x342: {  	v33 =	vor.u32 $0x80, v10;
	[tilespmem:s20+$0xAF80] =	vst v13;
	v32 =	vunpack.i.l.bf16.f32 v26  }
0x343: {  	v12 =	vunpack.i.u.bf16.f32 v26;
	v14 =	vld.idx.msk [tilespmem:v27+s3+$0x0], $0xffff;
	[tilespmem:s20+$0xAB90] =	vst v32  }
0x344: {  	v35 =	vor.u32 $0x80, v11;
	[tilespmem:s20+$0xAF90] =	vst v12;
	v34 =	vunpack.i.l.bf16.f32 v28  }
0x345: {  	v15 =	vunpack.i.u.bf16.f32 v28;
	v17 =	vld.idx.msk [tilespmem:v30+s3+$0x0], $0xffff;
	[tilespmem:s20+$0xABA0] =	vst v34  }
0x346: {  	v36 =	vor.u32 $0x100, v8;
	[tilespmem:s20+$0xAFA0] =	vst v15;
	v37 =	vunpack.i.l.bf16.f32 v31  }
0x347: {  	v18 =	vld.idx.msk [tilespmem:v33+s3+$0x0], $0xffff;
	v16 =	vunpack.i.u.bf16.f32 v31;
	[tilespmem:s20+$0xABB0] =	vst v37  }
0x348: {  	v39 =	vor.u32 $0x100, v9;
	v38 =	vunpack.i.l.bf16.f32 v14;
	[tilespmem:s20+$0xAFB0] =	vst v16  }
0x349: {  	v14 =	vunpack.i.u.bf16.f32 v14;
	[tilespmem:s20+$0xB380] =	vst v38;
	v13 =	vld.idx.msk [tilespmem:v35+s3+$0x0], $0xffff  }
0x34a: {  	v41 =	vor.u32 $0x100, v10;
	[tilespmem:s20+$0xB780] =	vst v14;
	v40 =	vunpack.i.l.bf16.f32 v17  }
0x34b: {  	v17 =	vunpack.i.u.bf16.f32 v17;
	v12 =	vld.idx.msk [tilespmem:v36+s3+$0x0], $0xffff;
	[tilespmem:s20+$0xB390] =	vst v40  }
0x34c: {  	v43 =	vor.u32 $0x100, v11;
	[tilespmem:s20+$0xB790] =	vst v17;
	v42 =	vunpack.i.l.bf16.f32 v18  }
0x34d: {  	v18 =	vunpack.i.u.bf16.f32 v18;
	v16 =	vld.idx.msk [tilespmem:v39+s3+$0x0], $0xffff;
	[tilespmem:s20+$0xB3A0] =	vst v42  }
0x34e: {  	v44 =	vor.u32 $0x180, v8;
	[tilespmem:s20+$0xB7A0] =	vst v18;
	v45 =	vunpack.i.l.bf16.f32 v13  }
0x34f: {  	v15 =	vld.idx.msk [tilespmem:v41+s3+$0x0], $0xffff;
	v13 =	vunpack.i.u.bf16.f32 v13;
	[tilespmem:s20+$0xB3B0] =	vst v45  }
0x350: {  	v47 =	vor.u32 $0x180, v9;
	v46 =	vunpack.i.l.bf16.f32 v12;
	[tilespmem:s20+$0xB7B0] =	vst v13  }
0x351: {  	v12 =	vunpack.i.u.bf16.f32 v12;
	[tilespmem:s20+$0xBB80] =	vst v46;
	v17 =	vld.idx.msk [tilespmem:v43+s3+$0x0], $0xffff  }
0x352: {  	v49 =	vor.u32 $0x180, v10;
	[tilespmem:s20+$0xBF80] =	vst v12;
	v48 =	vunpack.i.l.bf16.f32 v16  }
0x353: {  	v16 =	vunpack.i.u.bf16.f32 v16;
	v14 =	vld.idx.msk [tilespmem:v44+s3+$0x0], $0xffff;
	[tilespmem:s20+$0xBB90] =	vst v48  }
0x354: {  	v51 =	vor.u32 $0x180, v11;
	[tilespmem:s20+$0xBF90] =	vst v16;
	v50 =	vunpack.i.l.bf16.f32 v15  }
0x355: {  	v53 =	vunpack.i.u.bf16.f32 v15;
	[tilespmem:s20+$0xBBA0] =	vst v50;
	v52 =	vld.idx.msk [tilespmem:v47+s3+$0x0], $0xffff  }
0x356: {  	[tilespmem:s20+$0xBFA0] =	vst v53;
	v54 =	vunpack.i.l.bf16.f32 v17  }
0x357: {  	v55 =	vld.idx.msk [tilespmem:v49+s3+$0x0], $0xffff;
	v56 =	vunpack.i.u.bf16.f32 v17;
	[tilespmem:s20+$0xBBB0] =	vst v54  }
0x358: {  	[tilespmem:s20+$0xBFB0] =	vst v56;
	v57 =	vunpack.i.l.bf16.f32 v14  }
0x359: {  	v8 =	vor.u32 $0x200, v8;
	v14 =	vunpack.i.u.bf16.f32 v14;
	[tilespmem:s20+$0xC380] =	vst v57;
	v58 =	vld.idx.msk [tilespmem:v51+s3+$0x0], $0xffff  }
0x35a: {  	v9 =	vor.u32 $0x200, v9;
	[tilespmem:s20+$0xC780] =	vst v14;
	v59 =	vunpack.i.l.bf16.f32 v52  }
0x35b: {  	v10 =	vor.u32 $0x200, v10;
	v12 =	vunpack.i.u.bf16.f32 v52;
	[tilespmem:s20+$0xC390] =	vst v59  }
0x35c: {  	v11 =	vor.u32 $0x200, v11;
	[tilespmem:s20+$0xC790] =	vst v12;
	v60 =	vunpack.i.l.bf16.f32 v55  }
0x35d: {  	v61 =	vunpack.i.u.bf16.f32 v55;
	[tilespmem:s20+$0xC3A0] =	vst v60  }
0x35e: {  	v8 =	vld.idx.msk [tilespmem:v8+s3+$0x0], $0xffff;
	[tilespmem:s20+$0xC7A0] =	vst v61;
	v62 =	vunpack.i.l.bf16.f32 v58  }
0x35f: {  	v9 =	vld.idx.msk [tilespmem:v9+s3+$0x0], $0xffff;
	v63 =	vunpack.i.u.bf16.f32 v58;
	[tilespmem:s20+$0xC3B0] =	vst v62  }
0x360: {  	v10 =	vld.idx.msk [tilespmem:v10+s3+$0x0], $0xffff;
	[tilespmem:s20+$0xC7B0] =	vst v63  }
0x361: {  	v11 =	vld.idx.msk [tilespmem:v11+s3+$0x0], $0xffff  }
0x362: {  	p1 =	por p0, p0  }
.Ltmp1:
0x363: {  	v8 =	vunpack.i.l.bf16.f32 v8;
	(pc) =	sbr.rel @p1 .LBB2_5-.Ltmp1, $4  }
0x364: {  	[tilespmem:s20+$0xCB80] =	vst v8;
	v8 =	vunpack.i.l.bf16.f32 v9  }
0x365: {  	[tilespmem:s20+$0xCB90] =	vst v8;
	v8 =	vunpack.i.l.bf16.f32 v10  }
0x366: {  	[tilespmem:s20+$0xCBA0] =	vst v8;
	v8 =	vunpack.i.l.bf16.f32 v11  }
0x367: {  	p0 =	por $0x0, $0x0;
	[tilespmem:s20+$0xCBB0] =	vst v8;
	s20 =	simm.s32 $0x40  }
0x368: {  	s19 =	sadd.s32 $0x1, s19  }
0x369: {  	p0 =	sne.s32 s19, $0xC  }
.Ltmp2:
0x36a: {  	s20 =	sshll.u32 s21, $0xC;
	(pc) =	sbr.rel @p0 .LBB2_2-.Ltmp2, $4  }
0x36b: {  	s20 =	sor.u32 s4, s20  }
0x36c: {  	s20 =	sshrl.u32 s20, $0x3  }
0x36d: {  	s20 =	sadd.s32 s2, s20  }
0x36e: {  	[hbm4b:s20+s10] =	stream.strided.scatter [tilespmem:s15], [sflag:$0x2], $0x2400, s13, s10, $0x38;
	[tilespmem:$0xCC00] =	vst v63  }
0x36f: {  	_ =	swait.ge [sflag:s16], $0x2400  }
0x370: {  	[sflag:s16] =	ssyncset.done $0x0  }
0x371: {  	s19 =	simm.s32 $0x0;
	p0 =	por $0x1, $0x1;
	[sflag:s16] =	ssyncadd.s32 $0xFFFFDC00  }
.LBB2_8:
0x372: {  	v0 =	vld [tilespmem:s19+$0x8000];
	_ =	sdelay $0x1  }
0x373: {  	v1 =	vld [tilespmem:s19+$0x8010];
	_ =	sdelay $0x1  }
0x374: {  	v2 =	vld [tilespmem:s19+$0x8020]  }
0x375: {  	v3 =	vshll.u32 v0, $0x3  }
0x376: {  	v4 =	vld [tilespmem:s19+$0x8030];
	v0 =	vand.u32 $0x7F, v0;
	v3 =	vand.u32 $0xFFFFFC00, v3  }
0x377: {  	v29 =	vshll.u32 v1, $0x3;
	v0 =	vor.u32 v0, v3  }
0x378: {  	v1 =	vand.u32 $0x7F, v1;
	v3 =	vand.u32 $0xFFFFFC00, v29  }
0x379: {  	v30 =	vshll.u32 v2, $0x3;
	v1 =	vor.u32 v1, v3  }
0x37a: {  	v2 =	vand.u32 $0x7F, v2;
	v3 =	vand.u32 $0xFFFFFC00, v30  }
0x37b: {  	v31 =	vshll.u32 v4, $0x3;
	v2 =	vor.u32 v2, v3  }
0x37c: {  	v4 =	vand.u32 $0x7F, v4;
	v3 =	vand.u32 $0xFFFFFC00, v31;
	v5 =	vld.idx.msk [tilespmem:v0+s3+$0x0], $0xffff  }
0x37d: {  	v3 =	vor.u32 v4, v3  }
0x37e: {  	v32 =	vld.idx.msk [tilespmem:v1+s3+$0x0], $0xffff  }
0x37f: {  	v6 =	vor.u32 $0x80, v0  }
0x380: {  	v7 =	vld.idx.msk [tilespmem:v2+s3+$0x0], $0xffff  }
0x381: {  	v9 =	vor.u32 $0x80, v1;
	v8 =	vunpack.i.l.bf16.f32 v5  }
0x382: {  	v33 =	vld.idx.msk [tilespmem:v3+s3+$0x0], $0xffff;
	v5 =	vunpack.i.u.bf16.f32 v5;
	[tilespmem:s19+$0x8400] =	vst v8  }
0x383: {  	v10 =	vor.u32 $0x80, v2;
	[tilespmem:s19+$0x8800] =	vst v5;
	v34 =	vunpack.i.l.bf16.f32 v32  }
0x384: {  	v4 =	vunpack.i.u.bf16.f32 v32;
	v6 =	vld.idx.msk [tilespmem:v6+s3+$0x0], $0xffff;
	[tilespmem:s19+$0x8410] =	vst v34  }
0x385: {  	v36 =	vor.u32 $0x80, v3;
	[tilespmem:s19+$0x8810] =	vst v4;
	v35 =	vunpack.i.l.bf16.f32 v7  }
0x386: {  	v7 =	vunpack.i.u.bf16.f32 v7;
	v9 =	vld.idx.msk [tilespmem:v9+s3+$0x0], $0xffff;
	[tilespmem:s19+$0x8420] =	vst v35  }
0x387: {  	v37 =	vor.u32 $0x100, v0;
	[tilespmem:s19+$0x8820] =	vst v7;
	v38 =	vunpack.i.l.bf16.f32 v33  }
0x388: {  	v8 =	vunpack.i.u.bf16.f32 v33;
	v10 =	vld.idx.msk [tilespmem:v10+s3+$0x0], $0xffff;
	[tilespmem:s19+$0x8430] =	vst v38  }
0x389: {  	v40 =	vor.u32 $0x100, v1;
	[tilespmem:s19+$0x8830] =	vst v8;
	v39 =	vunpack.i.l.bf16.f32 v6  }
0x38a: {  	v5 =	vld.idx.msk [tilespmem:v36+s3+$0x0], $0xffff;
	v6 =	vunpack.i.u.bf16.f32 v6;
	[tilespmem:s19+$0x8C00] =	vst v39  }
0x38b: {  	v42 =	vor.u32 $0x100, v2;
	[tilespmem:s19+$0x9000] =	vst v6;
	v41 =	vunpack.i.l.bf16.f32 v9  }
0x38c: {  	v9 =	vunpack.i.u.bf16.f32 v9;
	v4 =	vld.idx.msk [tilespmem:v37+s3+$0x0], $0xffff;
	[tilespmem:s19+$0x8C10] =	vst v41  }
0x38d: {  	v44 =	vor.u32 $0x100, v3;
	[tilespmem:s19+$0x9010] =	vst v9;
	v43 =	vunpack.i.l.bf16.f32 v10  }
0x38e: {  	v10 =	vunpack.i.u.bf16.f32 v10;
	v8 =	vld.idx.msk [tilespmem:v40+s3+$0x0], $0xffff;
	[tilespmem:s19+$0x8C20] =	vst v43  }
0x38f: {  	[tilespmem:s19+$0x9020] =	vst v10;
	v46 =	vunpack.i.l.bf16.f32 v5  }
0x390: {  	v45 =	vor.u32 $0x180, v0;
	v5 =	vunpack.i.u.bf16.f32 v5;
	v7 =	vld.idx.msk [tilespmem:v42+s3+$0x0], $0xffff;
	[tilespmem:s19+$0x8C30] =	vst v46  }
0x391: {  	[tilespmem:s19+$0x9030] =	vst v5;
	v47 =	vunpack.i.l.bf16.f32 v4  }
0x392: {  	v48 =	vor.u32 $0x180, v1;
	v9 =	vld.idx.msk [tilespmem:v44+s3+$0x0], $0xffff;
	v4 =	vunpack.i.u.bf16.f32 v4;
	[tilespmem:s19+$0x9400] =	vst v47  }
0x393: {  	[tilespmem:s19+$0x9800] =	vst v4;
	v49 =	vunpack.i.l.bf16.f32 v8  }
0x394: {  	v50 =	vor.u32 $0x180, v2;
	v8 =	vunpack.i.u.bf16.f32 v8;
	[tilespmem:s19+$0x9410] =	vst v49  }
0x395: {  	v52 =	vor.u32 $0x180, v3;
	v6 =	vld.idx.msk [tilespmem:v45+s3+$0x0], $0xffff;
	[tilespmem:s19+$0x9810] =	vst v8;
	v51 =	vunpack.i.l.bf16.f32 v7  }
0x396: {  	v7 =	vunpack.i.u.bf16.f32 v7;
	[tilespmem:s19+$0x9420] =	vst v51  }
0x397: {  	v5 =	vld.idx.msk [tilespmem:v48+s3+$0x0], $0xffff;
	[tilespmem:s19+$0x9820] =	vst v7;
	v53 =	vunpack.i.l.bf16.f32 v9  }
0x398: {  	v9 =	vunpack.i.u.bf16.f32 v9;
	[tilespmem:s19+$0x9430] =	vst v53  }
0x399: {  	v7 =	vld.idx.msk [tilespmem:v50+s3+$0x0], $0xffff;
	[tilespmem:s19+$0x9830] =	vst v9  }
0x39a: {  	v1 =	vor.u32 $0x200, v1;
	v55 =	vld.idx.msk [tilespmem:v52+s3+$0x0], $0xffff;
	v54 =	vunpack.i.l.bf16.f32 v6  }
0x39b: {  	v6 =	vunpack.i.u.bf16.f32 v6;
	[tilespmem:s19+$0x9C00] =	vst v54  }
0x39c: {  	v0 =	vor.u32 $0x200, v0;
	[tilespmem:s19+$0xA000] =	vst v6;
	v56 =	vunpack.i.l.bf16.f32 v5  }
0x39d: {  	v61 =	vld [tilespmem:s19+$0x8080];
	v3 =	vor.u32 $0x200, v3;
	v5 =	vunpack.i.u.bf16.f32 v5;
	[tilespmem:s19+$0x9C10] =	vst v56  }
0x39e: {  	v62 =	vld [tilespmem:s19+$0x8090];
	v2 =	vor.u32 $0x200, v2;
	[tilespmem:s19+$0xA010] =	vst v5;
	v57 =	vunpack.i.l.bf16.f32 v7  }
0x39f: {  	v1 =	vld.idx.msk [tilespmem:v1+s3+$0x0], $0xffff;
	[tilespmem:s19+$0x9C20] =	vst v57;
	v59 =	vunpack.i.l.bf16.f32 v55  }
0x3a0: {  	v63 =	vld [tilespmem:s19+$0x80A0];
	v4 =	vunpack.i.u.bf16.f32 v55;
	[tilespmem:s19+$0x9C30] =	vst v59  }
0x3a1: {  	v0 =	vld.idx.msk [tilespmem:v0+s3+$0x0], $0xffff;
	v58 =	vunpack.i.u.bf16.f32 v7;
	[tilespmem:s19+$0xA030] =	vst v4  }
0x3a2: {  	[tilespmem:s19+$0xA020] =	vst v58;
	v60 =	vld.idx.msk [tilespmem:v3+s3+$0x0], $0xffff  }
0x3a3: {  	v2 =	vld.idx.msk [tilespmem:v2+s3+$0x0], $0xffff  }
0x3a4: {  	v12 =	vshll.u32 v62, $0x3;
	v1 =	vunpack.i.l.bf16.f32 v1  }
0x3a5: {  	v11 =	vld [tilespmem:s19+$0x80B0];
	v3 =	vand.u32 $0xFFFFFC00, v12;
	[tilespmem:s19+$0xA410] =	vst v1;
	v1 =	vand.u32 $0x7F, v62  }
0x3a6: {  	v8 =	vshll.u32 v61, $0x3;
	v0 =	vunpack.i.l.bf16.f32 v0;
	v1 =	vor.u32 v1, v3  }
0x3a7: {  	v10 =	vand.u32 $0xFFFFFC00, v8;
	v9 =	vand.u32 $0x7F, v61;
	[tilespmem:s19+$0xA400] =	vst v0;
	v0 =	vunpack.i.l.bf16.f32 v60  }
0x3a8: {  	v13 =	vshll.u32 v63, $0x3;
	v2 =	vunpack.i.l.bf16.f32 v2;
	[tilespmem:s19+$0xA430] =	vst v0;
	v0 =	vor.u32 v9, v10  }
0x3a9: {  	[tilespmem:s19+$0xA420] =	vst v2;
	v2 =	vand.u32 $0x7F, v63;
	v3 =	vand.u32 $0xFFFFFC00, v13  }
0x3aa: {  	v14 =	vshll.u32 v11, $0x3;
	v2 =	vor.u32 v2, v3  }
0x3ab: {  	v4 =	vand.u32 $0x7F, v11;
	v3 =	vand.u32 $0xFFFFFC00, v14;
	v16 =	vld.idx.msk [tilespmem:v1+s3+$0x0], $0xffff  }
0x3ac: {  	v3 =	vor.u32 v4, v3  }
0x3ad: {  	v15 =	vld.idx.msk [tilespmem:v0+s3+$0x0], $0xffff  }
0x3ae: {  	v20 =	vor.u32 $0x80, v1  }
0x3af: {  	v18 =	vld.idx.msk [tilespmem:v2+s3+$0x0], $0xffff  }
0x3b0: {  	v17 =	vor.u32 $0x80, v0;
	v22 =	vunpack.i.l.bf16.f32 v16  }
0x3b1: {  	v21 =	vld.idx.msk [tilespmem:v3+s3+$0x0], $0xffff;
	v4 =	vunpack.i.u.bf16.f32 v16;
	[tilespmem:s19+$0x8490] =	vst v22  }
0x3b2: {  	v23 =	vor.u32 $0x80, v2;
	v19 =	vunpack.i.l.bf16.f32 v15;
	[tilespmem:s19+$0x8890] =	vst v4  }
0x3b3: {  	v5 =	vunpack.i.u.bf16.f32 v15;
	[tilespmem:s19+$0x8480] =	vst v19;
	v9 =	vld.idx.msk [tilespmem:v20+s3+$0x0], $0xffff  }
0x3b4: {  	v25 =	vor.u32 $0x80, v3;
	v24 =	vunpack.i.l.bf16.f32 v18;
	[tilespmem:s19+$0x8880] =	vst v5  }
0x3b5: {  	v7 =	vunpack.i.u.bf16.f32 v18;
	[tilespmem:s19+$0x84A0] =	vst v24;
	v6 =	vld.idx.msk [tilespmem:v17+s3+$0x0], $0xffff  }
0x3b6: {  	v29 =	vor.u32 $0x100, v1;
	[tilespmem:s19+$0x88A0] =	vst v7;
	v27 =	vunpack.i.l.bf16.f32 v21  }
0x3b7: {  	v8 =	vunpack.i.u.bf16.f32 v21;
	v10 =	vld.idx.msk [tilespmem:v23+s3+$0x0], $0xffff;
	[tilespmem:s19+$0x84B0] =	vst v27  }
0x3b8: {  	v26 =	vor.u32 $0x100, v0;
	[tilespmem:s19+$0x88B0] =	vst v8;
	v30 =	vunpack.i.l.bf16.f32 v9  }
0x3b9: {  	v5 =	vld.idx.msk [tilespmem:v25+s3+$0x0], $0xffff;
	v9 =	vunpack.i.u.bf16.f32 v9;
	[tilespmem:s19+$0x8C90] =	vst v30  }
0x3ba: {  	v31 =	vor.u32 $0x100, v2;
	v28 =	vunpack.i.l.bf16.f32 v6;
	[tilespmem:s19+$0x9090] =	vst v9  }
0x3bb: {  	v6 =	vunpack.i.u.bf16.f32 v6;
	[tilespmem:s19+$0x8C80] =	vst v28;
	v8 =	vld.idx.msk [tilespmem:v29+s3+$0x0], $0xffff  }
0x3bc: {  	v33 =	vor.u32 $0x100, v3;
	v32 =	vunpack.i.l.bf16.f32 v10;
	[tilespmem:s19+$0x9080] =	vst v6  }
0x3bd: {  	v10 =	vunpack.i.u.bf16.f32 v10;
	[tilespmem:s19+$0x8CA0] =	vst v32;
	v4 =	vld.idx.msk [tilespmem:v26+s3+$0x0], $0xffff  }
0x3be: {  	[tilespmem:s19+$0x90A0] =	vst v10;
	v35 =	vunpack.i.l.bf16.f32 v5  }
0x3bf: {  	v37 =	vor.u32 $0x180, v1;
	v5 =	vunpack.i.u.bf16.f32 v5;
	v7 =	vld.idx.msk [tilespmem:v31+s3+$0x0], $0xffff;
	[tilespmem:s19+$0x8CB0] =	vst v35  }
0x3c0: {  	[tilespmem:s19+$0x90B0] =	vst v5;
	v38 =	vunpack.i.l.bf16.f32 v8  }
0x3c1: {  	v34 =	vor.u32 $0x180, v0;
	v9 =	vld.idx.msk [tilespmem:v33+s3+$0x0], $0xffff;
	v8 =	vunpack.i.u.bf16.f32 v8;
	[tilespmem:s19+$0x9490] =	vst v38  }
0x3c2: {  	v36 =	vunpack.i.l.bf16.f32 v4;
	[tilespmem:s19+$0x9890] =	vst v8  }
0x3c3: {  	v39 =	vor.u32 $0x180, v2;
	v4 =	vunpack.i.u.bf16.f32 v4;
	[tilespmem:s19+$0x9480] =	vst v36  }
0x3c4: {  	v41 =	vor.u32 $0x180, v3;
	v40 =	vunpack.i.l.bf16.f32 v7;
	[tilespmem:s19+$0x9880] =	vst v4;
	v5 =	vld.idx.msk [tilespmem:v37+s3+$0x0], $0xffff  }
0x3c5: {  	v7 =	vunpack.i.u.bf16.f32 v7;
	[tilespmem:s19+$0x94A0] =	vst v40  }
0x3c6: {  	[tilespmem:s19+$0x98A0] =	vst v7;
	v42 =	vunpack.i.l.bf16.f32 v9;
	v6 =	vld.idx.msk [tilespmem:v34+s3+$0x0], $0xffff  }
0x3c7: {  	v9 =	vunpack.i.u.bf16.f32 v9;
	[tilespmem:s19+$0x94B0] =	vst v42  }
0x3c8: {  	v7 =	vld.idx.msk [tilespmem:v39+s3+$0x0], $0xffff;
	[tilespmem:s19+$0x98B0] =	vst v9  }
0x3c9: {  	v1 =	vor.u32 $0x200, v1;
	v44 =	vld.idx.msk [tilespmem:v41+s3+$0x0], $0xffff;
	v45 =	vunpack.i.l.bf16.f32 v5  }
0x3ca: {  	v5 =	vunpack.i.u.bf16.f32 v5;
	[tilespmem:s19+$0x9C90] =	vst v45  }
0x3cb: {  	v0 =	vor.u32 $0x200, v0;
	v43 =	vunpack.i.l.bf16.f32 v6;
	[tilespmem:s19+$0xA090] =	vst v5  }
0x3cc: {  	v51 =	vld [tilespmem:s19+$0x8110];
	v3 =	vor.u32 $0x200, v3;
	v6 =	vunpack.i.u.bf16.f32 v6;
	[tilespmem:s19+$0x9C80] =	vst v43  }
0x3cd: {  	v50 =	vld [tilespmem:s19+$0x8100];
	v2 =	vor.u32 $0x200, v2;
	v46 =	vunpack.i.l.bf16.f32 v7;
	[tilespmem:s19+$0xA080] =	vst v6  }
0x3ce: {  	v1 =	vld.idx.msk [tilespmem:v1+s3+$0x0], $0xffff;
	[tilespmem:s19+$0x9CA0] =	vst v46;
	v48 =	vunpack.i.l.bf16.f32 v44  }
0x3cf: {  	v52 =	vld [tilespmem:s19+$0x8120];
	v4 =	vunpack.i.u.bf16.f32 v44;
	[tilespmem:s19+$0x9CB0] =	vst v48  }
0x3d0: {  	v47 =	vunpack.i.u.bf16.f32 v7;
	v0 =	vld.idx.msk [tilespmem:v0+s3+$0x0], $0xffff;
	[tilespmem:s19+$0xA0B0] =	vst v4  }
0x3d1: {  	[tilespmem:s19+$0xA0A0] =	vst v47;
	v49 =	vld.idx.msk [tilespmem:v3+s3+$0x0], $0xffff  }
0x3d2: {  	v2 =	vld.idx.msk [tilespmem:v2+s3+$0x0], $0xffff  }
0x3d3: {  	v57 =	vshll.u32 v51, $0x3;
	v1 =	vunpack.i.l.bf16.f32 v1  }
0x3d4: {  	v56 =	vld [tilespmem:s19+$0x8130];
	v3 =	vand.u32 $0xFFFFFC00, v57;
	[tilespmem:s19+$0xA490] =	vst v1;
	v1 =	vand.u32 $0x7F, v51  }
0x3d5: {  	v53 =	vshll.u32 v50, $0x3;
	v0 =	vunpack.i.l.bf16.f32 v0;
	v1 =	vor.u32 v1, v3  }
0x3d6: {  	v54 =	vand.u32 $0x7F, v50;
	v55 =	vand.u32 $0xFFFFFC00, v53;
	[tilespmem:s19+$0xA480] =	vst v0;
	v0 =	vunpack.i.l.bf16.f32 v49  }
0x3d7: {  	v58 =	vshll.u32 v52, $0x3;
	v2 =	vunpack.i.l.bf16.f32 v2;
	[tilespmem:s19+$0xA4B0] =	vst v0;
	v0 =	vor.u32 v54, v55  }
0x3d8: {  	[tilespmem:s19+$0xA4A0] =	vst v2;
	v2 =	vand.u32 $0x7F, v52;
	v3 =	vand.u32 $0xFFFFFC00, v58  }
0x3d9: {  	v59 =	vshll.u32 v56, $0x3;
	v2 =	vor.u32 v2, v3  }
0x3da: {  	v4 =	vand.u32 $0x7F, v56;
	v3 =	vand.u32 $0xFFFFFC00, v59;
	v61 =	vld.idx.msk [tilespmem:v1+s3+$0x0], $0xffff  }
0x3db: {  	v3 =	vor.u32 v4, v3  }
0x3dc: {  	v60 =	vld.idx.msk [tilespmem:v0+s3+$0x0], $0xffff  }
0x3dd: {  	v13 =	vor.u32 $0x80, v1  }
0x3de: {  	v63 =	vld.idx.msk [tilespmem:v2+s3+$0x0], $0xffff  }
0x3df: {  	v62 =	vor.u32 $0x80, v0;
	v15 =	vunpack.i.l.bf16.f32 v61  }
0x3e0: {  	v14 =	vld.idx.msk [tilespmem:v3+s3+$0x0], $0xffff;
	v4 =	vunpack.i.u.bf16.f32 v61;
	[tilespmem:s19+$0x8510] =	vst v15  }
0x3e1: {  	v16 =	vor.u32 $0x80, v2;
	v12 =	vunpack.i.l.bf16.f32 v60;
	[tilespmem:s19+$0x8910] =	vst v4  }
0x3e2: {  	v5 =	vunpack.i.u.bf16.f32 v60;
	[tilespmem:s19+$0x8500] =	vst v12;
	v9 =	vld.idx.msk [tilespmem:v13+s3+$0x0], $0xffff  }
0x3e3: {  	v18 =	vor.u32 $0x80, v3;
	v17 =	vunpack.i.l.bf16.f32 v63;
	[tilespmem:s19+$0x8900] =	vst v5  }
0x3e4: {  	v7 =	vunpack.i.u.bf16.f32 v63;
	[tilespmem:s19+$0x8520] =	vst v17;
	v6 =	vld.idx.msk [tilespmem:v62+s3+$0x0], $0xffff  }
0x3e5: {  	v22 =	vor.u32 $0x100, v1;
	[tilespmem:s19+$0x8920] =	vst v7;
	v20 =	vunpack.i.l.bf16.f32 v14  }
0x3e6: {  	v8 =	vunpack.i.u.bf16.f32 v14;
	v10 =	vld.idx.msk [tilespmem:v16+s3+$0x0], $0xffff;
	[tilespmem:s19+$0x8530] =	vst v20  }
0x3e7: {  	v19 =	vor.u32 $0x100, v0;
	[tilespmem:s19+$0x8930] =	vst v8;
	v23 =	vunpack.i.l.bf16.f32 v9  }
0x3e8: {  	v5 =	vld.idx.msk [tilespmem:v18+s3+$0x0], $0xffff;
	v9 =	vunpack.i.u.bf16.f32 v9;
	[tilespmem:s19+$0x8D10] =	vst v23  }
0x3e9: {  	v24 =	vor.u32 $0x100, v2;
	v21 =	vunpack.i.l.bf16.f32 v6;
	[tilespmem:s19+$0x9110] =	vst v9  }
0x3ea: {  	v6 =	vunpack.i.u.bf16.f32 v6;
	[tilespmem:s19+$0x8D00] =	vst v21;
	v8 =	vld.idx.msk [tilespmem:v22+s3+$0x0], $0xffff  }
0x3eb: {  	v26 =	vor.u32 $0x100, v3;
	v25 =	vunpack.i.l.bf16.f32 v10;
	[tilespmem:s19+$0x9100] =	vst v6  }
0x3ec: {  	v10 =	vunpack.i.u.bf16.f32 v10;
	[tilespmem:s19+$0x8D20] =	vst v25;
	v4 =	vld.idx.msk [tilespmem:v19+s3+$0x0], $0xffff  }
0x3ed: {  	[tilespmem:s19+$0x9120] =	vst v10;
	v28 =	vunpack.i.l.bf16.f32 v5  }
0x3ee: {  	v30 =	vor.u32 $0x180, v1;
	v5 =	vunpack.i.u.bf16.f32 v5;
	v7 =	vld.idx.msk [tilespmem:v24+s3+$0x0], $0xffff;
	[tilespmem:s19+$0x8D30] =	vst v28  }
0x3ef: {  	[tilespmem:s19+$0x9130] =	vst v5;
	v31 =	vunpack.i.l.bf16.f32 v8  }
0x3f0: {  	v27 =	vor.u32 $0x180, v0;
	v9 =	vld.idx.msk [tilespmem:v26+s3+$0x0], $0xffff;
	v8 =	vunpack.i.u.bf16.f32 v8;
	[tilespmem:s19+$0x9510] =	vst v31  }
0x3f1: {  	v29 =	vunpack.i.l.bf16.f32 v4;
	[tilespmem:s19+$0x9910] =	vst v8  }
0x3f2: {  	v32 =	vor.u32 $0x180, v2;
	v4 =	vunpack.i.u.bf16.f32 v4;
	[tilespmem:s19+$0x9500] =	vst v29  }
0x3f3: {  	v34 =	vor.u32 $0x180, v3;
	v33 =	vunpack.i.l.bf16.f32 v7;
	[tilespmem:s19+$0x9900] =	vst v4;
	v5 =	vld.idx.msk [tilespmem:v30+s3+$0x0], $0xffff  }
0x3f4: {  	v7 =	vunpack.i.u.bf16.f32 v7;
	[tilespmem:s19+$0x9520] =	vst v33  }
0x3f5: {  	[tilespmem:s19+$0x9920] =	vst v7;
	v35 =	vunpack.i.l.bf16.f32 v9;
	v6 =	vld.idx.msk [tilespmem:v27+s3+$0x0], $0xffff  }
0x3f6: {  	v9 =	vunpack.i.u.bf16.f32 v9;
	[tilespmem:s19+$0x9530] =	vst v35  }
0x3f7: {  	v7 =	vld.idx.msk [tilespmem:v32+s3+$0x0], $0xffff;
	[tilespmem:s19+$0x9930] =	vst v9  }
0x3f8: {  	v1 =	vor.u32 $0x200, v1;
	v37 =	vld.idx.msk [tilespmem:v34+s3+$0x0], $0xffff;
	v38 =	vunpack.i.l.bf16.f32 v5  }
0x3f9: {  	v5 =	vunpack.i.u.bf16.f32 v5;
	[tilespmem:s19+$0x9D10] =	vst v38  }
0x3fa: {  	v0 =	vor.u32 $0x200, v0;
	v36 =	vunpack.i.l.bf16.f32 v6;
	[tilespmem:s19+$0xA110] =	vst v5  }
0x3fb: {  	v45 =	vld [tilespmem:s19+$0x81A0];
	v3 =	vor.u32 $0x200, v3;
	v6 =	vunpack.i.u.bf16.f32 v6;
	[tilespmem:s19+$0x9D00] =	vst v36  }
0x3fc: {  	v44 =	vld [tilespmem:s19+$0x8190];
	v2 =	vor.u32 $0x200, v2;
	v39 =	vunpack.i.l.bf16.f32 v7;
	[tilespmem:s19+$0xA100] =	vst v6  }
0x3fd: {  	v1 =	vld.idx.msk [tilespmem:v1+s3+$0x0], $0xffff;
	[tilespmem:s19+$0x9D20] =	vst v39;
	v41 =	vunpack.i.l.bf16.f32 v37  }
0x3fe: {  	v43 =	vld [tilespmem:s19+$0x8180];
	v4 =	vunpack.i.u.bf16.f32 v37;
	[tilespmem:s19+$0x9D30] =	vst v41  }
0x3ff: {  	v40 =	vunpack.i.u.bf16.f32 v7;
	v0 =	vld.idx.msk [tilespmem:v0+s3+$0x0], $0xffff;
	[tilespmem:s19+$0xA130] =	vst v4  }
0x400: {  	[tilespmem:s19+$0xA120] =	vst v40;
	v42 =	vld.idx.msk [tilespmem:v3+s3+$0x0], $0xffff  }
0x401: {  	v2 =	vld.idx.msk [tilespmem:v2+s3+$0x0], $0xffff  }
0x402: {  	v50 =	vshll.u32 v44, $0x3;
	v1 =	vunpack.i.l.bf16.f32 v1  }
0x403: {  	v49 =	vld [tilespmem:s19+$0x81B0];
	v3 =	vand.u32 $0xFFFFFC00, v50;
	[tilespmem:s19+$0xA510] =	vst v1;
	v1 =	vand.u32 $0x7F, v44  }
0x404: {  	v46 =	vshll.u32 v43, $0x3;
	v0 =	vunpack.i.l.bf16.f32 v0;
	v1 =	vor.u32 v1, v3  }
0x405: {  	v47 =	vand.u32 $0x7F, v43;
	v48 =	vand.u32 $0xFFFFFC00, v46;
	[tilespmem:s19+$0xA500] =	vst v0;
	v0 =	vunpack.i.l.bf16.f32 v42  }
0x406: {  	v51 =	vshll.u32 v45, $0x3;
	v2 =	vunpack.i.l.bf16.f32 v2;
	[tilespmem:s19+$0xA530] =	vst v0;
	v0 =	vor.u32 v47, v48  }
0x407: {  	[tilespmem:s19+$0xA520] =	vst v2;
	v2 =	vand.u32 $0x7F, v45;
	v3 =	vand.u32 $0xFFFFFC00, v51  }
0x408: {  	v52 =	vshll.u32 v49, $0x3;
	v2 =	vor.u32 v2, v3  }
0x409: {  	v4 =	vand.u32 $0x7F, v49;
	v3 =	vand.u32 $0xFFFFFC00, v52;
	v54 =	vld.idx.msk [tilespmem:v1+s3+$0x0], $0xffff  }
0x40a: {  	v3 =	vor.u32 v4, v3  }
0x40b: {  	v53 =	vld.idx.msk [tilespmem:v0+s3+$0x0], $0xffff  }
0x40c: {  	v58 =	vor.u32 $0x80, v1  }
0x40d: {  	v56 =	vld.idx.msk [tilespmem:v2+s3+$0x0], $0xffff  }
0x40e: {  	v55 =	vor.u32 $0x80, v0;
	v60 =	vunpack.i.l.bf16.f32 v54  }
0x40f: {  	v59 =	vld.idx.msk [tilespmem:v3+s3+$0x0], $0xffff;
	v4 =	vunpack.i.u.bf16.f32 v54;
	[tilespmem:s19+$0x8590] =	vst v60  }
0x410: {  	v61 =	vor.u32 $0x80, v2;
	v57 =	vunpack.i.l.bf16.f32 v53;
	[tilespmem:s19+$0x8990] =	vst v4  }
0x411: {  	v5 =	vunpack.i.u.bf16.f32 v53;
	[tilespmem:s19+$0x8580] =	vst v57;
	v9 =	vld.idx.msk [tilespmem:v58+s3+$0x0], $0xffff  }
0x412: {  	v63 =	vor.u32 $0x80, v3;
	v62 =	vunpack.i.l.bf16.f32 v56;
	[tilespmem:s19+$0x8980] =	vst v5  }
0x413: {  	v7 =	vunpack.i.u.bf16.f32 v56;
	[tilespmem:s19+$0x85A0] =	vst v62;
	v6 =	vld.idx.msk [tilespmem:v55+s3+$0x0], $0xffff  }
0x414: {  	v15 =	vor.u32 $0x100, v1;
	[tilespmem:s19+$0x89A0] =	vst v7;
	v13 =	vunpack.i.l.bf16.f32 v59  }
0x415: {  	v8 =	vunpack.i.u.bf16.f32 v59;
	v10 =	vld.idx.msk [tilespmem:v61+s3+$0x0], $0xffff;
	[tilespmem:s19+$0x85B0] =	vst v13  }
0x416: {  	v12 =	vor.u32 $0x100, v0;
	[tilespmem:s19+$0x89B0] =	vst v8;
	v16 =	vunpack.i.l.bf16.f32 v9  }
0x417: {  	v5 =	vld.idx.msk [tilespmem:v63+s3+$0x0], $0xffff;
	v9 =	vunpack.i.u.bf16.f32 v9;
	[tilespmem:s19+$0x8D90] =	vst v16  }
0x418: {  	v17 =	vor.u32 $0x100, v2;
	v14 =	vunpack.i.l.bf16.f32 v6;
	[tilespmem:s19+$0x9190] =	vst v9  }
0x419: {  	v6 =	vunpack.i.u.bf16.f32 v6;
	[tilespmem:s19+$0x8D80] =	vst v14;
	v8 =	vld.idx.msk [tilespmem:v15+s3+$0x0], $0xffff  }
0x41a: {  	v19 =	vor.u32 $0x100, v3;
	v18 =	vunpack.i.l.bf16.f32 v10;
	[tilespmem:s19+$0x9180] =	vst v6  }
0x41b: {  	v10 =	vunpack.i.u.bf16.f32 v10;
	[tilespmem:s19+$0x8DA0] =	vst v18;
	v4 =	vld.idx.msk [tilespmem:v12+s3+$0x0], $0xffff  }
0x41c: {  	[tilespmem:s19+$0x91A0] =	vst v10;
	v21 =	vunpack.i.l.bf16.f32 v5  }
0x41d: {  	v23 =	vor.u32 $0x180, v1;
	v5 =	vunpack.i.u.bf16.f32 v5;
	v7 =	vld.idx.msk [tilespmem:v17+s3+$0x0], $0xffff;
	[tilespmem:s19+$0x8DB0] =	vst v21  }
0x41e: {  	[tilespmem:s19+$0x91B0] =	vst v5;
	v24 =	vunpack.i.l.bf16.f32 v8  }
0x41f: {  	v20 =	vor.u32 $0x180, v0;
	v9 =	vld.idx.msk [tilespmem:v19+s3+$0x0], $0xffff;
	v8 =	vunpack.i.u.bf16.f32 v8;
	[tilespmem:s19+$0x9590] =	vst v24  }
0x420: {  	v22 =	vunpack.i.l.bf16.f32 v4;
	[tilespmem:s19+$0x9990] =	vst v8  }
0x421: {  	v25 =	vor.u32 $0x180, v2;
	v4 =	vunpack.i.u.bf16.f32 v4;
	[tilespmem:s19+$0x9580] =	vst v22  }
0x422: {  	v27 =	vor.u32 $0x180, v3;
	v26 =	vunpack.i.l.bf16.f32 v7;
	[tilespmem:s19+$0x9980] =	vst v4;
	v5 =	vld.idx.msk [tilespmem:v23+s3+$0x0], $0xffff  }
0x423: {  	v7 =	vunpack.i.u.bf16.f32 v7;
	[tilespmem:s19+$0x95A0] =	vst v26  }
0x424: {  	[tilespmem:s19+$0x99A0] =	vst v7;
	v28 =	vunpack.i.l.bf16.f32 v9;
	v6 =	vld.idx.msk [tilespmem:v20+s3+$0x0], $0xffff  }
0x425: {  	v9 =	vunpack.i.u.bf16.f32 v9;
	[tilespmem:s19+$0x95B0] =	vst v28  }
0x426: {  	v7 =	vld.idx.msk [tilespmem:v25+s3+$0x0], $0xffff;
	[tilespmem:s19+$0x99B0] =	vst v9  }
0x427: {  	v1 =	vor.u32 $0x200, v1;
	v30 =	vld.idx.msk [tilespmem:v27+s3+$0x0], $0xffff;
	v31 =	vunpack.i.l.bf16.f32 v5  }
0x428: {  	v5 =	vunpack.i.u.bf16.f32 v5;
	[tilespmem:s19+$0x9D90] =	vst v31  }
0x429: {  	v0 =	vor.u32 $0x200, v0;
	v29 =	vunpack.i.l.bf16.f32 v6;
	[tilespmem:s19+$0xA190] =	vst v5  }
0x42a: {  	v38 =	vld [tilespmem:s19+$0x8220];
	v3 =	vor.u32 $0x200, v3;
	v6 =	vunpack.i.u.bf16.f32 v6;
	[tilespmem:s19+$0x9D80] =	vst v29  }
0x42b: {  	v37 =	vld [tilespmem:s19+$0x8210];
	v2 =	vor.u32 $0x200, v2;
	v32 =	vunpack.i.l.bf16.f32 v7;
	[tilespmem:s19+$0xA180] =	vst v6  }
0x42c: {  	v1 =	vld.idx.msk [tilespmem:v1+s3+$0x0], $0xffff;
	[tilespmem:s19+$0x9DA0] =	vst v32;
	v34 =	vunpack.i.l.bf16.f32 v30  }
0x42d: {  	v36 =	vld [tilespmem:s19+$0x8200];
	v4 =	vunpack.i.u.bf16.f32 v30;
	[tilespmem:s19+$0x9DB0] =	vst v34  }
0x42e: {  	v33 =	vunpack.i.u.bf16.f32 v7;
	v0 =	vld.idx.msk [tilespmem:v0+s3+$0x0], $0xffff;
	[tilespmem:s19+$0xA1B0] =	vst v4  }
0x42f: {  	[tilespmem:s19+$0xA1A0] =	vst v33;
	v35 =	vld.idx.msk [tilespmem:v3+s3+$0x0], $0xffff  }
0x430: {  	v2 =	vld.idx.msk [tilespmem:v2+s3+$0x0], $0xffff  }
0x431: {  	v43 =	vshll.u32 v37, $0x3;
	v1 =	vunpack.i.l.bf16.f32 v1  }
0x432: {  	v42 =	vld [tilespmem:s19+$0x8230];
	v3 =	vand.u32 $0xFFFFFC00, v43;
	[tilespmem:s19+$0xA590] =	vst v1;
	v1 =	vand.u32 $0x7F, v37  }
0x433: {  	v39 =	vshll.u32 v36, $0x3;
	v0 =	vunpack.i.l.bf16.f32 v0;
	v1 =	vor.u32 v1, v3  }
0x434: {  	v40 =	vand.u32 $0x7F, v36;
	v41 =	vand.u32 $0xFFFFFC00, v39;
	[tilespmem:s19+$0xA580] =	vst v0;
	v0 =	vunpack.i.l.bf16.f32 v35  }
0x435: {  	v44 =	vshll.u32 v38, $0x3;
	v2 =	vunpack.i.l.bf16.f32 v2;
	[tilespmem:s19+$0xA5B0] =	vst v0;
	v0 =	vor.u32 v40, v41  }
0x436: {  	[tilespmem:s19+$0xA5A0] =	vst v2;
	v2 =	vand.u32 $0x7F, v38;
	v3 =	vand.u32 $0xFFFFFC00, v44  }
0x437: {  	v45 =	vshll.u32 v42, $0x3;
	v2 =	vor.u32 v2, v3  }
0x438: {  	v4 =	vand.u32 $0x7F, v42;
	v3 =	vand.u32 $0xFFFFFC00, v45;
	v47 =	vld.idx.msk [tilespmem:v1+s3+$0x0], $0xffff  }
0x439: {  	v3 =	vor.u32 v4, v3  }
0x43a: {  	v46 =	vld.idx.msk [tilespmem:v0+s3+$0x0], $0xffff  }
0x43b: {  	v51 =	vor.u32 $0x80, v1  }
0x43c: {  	v49 =	vld.idx.msk [tilespmem:v2+s3+$0x0], $0xffff  }
0x43d: {  	v48 =	vor.u32 $0x80, v0;
	v53 =	vunpack.i.l.bf16.f32 v47  }
0x43e: {  	v52 =	vld.idx.msk [tilespmem:v3+s3+$0x0], $0xffff;
	v4 =	vunpack.i.u.bf16.f32 v47;
	[tilespmem:s19+$0x8610] =	vst v53  }
0x43f: {  	v54 =	vor.u32 $0x80, v2;
	v50 =	vunpack.i.l.bf16.f32 v46;
	[tilespmem:s19+$0x8A10] =	vst v4  }
0x440: {  	v5 =	vunpack.i.u.bf16.f32 v46;
	[tilespmem:s19+$0x8600] =	vst v50;
	v9 =	vld.idx.msk [tilespmem:v51+s3+$0x0], $0xffff  }
0x441: {  	v56 =	vor.u32 $0x80, v3;
	v55 =	vunpack.i.l.bf16.f32 v49;
	[tilespmem:s19+$0x8A00] =	vst v5  }
0x442: {  	v7 =	vunpack.i.u.bf16.f32 v49;
	[tilespmem:s19+$0x8620] =	vst v55;
	v6 =	vld.idx.msk [tilespmem:v48+s3+$0x0], $0xffff  }
0x443: {  	v60 =	vor.u32 $0x100, v1;
	[tilespmem:s19+$0x8A20] =	vst v7;
	v58 =	vunpack.i.l.bf16.f32 v52  }
0x444: {  	v8 =	vunpack.i.u.bf16.f32 v52;
	v10 =	vld.idx.msk [tilespmem:v54+s3+$0x0], $0xffff;
	[tilespmem:s19+$0x8630] =	vst v58  }
0x445: {  	v57 =	vor.u32 $0x100, v0;
	[tilespmem:s19+$0x8A30] =	vst v8;
	v61 =	vunpack.i.l.bf16.f32 v9  }
0x446: {  	v5 =	vld.idx.msk [tilespmem:v56+s3+$0x0], $0xffff;
	v9 =	vunpack.i.u.bf16.f32 v9;
	[tilespmem:s19+$0x8E10] =	vst v61  }
0x447: {  	v62 =	vor.u32 $0x100, v2;
	v59 =	vunpack.i.l.bf16.f32 v6;
	[tilespmem:s19+$0x9210] =	vst v9  }
0x448: {  	v6 =	vunpack.i.u.bf16.f32 v6;
	[tilespmem:s19+$0x8E00] =	vst v59;
	v8 =	vld.idx.msk [tilespmem:v60+s3+$0x0], $0xffff  }
0x449: {  	v12 =	vor.u32 $0x100, v3;
	v63 =	vunpack.i.l.bf16.f32 v10;
	[tilespmem:s19+$0x9200] =	vst v6  }
0x44a: {  	v10 =	vunpack.i.u.bf16.f32 v10;
	[tilespmem:s19+$0x8E20] =	vst v63;
	v4 =	vld.idx.msk [tilespmem:v57+s3+$0x0], $0xffff  }
0x44b: {  	[tilespmem:s19+$0x9220] =	vst v10;
	v14 =	vunpack.i.l.bf16.f32 v5  }
0x44c: {  	v16 =	vor.u32 $0x180, v1;
	v5 =	vunpack.i.u.bf16.f32 v5;
	v7 =	vld.idx.msk [tilespmem:v62+s3+$0x0], $0xffff;
	[tilespmem:s19+$0x8E30] =	vst v14  }
0x44d: {  	[tilespmem:s19+$0x9230] =	vst v5;
	v17 =	vunpack.i.l.bf16.f32 v8  }
0x44e: {  	v13 =	vor.u32 $0x180, v0;
	v9 =	vld.idx.msk [tilespmem:v12+s3+$0x0], $0xffff;
	v8 =	vunpack.i.u.bf16.f32 v8;
	[tilespmem:s19+$0x9610] =	vst v17  }
0x44f: {  	v15 =	vunpack.i.l.bf16.f32 v4;
	[tilespmem:s19+$0x9A10] =	vst v8  }
0x450: {  	v18 =	vor.u32 $0x180, v2;
	v4 =	vunpack.i.u.bf16.f32 v4;
	[tilespmem:s19+$0x9600] =	vst v15  }
0x451: {  	v20 =	vor.u32 $0x180, v3;
	v19 =	vunpack.i.l.bf16.f32 v7;
	[tilespmem:s19+$0x9A00] =	vst v4;
	v5 =	vld.idx.msk [tilespmem:v16+s3+$0x0], $0xffff  }
0x452: {  	v7 =	vunpack.i.u.bf16.f32 v7;
	[tilespmem:s19+$0x9620] =	vst v19  }
0x453: {  	[tilespmem:s19+$0x9A20] =	vst v7;
	v21 =	vunpack.i.l.bf16.f32 v9;
	v6 =	vld.idx.msk [tilespmem:v13+s3+$0x0], $0xffff  }
0x454: {  	v9 =	vunpack.i.u.bf16.f32 v9;
	[tilespmem:s19+$0x9630] =	vst v21  }
0x455: {  	v7 =	vld.idx.msk [tilespmem:v18+s3+$0x0], $0xffff;
	[tilespmem:s19+$0x9A30] =	vst v9  }
0x456: {  	v1 =	vor.u32 $0x200, v1;
	v23 =	vld.idx.msk [tilespmem:v20+s3+$0x0], $0xffff;
	v24 =	vunpack.i.l.bf16.f32 v5  }
0x457: {  	v5 =	vunpack.i.u.bf16.f32 v5;
	[tilespmem:s19+$0x9E10] =	vst v24  }
0x458: {  	v0 =	vor.u32 $0x200, v0;
	v22 =	vunpack.i.l.bf16.f32 v6;
	[tilespmem:s19+$0xA210] =	vst v5  }
0x459: {  	v31 =	vld [tilespmem:s19+$0x82A0];
	v3 =	vor.u32 $0x200, v3;
	v6 =	vunpack.i.u.bf16.f32 v6;
	[tilespmem:s19+$0x9E00] =	vst v22  }
0x45a: {  	v30 =	vld [tilespmem:s19+$0x8290];
	v2 =	vor.u32 $0x200, v2;
	v25 =	vunpack.i.l.bf16.f32 v7;
	[tilespmem:s19+$0xA200] =	vst v6  }
0x45b: {  	v1 =	vld.idx.msk [tilespmem:v1+s3+$0x0], $0xffff;
	[tilespmem:s19+$0x9E20] =	vst v25;
	v27 =	vunpack.i.l.bf16.f32 v23  }
0x45c: {  	v29 =	vld [tilespmem:s19+$0x8280];
	v4 =	vunpack.i.u.bf16.f32 v23;
	[tilespmem:s19+$0x9E30] =	vst v27  }
0x45d: {  	v26 =	vunpack.i.u.bf16.f32 v7;
	v0 =	vld.idx.msk [tilespmem:v0+s3+$0x0], $0xffff;
	[tilespmem:s19+$0xA230] =	vst v4  }
0x45e: {  	[tilespmem:s19+$0xA220] =	vst v26;
	v28 =	vld.idx.msk [tilespmem:v3+s3+$0x0], $0xffff  }
0x45f: {  	v2 =	vld.idx.msk [tilespmem:v2+s3+$0x0], $0xffff  }
0x460: {  	v36 =	vshll.u32 v30, $0x3;
	v1 =	vunpack.i.l.bf16.f32 v1  }
0x461: {  	v35 =	vld [tilespmem:s19+$0x82B0];
	v3 =	vand.u32 $0xFFFFFC00, v36;
	[tilespmem:s19+$0xA610] =	vst v1;
	v1 =	vand.u32 $0x7F, v30  }
0x462: {  	v32 =	vshll.u32 v29, $0x3;
	v0 =	vunpack.i.l.bf16.f32 v0;
	v1 =	vor.u32 v1, v3  }
0x463: {  	v33 =	vand.u32 $0x7F, v29;
	v34 =	vand.u32 $0xFFFFFC00, v32;
	[tilespmem:s19+$0xA600] =	vst v0;
	v0 =	vunpack.i.l.bf16.f32 v28  }
0x464: {  	v37 =	vshll.u32 v31, $0x3;
	v2 =	vunpack.i.l.bf16.f32 v2;
	[tilespmem:s19+$0xA630] =	vst v0;
	v0 =	vor.u32 v33, v34  }
0x465: {  	[tilespmem:s19+$0xA620] =	vst v2;
	v2 =	vand.u32 $0x7F, v31;
	v3 =	vand.u32 $0xFFFFFC00, v37  }
0x466: {  	v38 =	vshll.u32 v35, $0x3;
	v2 =	vor.u32 v2, v3  }
0x467: {  	v4 =	vand.u32 $0x7F, v35;
	v3 =	vand.u32 $0xFFFFFC00, v38;
	v40 =	vld.idx.msk [tilespmem:v1+s3+$0x0], $0xffff  }
0x468: {  	v3 =	vor.u32 v4, v3  }
0x469: {  	v39 =	vld.idx.msk [tilespmem:v0+s3+$0x0], $0xffff  }
0x46a: {  	v44 =	vor.u32 $0x80, v1  }
0x46b: {  	v42 =	vld.idx.msk [tilespmem:v2+s3+$0x0], $0xffff  }
0x46c: {  	v41 =	vor.u32 $0x80, v0;
	v46 =	vunpack.i.l.bf16.f32 v40  }
0x46d: {  	v45 =	vld.idx.msk [tilespmem:v3+s3+$0x0], $0xffff;
	v4 =	vunpack.i.u.bf16.f32 v40;
	[tilespmem:s19+$0x8690] =	vst v46  }
0x46e: {  	v47 =	vor.u32 $0x80, v2;
	v43 =	vunpack.i.l.bf16.f32 v39;
	[tilespmem:s19+$0x8A90] =	vst v4  }
0x46f: {  	v5 =	vunpack.i.u.bf16.f32 v39;
	[tilespmem:s19+$0x8680] =	vst v43;
	v9 =	vld.idx.msk [tilespmem:v44+s3+$0x0], $0xffff  }
0x470: {  	v49 =	vor.u32 $0x80, v3;
	v48 =	vunpack.i.l.bf16.f32 v42;
	[tilespmem:s19+$0x8A80] =	vst v5  }
0x471: {  	v7 =	vunpack.i.u.bf16.f32 v42;
	[tilespmem:s19+$0x86A0] =	vst v48;
	v6 =	vld.idx.msk [tilespmem:v41+s3+$0x0], $0xffff  }
0x472: {  	v53 =	vor.u32 $0x100, v1;
	[tilespmem:s19+$0x8AA0] =	vst v7;
	v51 =	vunpack.i.l.bf16.f32 v45  }
0x473: {  	v8 =	vunpack.i.u.bf16.f32 v45;
	v10 =	vld.idx.msk [tilespmem:v47+s3+$0x0], $0xffff;
	[tilespmem:s19+$0x86B0] =	vst v51  }
0x474: {  	v50 =	vor.u32 $0x100, v0;
	[tilespmem:s19+$0x8AB0] =	vst v8;
	v54 =	vunpack.i.l.bf16.f32 v9  }
0x475: {  	v5 =	vld.idx.msk [tilespmem:v49+s3+$0x0], $0xffff;
	v9 =	vunpack.i.u.bf16.f32 v9;
	[tilespmem:s19+$0x8E90] =	vst v54  }
0x476: {  	v55 =	vor.u32 $0x100, v2;
	v52 =	vunpack.i.l.bf16.f32 v6;
	[tilespmem:s19+$0x9290] =	vst v9  }
0x477: {  	v6 =	vunpack.i.u.bf16.f32 v6;
	[tilespmem:s19+$0x8E80] =	vst v52;
	v8 =	vld.idx.msk [tilespmem:v53+s3+$0x0], $0xffff  }
0x478: {  	v57 =	vor.u32 $0x100, v3;
	v56 =	vunpack.i.l.bf16.f32 v10;
	[tilespmem:s19+$0x9280] =	vst v6  }
0x479: {  	v10 =	vunpack.i.u.bf16.f32 v10;
	[tilespmem:s19+$0x8EA0] =	vst v56;
	v4 =	vld.idx.msk [tilespmem:v50+s3+$0x0], $0xffff  }
0x47a: {  	[tilespmem:s19+$0x92A0] =	vst v10;
	v59 =	vunpack.i.l.bf16.f32 v5  }
0x47b: {  	v61 =	vor.u32 $0x180, v1;
	v5 =	vunpack.i.u.bf16.f32 v5;
	v7 =	vld.idx.msk [tilespmem:v55+s3+$0x0], $0xffff;
	[tilespmem:s19+$0x8EB0] =	vst v59  }
0x47c: {  	[tilespmem:s19+$0x92B0] =	vst v5;
	v62 =	vunpack.i.l.bf16.f32 v8  }
0x47d: {  	v58 =	vor.u32 $0x180, v0;
	v9 =	vld.idx.msk [tilespmem:v57+s3+$0x0], $0xffff;
	v8 =	vunpack.i.u.bf16.f32 v8;
	[tilespmem:s19+$0x9690] =	vst v62  }
0x47e: {  	v60 =	vunpack.i.l.bf16.f32 v4;
	[tilespmem:s19+$0x9A90] =	vst v8  }
0x47f: {  	v63 =	vor.u32 $0x180, v2;
	v4 =	vunpack.i.u.bf16.f32 v4;
	[tilespmem:s19+$0x9680] =	vst v60  }
0x480: {  	v13 =	vor.u32 $0x180, v3;
	v12 =	vunpack.i.l.bf16.f32 v7;
	[tilespmem:s19+$0x9A80] =	vst v4;
	v5 =	vld.idx.msk [tilespmem:v61+s3+$0x0], $0xffff  }
0x481: {  	v7 =	vunpack.i.u.bf16.f32 v7;
	[tilespmem:s19+$0x96A0] =	vst v12  }
0x482: {  	[tilespmem:s19+$0x9AA0] =	vst v7;
	v14 =	vunpack.i.l.bf16.f32 v9;
	v6 =	vld.idx.msk [tilespmem:v58+s3+$0x0], $0xffff  }
0x483: {  	v9 =	vunpack.i.u.bf16.f32 v9;
	[tilespmem:s19+$0x96B0] =	vst v14  }
0x484: {  	v7 =	vld.idx.msk [tilespmem:v63+s3+$0x0], $0xffff;
	[tilespmem:s19+$0x9AB0] =	vst v9  }
0x485: {  	v1 =	vor.u32 $0x200, v1;
	v16 =	vld.idx.msk [tilespmem:v13+s3+$0x0], $0xffff;
	v17 =	vunpack.i.l.bf16.f32 v5  }
0x486: {  	v5 =	vunpack.i.u.bf16.f32 v5;
	[tilespmem:s19+$0x9E90] =	vst v17  }
0x487: {  	v0 =	vor.u32 $0x200, v0;
	v15 =	vunpack.i.l.bf16.f32 v6;
	[tilespmem:s19+$0xA290] =	vst v5  }
0x488: {  	v24 =	vld [tilespmem:s19+$0x8320];
	v3 =	vor.u32 $0x200, v3;
	v6 =	vunpack.i.u.bf16.f32 v6;
	[tilespmem:s19+$0x9E80] =	vst v15  }
0x489: {  	v23 =	vld [tilespmem:s19+$0x8310];
	v2 =	vor.u32 $0x200, v2;
	v18 =	vunpack.i.l.bf16.f32 v7;
	[tilespmem:s19+$0xA280] =	vst v6  }
0x48a: {  	v1 =	vld.idx.msk [tilespmem:v1+s3+$0x0], $0xffff;
	[tilespmem:s19+$0x9EA0] =	vst v18;
	v20 =	vunpack.i.l.bf16.f32 v16  }
0x48b: {  	v22 =	vld [tilespmem:s19+$0x8300];
	v4 =	vunpack.i.u.bf16.f32 v16;
	[tilespmem:s19+$0x9EB0] =	vst v20  }
0x48c: {  	v19 =	vunpack.i.u.bf16.f32 v7;
	v0 =	vld.idx.msk [tilespmem:v0+s3+$0x0], $0xffff;
	[tilespmem:s19+$0xA2B0] =	vst v4  }
0x48d: {  	[tilespmem:s19+$0xA2A0] =	vst v19;
	v21 =	vld.idx.msk [tilespmem:v3+s3+$0x0], $0xffff  }
0x48e: {  	v2 =	vld.idx.msk [tilespmem:v2+s3+$0x0], $0xffff  }
0x48f: {  	v29 =	vshll.u32 v23, $0x3;
	v1 =	vunpack.i.l.bf16.f32 v1  }
0x490: {  	v28 =	vld [tilespmem:s19+$0x8330];
	v3 =	vand.u32 $0xFFFFFC00, v29;
	[tilespmem:s19+$0xA690] =	vst v1;
	v1 =	vand.u32 $0x7F, v23  }
0x491: {  	v25 =	vshll.u32 v22, $0x3;
	v0 =	vunpack.i.l.bf16.f32 v0;
	v1 =	vor.u32 v1, v3  }
0x492: {  	v26 =	vand.u32 $0x7F, v22;
	v27 =	vand.u32 $0xFFFFFC00, v25;
	[tilespmem:s19+$0xA680] =	vst v0;
	v0 =	vunpack.i.l.bf16.f32 v21  }
0x493: {  	v30 =	vshll.u32 v24, $0x3;
	v2 =	vunpack.i.l.bf16.f32 v2;
	[tilespmem:s19+$0xA6B0] =	vst v0;
	v0 =	vor.u32 v26, v27  }
0x494: {  	[tilespmem:s19+$0xA6A0] =	vst v2;
	v2 =	vand.u32 $0x7F, v24;
	v3 =	vand.u32 $0xFFFFFC00, v30  }
0x495: {  	v31 =	vshll.u32 v28, $0x3;
	v2 =	vor.u32 v2, v3  }
0x496: {  	v4 =	vand.u32 $0x7F, v28;
	v3 =	vand.u32 $0xFFFFFC00, v31;
	v33 =	vld.idx.msk [tilespmem:v1+s3+$0x0], $0xffff  }
0x497: {  	v3 =	vor.u32 v4, v3  }
0x498: {  	v32 =	vld.idx.msk [tilespmem:v0+s3+$0x0], $0xffff  }
0x499: {  	v37 =	vor.u32 $0x80, v1  }
0x49a: {  	v35 =	vld.idx.msk [tilespmem:v2+s3+$0x0], $0xffff  }
0x49b: {  	v34 =	vor.u32 $0x80, v0;
	v39 =	vunpack.i.l.bf16.f32 v33  }
0x49c: {  	v38 =	vld.idx.msk [tilespmem:v3+s3+$0x0], $0xffff;
	v4 =	vunpack.i.u.bf16.f32 v33;
	[tilespmem:s19+$0x8710] =	vst v39  }
0x49d: {  	v40 =	vor.u32 $0x80, v2;
	v36 =	vunpack.i.l.bf16.f32 v32;
	[tilespmem:s19+$0x8B10] =	vst v4  }
0x49e: {  	v5 =	vunpack.i.u.bf16.f32 v32;
	[tilespmem:s19+$0x8700] =	vst v36;
	v9 =	vld.idx.msk [tilespmem:v37+s3+$0x0], $0xffff  }
0x49f: {  	v42 =	vor.u32 $0x80, v3;
	v41 =	vunpack.i.l.bf16.f32 v35;
	[tilespmem:s19+$0x8B00] =	vst v5  }
0x4a0: {  	v7 =	vunpack.i.u.bf16.f32 v35;
	[tilespmem:s19+$0x8720] =	vst v41;
	v6 =	vld.idx.msk [tilespmem:v34+s3+$0x0], $0xffff  }
0x4a1: {  	v46 =	vor.u32 $0x100, v1;
	[tilespmem:s19+$0x8B20] =	vst v7;
	v44 =	vunpack.i.l.bf16.f32 v38  }
0x4a2: {  	v8 =	vunpack.i.u.bf16.f32 v38;
	v10 =	vld.idx.msk [tilespmem:v40+s3+$0x0], $0xffff;
	[tilespmem:s19+$0x8730] =	vst v44  }
0x4a3: {  	v43 =	vor.u32 $0x100, v0;
	[tilespmem:s19+$0x8B30] =	vst v8;
	v47 =	vunpack.i.l.bf16.f32 v9  }
0x4a4: {  	v5 =	vld.idx.msk [tilespmem:v42+s3+$0x0], $0xffff;
	v9 =	vunpack.i.u.bf16.f32 v9;
	[tilespmem:s19+$0x8F10] =	vst v47  }
0x4a5: {  	v48 =	vor.u32 $0x100, v2;
	v45 =	vunpack.i.l.bf16.f32 v6;
	[tilespmem:s19+$0x9310] =	vst v9  }
0x4a6: {  	v6 =	vunpack.i.u.bf16.f32 v6;
	[tilespmem:s19+$0x8F00] =	vst v45;
	v8 =	vld.idx.msk [tilespmem:v46+s3+$0x0], $0xffff  }
0x4a7: {  	v50 =	vor.u32 $0x100, v3;
	v49 =	vunpack.i.l.bf16.f32 v10;
	[tilespmem:s19+$0x9300] =	vst v6  }
0x4a8: {  	v10 =	vunpack.i.u.bf16.f32 v10;
	[tilespmem:s19+$0x8F20] =	vst v49;
	v4 =	vld.idx.msk [tilespmem:v43+s3+$0x0], $0xffff  }
0x4a9: {  	[tilespmem:s19+$0x9320] =	vst v10;
	v52 =	vunpack.i.l.bf16.f32 v5  }
0x4aa: {  	v54 =	vor.u32 $0x180, v1;
	v5 =	vunpack.i.u.bf16.f32 v5;
	v7 =	vld.idx.msk [tilespmem:v48+s3+$0x0], $0xffff;
	[tilespmem:s19+$0x8F30] =	vst v52  }
0x4ab: {  	[tilespmem:s19+$0x9330] =	vst v5;
	v55 =	vunpack.i.l.bf16.f32 v8  }
0x4ac: {  	v51 =	vor.u32 $0x180, v0;
	v9 =	vld.idx.msk [tilespmem:v50+s3+$0x0], $0xffff;
	v8 =	vunpack.i.u.bf16.f32 v8;
	[tilespmem:s19+$0x9710] =	vst v55  }
0x4ad: {  	v53 =	vunpack.i.l.bf16.f32 v4;
	[tilespmem:s19+$0x9B10] =	vst v8  }
0x4ae: {  	v56 =	vor.u32 $0x180, v2;
	v4 =	vunpack.i.u.bf16.f32 v4;
	[tilespmem:s19+$0x9700] =	vst v53  }
0x4af: {  	v58 =	vor.u32 $0x180, v3;
	v57 =	vunpack.i.l.bf16.f32 v7;
	[tilespmem:s19+$0x9B00] =	vst v4;
	v5 =	vld.idx.msk [tilespmem:v54+s3+$0x0], $0xffff  }
0x4b0: {  	v7 =	vunpack.i.u.bf16.f32 v7;
	[tilespmem:s19+$0x9720] =	vst v57  }
0x4b1: {  	[tilespmem:s19+$0x9B20] =	vst v7;
	v59 =	vunpack.i.l.bf16.f32 v9;
	v6 =	vld.idx.msk [tilespmem:v51+s3+$0x0], $0xffff  }
0x4b2: {  	v9 =	vunpack.i.u.bf16.f32 v9;
	[tilespmem:s19+$0x9730] =	vst v59  }
0x4b3: {  	v7 =	vld.idx.msk [tilespmem:v56+s3+$0x0], $0xffff;
	[tilespmem:s19+$0x9B30] =	vst v9  }
0x4b4: {  	v1 =	vor.u32 $0x200, v1;
	v61 =	vld.idx.msk [tilespmem:v58+s3+$0x0], $0xffff;
	v62 =	vunpack.i.l.bf16.f32 v5  }
0x4b5: {  	v5 =	vunpack.i.u.bf16.f32 v5;
	[tilespmem:s19+$0x9F10] =	vst v62  }
0x4b6: {  	v0 =	vor.u32 $0x200, v0;
	v60 =	vunpack.i.l.bf16.f32 v6;
	[tilespmem:s19+$0xA310] =	vst v5  }
0x4b7: {  	v12 =	vld [tilespmem:s19+$0x8380];
	v3 =	vor.u32 $0x200, v3;
	v6 =	vunpack.i.u.bf16.f32 v6;
	[tilespmem:s19+$0x9F00] =	vst v60  }
0x4b8: {  	v13 =	vld [tilespmem:s19+$0x8390];
	v2 =	vor.u32 $0x200, v2;
	v63 =	vunpack.i.l.bf16.f32 v7;
	[tilespmem:s19+$0xA300] =	vst v6  }
0x4b9: {  	v1 =	vld.idx.msk [tilespmem:v1+s3+$0x0], $0xffff;
	[tilespmem:s19+$0x9F20] =	vst v63;
	v10 =	vunpack.i.l.bf16.f32 v61  }
0x4ba: {  	v14 =	vld [tilespmem:s19+$0x83A0];
	v4 =	vunpack.i.u.bf16.f32 v61;
	[tilespmem:s19+$0x9F30] =	vst v10  }
0x4bb: {  	v9 =	vunpack.i.u.bf16.f32 v7;
	v0 =	vld.idx.msk [tilespmem:v0+s3+$0x0], $0xffff;
	[tilespmem:s19+$0xA330] =	vst v4  }
0x4bc: {  	[tilespmem:s19+$0xA320] =	vst v9;
	v11 =	vld.idx.msk [tilespmem:v3+s3+$0x0], $0xffff  }
0x4bd: {  	v2 =	vld.idx.msk [tilespmem:v2+s3+$0x0], $0xffff  }
0x4be: {  	v19 =	vshll.u32 v13, $0x3;
	v1 =	vunpack.i.l.bf16.f32 v1  }
0x4bf: {  	v18 =	vld [tilespmem:s19+$0x83B0];
	v3 =	vand.u32 $0xFFFFFC00, v19;
	[tilespmem:s19+$0xA710] =	vst v1;
	v1 =	vand.u32 $0x7F, v13  }
0x4c0: {  	v15 =	vshll.u32 v12, $0x3;
	v0 =	vunpack.i.l.bf16.f32 v0;
	v1 =	vor.u32 v1, v3  }
0x4c1: {  	v16 =	vand.u32 $0x7F, v12;
	v17 =	vand.u32 $0xFFFFFC00, v15;
	[tilespmem:s19+$0xA700] =	vst v0;
	v0 =	vunpack.i.l.bf16.f32 v11  }
0x4c2: {  	v20 =	vshll.u32 v14, $0x3;
	v2 =	vunpack.i.l.bf16.f32 v2;
	[tilespmem:s19+$0xA730] =	vst v0;
	v0 =	vor.u32 v16, v17  }
0x4c3: {  	[tilespmem:s19+$0xA720] =	vst v2;
	v2 =	vand.u32 $0x7F, v14;
	v3 =	vand.u32 $0xFFFFFC00, v20  }
0x4c4: {  	v21 =	vshll.u32 v18, $0x3;
	v2 =	vor.u32 v2, v3  }
0x4c5: {  	v4 =	vand.u32 $0x7F, v18;
	v3 =	vand.u32 $0xFFFFFC00, v21;
	v23 =	vld.idx.msk [tilespmem:v1+s3+$0x0], $0xffff  }
0x4c6: {  	v3 =	vor.u32 v4, v3  }
0x4c7: {  	v22 =	vld.idx.msk [tilespmem:v0+s3+$0x0], $0xffff  }
0x4c8: {  	v27 =	vor.u32 $0x80, v1  }
0x4c9: {  	v25 =	vld.idx.msk [tilespmem:v2+s3+$0x0], $0xffff  }
0x4ca: {  	v24 =	vor.u32 $0x80, v0;
	v29 =	vunpack.i.l.bf16.f32 v23  }
0x4cb: {  	v28 =	vld.idx.msk [tilespmem:v3+s3+$0x0], $0xffff;
	v4 =	vunpack.i.u.bf16.f32 v23;
	[tilespmem:s19+$0x8790] =	vst v29  }
0x4cc: {  	v30 =	vor.u32 $0x80, v2;
	v26 =	vunpack.i.l.bf16.f32 v22;
	[tilespmem:s19+$0x8B90] =	vst v4  }
0x4cd: {  	v5 =	vunpack.i.u.bf16.f32 v22;
	[tilespmem:s19+$0x8780] =	vst v26;
	v9 =	vld.idx.msk [tilespmem:v27+s3+$0x0], $0xffff  }
0x4ce: {  	v32 =	vor.u32 $0x80, v3;
	v31 =	vunpack.i.l.bf16.f32 v25;
	[tilespmem:s19+$0x8B80] =	vst v5  }
0x4cf: {  	v7 =	vunpack.i.u.bf16.f32 v25;
	[tilespmem:s19+$0x87A0] =	vst v31;
	v6 =	vld.idx.msk [tilespmem:v24+s3+$0x0], $0xffff  }
0x4d0: {  	v36 =	vor.u32 $0x100, v1;
	[tilespmem:s19+$0x8BA0] =	vst v7;
	v34 =	vunpack.i.l.bf16.f32 v28  }
0x4d1: {  	v8 =	vunpack.i.u.bf16.f32 v28;
	v10 =	vld.idx.msk [tilespmem:v30+s3+$0x0], $0xffff;
	[tilespmem:s19+$0x87B0] =	vst v34  }
0x4d2: {  	v33 =	vor.u32 $0x100, v0;
	[tilespmem:s19+$0x8BB0] =	vst v8;
	v37 =	vunpack.i.l.bf16.f32 v9  }
0x4d3: {  	v5 =	vld.idx.msk [tilespmem:v32+s3+$0x0], $0xffff;
	v9 =	vunpack.i.u.bf16.f32 v9;
	[tilespmem:s19+$0x8F90] =	vst v37  }
0x4d4: {  	v38 =	vor.u32 $0x100, v2;
	v35 =	vunpack.i.l.bf16.f32 v6;
	[tilespmem:s19+$0x9390] =	vst v9  }
0x4d5: {  	v6 =	vunpack.i.u.bf16.f32 v6;
	[tilespmem:s19+$0x8F80] =	vst v35;
	v8 =	vld.idx.msk [tilespmem:v36+s3+$0x0], $0xffff  }
0x4d6: {  	v40 =	vor.u32 $0x100, v3;
	v39 =	vunpack.i.l.bf16.f32 v10;
	[tilespmem:s19+$0x9380] =	vst v6  }
0x4d7: {  	v10 =	vunpack.i.u.bf16.f32 v10;
	[tilespmem:s19+$0x8FA0] =	vst v39;
	v4 =	vld.idx.msk [tilespmem:v33+s3+$0x0], $0xffff  }
0x4d8: {  	v44 =	vor.u32 $0x180, v1;
	[tilespmem:s19+$0x93A0] =	vst v10;
	v42 =	vunpack.i.l.bf16.f32 v5  }
0x4d9: {  	v5 =	vunpack.i.u.bf16.f32 v5;
	v7 =	vld.idx.msk [tilespmem:v38+s3+$0x0], $0xffff;
	[tilespmem:s19+$0x8FB0] =	vst v42  }
0x4da: {  	v41 =	vor.u32 $0x180, v0;
	[tilespmem:s19+$0x93B0] =	vst v5;
	v45 =	vunpack.i.l.bf16.f32 v8  }
0x4db: {  	v9 =	vld.idx.msk [tilespmem:v40+s3+$0x0], $0xffff;
	v8 =	vunpack.i.u.bf16.f32 v8;
	[tilespmem:s19+$0x9790] =	vst v45  }
0x4dc: {  	v46 =	vor.u32 $0x180, v2;
	v43 =	vunpack.i.l.bf16.f32 v4;
	[tilespmem:s19+$0x9B90] =	vst v8  }
0x4dd: {  	v4 =	vunpack.i.u.bf16.f32 v4;
	[tilespmem:s19+$0x9780] =	vst v43;
	v49 =	vld.idx.msk [tilespmem:v44+s3+$0x0], $0xffff  }
0x4de: {  	v48 =	vor.u32 $0x180, v3;
	v47 =	vunpack.i.l.bf16.f32 v7;
	[tilespmem:s19+$0x9B80] =	vst v4  }
0x4df: {  	v50 =	vunpack.i.u.bf16.f32 v7;
	[tilespmem:s19+$0x97A0] =	vst v47;
	v6 =	vld.idx.msk [tilespmem:v41+s3+$0x0], $0xffff  }
0x4e0: {  	[tilespmem:s19+$0x9BA0] =	vst v50;
	v51 =	vunpack.i.l.bf16.f32 v9  }
0x4e1: {  	v53 =	vunpack.i.u.bf16.f32 v9;
	[tilespmem:s19+$0x97B0] =	vst v51;
	v52 =	vld.idx.msk [tilespmem:v46+s3+$0x0], $0xffff  }
0x4e2: {  	[tilespmem:s19+$0x9BB0] =	vst v53;
	v56 =	vunpack.i.l.bf16.f32 v49  }
0x4e3: {  	v1 =	vor.u32 $0x200, v1;
	v55 =	vld.idx.msk [tilespmem:v48+s3+$0x0], $0xffff;
	v4 =	vunpack.i.u.bf16.f32 v49;
	[tilespmem:s19+$0x9F90] =	vst v56  }
0x4e4: {  	v0 =	vor.u32 $0x200, v0;
	v54 =	vunpack.i.l.bf16.f32 v6;
	[tilespmem:s19+$0xA390] =	vst v4  }
0x4e5: {  	v2 =	vor.u32 $0x200, v2;
	v6 =	vunpack.i.u.bf16.f32 v6;
	[tilespmem:s19+$0x9F80] =	vst v54  }
0x4e6: {  	v3 =	vor.u32 $0x200, v3;
	v57 =	vunpack.i.l.bf16.f32 v52;
	[tilespmem:s19+$0xA380] =	vst v6  }
0x4e7: {  	v58 =	vunpack.i.u.bf16.f32 v52;
	[tilespmem:s19+$0x9FA0] =	vst v57  }
0x4e8: {  	[tilespmem:s19+$0xA3A0] =	vst v58;
	v59 =	vunpack.i.l.bf16.f32 v55;
	v1 =	vld.idx.msk [tilespmem:v1+s3+$0x0], $0xffff  }
0x4e9: {  	v60 =	vunpack.i.u.bf16.f32 v55;
	v0 =	vld.idx.msk [tilespmem:v0+s3+$0x0], $0xffff;
	[tilespmem:s19+$0x9FB0] =	vst v59  }
0x4ea: {  	[tilespmem:s19+$0xA3B0] =	vst v60;
	v2 =	vld.idx.msk [tilespmem:v2+s3+$0x0], $0xffff  }
0x4eb: {  	v3 =	vld.idx.msk [tilespmem:v3+s3+$0x0], $0xffff  }
0x4ec: {  	p1 =	por p0, p0  }
.Ltmp3:
0x4ed: {  	v61 =	vunpack.i.l.bf16.f32 v1;
	(pc) =	sbr.rel @p1 .LBB2_8-.Ltmp3, $4  }
0x4ee: {  	v0 =	vunpack.i.l.bf16.f32 v0;
	[tilespmem:s19+$0xA790] =	vst v61  }
0x4ef: {  	v62 =	vunpack.i.l.bf16.f32 v2;
	[tilespmem:s19+$0xA780] =	vst v0  }
0x4f0: {  	[tilespmem:s19+$0xA7A0] =	vst v62;
	v63 =	vunpack.i.l.bf16.f32 v3  }
0x4f1: {  	p0 =	por $0x0, $0x0;
	[tilespmem:s19+$0xA7B0] =	vst v63;
	s19 =	simm.s32 $0x40  }
0x4f2: {  	[hbm4b:s7+s10] =	stream.strided.scatter [tilespmem:s14], [sflag:$0x1], $0x2400, s13, s10, $0x38;
	[tilespmem:$0xCC00] =	vst v63  }
0x4f3: {  	s18 =	sadd.s32 $0x1, s18  }
0x4f4: {  	_ =	swait.ge [sflag:s16], $0x2400;
	p0 =	sne.s32 s18, s8  }
.Ltmp4:
0x4f5: {  	[sflag:s16] =	ssyncset.done $0x0;
	(pc) =	sbr.rel @p0 .LBB2_1-.Ltmp4, $4  }
0x4f6: {  	[sflag:s16] =	ssyncadd.s32 $0xFFFFDC00  }
0x4f7: {  	_ =	swait.ge [sflag:s17], $0x2400  }
0x4f8: {  	[sflag:s17] =	ssyncset.done $0x0  }
0x4f9: {  	[sflag:s17] =	ssyncadd.s32 $0xFFFFDC00  }
0x4fa: {  	_ =	sfence.sel $0x180000  }
0x4fb: {  	[bflag:$0x0] =	sbarrier.arrive $0xFFFF  }
0x4fc: {  	p0 =	sne.s32 s1, $0x0;
	_ =	strace $0x90000047  }
0x4fd: {  	s0 =	sadd.s32 @!p0 $0x100000, s0;
	[bflag:$0x2] =	sbarrier.arrive $0xFFFF  }
0x4fe: {  	[sflag:s0] =	ssyncadd.tile.s32 @!p0 $0x1;
	_ =	shalt  }
.Lfunc_end2:
_tile_overlayer_lowered:
.L_overlay_start_2:
0x4ff: {  	(tag) =	ssettag $0x2  }
0x500: {  	s0 =	rddreg [dreg:$0x0];
	s2 =	stileid.u32  }
0x501: {  	s1 =	rddreg [dreg:$0x1];
	p0 =	sne.s32 s2, $0x0  }
0x502: {  	s3 =	rddreg [dreg:$0x2];
	[bflag:$0x3] =	sbarrier.arrive $0xFFFF;
	s2 =	simm.s32 @!p0 $0x1C03  }
0x503: {  	[timem:s3], [sflag:s2] =	dma.local @!p0 [hbm:s0], s1  }
0x504: {  	s0 =	simm.s32 @!p0 $0x3  }
0x505: {  	_ =	swait.ge @!p0 [sflag:s0], s1  }
0x506: {  	s1 =	ssub.s32 @!p0 $0x0, s1;
	[sflag:s0] =	ssyncset.done @!p0 $0x0  }
0x507: {  	[sflag:s0] =	ssyncadd.s32 @!p0 s1  }
0x508: {  	[bflag:$0x3] =	sbarrier.arrive $0xFFFF  }
0x509: {  	_ =	shalt  }

</sc_bundles>
